<compile_context>
chip_gen: v7x
topology: tpu7x:2x2x1
jax: 0.10.2.dev20260603
libtpu: 0.0.44.dev20260713+nightly
codegen_flags: <defaults>
</compile_context>

<pallas_src>
import functools

import jax
import jax.numpy as jnp
from jax import lax
from jax.experimental import pallas as pl
from jax.experimental.pallas import tpu as pltpu
from jax.experimental.pallas import tpu_sc as plsc

VOCAB = 1000000
DIM = 128
B = 1024
L = 200
NC = 2
NS = 16
NW = NC * NS
SEQ_PER_W = B // NW
NG = DIM // 16
CH = L // 2
NCH = 2 * SEQ_PER_W
PSTRIDE = 104
TOK_UNROLL = 4
EPS = 1e-5


def _permute(v, idx):
    dnums = lax.GatherDimensionNumbers(
        offset_dims=(), collapsed_slice_dims=(0,), start_index_map=(0,))
    return lax.gather(v, idx[:, None], dnums, slice_sizes=(1,),
                      mode=lax.GatherScatterMode.PROMISE_IN_BOUNDS)


def _allsum(v):
    lanes = jnp.arange(16, dtype=jnp.int32)
    for sh in (8, 4, 2, 1):
        v = v + _permute(v, lanes ^ sh)
    return v


def _rsqrt(x):
    i = plsc.bitcast(x, jnp.int32)
    y = plsc.bitcast(jnp.int32(0x5F3759DF) - (i >> 1), jnp.float32)
    for _ in range(2):
        y = y * (1.5 - 0.5 * x * y * y)
    return y


def _emb_body(src_hbm, type_hbm, word_hbm, pos_hbm, seg_hbm, lnw_hbm, lnb_hbm,
              out_hbm, comb_v, rows0, rows1, idx0, idx1,
              typ0, typ1, seg_v, lnw_v, lnb_v,
              gsem0, gsem1, isem0, isem1, osem0, osem1, tsem0, tsem1):
    wid = lax.axis_index("c") * NS + lax.axis_index("s")

    for s in range(3):
        pltpu.sync_copy(pos_hbm.at[pl.ds(0, L)], comb_v.at[pl.ds(s * L, L)])
    pltpu.sync_copy(seg_hbm, seg_v)
    pltpu.sync_copy(lnw_hbm, lnw_v)
    pltpu.sync_copy(lnb_hbm, lnb_v)
    segr = [[seg_v[s, pl.ds(g * 16, 16)] for g in range(NG)] for s in range(3)]

    @plsc.parallel_loop(0, L, unroll=2)
    def _comb_loop(p):
        for s in range(3):
            for g in range(NG):
                sl = pl.ds(g * 16, 16)
                comb_v[s * L + p, sl] = comb_v[s * L + p, sl] + segr[s][g]

    wreg = [lnw_v[pl.ds(g * 16, 16)] for g in range(NG)]
    breg = [lnb_v[pl.ds(g * 16, 16)] for g in range(NG)]

    idx_v = [idx0, idx1]
    typ_v = [typ0, typ1]
    rows_v = [rows0, rows1]
    isem = [isem0, isem1]
    gsem = [gsem0, gsem1]
    osem = [osem0, osem1]
    tsem = [tsem0, tsem1]

    def src_start(k, sl):
        return (wid * NCH + k) * PSTRIDE

    def idx_copy(k, sl):
        return pltpu.make_async_copy(src_hbm.at[pl.ds(src_start(k, sl), CH)],
                                     idx_v[sl], isem[sl])

    def typ_copy(k, sl):
        return pltpu.make_async_copy(type_hbm.at[pl.ds(src_start(k, sl), CH)],
                                     typ_v[sl].at[pl.ds(0, CH)], tsem[sl])

    def gather_copy(sl):
        return pltpu.make_async_copy(word_hbm.at[idx_v[sl]],
                                     rows_v[sl], gsem[sl])

    def out_copy(k, sl):
        return pltpu.make_async_copy(
            rows_v[sl],
            out_hbm.at[(wid * SEQ_PER_W + (k >> 1)) * 2 + sl], osem[sl])

    def compute(rows, typ, base):
        @plsc.parallel_loop(0, CH, unroll=TOK_UNROLL)
        def _tok(t):
            s = typ[pl.ds(t, 16)][0]
            r = s * L + base + t
            x = [rows[t, pl.ds(g * 16, 16)] + comb_v[r, pl.ds(g * 16, 16)]
                 for g in range(NG)]
            ssum = (((x[0] + x[1]) + (x[2] + x[3]))
                    + ((x[4] + x[5]) + (x[6] + x[7])))
            qsum = (((x[0] * x[0] + x[1] * x[1])
                     + (x[2] * x[2] + x[3] * x[3]))
                    + ((x[4] * x[4] + x[5] * x[5])
                       + (x[6] * x[6] + x[7] * x[7])))
            sb = _allsum(ssum)
            qb = _allsum(qsum)
            mu = sb * (1.0 / DIM)
            var = qb * (1.0 / DIM) - mu * mu
            rs = _rsqrt(var + EPS)
            for g in range(NG):
                rows[t, pl.ds(g * 16, 16)] = ((x[g] - mu) * rs * wreg[g]
                                              + breg[g])

    idx_copy(0, 0).start()
    idx_copy(1, 1).start()
    typ_copy(0, 0).start()
    typ_copy(1, 1).start()
    idx_copy(0, 0).wait()
    gather_copy(0).start()

    @pl.loop(0, NCH, step=2)
    def _chunk_loop(j0):
        for dj in range(2):
            j = j0 + dj
            sl = dj
            nsl = 1 - dj
            gather_copy(sl).wait()

            @pl.when(j + 2 < NCH)
            def _():
                idx_copy(j + 2, sl).start()

            @pl.when(j + 1 < NCH)
            def _():
                idx_copy(j + 1, nsl).wait()

                @pl.when(j >= 1)
                def _():
                    out_copy(j - 1, nsl).wait()

                gather_copy(nsl).start()

            typ_copy(j, sl).wait()
            compute(rows_v[sl], typ_v[sl], sl * CH)

            @pl.when(j + 2 < NCH)
            def _():
                typ_copy(j + 2, sl).start()

            out_copy(j, sl).start()

    out_copy(NCH - 2, 0).wait()
    out_copy(NCH - 1, 1).wait()


_SCRATCH = [
        pltpu.VMEM((3 * L, DIM), jnp.float32),
        pltpu.VMEM((CH, DIM), jnp.float32),
        pltpu.VMEM((CH, DIM), jnp.float32),
        pltpu.VMEM((CH,), jnp.int32),
        pltpu.VMEM((CH,), jnp.int32),
        pltpu.VMEM((CH + 16,), jnp.int32),
        pltpu.VMEM((CH + 16,), jnp.int32),
        pltpu.VMEM((3, DIM), jnp.float32),
        pltpu.VMEM((DIM,), jnp.float32),
        pltpu.VMEM((DIM,), jnp.float32),
        pltpu.SemaphoreType.DMA,
        pltpu.SemaphoreType.DMA,
        pltpu.SemaphoreType.DMA,
        pltpu.SemaphoreType.DMA,
        pltpu.SemaphoreType.DMA,
        pltpu.SemaphoreType.DMA,
        pltpu.SemaphoreType.DMA,
        pltpu.SemaphoreType.DMA,
]


@functools.cache
def _emb_kernel():
    return pl.kernel(
        _emb_body,
        out_type=jax.ShapeDtypeStruct((B * 2, CH, DIM), jnp.float32),
        mesh=plsc.VectorSubcoreMesh(core_axis_name="c", subcore_axis_name="s"),
        compiler_params=pltpu.CompilerParams(needs_layout_passes=False),
        scratch_types=_SCRATCH,
    )


def _repack(a):
    a = a.astype(jnp.int32).reshape(B * 2, CH)
    a = jnp.pad(a, ((0, 0), (0, PSTRIDE - CH)))
    return a.reshape(-1)


def kernel(src, type_input, word_table, pos_table, seg_table, ln_w, ln_b):
    out = _emb_kernel()(_repack(src), _repack(type_input), word_table,
                        pos_table, seg_table, ln_w, ln_b)
    return out.reshape(B, L, DIM)

# --- scband reference (transcript-rebuilt; emitter-appended) ---
"""Pipeline reference for scband-bert-embedding-87041807221239 (READ-ONLY COPY).

The authoritative reference and input builder live on the scoring server;
editing this copy changes nothing except your own understanding.
"""

import jax, jax.numpy as jnp
import numpy as np

VOCAB = 1000000
DIM = 128
B = 1024
L = 200
MAX_POS = 512


def setup_inputs(seed: int = 0) -> dict:
    key = jax.random.key(seed)
    k1, k2, k3, k4, k5 = jax.random.split(key, 5)
    src = jax.random.randint(k1, (B, L), 0, VOCAB, dtype=jnp.int64) if jax.config.jax_enable_x64 else jax.random.randint(k1, (B, L), 0, VOCAB)
    type_input = jax.random.randint(k2, (B, L), 0, 3)
    word_table = jax.random.normal(k3, (VOCAB, DIM), dtype=jnp.float32) * 0.02
    pos_table = jax.random.normal(k4, (MAX_POS, DIM), dtype=jnp.float32) * 0.02
    seg_table = jax.random.normal(k5, (3, DIM), dtype=jnp.float32) * 0.02
    ln_w = jnp.ones((DIM,), dtype=jnp.float32)
    ln_b = jnp.zeros((DIM,), dtype=jnp.float32)
    return {
        "src": src,
        "type_input": type_input,
        "word_table": word_table,
        "pos_table": pos_table,
        "seg_table": seg_table,
        "ln_w": ln_w,
        "ln_b": ln_b,
    }


def reference(src, type_input, word_table, pos_table, seg_table, ln_w, ln_b):
    # word embedding lookup (gather)
    word_emb = jnp.take(word_table, src, axis=0)          # [B, L, DIM]
    # learned positional embedding: positions 0..L-1
    seq_len = src.shape[1]
    pos_emb = pos_table[:seq_len][None, :, :]              # [1, L, DIM]
    # segment embedding lookup (gather)
    seg_emb = jnp.take(seg_table, type_input, axis=0)      # [B, L, DIM]
    x = word_emb + pos_emb + seg_emb
    # LayerNorm over last dim (eps=1e-5, like torch default)
    mu = jnp.mean(x, axis=-1, keepdims=True)
    var = jnp.var(x, axis=-1, keepdims=True)
    y = (x - mu) / jnp.sqrt(var + 1e-5) * ln_w + ln_b
    # dropout is identity in eval / deterministic reference
    return y

if __name__ == "__main__":
    import jax
    _d = setup_inputs()
    print(jax.jit(kernel)(*tuple(_d.values())))

</pallas_src>

<mosaic_0001>
#map = affine_map<(d0, d1) -> (0)>
#map1 = affine_map<(d0, d1) -> (0, 0)>
#map2 = affine_map<(d0, d1) -> (0, 0, 0)>
module attributes {stable_mosaic.version = 14 : i64} {
  func.func @_emb_body(%arg0: i32, %arg1: i32, %arg2: memref<212992xi32, #tpu.memory_space<hbm>>, %arg3: memref<212992xi32, #tpu.memory_space<hbm>>, %arg4: memref<1000000x128xf32, #tpu.memory_space<hbm>>, %arg5: memref<512x128xf32, #tpu.memory_space<hbm>>, %arg6: memref<3x128xf32, #tpu.memory_space<hbm>>, %arg7: memref<128xf32, #tpu.memory_space<hbm>>, %arg8: memref<128xf32, #tpu.memory_space<hbm>>, %arg9: memref<2048x100x128xf32, #tpu.memory_space<hbm>>, %arg10: memref<600x128xf32, #tpu.memory_space<vmem>>, %arg11: memref<100x128xf32, #tpu.memory_space<vmem>>, %arg12: memref<100x128xf32, #tpu.memory_space<vmem>>, %arg13: memref<100xi32, #tpu.memory_space<vmem>>, %arg14: memref<100xi32, #tpu.memory_space<vmem>>, %arg15: memref<116xi32, #tpu.memory_space<vmem>>, %arg16: memref<116xi32, #tpu.memory_space<vmem>>, %arg17: memref<3x128xf32, #tpu.memory_space<vmem>>, %arg18: memref<128xf32, #tpu.memory_space<vmem>>, %arg19: memref<128xf32, #tpu.memory_space<vmem>>, %arg20: memref<!tpu.dma_semaphore, #tpu.memory_space<semaphore_mem>>, %arg21: memref<!tpu.dma_semaphore, #tpu.memory_space<semaphore_mem>>, %arg22: memref<!tpu.dma_semaphore, #tpu.memory_space<semaphore_mem>>, %arg23: memref<!tpu.dma_semaphore, #tpu.memory_space<semaphore_mem>>, %arg24: memref<!tpu.dma_semaphore, #tpu.memory_space<semaphore_mem>>, %arg25: memref<!tpu.dma_semaphore, #tpu.memory_space<semaphore_mem>>, %arg26: memref<!tpu.dma_semaphore, #tpu.memory_space<semaphore_mem>>, %arg27: memref<!tpu.dma_semaphore, #tpu.memory_space<semaphore_mem>>) attributes {dimension_semantics = [#tpu.dimension_semantics<core_parallel>, #tpu.dimension_semantics<subcore_parallel>], iteration_bounds = array<i64: 2, 16>, scalar_prefetch = 0 : i64, scratch_operands = 18 : i64, tpu.core_type = #tpu.core_type<sc_vector_subcore>, window_params = [{transform_indices = #map}, {transform_indices = #map}, {transform_indices = #map1}, {transform_indices = #map1}, {transform_indices = #map1}, {transform_indices = #map}, {transform_indices = #map}, {transform_indices = #map2}]} {
    %mul3A = arith.constant 16 : i32
    %mul3A_0 = arith.muli %arg0, %mul3A : i32
    %add3A = arith.addi %mul3A_0, %arg1 : i32
    "tpu.region"() ({
      %run_scoped3A = tpu.sem_alloc : memref<!tpu.dma_semaphore, #tpu.memory_space<semaphore_mem>>
      %dma_start3A_215 = arith.constant 0 : i32
      %dma_start3A_216 = arith.constant 0 : i32
      %dma_start3A_217 = tpu.memref_slice %arg10[%dma_start3A_215, %dma_start3A_216] : memref<600x128xf32, #tpu.memory_space<vmem>> -> memref<200x128xf32, #tpu.memory_space<vmem>>
      %dma_start3A_218 = arith.constant 0 : i32
      %dma_start3A_219 = arith.constant 0 : i32
      %dma_start3A_220 = tpu.memref_slice %arg5[%dma_start3A_218, %dma_start3A_219] : memref<512x128xf32, #tpu.memory_space<hbm>> -> memref<200x128xf32, #tpu.memory_space<hbm>>
      %dma_start3A_221 = arith.constant 0 : i32
      %dma_start3A_222 = arith.constant 0 : i32
      %dma_start3A_223 = tpu.memref_slice %arg10[%dma_start3A_221, %dma_start3A_222] : memref<600x128xf32, #tpu.memory_space<vmem>> -> memref<200x128xf32, #tpu.memory_space<vmem>>
      %dma_start3A_224 = arith.constant 0 : i32
      %dma_start3A_225 = arith.constant 0 : i32
      %dma_start3A_226 = tpu.memref_slice %arg5[%dma_start3A_224, %dma_start3A_225] : memref<512x128xf32, #tpu.memory_space<hbm>> -> memref<200x128xf32, #tpu.memory_space<hbm>>
      tpu.enqueue_dma source(%dma_start3A_226 : memref<200x128xf32, #tpu.memory_space<hbm>>) target(%dma_start3A_223 : memref<200x128xf32, #tpu.memory_space<vmem>>) target_semaphore(%run_scoped3A : memref<!tpu.dma_semaphore, #tpu.memory_space<semaphore_mem>>)
      %dma_wait3A_227 = arith.constant 0 : i32
      %dma_wait3A_228 = arith.constant 0 : i32
      %dma_wait3A_229 = tpu.memref_slice %arg10[%dma_wait3A_227, %dma_wait3A_228] : memref<600x128xf32, #tpu.memory_space<vmem>> -> memref<200x128xf32, #tpu.memory_space<vmem>>
      %dma_wait3A_230 = arith.constant 0 : i32
      %dma_wait3A_231 = arith.constant 0 : i32
      %dma_wait3A_232 = tpu.memref_slice %arg5[%dma_wait3A_230, %dma_wait3A_231] : memref<512x128xf32, #tpu.memory_space<hbm>> -> memref<200x128xf32, #tpu.memory_space<hbm>>
      %dma_wait3A_233 = arith.constant 0 : i32
      %dma_wait3A_234 = arith.constant 0 : i32
      %dma_wait3A_235 = tpu.memref_slice %arg10[%dma_wait3A_233, %dma_wait3A_234] : memref<600x128xf32, #tpu.memory_space<vmem>> -> memref<200x128xf32, #tpu.memory_space<vmem>>
      %dma_wait3A_236 = arith.constant 0 : i32
      %dma_wait3A_237 = arith.constant 0 : i32
      %dma_wait3A_238 = tpu.memref_slice %arg5[%dma_wait3A_236, %dma_wait3A_237] : memref<512x128xf32, #tpu.memory_space<hbm>> -> memref<200x128xf32, #tpu.memory_space<hbm>>
      tpu.wait_dma2 semaphore(%run_scoped3A : memref<!tpu.dma_semaphore, #tpu.memory_space<semaphore_mem>>) src(%dma_wait3A_238 : memref<200x128xf32, #tpu.memory_space<hbm>>) dst(%dma_wait3A_235 : memref<200x128xf32, #tpu.memory_space<vmem>>)
      tpu.yield
    }) : () -> ()
    "tpu.region"() ({
      %run_scoped3A = tpu.sem_alloc : memref<!tpu.dma_semaphore, #tpu.memory_space<semaphore_mem>>
      %dma_start3A_215 = arith.constant 200 : i32
      %dma_start3A_216 = arith.constant 0 : i32
      %dma_start3A_217 = tpu.memref_slice %arg10[%dma_start3A_215, %dma_start3A_216] : memref<600x128xf32, #tpu.memory_space<vmem>> -> memref<200x128xf32, #tpu.memory_space<vmem>>
      %dma_start3A_218 = arith.constant 0 : i32
      %dma_start3A_219 = arith.constant 0 : i32
      %dma_start3A_220 = tpu.memref_slice %arg5[%dma_start3A_218, %dma_start3A_219] : memref<512x128xf32, #tpu.memory_space<hbm>> -> memref<200x128xf32, #tpu.memory_space<hbm>>
      %dma_start3A_221 = arith.constant 200 : i32
      %dma_start3A_222 = arith.constant 0 : i32
      %dma_start3A_223 = tpu.memref_slice %arg10[%dma_start3A_221, %dma_start3A_222] : memref<600x128xf32, #tpu.memory_space<vmem>> -> memref<200x128xf32, #tpu.memory_space<vmem>>
      %dma_start3A_224 = arith.constant 0 : i32
      %dma_start3A_225 = arith.constant 0 : i32
      %dma_start3A_226 = tpu.memref_slice %arg5[%dma_start3A_224, %dma_start3A_225] : memref<512x128xf32, #tpu.memory_space<hbm>> -> memref<200x128xf32, #tpu.memory_space<hbm>>
      tpu.enqueue_dma source(%dma_start3A_226 : memref<200x128xf32, #tpu.memory_space<hbm>>) target(%dma_start3A_223 : memref<200x128xf32, #tpu.memory_space<vmem>>) target_semaphore(%run_scoped3A : memref<!tpu.dma_semaphore, #tpu.memory_space<semaphore_mem>>)
      %dma_wait3A_227 = arith.constant 200 : i32
      %dma_wait3A_228 = arith.constant 0 : i32
      %dma_wait3A_229 = tpu.memref_slice %arg10[%dma_wait3A_227, %dma_wait3A_228] : memref<600x128xf32, #tpu.memory_space<vmem>> -> memref<200x128xf32, #tpu.memory_space<vmem>>
      %dma_wait3A_230 = arith.constant 0 : i32
      %dma_wait3A_231 = arith.constant 0 : i32
      %dma_wait3A_232 = tpu.memref_slice %arg5[%dma_wait3A_230, %dma_wait3A_231] : memref<512x128xf32, #tpu.memory_space<hbm>> -> memref<200x128xf32, #tpu.memory_space<hbm>>
      %dma_wait3A_233 = arith.constant 200 : i32
      %dma_wait3A_234 = arith.constant 0 : i32
      %dma_wait3A_235 = tpu.memref_slice %arg10[%dma_wait3A_233, %dma_wait3A_234] : memref<600x128xf32, #tpu.memory_space<vmem>> -> memref<200x128xf32, #tpu.memory_space<vmem>>
      %dma_wait3A_236 = arith.constant 0 : i32
      %dma_wait3A_237 = arith.constant 0 : i32
      %dma_wait3A_238 = tpu.memref_slice %arg5[%dma_wait3A_236, %dma_wait3A_237] : memref<512x128xf32, #tpu.memory_space<hbm>> -> memref<200x128xf32, #tpu.memory_space<hbm>>
      tpu.wait_dma2 semaphore(%run_scoped3A : memref<!tpu.dma_semaphore, #tpu.memory_space<semaphore_mem>>) src(%dma_wait3A_238 : memref<200x128xf32, #tpu.memory_space<hbm>>) dst(%dma_wait3A_235 : memref<200x128xf32, #tpu.memory_space<vmem>>)
      tpu.yield
    }) : () -> ()
    "tpu.region"() ({
      %run_scoped3A = tpu.sem_alloc : memref<!tpu.dma_semaphore, #tpu.memory_space<semaphore_mem>>
      %dma_start3A_215 = arith.constant 400 : i32
      %dma_start3A_216 = arith.constant 0 : i32
      %dma_start3A_217 = tpu.memref_slice %arg10[%dma_start3A_215, %dma_start3A_216] : memref<600x128xf32, #tpu.memory_space<vmem>> -> memref<200x128xf32, #tpu.memory_space<vmem>>
      %dma_start3A_218 = arith.constant 0 : i32
      %dma_start3A_219 = arith.constant 0 : i32
      %dma_start3A_220 = tpu.memref_slice %arg5[%dma_start3A_218, %dma_start3A_219] : memref<512x128xf32, #tpu.memory_space<hbm>> -> memref<200x128xf32, #tpu.memory_space<hbm>>
      %dma_start3A_221 = arith.constant 400 : i32
      %dma_start3A_222 = arith.constant 0 : i32
      %dma_start3A_223 = tpu.memref_slice %arg10[%dma_start3A_221, %dma_start3A_222] : memref<600x128xf32, #tpu.memory_space<vmem>> -> memref<200x128xf32, #tpu.memory_space<vmem>>
      %dma_start3A_224 = arith.constant 0 : i32
      %dma_start3A_225 = arith.constant 0 : i32
      %dma_start3A_226 = tpu.memref_slice %arg5[%dma_start3A_224, %dma_start3A_225] : memref<512x128xf32, #tpu.memory_space<hbm>> -> memref<200x128xf32, #tpu.memory_space<hbm>>
      tpu.enqueue_dma source(%dma_start3A_226 : memref<200x128xf32, #tpu.memory_space<hbm>>) target(%dma_start3A_223 : memref<200x128xf32, #tpu.memory_space<vmem>>) target_semaphore(%run_scoped3A : memref<!tpu.dma_semaphore, #tpu.memory_space<semaphore_mem>>)
      %dma_wait3A_227 = arith.constant 400 : i32
      %dma_wait3A_228 = arith.constant 0 : i32
      %dma_wait3A_229 = tpu.memref_slice %arg10[%dma_wait3A_227, %dma_wait3A_228] : memref<600x128xf32, #tpu.memory_space<vmem>> -> memref<200x128xf32, #tpu.memory_space<vmem>>
      %dma_wait3A_230 = arith.constant 0 : i32
      %dma_wait3A_231 = arith.constant 0 : i32
      %dma_wait3A_232 = tpu.memref_slice %arg5[%dma_wait3A_230, %dma_wait3A_231] : memref<512x128xf32, #tpu.memory_space<hbm>> -> memref<200x128xf32, #tpu.memory_space<hbm>>
      %dma_wait3A_233 = arith.constant 400 : i32
      %dma_wait3A_234 = arith.constant 0 : i32
      %dma_wait3A_235 = tpu.memref_slice %arg10[%dma_wait3A_233, %dma_wait3A_234] : memref<600x128xf32, #tpu.memory_space<vmem>> -> memref<200x128xf32, #tpu.memory_space<vmem>>
      %dma_wait3A_236 = arith.constant 0 : i32
      %dma_wait3A_237 = arith.constant 0 : i32
      %dma_wait3A_238 = tpu.memref_slice %arg5[%dma_wait3A_236, %dma_wait3A_237] : memref<512x128xf32, #tpu.memory_space<hbm>> -> memref<200x128xf32, #tpu.memory_space<hbm>>
      tpu.wait_dma2 semaphore(%run_scoped3A : memref<!tpu.dma_semaphore, #tpu.memory_space<semaphore_mem>>) src(%dma_wait3A_238 : memref<200x128xf32, #tpu.memory_space<hbm>>) dst(%dma_wait3A_235 : memref<200x128xf32, #tpu.memory_space<vmem>>)
      tpu.yield
    }) : () -> ()
    "tpu.region"() ({
      %run_scoped3A = tpu.sem_alloc : memref<!tpu.dma_semaphore, #tpu.memory_space<semaphore_mem>>
      tpu.enqueue_dma source(%arg6 : memref<3x128xf32, #tpu.memory_space<hbm>>) target(%arg17 : memref<3x128xf32, #tpu.memory_space<vmem>>) target_semaphore(%run_scoped3A : memref<!tpu.dma_semaphore, #tpu.memory_space<semaphore_mem>>)
      tpu.wait_dma2 semaphore(%run_scoped3A : memref<!tpu.dma_semaphore, #tpu.memory_space<semaphore_mem>>) src(%arg6 : memref<3x128xf32, #tpu.memory_space<hbm>>) dst(%arg17 : memref<3x128xf32, #tpu.memory_space<vmem>>)
      tpu.yield
    }) : () -> ()
    "tpu.region"() ({
      %run_scoped3A = tpu.sem_alloc : memref<!tpu.dma_semaphore, #tpu.memory_space<semaphore_mem>>
      tpu.enqueue_dma source(%arg7 : memref<128xf32, #tpu.memory_space<hbm>>) target(%arg18 : memref<128xf32, #tpu.memory_space<vmem>>) target_semaphore(%run_scoped3A : memref<!tpu.dma_semaphore, #tpu.memory_space<semaphore_mem>>)
      tpu.wait_dma2 semaphore(%run_scoped3A : memref<!tpu.dma_semaphore, #tpu.memory_space<semaphore_mem>>) src(%arg7 : memref<128xf32, #tpu.memory_space<hbm>>) dst(%arg18 : memref<128xf32, #tpu.memory_space<vmem>>)
      tpu.yield
    }) : () -> ()
    "tpu.region"() ({
      %run_scoped3A = tpu.sem_alloc : memref<!tpu.dma_semaphore, #tpu.memory_space<semaphore_mem>>
      tpu.enqueue_dma source(%arg8 : memref<128xf32, #tpu.memory_space<hbm>>) target(%arg19 : memref<128xf32, #tpu.memory_space<vmem>>) target_semaphore(%run_scoped3A : memref<!tpu.dma_semaphore, #tpu.memory_space<semaphore_mem>>)
      tpu.wait_dma2 semaphore(%run_scoped3A : memref<!tpu.dma_semaphore, #tpu.memory_space<semaphore_mem>>) src(%arg8 : memref<128xf32, #tpu.memory_space<hbm>>) dst(%arg19 : memref<128xf32, #tpu.memory_space<vmem>>)
      tpu.yield
    }) : () -> ()
    %get3A = arith.constant 0 : i32
    %get3A_1 = arith.index_cast %get3A : i32 to index
    %get3A_2 = arith.constant 0 : index
    %get3A_3 = tpu.vector_load %arg17[%get3A_1, %get3A_2] {strides = array<i32>} : memref<3x128xf32, #tpu.memory_space<vmem>>, vector<16xf32>,
    %get3A_4 = arith.constant 0 : i32
    %get3A_5 = arith.index_cast %get3A_4 : i32 to index
    %get3A_6 = arith.constant 16 : index
    %get3A_7 = tpu.vector_load %arg17[%get3A_5, %get3A_6] {strides = array<i32>} : memref<3x128xf32, #tpu.memory_space<vmem>>, vector<16xf32>,
    %get3A_8 = arith.constant 0 : i32
    %get3A_9 = arith.index_cast %get3A_8 : i32 to index
    %get3A_10 = arith.constant 32 : index
    %get3A_11 = tpu.vector_load %arg17[%get3A_9, %get3A_10] {strides = array<i32>} : memref<3x128xf32, #tpu.memory_space<vmem>>, vector<16xf32>,
    %get3A_12 = arith.constant 0 : i32
    %get3A_13 = arith.index_cast %get3A_12 : i32 to index
    %get3A_14 = arith.constant 48 : index
    %get3A_15 = tpu.vector_load %arg17[%get3A_13, %get3A_14] {strides = array<i32>} : memref<3x128xf32, #tpu.memory_space<vmem>>, vector<16xf32>,
    %get3A_16 = arith.constant 0 : i32
    %get3A_17 = arith.index_cast %get3A_16 : i32 to index
    %get3A_18 = arith.constant 64 : index
    %get3A_19 = tpu.vector_load %arg17[%get3A_17, %get3A_18] {strides = array<i32>} : memref<3x128xf32, #tpu.memory_space<vmem>>, vector<16xf32>,
    %get3A_20 = arith.constant 0 : i32
    %get3A_21 = arith.index_cast %get3A_20 : i32 to index
    %get3A_22 = arith.constant 80 : index
    %get3A_23 = tpu.vector_load %arg17[%get3A_21, %get3A_22] {strides = array<i32>} : memref<3x128xf32, #tpu.memory_space<vmem>>, vector<16xf32>,
    %get3A_24 = arith.constant 0 : i32
    %get3A_25 = arith.index_cast %get3A_24 : i32 to index
    %get3A_26 = arith.constant 96 : index
    %get3A_27 = tpu.vector_load %arg17[%get3A_25, %get3A_26] {strides = array<i32>} : memref<3x128xf32, #tpu.memory_space<vmem>>, vector<16xf32>,
    %get3A_28 = arith.constant 0 : i32
    %get3A_29 = arith.index_cast %get3A_28 : i32 to index
    %get3A_30 = arith.constant 112 : index
    %get3A_31 = tpu.vector_load %arg17[%get3A_29, %get3A_30] {strides = array<i32>} : memref<3x128xf32, #tpu.memory_space<vmem>>, vector<16xf32>,
    %get3A_32 = arith.constant 1 : i32
    %get3A_33 = arith.index_cast %get3A_32 : i32 to index
    %get3A_34 = arith.constant 0 : index
    %get3A_35 = tpu.vector_load %arg17[%get3A_33, %get3A_34] {strides = array<i32>} : memref<3x128xf32, #tpu.memory_space<vmem>>, vector<16xf32>,
    %get3A_36 = arith.constant 1 : i32
    %get3A_37 = arith.index_cast %get3A_36 : i32 to index
    %get3A_38 = arith.constant 16 : index
    %get3A_39 = tpu.vector_load %arg17[%get3A_37, %get3A_38] {strides = array<i32>} : memref<3x128xf32, #tpu.memory_space<vmem>>, vector<16xf32>,
    %get3A_40 = arith.constant 1 : i32
    %get3A_41 = arith.index_cast %get3A_40 : i32 to index
    %get3A_42 = arith.constant 32 : index
    %get3A_43 = tpu.vector_load %arg17[%get3A_41, %get3A_42] {strides = array<i32>} : memref<3x128xf32, #tpu.memory_space<vmem>>, vector<16xf32>,
    %get3A_44 = arith.constant 1 : i32
    %get3A_45 = arith.index_cast %get3A_44 : i32 to index
    %get3A_46 = arith.constant 48 : index
    %get3A_47 = tpu.vector_load %arg17[%get3A_45, %get3A_46] {strides = array<i32>} : memref<3x128xf32, #tpu.memory_space<vmem>>, vector<16xf32>,
    %get3A_48 = arith.constant 1 : i32
    %get3A_49 = arith.index_cast %get3A_48 : i32 to index
    %get3A_50 = arith.constant 64 : index
    %get3A_51 = tpu.vector_load %arg17[%get3A_49, %get3A_50] {strides = array<i32>} : memref<3x128xf32, #tpu.memory_space<vmem>>, vector<16xf32>,
    %get3A_52 = arith.constant 1 : i32
    %get3A_53 = arith.index_cast %get3A_52 : i32 to index
    %get3A_54 = arith.constant 80 : index
    %get3A_55 = tpu.vector_load %arg17[%get3A_53, %get3A_54] {strides = array<i32>} : memref<3x128xf32, #tpu.memory_space<vmem>>, vector<16xf32>,
    %get3A_56 = arith.constant 1 : i32
    %get3A_57 = arith.index_cast %get3A_56 : i32 to index
    %get3A_58 = arith.constant 96 : index
    %get3A_59 = tpu.vector_load %arg17[%get3A_57, %get3A_58] {strides = array<i32>} : memref<3x128xf32, #tpu.memory_space<vmem>>, vector<16xf32>,
    %get3A_60 = arith.constant 1 : i32
    %get3A_61 = arith.index_cast %get3A_60 : i32 to index
    %get3A_62 = arith.constant 112 : index
    %get3A_63 = tpu.vector_load %arg17[%get3A_61, %get3A_62] {strides = array<i32>} : memref<3x128xf32, #tpu.memory_space<vmem>>, vector<16xf32>,
    %get3A_64 = arith.constant 2 : i32
    %get3A_65 = arith.index_cast %get3A_64 : i32 to index
    %get3A_66 = arith.constant 0 : index
    %get3A_67 = tpu.vector_load %arg17[%get3A_65, %get3A_66] {strides = array<i32>} : memref<3x128xf32, #tpu.memory_space<vmem>>, vector<16xf32>,
    %get3A_68 = arith.constant 2 : i32
    %get3A_69 = arith.index_cast %get3A_68 : i32 to index
    %get3A_70 = arith.constant 16 : index
    %get3A_71 = tpu.vector_load %arg17[%get3A_69, %get3A_70] {strides = array<i32>} : memref<3x128xf32, #tpu.memory_space<vmem>>, vector<16xf32>,
    %get3A_72 = arith.constant 2 : i32
    %get3A_73 = arith.index_cast %get3A_72 : i32 to index
    %get3A_74 = arith.constant 32 : index
    %get3A_75 = tpu.vector_load %arg17[%get3A_73, %get3A_74] {strides = array<i32>} : memref<3x128xf32, #tpu.memory_space<vmem>>, vector<16xf32>,
    %get3A_76 = arith.constant 2 : i32
    %get3A_77 = arith.index_cast %get3A_76 : i32 to index
    %get3A_78 = arith.constant 48 : index
    %get3A_79 = tpu.vector_load %arg17[%get3A_77, %get3A_78] {strides = array<i32>} : memref<3x128xf32, #tpu.memory_space<vmem>>, vector<16xf32>,
    %get3A_80 = arith.constant 2 : i32
    %get3A_81 = arith.index_cast %get3A_80 : i32 to index
    %get3A_82 = arith.constant 64 : index
    %get3A_83 = tpu.vector_load %arg17[%get3A_81, %get3A_82] {strides = array<i32>} : memref<3x128xf32, #tpu.memory_space<vmem>>, vector<16xf32>,
    %get3A_84 = arith.constant 2 : i32
    %get3A_85 = arith.index_cast %get3A_84 : i32 to index
    %get3A_86 = arith.constant 80 : index
    %get3A_87 = tpu.vector_load %arg17[%get3A_85, %get3A_86] {strides = array<i32>} : memref<3x128xf32, #tpu.memory_space<vmem>>, vector<16xf32>,
    %get3A_88 = arith.constant 2 : i32
    %get3A_89 = arith.index_cast %get3A_88 : i32 to index
    %get3A_90 = arith.constant 96 : index
    %get3A_91 = tpu.vector_load %arg17[%get3A_89, %get3A_90] {strides = array<i32>} : memref<3x128xf32, #tpu.memory_space<vmem>>, vector<16xf32>,
    %get3A_92 = arith.constant 2 : i32
    %get3A_93 = arith.index_cast %get3A_92 : i32 to index
    %get3A_94 = arith.constant 112 : index
    %get3A_95 = tpu.vector_load %arg17[%get3A_93, %get3A_94] {strides = array<i32>} : memref<3x128xf32, #tpu.memory_space<vmem>>, vector<16xf32>,
    %parallel_loop3A = arith.constant 0 : i32
    %parallel_loop3A_96 = arith.constant 200 : i32
    %parallel_loop3A_97 = arith.constant 1 : i32
    scf.for %parallel_loop3A_215 = %parallel_loop3A to %parallel_loop3A_96 step %parallel_loop3A_97  : i32 {
      %parallel_loop3A_216 = arith.constant 0 : i32
      %parallel_loop3A_217 = arith.addi %parallel_loop3A_216, %parallel_loop3A_215 : i32
      %parallel_loop3A_218 = arith.index_cast %parallel_loop3A_217 : i32 to index
      %parallel_loop3A_219 = arith.constant 0 : index
      %parallel_loop3A_220 = tpu.vector_load %arg10[%parallel_loop3A_218, %parallel_loop3A_219] {strides = array<i32>} : memref<600x128xf32, #tpu.memory_space<vmem>>, vector<16xf32>,
      %parallel_loop3A_221 = arith.addf %parallel_loop3A_220, %get3A_3 : vector<16xf32>
      %parallel_loop3A_222 = arith.constant 0 : i32
      %parallel_loop3A_223 = arith.addi %parallel_loop3A_222, %parallel_loop3A_215 : i32
      %parallel_loop3A_224 = arith.index_cast %parallel_loop3A_223 : i32 to index
      %parallel_loop3A_225 = arith.constant 0 : index
      %parallel_loop3A_226 = tpu.vector_load %arg10[%parallel_loop3A_224, %parallel_loop3A_225] {strides = array<i32>} : memref<600x128xf32, #tpu.memory_space<vmem>>, vector<16xf32>,
      tpu.vector_store %arg10[%parallel_loop3A_224, %parallel_loop3A_225], %parallel_loop3A_221 {strides = array<i32>} : memref<600x128xf32, #tpu.memory_space<vmem>>, vector<16xf32>,
      %parallel_loop3A_227 = arith.constant 0 : i32
      %parallel_loop3A_228 = arith.addi %parallel_loop3A_227, %parallel_loop3A_215 : i32
      %parallel_loop3A_229 = arith.index_cast %parallel_loop3A_228 : i32 to index
      %parallel_loop3A_230 = arith.constant 16 : index
      %parallel_loop3A_231 = tpu.vector_load %arg10[%parallel_loop3A_229, %parallel_loop3A_230] {strides = array<i32>} : memref<600x128xf32, #tpu.memory_space<vmem>>, vector<16xf32>,
      %parallel_loop3A_232 = arith.addf %parallel_loop3A_231, %get3A_7 : vector<16xf32>
      %parallel_loop3A_233 = arith.constant 0 : i32
      %parallel_loop3A_234 = arith.addi %parallel_loop3A_233, %parallel_loop3A_215 : i32
      %parallel_loop3A_235 = arith.index_cast %parallel_loop3A_234 : i32 to index
      %parallel_loop3A_236 = arith.constant 16 : index
      %parallel_loop3A_237 = tpu.vector_load %arg10[%parallel_loop3A_235, %parallel_loop3A_236] {strides = array<i32>} : memref<600x128xf32, #tpu.memory_space<vmem>>, vector<16xf32>,
      tpu.vector_store %arg10[%parallel_loop3A_235, %parallel_loop3A_236], %parallel_loop3A_232 {strides = array<i32>} : memref<600x128xf32, #tpu.memory_space<vmem>>, vector<16xf32>,
      %parallel_loop3A_238 = arith.constant 0 : i32
      %parallel_loop3A_239 = arith.addi %parallel_loop3A_238, %parallel_loop3A_215 : i32
      %parallel_loop3A_240 = arith.index_cast %parallel_loop3A_239 : i32 to index
      %parallel_loop3A_241 = arith.constant 32 : index
      %parallel_loop3A_242 = tpu.vector_load %arg10[%parallel_loop3A_240, %parallel_loop3A_241] {strides = array<i32>} : memref<600x128xf32, #tpu.memory_space<vmem>>, vector<16xf32>,
      %parallel_loop3A_243 = arith.addf %parallel_loop3A_242, %get3A_11 : vector<16xf32>
      %parallel_loop3A_244 = arith.constant 0 : i32
      %parallel_loop3A_245 = arith.addi %parallel_loop3A_244, %parallel_loop3A_215 : i32
      %parallel_loop3A_246 = arith.index_cast %parallel_loop3A_245 : i32 to index
      %parallel_loop3A_247 = arith.constant 32 : index
      %parallel_loop3A_248 = tpu.vector_load %arg10[%parallel_loop3A_246, %parallel_loop3A_247] {strides = array<i32>} : memref<600x128xf32, #tpu.memory_space<vmem>>, vector<16xf32>,
      tpu.vector_store %arg10[%parallel_loop3A_246, %parallel_loop3A_247], %parallel_loop3A_243 {strides = array<i32>} : memref<600x128xf32, #tpu.memory_space<vmem>>, vector<16xf32>,
      %parallel_loop3A_249 = arith.constant 0 : i32
      %parallel_loop3A_250 = arith.addi %parallel_loop3A_249, %parallel_loop3A_215 : i32
      %parallel_loop3A_251 = arith.index_cast %parallel_loop3A_250 : i32 to index
      %parallel_loop3A_252 = arith.constant 48 : index
      %parallel_loop3A_253 = tpu.vector_load %arg10[%parallel_loop3A_251, %parallel_loop3A_252] {strides = array<i32>} : memref<600x128xf32, #tpu.memory_space<vmem>>, vector<16xf32>,
      %parallel_loop3A_254 = arith.addf %parallel_loop3A_253, %get3A_15 : vector<16xf32>
      %parallel_loop3A_255 = arith.constant 0 : i32
      %parallel_loop3A_256 = arith.addi %parallel_loop3A_255, %parallel_loop3A_215 : i32
      %parallel_loop3A_257 = arith.index_cast %parallel_loop3A_256 : i32 to index
      %parallel_loop3A_258 = arith.constant 48 : index
      %parallel_loop3A_259 = tpu.vector_load %arg10[%parallel_loop3A_257, %parallel_loop3A_258] {strides = array<i32>} : memref<600x128xf32, #tpu.memory_space<vmem>>, vector<16xf32>,
      tpu.vector_store %arg10[%parallel_loop3A_257, %parallel_loop3A_258], %parallel_loop3A_254 {strides = array<i32>} : memref<600x128xf32, #tpu.memory_space<vmem>>, vector<16xf32>,
      %parallel_loop3A_260 = arith.constant 0 : i32
      %parallel_loop3A_261 = arith.addi %parallel_loop3A_260, %parallel_loop3A_215 : i32
      %parallel_loop3A_262 = arith.index_cast %parallel_loop3A_261 : i32 to index
      %parallel_loop3A_263 = arith.constant 64 : index
      %parallel_loop3A_264 = tpu.vector_load %arg10[%parallel_loop3A_262, %parallel_loop3A_263] {strides = array<i32>} : memref<600x128xf32, #tpu.memory_space<vmem>>, vector<16xf32>,
      %parallel_loop3A_265 = arith.addf %parallel_loop3A_264, %get3A_19 : vector<16xf32>
      %parallel_loop3A_266 = arith.constant 0 : i32
      %parallel_loop3A_267 = arith.addi %parallel_loop3A_266, %parallel_loop3A_215 : i32
      %parallel_loop3A_268 = arith.index_cast %parallel_loop3A_267 : i32 to index
      %parallel_loop3A_269 = arith.constant 64 : index
      %parallel_loop3A_270 = tpu.vector_load %arg10[%parallel_loop3A_268, %parallel_loop3A_269] {strides = array<i32>} : memref<600x128xf32, #tpu.memory_space<vmem>>, vector<16xf32>,
      tpu.vector_store %arg10[%parallel_loop3A_268, %parallel_loop3A_269], %parallel_loop3A_265 {strides = array<i32>} : memref<600x128xf32, #tpu.memory_space<vmem>>, vector<16xf32>,
      %parallel_loop3A_271 = arith.constant 0 : i32
      %parallel_loop3A_272 = arith.addi %parallel_loop3A_271, %parallel_loop3A_215 : i32
      %parallel_loop3A_273 = arith.index_cast %parallel_loop3A_272 : i32 to index
      %parallel_loop3A_274 = arith.constant 80 : index
      %parallel_loop3A_275 = tpu.vector_load %arg10[%parallel_loop3A_273, %parallel_loop3A_274] {strides = array<i32>} : memref<600x128xf32, #tpu.memory_space<vmem>>, vector<16xf32>,
      %parallel_loop3A_276 = arith.addf %parallel_loop3A_275, %get3A_23 : vector<16xf32>
      %parallel_loop3A_277 = arith.constant 0 : i32
      %parallel_loop3A_278 = arith.addi %parallel_loop3A_277, %parallel_loop3A_215 : i32
      %parallel_loop3A_279 = arith.index_cast %parallel_loop3A_278 : i32 to index
      %parallel_loop3A_280 = arith.constant 80 : index
      %parallel_loop3A_281 = tpu.vector_load %arg10[%parallel_loop3A_279, %parallel_loop3A_280] {strides = array<i32>} : memref<600x128xf32, #tpu.memory_space<vmem>>, vector<16xf32>,
      tpu.vector_store %arg10[%parallel_loop3A_279, %parallel_loop3A_280], %parallel_loop3A_276 {strides = array<i32>} : memref<600x128xf32, #tpu.memory_space<vmem>>, vector<16xf32>,
      %parallel_loop3A_282 = arith.constant 0 : i32
      %parallel_loop3A_283 = arith.addi %parallel_loop3A_282, %parallel_loop3A_215 : i32
      %parallel_loop3A_284 = arith.index_cast %parallel_loop3A_283 : i32 to index
      %parallel_loop3A_285 = arith.constant 96 : index
      %parallel_loop3A_286 = tpu.vector_load %arg10[%parallel_loop3A_284, %parallel_loop3A_285] {strides = array<i32>} : memref<600x128xf32, #tpu.memory_space<vmem>>, vector<16xf32>,
      %parallel_loop3A_287 = arith.addf %parallel_loop3A_286, %get3A_27 : vector<16xf32>
      %parallel_loop3A_288 = arith.constant 0 : i32
      %parallel_loop3A_289 = arith.addi %parallel_loop3A_288, %parallel_loop3A_215 : i32
      %parallel_loop3A_290 = arith.index_cast %parallel_loop3A_289 : i32 to index
      %parallel_loop3A_291 = arith.constant 96 : index
      %parallel_loop3A_292 = tpu.vector_load %arg10[%parallel_loop3A_290, %parallel_loop3A_291] {strides = array<i32>} : memref<600x128xf32, #tpu.memory_space<vmem>>, vector<16xf32>,
      tpu.vector_store %arg10[%parallel_loop3A_290, %parallel_loop3A_291], %parallel_loop3A_287 {strides = array<i32>} : memref<600x128xf32, #tpu.memory_space<vmem>>, vector<16xf32>,
      %parallel_loop3A_293 = arith.constant 0 : i32
      %parallel_loop3A_294 = arith.addi %parallel_loop3A_293, %parallel_loop3A_215 : i32
      %parallel_loop3A_295 = arith.index_cast %parallel_loop3A_294 : i32 to index
      %parallel_loop3A_296 = arith.constant 112 : index
      %parallel_loop3A_297 = tpu.vector_load %arg10[%parallel_loop3A_295, %parallel_loop3A_296] {strides = array<i32>} : memref<600x128xf32, #tpu.memory_space<vmem>>, vector<16xf32>,
      %parallel_loop3A_298 = arith.addf %parallel_loop3A_297, %get3A_31 : vector<16xf32>
      %parallel_loop3A_299 = arith.constant 0 : i32
      %parallel_loop3A_300 = arith.addi %parallel_loop3A_299, %parallel_loop3A_215 : i32
      %parallel_loop3A_301 = arith.index_cast %parallel_loop3A_300 : i32 to index
      %parallel_loop3A_302 = arith.constant 112 : index
      %parallel_loop3A_303 = tpu.vector_load %arg10[%parallel_loop3A_301, %parallel_loop3A_302] {strides = array<i32>} : memref<600x128xf32, #tpu.memory_space<vmem>>, vector<16xf32>,
      tpu.vector_store %arg10[%parallel_loop3A_301, %parallel_loop3A_302], %parallel_loop3A_298 {strides = array<i32>} : memref<600x128xf32, #tpu.memory_space<vmem>>, vector<16xf32>,
      %parallel_loop3A_304 = arith.constant 200 : i32
      %parallel_loop3A_305 = arith.addi %parallel_loop3A_304, %parallel_loop3A_215 : i32
      %parallel_loop3A_306 = arith.index_cast %parallel_loop3A_305 : i32 to index
      %parallel_loop3A_307 = arith.constant 0 : index
      %parallel_loop3A_308 = tpu.vector_load %arg10[%parallel_loop3A_306, %parallel_loop3A_307] {strides = array<i32>} : memref<600x128xf32, #tpu.memory_space<vmem>>, vector<16xf32>,
      %parallel_loop3A_309 = arith.addf %parallel_loop3A_308, %get3A_35 : vector<16xf32>
      %parallel_loop3A_310 = arith.constant 200 : i32
      %parallel_loop3A_311 = arith.addi %parallel_loop3A_310, %parallel_loop3A_215 : i32
      %parallel_loop3A_312 = arith.index_cast %parallel_loop3A_311 : i32 to index
      %parallel_loop3A_313 = arith.constant 0 : index
      %parallel_loop3A_314 = tpu.vector_load %arg10[%parallel_loop3A_312, %parallel_loop3A_313] {strides = array<i32>} : memref<600x128xf32, #tpu.memory_space<vmem>>, vector<16xf32>,
      tpu.vector_store %arg10[%parallel_loop3A_312, %parallel_loop3A_313], %parallel_loop3A_309 {strides = array<i32>} : memref<600x128xf32, #tpu.memory_space<vmem>>, vector<16xf32>,
      %parallel_loop3A_315 = arith.constant 200 : i32
      %parallel_loop3A_316 = arith.addi %parallel_loop3A_315, %parallel_loop3A_215 : i32
      %parallel_loop3A_317 = arith.index_cast %parallel_loop3A_316 : i32 to index
      %parallel_loop3A_318 = arith.constant 16 : index
      %parallel_loop3A_319 = tpu.vector_load %arg10[%parallel_loop3A_317, %parallel_loop3A_318] {strides = array<i32>} : memref<600x128xf32, #tpu.memory_space<vmem>>, vector<16xf32>,
      %parallel_loop3A_320 = arith.addf %parallel_loop3A_319, %get3A_39 : vector<16xf32>
      %parallel_loop3A_321 = arith.constant 200 : i32
      %parallel_loop3A_322 = arith.addi %parallel_loop3A_321, %parallel_loop3A_215 : i32
      %parallel_loop3A_323 = arith.index_cast %parallel_loop3A_322 : i32 to index
      %parallel_loop3A_324 = arith.constant 16 : index
      %parallel_loop3A_325 = tpu.vector_load %arg10[%parallel_loop3A_323, %parallel_loop3A_324] {strides = array<i32>} : memref<600x128xf32, #tpu.memory_space<vmem>>, vector<16xf32>,
      tpu.vector_store %arg10[%parallel_loop3A_323, %parallel_loop3A_324], %parallel_loop3A_320 {strides = array<i32>} : memref<600x128xf32, #tpu.memory_space<vmem>>, vector<16xf32>,
      %parallel_loop3A_326 = arith.constant 200 : i32
      %parallel_loop3A_327 = arith.addi %parallel_loop3A_326, %parallel_loop3A_215 : i32
      %parallel_loop3A_328 = arith.index_cast %parallel_loop3A_327 : i32 to index
      %parallel_loop3A_329 = arith.constant 32 : index
      %parallel_loop3A_330 = tpu.vector_load %arg10[%parallel_loop3A_328, %parallel_loop3A_329] {strides = array<i32>} : memref<600x128xf32, #tpu.memory_space<vmem>>, vector<16xf32>,
      %parallel_loop3A_331 = arith.addf %parallel_loop3A_330, %get3A_43 : vector<16xf32>
      %parallel_loop3A_332 = arith.constant 200 : i32
      %parallel_loop3A_333 = arith.addi %parallel_loop3A_332, %parallel_loop3A_215 : i32
      %parallel_loop3A_334 = arith.index_cast %parallel_loop3A_333 : i32 to index
      %parallel_loop3A_335 = arith.constant 32 : index
      %parallel_loop3A_336 = tpu.vector_load %arg10[%parallel_loop3A_334, %parallel_loop3A_335] {strides = array<i32>} : memref<600x128xf32, #tpu.memory_space<vmem>>, vector<16xf32>,
      tpu.vector_store %arg10[%parallel_loop3A_334, %parallel_loop3A_335], %parallel_loop3A_331 {strides = array<i32>} : memref<600x128xf32, #tpu.memory_space<vmem>>, vector<16xf32>,
      %parallel_loop3A_337 = arith.constant 200 : i32
      %parallel_loop3A_338 = arith.addi %parallel_loop3A_337, %parallel_loop3A_215 : i32
      %parallel_loop3A_339 = arith.index_cast %parallel_loop3A_338 : i32 to index
      %parallel_loop3A_340 = arith.constant 48 : index
      %parallel_loop3A_341 = tpu.vector_load %arg10[%parallel_loop3A_339, %parallel_loop3A_340] {strides = array<i32>} : memref<600x128xf32, #tpu.memory_space<vmem>>, vector<16xf32>,
      %parallel_loop3A_342 = arith.addf %parallel_loop3A_341, %get3A_47 : vector<16xf32>
      %parallel_loop3A_343 = arith.constant 200 : i32
      %parallel_loop3A_344 = arith.addi %parallel_loop3A_343, %parallel_loop3A_215 : i32
      %parallel_loop3A_345 = arith.index_cast %parallel_loop3A_344 : i32 to index
      %parallel_loop3A_346 = arith.constant 48 : index
      %parallel_loop3A_347 = tpu.vector_load %arg10[%parallel_loop3A_345, %parallel_loop3A_346] {strides = array<i32>} : memref<600x128xf32, #tpu.memory_space<vmem>>, vector<16xf32>,
      tpu.vector_store %arg10[%parallel_loop3A_345, %parallel_loop3A_346], %parallel_loop3A_342 {strides = array<i32>} : memref<600x128xf32, #tpu.memory_space<vmem>>, vector<16xf32>,
      %parallel_loop3A_348 = arith.constant 200 : i32
      %parallel_loop3A_349 = arith.addi %parallel_loop3A_348, %parallel_loop3A_215 : i32
      %parallel_loop3A_350 = arith.index_cast %parallel_loop3A_349 : i32 to index
      %parallel_loop3A_351 = arith.constant 64 : index
      %parallel_loop3A_352 = tpu.vector_load %arg10[%parallel_loop3A_350, %parallel_loop3A_351] {strides = array<i32>} : memref<600x128xf32, #tpu.memory_space<vmem>>, vector<16xf32>,
      %parallel_loop3A_353 = arith.addf %parallel_loop3A_352, %get3A_51 : vector<16xf32>
      %parallel_loop3A_354 = arith.constant 200 : i32
      %parallel_loop3A_355 = arith.addi %parallel_loop3A_354, %parallel_loop3A_215 : i32
      %parallel_loop3A_356 = arith.index_cast %parallel_loop3A_355 : i32 to index
      %parallel_loop3A_357 = arith.constant 64 : index
      %parallel_loop3A_358 = tpu.vector_load %arg10[%parallel_loop3A_356, %parallel_loop3A_357] {strides = array<i32>} : memref<600x128xf32, #tpu.memory_space<vmem>>, vector<16xf32>,
      tpu.vector_store %arg10[%parallel_loop3A_356, %parallel_loop3A_357], %parallel_loop3A_353 {strides = array<i32>} : memref<600x128xf32, #tpu.memory_space<vmem>>, vector<16xf32>,
      %parallel_loop3A_359 = arith.constant 200 : i32
      %parallel_loop3A_360 = arith.addi %parallel_loop3A_359, %parallel_loop3A_215 : i32
      %parallel_loop3A_361 = arith.index_cast %parallel_loop3A_360 : i32 to index
      %parallel_loop3A_362 = arith.constant 80 : index
      %parallel_loop3A_363 = tpu.vector_load %arg10[%parallel_loop3A_361, %parallel_loop3A_362] {strides = array<i32>} : memref<600x128xf32, #tpu.memory_space<vmem>>, vector<16xf32>,
      %parallel_loop3A_364 = arith.addf %parallel_loop3A_363, %get3A_55 : vector<16xf32>
      %parallel_loop3A_365 = arith.constant 200 : i32
      %parallel_loop3A_366 = arith.addi %parallel_loop3A_365, %parallel_loop3A_215 : i32
      %parallel_loop3A_367 = arith.index_cast %parallel_loop3A_366 : i32 to index
      %parallel_loop3A_368 = arith.constant 80 : index
      %parallel_loop3A_369 = tpu.vector_load %arg10[%parallel_loop3A_367, %parallel_loop3A_368] {strides = array<i32>} : memref<600x128xf32, #tpu.memory_space<vmem>>, vector<16xf32>,
      tpu.vector_store %arg10[%parallel_loop3A_367, %parallel_loop3A_368], %parallel_loop3A_364 {strides = array<i32>} : memref<600x128xf32, #tpu.memory_space<vmem>>, vector<16xf32>,
      %parallel_loop3A_370 = arith.constant 200 : i32
      %parallel_loop3A_371 = arith.addi %parallel_loop3A_370, %parallel_loop3A_215 : i32
      %parallel_loop3A_372 = arith.index_cast %parallel_loop3A_371 : i32 to index
      %parallel_loop3A_373 = arith.constant 96 : index
      %parallel_loop3A_374 = tpu.vector_load %arg10[%parallel_loop3A_372, %parallel_loop3A_373] {strides = array<i32>} : memref<600x128xf32, #tpu.memory_space<vmem>>, vector<16xf32>,
      %parallel_loop3A_375 = arith.addf %parallel_loop3A_374, %get3A_59 : vector<16xf32>
      %parallel_loop3A_376 = arith.constant 200 : i32
      %parallel_loop3A_377 = arith.addi %parallel_loop3A_376, %parallel_loop3A_215 : i32
      %parallel_loop3A_378 = arith.index_cast %parallel_loop3A_377 : i32 to index
      %parallel_loop3A_379 = arith.constant 96 : index
      %parallel_loop3A_380 = tpu.vector_load %arg10[%parallel_loop3A_378, %parallel_loop3A_379] {strides = array<i32>} : memref<600x128xf32, #tpu.memory_space<vmem>>, vector<16xf32>,
      tpu.vector_store %arg10[%parallel_loop3A_378, %parallel_loop3A_379], %parallel_loop3A_375 {strides = array<i32>} : memref<600x128xf32, #tpu.memory_space<vmem>>, vector<16xf32>,
      %parallel_loop3A_381 = arith.constant 200 : i32
      %parallel_loop3A_382 = arith.addi %parallel_loop3A_381, %parallel_loop3A_215 : i32
      %parallel_loop3A_383 = arith.index_cast %parallel_loop3A_382 : i32 to index
      %parallel_loop3A_384 = arith.constant 112 : index
      %parallel_loop3A_385 = tpu.vector_load %arg10[%parallel_loop3A_383, %parallel_loop3A_384] {strides = array<i32>} : memref<600x128xf32, #tpu.memory_space<vmem>>, vector<16xf32>,
      %parallel_loop3A_386 = arith.addf %parallel_loop3A_385, %get3A_63 : vector<16xf32>
      %parallel_loop3A_387 = arith.constant 200 : i32
      %parallel_loop3A_388 = arith.addi %parallel_loop3A_387, %parallel_loop3A_215 : i32
      %parallel_loop3A_389 = arith.index_cast %parallel_loop3A_388 : i32 to index
      %parallel_loop3A_390 = arith.constant 112 : index
      %parallel_loop3A_391 = tpu.vector_load %arg10[%parallel_loop3A_389, %parallel_loop3A_390] {strides = array<i32>} : memref<600x128xf32, #tpu.memory_space<vmem>>, vector<16xf32>,
      tpu.vector_store %arg10[%parallel_loop3A_389, %parallel_loop3A_390], %parallel_loop3A_386 {strides = array<i32>} : memref<600x128xf32, #tpu.memory_space<vmem>>, vector<16xf32>,
      %parallel_loop3A_392 = arith.constant 400 : i32
      %parallel_loop3A_393 = arith.addi %parallel_loop3A_392, %parallel_loop3A_215 : i32
      %parallel_loop3A_394 = arith.index_cast %parallel_loop3A_393 : i32 to index
      %parallel_loop3A_395 = arith.constant 0 : index
      %parallel_loop3A_396 = tpu.vector_load %arg10[%parallel_loop3A_394, %parallel_loop3A_395] {strides = array<i32>} : memref<600x128xf32, #tpu.memory_space<vmem>>, vector<16xf32>,
      %parallel_loop3A_397 = arith.addf %parallel_loop3A_396, %get3A_67 : vector<16xf32>
      %parallel_loop3A_398 = arith.constant 400 : i32
      %parallel_loop3A_399 = arith.addi %parallel_loop3A_398, %parallel_loop3A_215 : i32
      %parallel_loop3A_400 = arith.index_cast %parallel_loop3A_399 : i32 to index
      %parallel_loop3A_401 = arith.constant 0 : index
      %parallel_loop3A_402 = tpu.vector_load %arg10[%parallel_loop3A_400, %parallel_loop3A_401] {strides = array<i32>} : memref<600x128xf32, #tpu.memory_space<vmem>>, vector<16xf32>,
      tpu.vector_store %arg10[%parallel_loop3A_400, %parallel_loop3A_401], %parallel_loop3A_397 {strides = array<i32>} : memref<600x128xf32, #tpu.memory_space<vmem>>, vector<16xf32>,
      %parallel_loop3A_403 = arith.constant 400 : i32
      %parallel_loop3A_404 = arith.addi %parallel_loop3A_403, %parallel_loop3A_215 : i32
      %parallel_loop3A_405 = arith.index_cast %parallel_loop3A_404 : i32 to index
      %parallel_loop3A_406 = arith.constant 16 : index
      %parallel_loop3A_407 = tpu.vector_load %arg10[%parallel_loop3A_405, %parallel_loop3A_406] {strides = array<i32>} : memref<600x128xf32, #tpu.memory_space<vmem>>, vector<16xf32>,
      %parallel_loop3A_408 = arith.addf %parallel_loop3A_407, %get3A_71 : vector<16xf32>
      %parallel_loop3A_409 = arith.constant 400 : i32
      %parallel_loop3A_410 = arith.addi %parallel_loop3A_409, %parallel_loop3A_215 : i32
      %parallel_loop3A_411 = arith.index_cast %parallel_loop3A_410 : i32 to index
      %parallel_loop3A_412 = arith.constant 16 : index
      %parallel_loop3A_413 = tpu.vector_load %arg10[%parallel_loop3A_411, %parallel_loop3A_412] {strides = array<i32>} : memref<600x128xf32, #tpu.memory_space<vmem>>, vector<16xf32>,
      tpu.vector_store %arg10[%parallel_loop3A_411, %parallel_loop3A_412], %parallel_loop3A_408 {strides = array<i32>} : memref<600x128xf32, #tpu.memory_space<vmem>>, vector<16xf32>,
      %parallel_loop3A_414 = arith.constant 400 : i32
      %parallel_loop3A_415 = arith.addi %parallel_loop3A_414, %parallel_loop3A_215 : i32
      %parallel_loop3A_416 = arith.index_cast %parallel_loop3A_415 : i32 to index
      %parallel_loop3A_417 = arith.constant 32 : index
      %parallel_loop3A_418 = tpu.vector_load %arg10[%parallel_loop3A_416, %parallel_loop3A_417] {strides = array<i32>} : memref<600x128xf32, #tpu.memory_space<vmem>>, vector<16xf32>,
      %parallel_loop3A_419 = arith.addf %parallel_loop3A_418, %get3A_75 : vector<16xf32>
      %parallel_loop3A_420 = arith.constant 400 : i32
      %parallel_loop3A_421 = arith.addi %parallel_loop3A_420, %parallel_loop3A_215 : i32
      %parallel_loop3A_422 = arith.index_cast %parallel_loop3A_421 : i32 to index
      %parallel_loop3A_423 = arith.constant 32 : index
      %parallel_loop3A_424 = tpu.vector_load %arg10[%parallel_loop3A_422, %parallel_loop3A_423] {strides = array<i32>} : memref<600x128xf32, #tpu.memory_space<vmem>>, vector<16xf32>,
      tpu.vector_store %arg10[%parallel_loop3A_422, %parallel_loop3A_423], %parallel_loop3A_419 {strides = array<i32>} : memref<600x128xf32, #tpu.memory_space<vmem>>, vector<16xf32>,
      %parallel_loop3A_425 = arith.constant 400 : i32
      %parallel_loop3A_426 = arith.addi %parallel_loop3A_425, %parallel_loop3A_215 : i32
      %parallel_loop3A_427 = arith.index_cast %parallel_loop3A_426 : i32 to index
      %parallel_loop3A_428 = arith.constant 48 : index
      %parallel_loop3A_429 = tpu.vector_load %arg10[%parallel_loop3A_427, %parallel_loop3A_428] {strides = array<i32>} : memref<600x128xf32, #tpu.memory_space<vmem>>, vector<16xf32>,
      %parallel_loop3A_430 = arith.addf %parallel_loop3A_429, %get3A_79 : vector<16xf32>
      %parallel_loop3A_431 = arith.constant 400 : i32
      %parallel_loop3A_432 = arith.addi %parallel_loop3A_431, %parallel_loop3A_215 : i32
      %parallel_loop3A_433 = arith.index_cast %parallel_loop3A_432 : i32 to index
      %parallel_loop3A_434 = arith.constant 48 : index
      %parallel_loop3A_435 = tpu.vector_load %arg10[%parallel_loop3A_433, %parallel_loop3A_434] {strides = array<i32>} : memref<600x128xf32, #tpu.memory_space<vmem>>, vector<16xf32>,
      tpu.vector_store %arg10[%parallel_loop3A_433, %parallel_loop3A_434], %parallel_loop3A_430 {strides = array<i32>} : memref<600x128xf32, #tpu.memory_space<vmem>>, vector<16xf32>,
      %parallel_loop3A_436 = arith.constant 400 : i32
      %parallel_loop3A_437 = arith.addi %parallel_loop3A_436, %parallel_loop3A_215 : i32
      %parallel_loop3A_438 = arith.index_cast %parallel_loop3A_437 : i32 to index
      %parallel_loop3A_439 = arith.constant 64 : index
      %parallel_loop3A_440 = tpu.vector_load %arg10[%parallel_loop3A_438, %parallel_loop3A_439] {strides = array<i32>} : memref<600x128xf32, #tpu.memory_space<vmem>>, vector<16xf32>,
      %parallel_loop3A_441 = arith.addf %parallel_loop3A_440, %get3A_83 : vector<16xf32>
      %parallel_loop3A_442 = arith.constant 400 : i32
      %parallel_loop3A_443 = arith.addi %parallel_loop3A_442, %parallel_loop3A_215 : i32
      %parallel_loop3A_444 = arith.index_cast %parallel_loop3A_443 : i32 to index
      %parallel_loop3A_445 = arith.constant 64 : index
      %parallel_loop3A_446 = tpu.vector_load %arg10[%parallel_loop3A_444, %parallel_loop3A_445] {strides = array<i32>} : memref<600x128xf32, #tpu.memory_space<vmem>>, vector<16xf32>,
      tpu.vector_store %arg10[%parallel_loop3A_444, %parallel_loop3A_445], %parallel_loop3A_441 {strides = array<i32>} : memref<600x128xf32, #tpu.memory_space<vmem>>, vector<16xf32>,
      %parallel_loop3A_447 = arith.constant 400 : i32
      %parallel_loop3A_448 = arith.addi %parallel_loop3A_447, %parallel_loop3A_215 : i32
      %parallel_loop3A_449 = arith.index_cast %parallel_loop3A_448 : i32 to index
      %parallel_loop3A_450 = arith.constant 80 : index
      %parallel_loop3A_451 = tpu.vector_load %arg10[%parallel_loop3A_449, %parallel_loop3A_450] {strides = array<i32>} : memref<600x128xf32, #tpu.memory_space<vmem>>, vector<16xf32>,
      %parallel_loop3A_452 = arith.addf %parallel_loop3A_451, %get3A_87 : vector<16xf32>
      %parallel_loop3A_453 = arith.constant 400 : i32
      %parallel_loop3A_454 = arith.addi %parallel_loop3A_453, %parallel_loop3A_215 : i32
      %parallel_loop3A_455 = arith.index_cast %parallel_loop3A_454 : i32 to index
      %parallel_loop3A_456 = arith.constant 80 : index
      %parallel_loop3A_457 = tpu.vector_load %arg10[%parallel_loop3A_455, %parallel_loop3A_456] {strides = array<i32>} : memref<600x128xf32, #tpu.memory_space<vmem>>, vector<16xf32>,
      tpu.vector_store %arg10[%parallel_loop3A_455, %parallel_loop3A_456], %parallel_loop3A_452 {strides = array<i32>} : memref<600x128xf32, #tpu.memory_space<vmem>>, vector<16xf32>,
      %parallel_loop3A_458 = arith.constant 400 : i32
      %parallel_loop3A_459 = arith.addi %parallel_loop3A_458, %parallel_loop3A_215 : i32
      %parallel_loop3A_460 = arith.index_cast %parallel_loop3A_459 : i32 to index
      %parallel_loop3A_461 = arith.constant 96 : index
      %parallel_loop3A_462 = tpu.vector_load %arg10[%parallel_loop3A_460, %parallel_loop3A_461] {strides = array<i32>} : memref<600x128xf32, #tpu.memory_space<vmem>>, vector<16xf32>,
      %parallel_loop3A_463 = arith.addf %parallel_loop3A_462, %get3A_91 : vector<16xf32>
      %parallel_loop3A_464 = arith.constant 400 : i32
      %parallel_loop3A_465 = arith.addi %parallel_loop3A_464, %parallel_loop3A_215 : i32
      %parallel_loop3A_466 = arith.index_cast %parallel_loop3A_465 : i32 to index
      %parallel_loop3A_467 = arith.constant 96 : index
      %parallel_loop3A_468 = tpu.vector_load %arg10[%parallel_loop3A_466, %parallel_loop3A_467] {strides = array<i32>} : memref<600x128xf32, #tpu.memory_space<vmem>>, vector<16xf32>,
      tpu.vector_store %arg10[%parallel_loop3A_466, %parallel_loop3A_467], %parallel_loop3A_463 {strides = array<i32>} : memref<600x128xf32, #tpu.memory_space<vmem>>, vector<16xf32>,
      %parallel_loop3A_469 = arith.constant 400 : i32
      %parallel_loop3A_470 = arith.addi %parallel_loop3A_469, %parallel_loop3A_215 : i32
      %parallel_loop3A_471 = arith.index_cast %parallel_loop3A_470 : i32 to index
      %parallel_loop3A_472 = arith.constant 112 : index
      %parallel_loop3A_473 = tpu.vector_load %arg10[%parallel_loop3A_471, %parallel_loop3A_472] {strides = array<i32>} : memref<600x128xf32, #tpu.memory_space<vmem>>, vector<16xf32>,
      %parallel_loop3A_474 = arith.addf %parallel_loop3A_473, %get3A_95 : vector<16xf32>
      %parallel_loop3A_475 = arith.constant 400 : i32
      %parallel_loop3A_476 = arith.addi %parallel_loop3A_475, %parallel_loop3A_215 : i32
      %parallel_loop3A_477 = arith.index_cast %parallel_loop3A_476 : i32 to index
      %parallel_loop3A_478 = arith.constant 112 : index
      %parallel_loop3A_479 = tpu.vector_load %arg10[%parallel_loop3A_477, %parallel_loop3A_478] {strides = array<i32>} : memref<600x128xf32, #tpu.memory_space<vmem>>, vector<16xf32>,
      tpu.vector_store %arg10[%parallel_loop3A_477, %parallel_loop3A_478], %parallel_loop3A_474 {strides = array<i32>} : memref<600x128xf32, #tpu.memory_space<vmem>>, vector<16xf32>,
    } {sc.loop_unroll_factor = 2 : i64, sc.parallel_access}
    %get3A_98 = arith.constant 0 : index
    %get3A_99 = tpu.vector_load %arg18[%get3A_98] {strides = array<i32>} : memref<128xf32, #tpu.memory_space<vmem>>, vector<16xf32>,
    %get3A_100 = arith.constant 16 : index
    %get3A_101 = tpu.vector_load %arg18[%get3A_100] {strides = array<i32>} : memref<128xf32, #tpu.memory_space<vmem>>, vector<16xf32>,
    %get3A_102 = arith.constant 32 : index
    %get3A_103 = tpu.vector_load %arg18[%get3A_102] {strides = array<i32>} : memref<128xf32, #tpu.memory_space<vmem>>, vector<16xf32>,
    %get3A_104 = arith.constant 48 : index
    %get3A_105 = tpu.vector_load %arg18[%get3A_104] {strides = array<i32>} : memref<128xf32, #tpu.memory_space<vmem>>, vector<16xf32>,
    %get3A_106 = arith.constant 64 : index
    %get3A_107 = tpu.vector_load %arg18[%get3A_106] {strides = array<i32>} : memref<128xf32, #tpu.memory_space<vmem>>, vector<16xf32>,
    %get3A_108 = arith.constant 80 : index
    %get3A_109 = tpu.vector_load %arg18[%get3A_108] {strides = array<i32>} : memref<128xf32, #tpu.memory_space<vmem>>, vector<16xf32>,
    %get3A_110 = arith.constant 96 : index
    %get3A_111 = tpu.vector_load %arg18[%get3A_110] {strides = array<i32>} : memref<128xf32, #tpu.memory_space<vmem>>, vector<16xf32>,
    %get3A_112 = arith.constant 112 : index
    %get3A_113 = tpu.vector_load %arg18[%get3A_112] {strides = array<i32>} : memref<128xf32, #tpu.memory_space<vmem>>, vector<16xf32>,
    %get3A_114 = arith.constant 0 : index
    %get3A_115 = tpu.vector_load %arg19[%get3A_114] {strides = array<i32>} : memref<128xf32, #tpu.memory_space<vmem>>, vector<16xf32>,
    %get3A_116 = arith.constant 16 : index
    %get3A_117 = tpu.vector_load %arg19[%get3A_116] {strides = array<i32>} : memref<128xf32, #tpu.memory_space<vmem>>, vector<16xf32>,
    %get3A_118 = arith.constant 32 : index
    %get3A_119 = tpu.vector_load %arg19[%get3A_118] {strides = array<i32>} : memref<128xf32, #tpu.memory_space<vmem>>, vector<16xf32>,
    %get3A_120 = arith.constant 48 : index
    %get3A_121 = tpu.vector_load %arg19[%get3A_120] {strides = array<i32>} : memref<128xf32, #tpu.memory_space<vmem>>, vector<16xf32>,
    %get3A_122 = arith.constant 64 : index
    %get3A_123 = tpu.vector_load %arg19[%get3A_122] {strides = array<i32>} : memref<128xf32, #tpu.memory_space<vmem>>, vector<16xf32>,
    %get3A_124 = arith.constant 80 : index
    %get3A_125 = tpu.vector_load %arg19[%get3A_124] {strides = array<i32>} : memref<128xf32, #tpu.memory_space<vmem>>, vector<16xf32>,
    %get3A_126 = arith.constant 96 : index
    %get3A_127 = tpu.vector_load %arg19[%get3A_126] {strides = array<i32>} : memref<128xf32, #tpu.memory_space<vmem>>, vector<16xf32>,
    %get3A_128 = arith.constant 112 : index
    %get3A_129 = tpu.vector_load %arg19[%get3A_128] {strides = array<i32>} : memref<128xf32, #tpu.memory_space<vmem>>, vector<16xf32>,
    %mul3A_130 = arith.constant 64 : i32
    %mul3A_131 = arith.muli %add3A, %mul3A_130 : i32
    %add3A_132 = arith.constant 0 : i32
    %add3A_133 = arith.addi %mul3A_131, %add3A_132 : i32
    %mul3A_134 = arith.constant 104 : i32
    %mul3A_135 = arith.muli %add3A_133, %mul3A_134 : i32
    %dma_start3A = tpu.memref_slice %arg2[%mul3A_135] : memref<212992xi32, #tpu.memory_space<hbm>> -> memref<100xi32, #tpu.memory_space<hbm>>
    %dma_start3A_136 = tpu.memref_slice %arg2[%mul3A_135] : memref<212992xi32, #tpu.memory_space<hbm>> -> memref<100xi32, #tpu.memory_space<hbm>>
    tpu.enqueue_dma source(%dma_start3A_136 : memref<100xi32, #tpu.memory_space<hbm>>) target(%arg13 : memref<100xi32, #tpu.memory_space<vmem>>) target_semaphore(%arg22 : memref<!tpu.dma_semaphore, #tpu.memory_space<semaphore_mem>>)
    %mul3A_137 = arith.constant 64 : i32
    %mul3A_138 = arith.muli %add3A, %mul3A_137 : i32
    %add3A_139 = arith.constant 1 : i32
    %add3A_140 = arith.addi %mul3A_138, %add3A_139 : i32
    %mul3A_141 = arith.constant 104 : i32
    %mul3A_142 = arith.muli %add3A_140, %mul3A_141 : i32
    %dma_start3A_143 = tpu.memref_slice %arg2[%mul3A_142] : memref<212992xi32, #tpu.memory_space<hbm>> -> memref<100xi32, #tpu.memory_space<hbm>>
    %dma_start3A_144 = tpu.memref_slice %arg2[%mul3A_142] : memref<212992xi32, #tpu.memory_space<hbm>> -> memref<100xi32, #tpu.memory_space<hbm>>
    tpu.enqueue_dma source(%dma_start3A_144 : memref<100xi32, #tpu.memory_space<hbm>>) target(%arg14 : memref<100xi32, #tpu.memory_space<vmem>>) target_semaphore(%arg23 : memref<!tpu.dma_semaphore, #tpu.memory_space<semaphore_mem>>)
    %mul3A_145 = arith.constant 64 : i32
    %mul3A_146 = arith.muli %add3A, %mul3A_145 : i32
    %add3A_147 = arith.constant 0 : i32
    %add3A_148 = arith.addi %mul3A_146, %add3A_147 : i32
    %mul3A_149 = arith.constant 104 : i32
    %mul3A_150 = arith.muli %add3A_148, %mul3A_149 : i32
    %dma_start3A_151 = arith.constant 0 : i32
    %dma_start3A_152 = tpu.memref_slice %arg15[%dma_start3A_151] : memref<116xi32, #tpu.memory_space<vmem>> -> memref<100xi32, #tpu.memory_space<vmem>>
    %dma_start3A_153 = tpu.memref_slice %arg3[%mul3A_150] : memref<212992xi32, #tpu.memory_space<hbm>> -> memref<100xi32, #tpu.memory_space<hbm>>
    %dma_start3A_154 = arith.constant 0 : i32
    %dma_start3A_155 = tpu.memref_slice %arg15[%dma_start3A_154] : memref<116xi32, #tpu.memory_space<vmem>> -> memref<100xi32, #tpu.memory_space<vmem>>
    %dma_start3A_156 = tpu.memref_slice %arg3[%mul3A_150] : memref<212992xi32, #tpu.memory_space<hbm>> -> memref<100xi32, #tpu.memory_space<hbm>>
    tpu.enqueue_dma source(%dma_start3A_156 : memref<100xi32, #tpu.memory_space<hbm>>) target(%dma_start3A_155 : memref<100xi32, #tpu.memory_space<vmem>>) target_semaphore(%arg26 : memref<!tpu.dma_semaphore, #tpu.memory_space<semaphore_mem>>)
    %mul3A_157 = arith.constant 64 : i32
    %mul3A_158 = arith.muli %add3A, %mul3A_157 : i32
    %add3A_159 = arith.constant 1 : i32
    %add3A_160 = arith.addi %mul3A_158, %add3A_159 : i32
    %mul3A_161 = arith.constant 104 : i32
    %mul3A_162 = arith.muli %add3A_160, %mul3A_161 : i32
    %dma_start3A_163 = arith.constant 0 : i32
    %dma_start3A_164 = tpu.memref_slice %arg16[%dma_start3A_163] : memref<116xi32, #tpu.memory_space<vmem>> -> memref<100xi32, #tpu.memory_space<vmem>>
    %dma_start3A_165 = tpu.memref_slice %arg3[%mul3A_162] : memref<212992xi32, #tpu.memory_space<hbm>> -> memref<100xi32, #tpu.memory_space<hbm>>
    %dma_start3A_166 = arith.constant 0 : i32
    %dma_start3A_167 = tpu.memref_slice %arg16[%dma_start3A_166] : memref<116xi32, #tpu.memory_space<vmem>> -> memref<100xi32, #tpu.memory_space<vmem>>
    %dma_start3A_168 = tpu.memref_slice %arg3[%mul3A_162] : memref<212992xi32, #tpu.memory_space<hbm>> -> memref<100xi32, #tpu.memory_space<hbm>>
    tpu.enqueue_dma source(%dma_start3A_168 : memref<100xi32, #tpu.memory_space<hbm>>) target(%dma_start3A_167 : memref<100xi32, #tpu.memory_space<vmem>>) target_semaphore(%arg27 : memref<!tpu.dma_semaphore, #tpu.memory_space<semaphore_mem>>)
    %mul3A_169 = arith.constant 64 : i32
    %mul3A_170 = arith.muli %add3A, %mul3A_169 : i32
    %add3A_171 = arith.constant 0 : i32
    %add3A_172 = arith.addi %mul3A_170, %add3A_171 : i32
    %mul3A_173 = arith.constant 104 : i32
    %mul3A_174 = arith.muli %add3A_172, %mul3A_173 : i32
    %dma_wait3A = tpu.memref_slice %arg2[%mul3A_174] : memref<212992xi32, #tpu.memory_space<hbm>> -> memref<100xi32, #tpu.memory_space<hbm>>
    %dma_wait3A_175 = tpu.memref_slice %arg2[%mul3A_174] : memref<212992xi32, #tpu.memory_space<hbm>> -> memref<100xi32, #tpu.memory_space<hbm>>
    tpu.wait_dma2 semaphore(%arg22 : memref<!tpu.dma_semaphore, #tpu.memory_space<semaphore_mem>>) src(%dma_wait3A_175 : memref<100xi32, #tpu.memory_space<hbm>>) dst(%arg13 : memref<100xi32, #tpu.memory_space<vmem>>)
    %dma_start3A_176 = arith.constant 0 : i32
    %dma_start3A_177 = arith.constant 0 : i32
    %dma_start3A_178 = tpu.memref_slice %arg4[%dma_start3A_176, %dma_start3A_177] : memref<1000000x128xf32, #tpu.memory_space<hbm>> -> memref<1000000x128xf32, #tpu.memory_space<hbm>>
    tpu.enqueue_indirect_dma source(%dma_start3A_178 : memref<1000000x128xf32, #tpu.memory_space<hbm>>) target(%arg11 : memref<100x128xf32, #tpu.memory_space<vmem>>) offsets(%arg13 : memref<100xi32, #tpu.memory_space<vmem>>) semaphore(%arg20 : memref<!tpu.dma_semaphore, #tpu.memory_space<semaphore_mem>>)
    %scan3A = arith.constant 0 : i32
    %scan3A_179 = arith.constant 32 : i32
    %scan3A_180 = arith.addi %scan3A, %scan3A_179 : i32
    %scan3A_181 = arith.constant 1 : i32
    scf.for %scan3A_215 = %scan3A to %scan3A_180 step %scan3A_181  : i32 {
      %mul3A_216 = arith.constant 2 : i32
      %mul3A_217 = arith.muli %scan3A_215, %mul3A_216 : i32
      %add3A_218 = arith.constant 0 : i32
      %add3A_219 = arith.addi %add3A_218, %mul3A_217 : i32
      %add3A_220 = arith.constant 0 : i32
      %add3A_221 = arith.addi %add3A_219, %add3A_220 : i32
      %dma_wait3A_222 = arith.constant 0 : i32
      %dma_wait3A_223 = arith.constant 0 : i32
      %dma_wait3A_224 = tpu.memref_slice %arg4[%dma_wait3A_222, %dma_wait3A_223] : memref<1000000x128xf32, #tpu.memory_space<hbm>> -> memref<1000000x128xf32, #tpu.memory_space<hbm>>
      tpu.wait_indirect_dma semaphore(%arg20 : memref<!tpu.dma_semaphore, #tpu.memory_space<semaphore_mem>>) src(%dma_wait3A_224 : memref<1000000x128xf32, #tpu.memory_space<hbm>>) dst(%arg11 : memref<100x128xf32, #tpu.memory_space<vmem>>)
      %add3A_225 = arith.constant 2 : i32
      %add3A_226 = arith.addi %add3A_221, %add3A_225 : i32
      %lt3A = arith.constant 64 : i32
      %lt3A_227 = arith.cmpi slt, %add3A_226, %lt3A : i32
      %convert_element_type3A = arith.extui %lt3A_227 : i1 to i32
      %cond3A = arith.constant 0 : i32
      %cond3A_228 = arith.cmpi ne, %convert_element_type3A, %cond3A : i32
      scf.if %cond3A_228 {
        %add3A_330 = arith.constant 2 : i32
        %add3A_331 = arith.addi %add3A_221, %add3A_330 : i32
        %mul3A_332 = arith.constant 64 : i32
        %mul3A_333 = arith.muli %add3A, %mul3A_332 : i32
        %add3A_334 = arith.addi %mul3A_333, %add3A_331 : i32
        %mul3A_335 = arith.constant 104 : i32
        %mul3A_336 = arith.muli %add3A_334, %mul3A_335 : i32
        %dma_start3A_337 = tpu.memref_slice %arg2[%mul3A_336] : memref<212992xi32, #tpu.memory_space<hbm>> -> memref<100xi32, #tpu.memory_space<hbm>>
        %dma_start3A_338 = tpu.memref_slice %arg2[%mul3A_336] : memref<212992xi32, #tpu.memory_space<hbm>> -> memref<100xi32, #tpu.memory_space<hbm>>
        tpu.enqueue_dma source(%dma_start3A_338 : memref<100xi32, #tpu.memory_space<hbm>>) target(%arg13 : memref<100xi32, #tpu.memory_space<vmem>>) target_semaphore(%arg22 : memref<!tpu.dma_semaphore, #tpu.memory_space<semaphore_mem>>)
      } else {
      }
      %add3A_229 = arith.constant 1 : i32
      %add3A_230 = arith.addi %add3A_221, %add3A_229 : i32
      %lt3A_231 = arith.constant 64 : i32
      %lt3A_232 = arith.cmpi slt, %add3A_230, %lt3A_231 : i32
      %convert_element_type3A_233 = arith.extui %lt3A_232 : i1 to i32
      %cond3A_234 = arith.constant 0 : i32
      %cond3A_235 = arith.cmpi ne, %convert_element_type3A_233, %cond3A_234 : i32
      scf.if %cond3A_235 {
        %add3A_330 = arith.constant 1 : i32
        %add3A_331 = arith.addi %add3A_221, %add3A_330 : i32
        %mul3A_332 = arith.constant 64 : i32
        %mul3A_333 = arith.muli %add3A, %mul3A_332 : i32
        %add3A_334 = arith.addi %mul3A_333, %add3A_331 : i32
        %mul3A_335 = arith.constant 104 : i32
        %mul3A_336 = arith.muli %add3A_334, %mul3A_335 : i32
        %dma_wait3A_337 = tpu.memref_slice %arg2[%mul3A_336] : memref<212992xi32, #tpu.memory_space<hbm>> -> memref<100xi32, #tpu.memory_space<hbm>>
        %dma_wait3A_338 = tpu.memref_slice %arg2[%mul3A_336] : memref<212992xi32, #tpu.memory_space<hbm>> -> memref<100xi32, #tpu.memory_space<hbm>>
        tpu.wait_dma2 semaphore(%arg23 : memref<!tpu.dma_semaphore, #tpu.memory_space<semaphore_mem>>) src(%dma_wait3A_338 : memref<100xi32, #tpu.memory_space<hbm>>) dst(%arg14 : memref<100xi32, #tpu.memory_space<vmem>>)
        %ge3A = arith.constant 1 : i32
        %ge3A_339 = arith.cmpi sge, %add3A_221, %ge3A : i32
        %convert_element_type3A_340 = arith.extui %ge3A_339 : i1 to i32
        %cond3A_341 = arith.constant 0 : i32
        %cond3A_342 = arith.cmpi ne, %convert_element_type3A_340, %cond3A_341 : i32
        scf.if %cond3A_342 {
          %sub3A = arith.constant 1 : i32
          %sub3A_346 = arith.subi %add3A_221, %sub3A : i32
          %mul3A_347 = arith.constant 32 : i32
          %mul3A_348 = arith.muli %add3A, %mul3A_347 : i32
          %shift_right_arithmetic3A_349 = arith.constant 1 : i32
          %shift_right_arithmetic3A_350 = arith.shrsi %sub3A_346, %shift_right_arithmetic3A_349 : i32
          %add3A_351 = arith.addi %mul3A_348, %shift_right_arithmetic3A_350 : i32
          %mul3A_352 = arith.constant 2 : i32
          %mul3A_353 = arith.muli %add3A_351, %mul3A_352 : i32
          %add3A_354 = arith.constant 1 : i32
          %add3A_355 = arith.addi %mul3A_353, %add3A_354 : i32
          %dma_wait3A_356 = arith.constant 0 : i32
          %dma_wait3A_357 = arith.constant 0 : i32
          %dma_wait3A_358 = tpu.memref_slice %arg9[%add3A_355, %dma_wait3A_356, %dma_wait3A_357] : memref<2048x100x128xf32, #tpu.memory_space<hbm>> -> memref<1x100x128xf32, #tpu.memory_space<hbm>>
          %dma_wait3A_359 = tpu.memref_squeeze %dma_wait3A_358 : memref<1x100x128xf32, #tpu.memory_space<hbm>> -> memref<100x128xf32, #tpu.memory_space<hbm>>
          %dma_wait3A_360 = arith.constant 0 : i32
          %dma_wait3A_361 = arith.constant 0 : i32
          %dma_wait3A_362 = tpu.memref_slice %arg9[%add3A_355, %dma_wait3A_360, %dma_wait3A_361] : memref<2048x100x128xf32, #tpu.memory_space<hbm>> -> memref<1x100x128xf32, #tpu.memory_space<hbm>>
          %dma_wait3A_363 = tpu.memref_squeeze %dma_wait3A_362 : memref<1x100x128xf32, #tpu.memory_space<hbm>> -> memref<100x128xf32, #tpu.memory_space<hbm>>
          tpu.wait_dma2 semaphore(%arg25 : memref<!tpu.dma_semaphore, #tpu.memory_space<semaphore_mem>>) src(%arg12 : memref<100x128xf32, #tpu.memory_space<vmem>>) dst(%dma_wait3A_363 : memref<100x128xf32, #tpu.memory_space<hbm>>)
        } else {
        }
        %dma_start3A_343 = arith.constant 0 : i32
        %dma_start3A_344 = arith.constant 0 : i32
        %dma_start3A_345 = tpu.memref_slice %arg4[%dma_start3A_343, %dma_start3A_344] : memref<1000000x128xf32, #tpu.memory_space<hbm>> -> memref<1000000x128xf32, #tpu.memory_space<hbm>>
        tpu.enqueue_indirect_dma source(%dma_start3A_345 : memref<1000000x128xf32, #tpu.memory_space<hbm>>) target(%arg12 : memref<100x128xf32, #tpu.memory_space<vmem>>) offsets(%arg14 : memref<100xi32, #tpu.memory_space<vmem>>) semaphore(%arg21 : memref<!tpu.dma_semaphore, #tpu.memory_space<semaphore_mem>>)
      } else {
      }
      %mul3A_236 = arith.constant 64 : i32
      %mul3A_237 = arith.muli %add3A, %mul3A_236 : i32
      %add3A_238 = arith.addi %mul3A_237, %add3A_221 : i32
      %mul3A_239 = arith.constant 104 : i32
      %mul3A_240 = arith.muli %add3A_238, %mul3A_239 : i32
      %dma_wait3A_241 = arith.constant 0 : i32
      %dma_wait3A_242 = tpu.memref_slice %arg15[%dma_wait3A_241] : memref<116xi32, #tpu.memory_space<vmem>> -> memref<100xi32, #tpu.memory_space<vmem>>
      %dma_wait3A_243 = tpu.memref_slice %arg3[%mul3A_240] : memref<212992xi32, #tpu.memory_space<hbm>> -> memref<100xi32, #tpu.memory_space<hbm>>
      %dma_wait3A_244 = arith.constant 0 : i32
      %dma_wait3A_245 = tpu.memref_slice %arg15[%dma_wait3A_244] : memref<116xi32, #tpu.memory_space<vmem>> -> memref<100xi32, #tpu.memory_space<vmem>>
      %dma_wait3A_246 = tpu.memref_slice %arg3[%mul3A_240] : memref<212992xi32, #tpu.memory_space<hbm>> -> memref<100xi32, #tpu.memory_space<hbm>>
      tpu.wait_dma2 semaphore(%arg26 : memref<!tpu.dma_semaphore, #tpu.memory_space<semaphore_mem>>) src(%dma_wait3A_246 : memref<100xi32, #tpu.memory_space<hbm>>) dst(%dma_wait3A_245 : memref<100xi32, #tpu.memory_space<vmem>>)
      %parallel_loop3A_247 = arith.constant 0 : i32
      %parallel_loop3A_248 = arith.constant 100 : i32
      %parallel_loop3A_249 = arith.constant 1 : i32
      scf.for %parallel_loop3A_330 = %parallel_loop3A_247 to %parallel_loop3A_248 step %parallel_loop3A_249  : i32 {
        %parallel_loop3A_331 = arith.index_cast %parallel_loop3A_330 : i32 to index
        %parallel_loop3A_332 = tpu.vector_load %arg15[%parallel_loop3A_331] {strides = array<i32>} : memref<116xi32, #tpu.memory_space<vmem>>, vector<16xi32>,
        %parallel_loop3A_333 = vector.extract_strided_slice %parallel_loop3A_332 {offsets = [0], sizes = [1], strides = [1]} : vector<16xi32> to vector<1xi32>
        %parallel_loop3A_334 = vector.extract %parallel_loop3A_333[0] : i32 from vector<1xi32>
        %parallel_loop3A_335 = arith.constant 200 : i32
        %parallel_loop3A_336 = arith.muli %parallel_loop3A_334, %parallel_loop3A_335 : i32
        %parallel_loop3A_337 = arith.constant 0 : i32
        %parallel_loop3A_338 = arith.addi %parallel_loop3A_336, %parallel_loop3A_337 : i32
        %parallel_loop3A_339 = arith.addi %parallel_loop3A_338, %parallel_loop3A_330 : i32
        %parallel_loop3A_340 = arith.index_cast %parallel_loop3A_330 : i32 to index
        %parallel_loop3A_341 = arith.constant 0 : index
        %parallel_loop3A_342 = tpu.vector_load %arg11[%parallel_loop3A_340, %parallel_loop3A_341] {strides = array<i32>} : memref<100x128xf32, #tpu.memory_space<vmem>>, vector<16xf32>,
        %parallel_loop3A_343 = arith.index_cast %parallel_loop3A_339 : i32 to index
        %parallel_loop3A_344 = arith.constant 0 : index
        %parallel_loop3A_345 = tpu.vector_load %arg10[%parallel_loop3A_343, %parallel_loop3A_344] {strides = array<i32>} : memref<600x128xf32, #tpu.memory_space<vmem>>, vector<16xf32>,
        %parallel_loop3A_346 = arith.addf %parallel_loop3A_342, %parallel_loop3A_345 : vector<16xf32>
        %parallel_loop3A_347 = arith.index_cast %parallel_loop3A_330 : i32 to index
        %parallel_loop3A_348 = arith.constant 16 : index
        %parallel_loop3A_349 = tpu.vector_load %arg11[%parallel_loop3A_347, %parallel_loop3A_348] {strides = array<i32>} : memref<100x128xf32, #tpu.memory_space<vmem>>, vector<16xf32>,
        %parallel_loop3A_350 = arith.index_cast %parallel_loop3A_339 : i32 to index
        %parallel_loop3A_351 = arith.constant 16 : index
        %parallel_loop3A_352 = tpu.vector_load %arg10[%parallel_loop3A_350, %parallel_loop3A_351] {strides = array<i32>} : memref<600x128xf32, #tpu.memory_space<vmem>>, vector<16xf32>,
        %parallel_loop3A_353 = arith.addf %parallel_loop3A_349, %parallel_loop3A_352 : vector<16xf32>
        %parallel_loop3A_354 = arith.index_cast %parallel_loop3A_330 : i32 to index
        %parallel_loop3A_355 = arith.constant 32 : index
        %parallel_loop3A_356 = tpu.vector_load %arg11[%parallel_loop3A_354, %parallel_loop3A_355] {strides = array<i32>} : memref<100x128xf32, #tpu.memory_space<vmem>>, vector<16xf32>,
        %parallel_loop3A_357 = arith.index_cast %parallel_loop3A_339 : i32 to index
        %parallel_loop3A_358 = arith.constant 32 : index
        %parallel_loop3A_359 = tpu.vector_load %arg10[%parallel_loop3A_357, %parallel_loop3A_358] {strides = array<i32>} : memref<600x128xf32, #tpu.memory_space<vmem>>, vector<16xf32>,
        %parallel_loop3A_360 = arith.addf %parallel_loop3A_356, %parallel_loop3A_359 : vector<16xf32>
        %parallel_loop3A_361 = arith.index_cast %parallel_loop3A_330 : i32 to index
        %parallel_loop3A_362 = arith.constant 48 : index
        %parallel_loop3A_363 = tpu.vector_load %arg11[%parallel_loop3A_361, %parallel_loop3A_362] {strides = array<i32>} : memref<100x128xf32, #tpu.memory_space<vmem>>, vector<16xf32>,
        %parallel_loop3A_364 = arith.index_cast %parallel_loop3A_339 : i32 to index
        %parallel_loop3A_365 = arith.constant 48 : index
        %parallel_loop3A_366 = tpu.vector_load %arg10[%parallel_loop3A_364, %parallel_loop3A_365] {strides = array<i32>} : memref<600x128xf32, #tpu.memory_space<vmem>>, vector<16xf32>,
        %parallel_loop3A_367 = arith.addf %parallel_loop3A_363, %parallel_loop3A_366 : vector<16xf32>
        %parallel_loop3A_368 = arith.index_cast %parallel_loop3A_330 : i32 to index
        %parallel_loop3A_369 = arith.constant 64 : index
        %parallel_loop3A_370 = tpu.vector_load %arg11[%parallel_loop3A_368, %parallel_loop3A_369] {strides = array<i32>} : memref<100x128xf32, #tpu.memory_space<vmem>>, vector<16xf32>,
        %parallel_loop3A_371 = arith.index_cast %parallel_loop3A_339 : i32 to index
        %parallel_loop3A_372 = arith.constant 64 : index
        %parallel_loop3A_373 = tpu.vector_load %arg10[%parallel_loop3A_371, %parallel_loop3A_372] {strides = array<i32>} : memref<600x128xf32, #tpu.memory_space<vmem>>, vector<16xf32>,
        %parallel_loop3A_374 = arith.addf %parallel_loop3A_370, %parallel_loop3A_373 : vector<16xf32>
        %parallel_loop3A_375 = arith.index_cast %parallel_loop3A_330 : i32 to index
        %parallel_loop3A_376 = arith.constant 80 : index
        %parallel_loop3A_377 = tpu.vector_load %arg11[%parallel_loop3A_375, %parallel_loop3A_376] {strides = array<i32>} : memref<100x128xf32, #tpu.memory_space<vmem>>, vector<16xf32>,
        %parallel_loop3A_378 = arith.index_cast %parallel_loop3A_339 : i32 to index
        %parallel_loop3A_379 = arith.constant 80 : index
        %parallel_loop3A_380 = tpu.vector_load %arg10[%parallel_loop3A_378, %parallel_loop3A_379] {strides = array<i32>} : memref<600x128xf32, #tpu.memory_space<vmem>>, vector<16xf32>,
        %parallel_loop3A_381 = arith.addf %parallel_loop3A_377, %parallel_loop3A_380 : vector<16xf32>
        %parallel_loop3A_382 = arith.index_cast %parallel_loop3A_330 : i32 to index
        %parallel_loop3A_383 = arith.constant 96 : index
        %parallel_loop3A_384 = tpu.vector_load %arg11[%parallel_loop3A_382, %parallel_loop3A_383] {strides = array<i32>} : memref<100x128xf32, #tpu.memory_space<vmem>>, vector<16xf32>,
        %parallel_loop3A_385 = arith.index_cast %parallel_loop3A_339 : i32 to index
        %parallel_loop3A_386 = arith.constant 96 : index
        %parallel_loop3A_387 = tpu.vector_load %arg10[%parallel_loop3A_385, %parallel_loop3A_386] {strides = array<i32>} : memref<600x128xf32, #tpu.memory_space<vmem>>, vector<16xf32>,
        %parallel_loop3A_388 = arith.addf %parallel_loop3A_384, %parallel_loop3A_387 : vector<16xf32>
        %parallel_loop3A_389 = arith.index_cast %parallel_loop3A_330 : i32 to index
        %parallel_loop3A_390 = arith.constant 112 : index
        %parallel_loop3A_391 = tpu.vector_load %arg11[%parallel_loop3A_389, %parallel_loop3A_390] {strides = array<i32>} : memref<100x128xf32, #tpu.memory_space<vmem>>, vector<16xf32>,
        %parallel_loop3A_392 = arith.index_cast %parallel_loop3A_339 : i32 to index
        %parallel_loop3A_393 = arith.constant 112 : index
        %parallel_loop3A_394 = tpu.vector_load %arg10[%parallel_loop3A_392, %parallel_loop3A_393] {strides = array<i32>} : memref<600x128xf32, #tpu.memory_space<vmem>>, vector<16xf32>,
        %parallel_loop3A_395 = arith.addf %parallel_loop3A_391, %parallel_loop3A_394 : vector<16xf32>
        %parallel_loop3A_396 = arith.addf %parallel_loop3A_346, %parallel_loop3A_353 : vector<16xf32>
        %parallel_loop3A_397 = arith.addf %parallel_loop3A_360, %parallel_loop3A_367 : vector<16xf32>
        %parallel_loop3A_398 = arith.addf %parallel_loop3A_396, %parallel_loop3A_397 : vector<16xf32>
        %parallel_loop3A_399 = arith.addf %parallel_loop3A_374, %parallel_loop3A_381 : vector<16xf32>
        %parallel_loop3A_400 = arith.addf %parallel_loop3A_388, %parallel_loop3A_395 : vector<16xf32>
        %parallel_loop3A_401 = arith.addf %parallel_loop3A_399, %parallel_loop3A_400 : vector<16xf32>
        %parallel_loop3A_402 = arith.addf %parallel_loop3A_398, %parallel_loop3A_401 : vector<16xf32>
        %parallel_loop3A_403 = arith.mulf %parallel_loop3A_346, %parallel_loop3A_346 : vector<16xf32>
        %parallel_loop3A_404 = arith.mulf %parallel_loop3A_353, %parallel_loop3A_353 : vector<16xf32>
        %parallel_loop3A_405 = arith.addf %parallel_loop3A_403, %parallel_loop3A_404 : vector<16xf32>
        %parallel_loop3A_406 = arith.mulf %parallel_loop3A_360, %parallel_loop3A_360 : vector<16xf32>
        %parallel_loop3A_407 = arith.mulf %parallel_loop3A_367, %parallel_loop3A_367 : vector<16xf32>
        %parallel_loop3A_408 = arith.addf %parallel_loop3A_406, %parallel_loop3A_407 : vector<16xf32>
        %parallel_loop3A_409 = arith.addf %parallel_loop3A_405, %parallel_loop3A_408 : vector<16xf32>
        %parallel_loop3A_410 = arith.mulf %parallel_loop3A_374, %parallel_loop3A_374 : vector<16xf32>
        %parallel_loop3A_411 = arith.mulf %parallel_loop3A_381, %parallel_loop3A_381 : vector<16xf32>
        %parallel_loop3A_412 = arith.addf %parallel_loop3A_410, %parallel_loop3A_411 : vector<16xf32>
        %parallel_loop3A_413 = arith.mulf %parallel_loop3A_388, %parallel_loop3A_388 : vector<16xf32>
        %parallel_loop3A_414 = arith.mulf %parallel_loop3A_395, %parallel_loop3A_395 : vector<16xf32>
        %parallel_loop3A_415 = arith.addf %parallel_loop3A_413, %parallel_loop3A_414 : vector<16xf32>
        %parallel_loop3A_416 = arith.addf %parallel_loop3A_412, %parallel_loop3A_415 : vector<16xf32>
        %parallel_loop3A_417 = arith.addf %parallel_loop3A_409, %parallel_loop3A_416 : vector<16xf32>
        %parallel_loop3A_418 = tpu.iota {dimensions = array<i32: 0>} : vector<16xi32>
        %parallel_loop3A_419 = arith.constant 8 : i32
        %parallel_loop3A_420 = vector.broadcast %parallel_loop3A_419 : i32 to vector<16xi32>
        %parallel_loop3A_421 = arith.xori %parallel_loop3A_418, %parallel_loop3A_420 : vector<16xi32>
        %parallel_loop3A_422 = vector.shape_cast %parallel_loop3A_421 : vector<16xi32> to vector<16x1xi32>
        %parallel_loop3A_423 = vector.shape_cast %parallel_loop3A_422 : vector<16x1xi32> to vector<16xi32>
        %parallel_loop3A_424 = tpu.dynamic_gather %parallel_loop3A_402[%parallel_loop3A_423] in [0] : vector<16xf32>, vector<16xi32> -> vector<16xf32>
        %parallel_loop3A_425 = arith.addf %parallel_loop3A_402, %parallel_loop3A_424 : vector<16xf32>
        %parallel_loop3A_426 = arith.constant 4 : i32
        %parallel_loop3A_427 = vector.broadcast %parallel_loop3A_426 : i32 to vector<16xi32>
        %parallel_loop3A_428 = arith.xori %parallel_loop3A_418, %parallel_loop3A_427 : vector<16xi32>
        %parallel_loop3A_429 = vector.shape_cast %parallel_loop3A_428 : vector<16xi32> to vector<16x1xi32>
        %parallel_loop3A_430 = vector.shape_cast %parallel_loop3A_429 : vector<16x1xi32> to vector<16xi32>
        %parallel_loop3A_431 = tpu.dynamic_gather %parallel_loop3A_425[%parallel_loop3A_430] in [0] : vector<16xf32>, vector<16xi32> -> vector<16xf32>
        %parallel_loop3A_432 = arith.addf %parallel_loop3A_425, %parallel_loop3A_431 : vector<16xf32>
        %parallel_loop3A_433 = arith.constant 2 : i32
        %parallel_loop3A_434 = vector.broadcast %parallel_loop3A_433 : i32 to vector<16xi32>
        %parallel_loop3A_435 = arith.xori %parallel_loop3A_418, %parallel_loop3A_434 : vector<16xi32>
        %parallel_loop3A_436 = vector.shape_cast %parallel_loop3A_435 : vector<16xi32> to vector<16x1xi32>
        %parallel_loop3A_437 = vector.shape_cast %parallel_loop3A_436 : vector<16x1xi32> to vector<16xi32>
        %parallel_loop3A_438 = tpu.dynamic_gather %parallel_loop3A_432[%parallel_loop3A_437] in [0] : vector<16xf32>, vector<16xi32> -> vector<16xf32>
        %parallel_loop3A_439 = arith.addf %parallel_loop3A_432, %parallel_loop3A_438 : vector<16xf32>
        %parallel_loop3A_440 = arith.constant 1 : i32
        %parallel_loop3A_441 = vector.broadcast %parallel_loop3A_440 : i32 to vector<16xi32>
        %parallel_loop3A_442 = arith.xori %parallel_loop3A_418, %parallel_loop3A_441 : vector<16xi32>
        %parallel_loop3A_443 = vector.shape_cast %parallel_loop3A_442 : vector<16xi32> to vector<16x1xi32>
        %parallel_loop3A_444 = vector.shape_cast %parallel_loop3A_443 : vector<16x1xi32> to vector<16xi32>
        %parallel_loop3A_445 = tpu.dynamic_gather %parallel_loop3A_439[%parallel_loop3A_444] in [0] : vector<16xf32>, vector<16xi32> -> vector<16xf32>
        %parallel_loop3A_446 = arith.addf %parallel_loop3A_439, %parallel_loop3A_445 : vector<16xf32>
        %parallel_loop3A_447 = tpu.iota {dimensions = array<i32: 0>} : vector<16xi32>
        %parallel_loop3A_448 = arith.constant 8 : i32
        %parallel_loop3A_449 = vector.broadcast %parallel_loop3A_448 : i32 to vector<16xi32>
        %parallel_loop3A_450 = arith.xori %parallel_loop3A_447, %parallel_loop3A_449 : vector<16xi32>
        %parallel_loop3A_451 = vector.shape_cast %parallel_loop3A_450 : vector<16xi32> to vector<16x1xi32>
        %parallel_loop3A_452 = vector.shape_cast %parallel_loop3A_451 : vector<16x1xi32> to vector<16xi32>
        %parallel_loop3A_453 = tpu.dynamic_gather %parallel_loop3A_417[%parallel_loop3A_452] in [0] : vector<16xf32>, vector<16xi32> -> vector<16xf32>
        %parallel_loop3A_454 = arith.addf %parallel_loop3A_417, %parallel_loop3A_453 : vector<16xf32>
        %parallel_loop3A_455 = arith.constant 4 : i32
        %parallel_loop3A_456 = vector.broadcast %parallel_loop3A_455 : i32 to vector<16xi32>
        %parallel_loop3A_457 = arith.xori %parallel_loop3A_447, %parallel_loop3A_456 : vector<16xi32>
        %parallel_loop3A_458 = vector.shape_cast %parallel_loop3A_457 : vector<16xi32> to vector<16x1xi32>
        %parallel_loop3A_459 = vector.shape_cast %parallel_loop3A_458 : vector<16x1xi32> to vector<16xi32>
        %parallel_loop3A_460 = tpu.dynamic_gather %parallel_loop3A_454[%parallel_loop3A_459] in [0] : vector<16xf32>, vector<16xi32> -> vector<16xf32>
        %parallel_loop3A_461 = arith.addf %parallel_loop3A_454, %parallel_loop3A_460 : vector<16xf32>
        %parallel_loop3A_462 = arith.constant 2 : i32
        %parallel_loop3A_463 = vector.broadcast %parallel_loop3A_462 : i32 to vector<16xi32>
        %parallel_loop3A_464 = arith.xori %parallel_loop3A_447, %parallel_loop3A_463 : vector<16xi32>
        %parallel_loop3A_465 = vector.shape_cast %parallel_loop3A_464 : vector<16xi32> to vector<16x1xi32>
        %parallel_loop3A_466 = vector.shape_cast %parallel_loop3A_465 : vector<16x1xi32> to vector<16xi32>
        %parallel_loop3A_467 = tpu.dynamic_gather %parallel_loop3A_461[%parallel_loop3A_466] in [0] : vector<16xf32>, vector<16xi32> -> vector<16xf32>
        %parallel_loop3A_468 = arith.addf %parallel_loop3A_461, %parallel_loop3A_467 : vector<16xf32>
        %parallel_loop3A_469 = arith.constant 1 : i32
        %parallel_loop3A_470 = vector.broadcast %parallel_loop3A_469 : i32 to vector<16xi32>
        %parallel_loop3A_471 = arith.xori %parallel_loop3A_447, %parallel_loop3A_470 : vector<16xi32>
        %parallel_loop3A_472 = vector.shape_cast %parallel_loop3A_471 : vector<16xi32> to vector<16x1xi32>
        %parallel_loop3A_473 = vector.shape_cast %parallel_loop3A_472 : vector<16x1xi32> to vector<16xi32>
        %parallel_loop3A_474 = tpu.dynamic_gather %parallel_loop3A_468[%parallel_loop3A_473] in [0] : vector<16xf32>, vector<16xi32> -> vector<16xf32>
        %parallel_loop3A_475 = arith.addf %parallel_loop3A_468, %parallel_loop3A_474 : vector<16xf32>
        %parallel_loop3A_476 = arith.constant 7.812500e-03 : f32
        %parallel_loop3A_477 = vector.broadcast %parallel_loop3A_476 : f32 to vector<16xf32>
        %parallel_loop3A_478 = arith.mulf %parallel_loop3A_446, %parallel_loop3A_477 : vector<16xf32>
        %parallel_loop3A_479 = arith.constant 7.812500e-03 : f32
        %parallel_loop3A_480 = vector.broadcast %parallel_loop3A_479 : f32 to vector<16xf32>
        %parallel_loop3A_481 = arith.mulf %parallel_loop3A_475, %parallel_loop3A_480 : vector<16xf32>
        %parallel_loop3A_482 = arith.mulf %parallel_loop3A_478, %parallel_loop3A_478 : vector<16xf32>
        %parallel_loop3A_483 = arith.subf %parallel_loop3A_481, %parallel_loop3A_482 : vector<16xf32>
        %parallel_loop3A_484 = arith.constant 9.99999974E-6 : f32
        %parallel_loop3A_485 = vector.broadcast %parallel_loop3A_484 : f32 to vector<16xf32>
        %parallel_loop3A_486 = arith.addf %parallel_loop3A_483, %parallel_loop3A_485 : vector<16xf32>
        %parallel_loop3A_487 = vector.bitcast %parallel_loop3A_486 : vector<16xf32> to vector<16xi32>
        %parallel_loop3A_488 = arith.constant 1 : i32
        %parallel_loop3A_489 = vector.broadcast %parallel_loop3A_488 : i32 to vector<16xi32>
        %parallel_loop3A_490 = arith.shrsi %parallel_loop3A_487, %parallel_loop3A_489 : vector<16xi32>
        %parallel_loop3A_491 = arith.constant 1597463007 : i32
        %parallel_loop3A_492 = vector.broadcast %parallel_loop3A_491 : i32 to vector<16xi32>
        %parallel_loop3A_493 = arith.subi %parallel_loop3A_492, %parallel_loop3A_490 : vector<16xi32>
        %parallel_loop3A_494 = vector.bitcast %parallel_loop3A_493 : vector<16xi32> to vector<16xf32>
        %parallel_loop3A_495 = arith.constant 5.000000e-01 : f32
        %parallel_loop3A_496 = vector.broadcast %parallel_loop3A_495 : f32 to vector<16xf32>
        %parallel_loop3A_497 = arith.mulf %parallel_loop3A_496, %parallel_loop3A_486 : vector<16xf32>
        %parallel_loop3A_498 = arith.mulf %parallel_loop3A_497, %parallel_loop3A_494 : vector<16xf32>
        %parallel_loop3A_499 = arith.mulf %parallel_loop3A_498, %parallel_loop3A_494 : vector<16xf32>
        %parallel_loop3A_500 = arith.constant 1.500000e+00 : f32
        %parallel_loop3A_501 = vector.broadcast %parallel_loop3A_500 : f32 to vector<16xf32>
        %parallel_loop3A_502 = arith.subf %parallel_loop3A_501, %parallel_loop3A_499 : vector<16xf32>
        %parallel_loop3A_503 = arith.mulf %parallel_loop3A_494, %parallel_loop3A_502 : vector<16xf32>
        %parallel_loop3A_504 = arith.constant 5.000000e-01 : f32
        %parallel_loop3A_505 = vector.broadcast %parallel_loop3A_504 : f32 to vector<16xf32>
        %parallel_loop3A_506 = arith.mulf %parallel_loop3A_505, %parallel_loop3A_486 : vector<16xf32>
        %parallel_loop3A_507 = arith.mulf %parallel_loop3A_506, %parallel_loop3A_503 : vector<16xf32>
        %parallel_loop3A_508 = arith.mulf %parallel_loop3A_507, %parallel_loop3A_503 : vector<16xf32>
        %parallel_loop3A_509 = arith.constant 1.500000e+00 : f32
        %parallel_loop3A_510 = vector.broadcast %parallel_loop3A_509 : f32 to vector<16xf32>
        %parallel_loop3A_511 = arith.subf %parallel_loop3A_510, %parallel_loop3A_508 : vector<16xf32>
        %parallel_loop3A_512 = arith.mulf %parallel_loop3A_503, %parallel_loop3A_511 : vector<16xf32>
        %parallel_loop3A_513 = arith.subf %parallel_loop3A_346, %parallel_loop3A_478 : vector<16xf32>
        %parallel_loop3A_514 = arith.mulf %parallel_loop3A_513, %parallel_loop3A_512 : vector<16xf32>
        %parallel_loop3A_515 = arith.mulf %parallel_loop3A_514, %get3A_99 : vector<16xf32>
        %parallel_loop3A_516 = arith.addf %parallel_loop3A_515, %get3A_115 : vector<16xf32>
        %parallel_loop3A_517 = arith.index_cast %parallel_loop3A_330 : i32 to index
        %parallel_loop3A_518 = arith.constant 0 : index
        %parallel_loop3A_519 = tpu.vector_load %arg11[%parallel_loop3A_517, %parallel_loop3A_518] {strides = array<i32>} : memref<100x128xf32, #tpu.memory_space<vmem>>, vector<16xf32>,
        tpu.vector_store %arg11[%parallel_loop3A_517, %parallel_loop3A_518], %parallel_loop3A_516 {strides = array<i32>} : memref<100x128xf32, #tpu.memory_space<vmem>>, vector<16xf32>,
        %parallel_loop3A_520 = arith.subf %parallel_loop3A_353, %parallel_loop3A_478 : vector<16xf32>
        %parallel_loop3A_521 = arith.mulf %parallel_loop3A_520, %parallel_loop3A_512 : vector<16xf32>
        %parallel_loop3A_522 = arith.mulf %parallel_loop3A_521, %get3A_101 : vector<16xf32>
        %parallel_loop3A_523 = arith.addf %parallel_loop3A_522, %get3A_117 : vector<16xf32>
        %parallel_loop3A_524 = arith.index_cast %parallel_loop3A_330 : i32 to index
        %parallel_loop3A_525 = arith.constant 16 : index
        %parallel_loop3A_526 = tpu.vector_load %arg11[%parallel_loop3A_524, %parallel_loop3A_525] {strides = array<i32>} : memref<100x128xf32, #tpu.memory_space<vmem>>, vector<16xf32>,
        tpu.vector_store %arg11[%parallel_loop3A_524, %parallel_loop3A_525], %parallel_loop3A_523 {strides = array<i32>} : memref<100x128xf32, #tpu.memory_space<vmem>>, vector<16xf32>,
        %parallel_loop3A_527 = arith.subf %parallel_loop3A_360, %parallel_loop3A_478 : vector<16xf32>
        %parallel_loop3A_528 = arith.mulf %parallel_loop3A_527, %parallel_loop3A_512 : vector<16xf32>
        %parallel_loop3A_529 = arith.mulf %parallel_loop3A_528, %get3A_103 : vector<16xf32>
        %parallel_loop3A_530 = arith.addf %parallel_loop3A_529, %get3A_119 : vector<16xf32>
        %parallel_loop3A_531 = arith.index_cast %parallel_loop3A_330 : i32 to index
        %parallel_loop3A_532 = arith.constant 32 : index
        %parallel_loop3A_533 = tpu.vector_load %arg11[%parallel_loop3A_531, %parallel_loop3A_532] {strides = array<i32>} : memref<100x128xf32, #tpu.memory_space<vmem>>, vector<16xf32>,
        tpu.vector_store %arg11[%parallel_loop3A_531, %parallel_loop3A_532], %parallel_loop3A_530 {strides = array<i32>} : memref<100x128xf32, #tpu.memory_space<vmem>>, vector<16xf32>,
        %parallel_loop3A_534 = arith.subf %parallel_loop3A_367, %parallel_loop3A_478 : vector<16xf32>
        %parallel_loop3A_535 = arith.mulf %parallel_loop3A_534, %parallel_loop3A_512 : vector<16xf32>
        %parallel_loop3A_536 = arith.mulf %parallel_loop3A_535, %get3A_105 : vector<16xf32>
        %parallel_loop3A_537 = arith.addf %parallel_loop3A_536, %get3A_121 : vector<16xf32>
        %parallel_loop3A_538 = arith.index_cast %parallel_loop3A_330 : i32 to index
        %parallel_loop3A_539 = arith.constant 48 : index
        %parallel_loop3A_540 = tpu.vector_load %arg11[%parallel_loop3A_538, %parallel_loop3A_539] {strides = array<i32>} : memref<100x128xf32, #tpu.memory_space<vmem>>, vector<16xf32>,
        tpu.vector_store %arg11[%parallel_loop3A_538, %parallel_loop3A_539], %parallel_loop3A_537 {strides = array<i32>} : memref<100x128xf32, #tpu.memory_space<vmem>>, vector<16xf32>,
        %parallel_loop3A_541 = arith.subf %parallel_loop3A_374, %parallel_loop3A_478 : vector<16xf32>
        %parallel_loop3A_542 = arith.mulf %parallel_loop3A_541, %parallel_loop3A_512 : vector<16xf32>
        %parallel_loop3A_543 = arith.mulf %parallel_loop3A_542, %get3A_107 : vector<16xf32>
        %parallel_loop3A_544 = arith.addf %parallel_loop3A_543, %get3A_123 : vector<16xf32>
        %parallel_loop3A_545 = arith.index_cast %parallel_loop3A_330 : i32 to index
        %parallel_loop3A_546 = arith.constant 64 : index
        %parallel_loop3A_547 = tpu.vector_load %arg11[%parallel_loop3A_545, %parallel_loop3A_546] {strides = array<i32>} : memref<100x128xf32, #tpu.memory_space<vmem>>, vector<16xf32>,
        tpu.vector_store %arg11[%parallel_loop3A_545, %parallel_loop3A_546], %parallel_loop3A_544 {strides = array<i32>} : memref<100x128xf32, #tpu.memory_space<vmem>>, vector<16xf32>,
        %parallel_loop3A_548 = arith.subf %parallel_loop3A_381, %parallel_loop3A_478 : vector<16xf32>
        %parallel_loop3A_549 = arith.mulf %parallel_loop3A_548, %parallel_loop3A_512 : vector<16xf32>
        %parallel_loop3A_550 = arith.mulf %parallel_loop3A_549, %get3A_109 : vector<16xf32>
        %parallel_loop3A_551 = arith.addf %parallel_loop3A_550, %get3A_125 : vector<16xf32>
        %parallel_loop3A_552 = arith.index_cast %parallel_loop3A_330 : i32 to index
        %parallel_loop3A_553 = arith.constant 80 : index
        %parallel_loop3A_554 = tpu.vector_load %arg11[%parallel_loop3A_552, %parallel_loop3A_553] {strides = array<i32>} : memref<100x128xf32, #tpu.memory_space<vmem>>, vector<16xf32>,
        tpu.vector_store %arg11[%parallel_loop3A_552, %parallel_loop3A_553], %parallel_loop3A_551 {strides = array<i32>} : memref<100x128xf32, #tpu.memory_space<vmem>>, vector<16xf32>,
        %parallel_loop3A_555 = arith.subf %parallel_loop3A_388, %parallel_loop3A_478 : vector<16xf32>
        %parallel_loop3A_556 = arith.mulf %parallel_loop3A_555, %parallel_loop3A_512 : vector<16xf32>
        %parallel_loop3A_557 = arith.mulf %parallel_loop3A_556, %get3A_111 : vector<16xf32>
        %parallel_loop3A_558 = arith.addf %parallel_loop3A_557, %get3A_127 : vector<16xf32>
        %parallel_loop3A_559 = arith.index_cast %parallel_loop3A_330 : i32 to index
        %parallel_loop3A_560 = arith.constant 96 : index
        %parallel_loop3A_561 = tpu.vector_load %arg11[%parallel_loop3A_559, %parallel_loop3A_560] {strides = array<i32>} : memref<100x128xf32, #tpu.memory_space<vmem>>, vector<16xf32>,
        tpu.vector_store %arg11[%parallel_loop3A_559, %parallel_loop3A_560], %parallel_loop3A_558 {strides = array<i32>} : memref<100x128xf32, #tpu.memory_space<vmem>>, vector<16xf32>,
        %parallel_loop3A_562 = arith.subf %parallel_loop3A_395, %parallel_loop3A_478 : vector<16xf32>
        %parallel_loop3A_563 = arith.mulf %parallel_loop3A_562, %parallel_loop3A_512 : vector<16xf32>
        %parallel_loop3A_564 = arith.mulf %parallel_loop3A_563, %get3A_113 : vector<16xf32>
        %parallel_loop3A_565 = arith.addf %parallel_loop3A_564, %get3A_129 : vector<16xf32>
        %parallel_loop3A_566 = arith.index_cast %parallel_loop3A_330 : i32 to index
        %parallel_loop3A_567 = arith.constant 112 : index
        %parallel_loop3A_568 = tpu.vector_load %arg11[%parallel_loop3A_566, %parallel_loop3A_567] {strides = array<i32>} : memref<100x128xf32, #tpu.memory_space<vmem>>, vector<16xf32>,
        tpu.vector_store %arg11[%parallel_loop3A_566, %parallel_loop3A_567], %parallel_loop3A_565 {strides = array<i32>} : memref<100x128xf32, #tpu.memory_space<vmem>>, vector<16xf32>,
      } {sc.loop_unroll_factor = 4 : i64, sc.parallel_access}
      %add3A_250 = arith.constant 2 : i32
      %add3A_251 = arith.addi %add3A_221, %add3A_250 : i32
      %lt3A_252 = arith.constant 64 : i32
      %lt3A_253 = arith.cmpi slt, %add3A_251, %lt3A_252 : i32
      %convert_element_type3A_254 = arith.extui %lt3A_253 : i1 to i32
      %cond3A_255 = arith.constant 0 : i32
      %cond3A_256 = arith.cmpi ne, %convert_element_type3A_254, %cond3A_255 : i32
      scf.if %cond3A_256 {
        %add3A_330 = arith.constant 2 : i32
        %add3A_331 = arith.addi %add3A_221, %add3A_330 : i32
        %mul3A_332 = arith.constant 64 : i32
        %mul3A_333 = arith.muli %add3A, %mul3A_332 : i32
        %add3A_334 = arith.addi %mul3A_333, %add3A_331 : i32
        %mul3A_335 = arith.constant 104 : i32
        %mul3A_336 = arith.muli %add3A_334, %mul3A_335 : i32
        %dma_start3A_337 = arith.constant 0 : i32
        %dma_start3A_338 = tpu.memref_slice %arg15[%dma_start3A_337] : memref<116xi32, #tpu.memory_space<vmem>> -> memref<100xi32, #tpu.memory_space<vmem>>
        %dma_start3A_339 = tpu.memref_slice %arg3[%mul3A_336] : memref<212992xi32, #tpu.memory_space<hbm>> -> memref<100xi32, #tpu.memory_space<hbm>>
        %dma_start3A_340 = arith.constant 0 : i32
        %dma_start3A_341 = tpu.memref_slice %arg15[%dma_start3A_340] : memref<116xi32, #tpu.memory_space<vmem>> -> memref<100xi32, #tpu.memory_space<vmem>>
        %dma_start3A_342 = tpu.memref_slice %arg3[%mul3A_336] : memref<212992xi32, #tpu.memory_space<hbm>> -> memref<100xi32, #tpu.memory_space<hbm>>
        tpu.enqueue_dma source(%dma_start3A_342 : memref<100xi32, #tpu.memory_space<hbm>>) target(%dma_start3A_341 : memref<100xi32, #tpu.memory_space<vmem>>) target_semaphore(%arg26 : memref<!tpu.dma_semaphore, #tpu.memory_space<semaphore_mem>>)
      } else {
      }
      %mul3A_257 = arith.constant 32 : i32
      %mul3A_258 = arith.muli %add3A, %mul3A_257 : i32
      %shift_right_arithmetic3A = arith.constant 1 : i32
      %shift_right_arithmetic3A_259 = arith.shrsi %add3A_221, %shift_right_arithmetic3A : i32
      %add3A_260 = arith.addi %mul3A_258, %shift_right_arithmetic3A_259 : i32
      %mul3A_261 = arith.constant 2 : i32
      %mul3A_262 = arith.muli %add3A_260, %mul3A_261 : i32
      %add3A_263 = arith.constant 0 : i32
      %add3A_264 = arith.addi %mul3A_262, %add3A_263 : i32
      %dma_start3A_265 = arith.constant 0 : i32
      %dma_start3A_266 = arith.constant 0 : i32
      %dma_start3A_267 = tpu.memref_slice %arg9[%add3A_264, %dma_start3A_265, %dma_start3A_266] : memref<2048x100x128xf32, #tpu.memory_space<hbm>> -> memref<1x100x128xf32, #tpu.memory_space<hbm>>
      %dma_start3A_268 = tpu.memref_squeeze %dma_start3A_267 : memref<1x100x128xf32, #tpu.memory_space<hbm>> -> memref<100x128xf32, #tpu.memory_space<hbm>>
      %dma_start3A_269 = arith.constant 0 : i32
      %dma_start3A_270 = arith.constant 0 : i32
      %dma_start3A_271 = tpu.memref_slice %arg9[%add3A_264, %dma_start3A_269, %dma_start3A_270] : memref<2048x100x128xf32, #tpu.memory_space<hbm>> -> memref<1x100x128xf32, #tpu.memory_space<hbm>>
      %dma_start3A_272 = tpu.memref_squeeze %dma_start3A_271 : memref<1x100x128xf32, #tpu.memory_space<hbm>> -> memref<100x128xf32, #tpu.memory_space<hbm>>
      tpu.enqueue_dma source(%arg11 : memref<100x128xf32, #tpu.memory_space<vmem>>) target(%dma_start3A_272 : memref<100x128xf32, #tpu.memory_space<hbm>>) target_semaphore(%arg24 : memref<!tpu.dma_semaphore, #tpu.memory_space<semaphore_mem>>)
      %add3A_273 = arith.constant 1 : i32
      %add3A_274 = arith.addi %add3A_219, %add3A_273 : i32
      %dma_wait3A_275 = arith.constant 0 : i32
      %dma_wait3A_276 = arith.constant 0 : i32
      %dma_wait3A_277 = tpu.memref_slice %arg4[%dma_wait3A_275, %dma_wait3A_276] : memref<1000000x128xf32, #tpu.memory_space<hbm>> -> memref<1000000x128xf32, #tpu.memory_space<hbm>>
      tpu.wait_indirect_dma semaphore(%arg21 : memref<!tpu.dma_semaphore, #tpu.memory_space<semaphore_mem>>) src(%dma_wait3A_277 : memref<1000000x128xf32, #tpu.memory_space<hbm>>) dst(%arg12 : memref<100x128xf32, #tpu.memory_space<vmem>>)
      %add3A_278 = arith.constant 2 : i32
      %add3A_279 = arith.addi %add3A_274, %add3A_278 : i32
      %lt3A_280 = arith.constant 64 : i32
      %lt3A_281 = arith.cmpi slt, %add3A_279, %lt3A_280 : i32
      %convert_element_type3A_282 = arith.extui %lt3A_281 : i1 to i32
      %cond3A_283 = arith.constant 0 : i32
      %cond3A_284 = arith.cmpi ne, %convert_element_type3A_282, %cond3A_283 : i32
      scf.if %cond3A_284 {
        %add3A_330 = arith.constant 2 : i32
        %add3A_331 = arith.addi %add3A_274, %add3A_330 : i32
        %mul3A_332 = arith.constant 64 : i32
        %mul3A_333 = arith.muli %add3A, %mul3A_332 : i32
        %add3A_334 = arith.addi %mul3A_333, %add3A_331 : i32
        %mul3A_335 = arith.constant 104 : i32
        %mul3A_336 = arith.muli %add3A_334, %mul3A_335 : i32
        %dma_start3A_337 = tpu.memref_slice %arg2[%mul3A_336] : memref<212992xi32, #tpu.memory_space<hbm>> -> memref<100xi32, #tpu.memory_space<hbm>>
        %dma_start3A_338 = tpu.memref_slice %arg2[%mul3A_336] : memref<212992xi32, #tpu.memory_space<hbm>> -> memref<100xi32, #tpu.memory_space<hbm>>
        tpu.enqueue_dma source(%dma_start3A_338 : memref<100xi32, #tpu.memory_space<hbm>>) target(%arg14 : memref<100xi32, #tpu.memory_space<vmem>>) target_semaphore(%arg23 : memref<!tpu.dma_semaphore, #tpu.memory_space<semaphore_mem>>)
      } else {
      }
      %add3A_285 = arith.constant 1 : i32
      %add3A_286 = arith.addi %add3A_274, %add3A_285 : i32
      %lt3A_287 = arith.constant 64 : i32
      %lt3A_288 = arith.cmpi slt, %add3A_286, %lt3A_287 : i32
      %convert_element_type3A_289 = arith.extui %lt3A_288 : i1 to i32
      %cond3A_290 = arith.constant 0 : i32
      %cond3A_291 = arith.cmpi ne, %convert_element_type3A_289, %cond3A_290 : i32
      scf.if %cond3A_291 {
        %add3A_330 = arith.constant 1 : i32
        %add3A_331 = arith.addi %add3A_274, %add3A_330 : i32
        %mul3A_332 = arith.constant 64 : i32
        %mul3A_333 = arith.muli %add3A, %mul3A_332 : i32
        %add3A_334 = arith.addi %mul3A_333, %add3A_331 : i32
        %mul3A_335 = arith.constant 104 : i32
        %mul3A_336 = arith.muli %add3A_334, %mul3A_335 : i32
        %dma_wait3A_337 = tpu.memref_slice %arg2[%mul3A_336] : memref<212992xi32, #tpu.memory_space<hbm>> -> memref<100xi32, #tpu.memory_space<hbm>>
        %dma_wait3A_338 = tpu.memref_slice %arg2[%mul3A_336] : memref<212992xi32, #tpu.memory_space<hbm>> -> memref<100xi32, #tpu.memory_space<hbm>>
        tpu.wait_dma2 semaphore(%arg22 : memref<!tpu.dma_semaphore, #tpu.memory_space<semaphore_mem>>) src(%dma_wait3A_338 : memref<100xi32, #tpu.memory_space<hbm>>) dst(%arg13 : memref<100xi32, #tpu.memory_space<vmem>>)
        %ge3A = arith.constant 1 : i32
        %ge3A_339 = arith.cmpi sge, %add3A_274, %ge3A : i32
        %convert_element_type3A_340 = arith.extui %ge3A_339 : i1 to i32
        %cond3A_341 = arith.constant 0 : i32
        %cond3A_342 = arith.cmpi ne, %convert_element_type3A_340, %cond3A_341 : i32
        scf.if %cond3A_342 {
          %sub3A = arith.constant 1 : i32
          %sub3A_346 = arith.subi %add3A_274, %sub3A : i32
          %mul3A_347 = arith.constant 32 : i32
          %mul3A_348 = arith.muli %add3A, %mul3A_347 : i32
          %shift_right_arithmetic3A_349 = arith.constant 1 : i32
          %shift_right_arithmetic3A_350 = arith.shrsi %sub3A_346, %shift_right_arithmetic3A_349 : i32
          %add3A_351 = arith.addi %mul3A_348, %shift_right_arithmetic3A_350 : i32
          %mul3A_352 = arith.constant 2 : i32
          %mul3A_353 = arith.muli %add3A_351, %mul3A_352 : i32
          %add3A_354 = arith.constant 0 : i32
          %add3A_355 = arith.addi %mul3A_353, %add3A_354 : i32
          %dma_wait3A_356 = arith.constant 0 : i32
          %dma_wait3A_357 = arith.constant 0 : i32
          %dma_wait3A_358 = tpu.memref_slice %arg9[%add3A_355, %dma_wait3A_356, %dma_wait3A_357] : memref<2048x100x128xf32, #tpu.memory_space<hbm>> -> memref<1x100x128xf32, #tpu.memory_space<hbm>>
          %dma_wait3A_359 = tpu.memref_squeeze %dma_wait3A_358 : memref<1x100x128xf32, #tpu.memory_space<hbm>> -> memref<100x128xf32, #tpu.memory_space<hbm>>
          %dma_wait3A_360 = arith.constant 0 : i32
          %dma_wait3A_361 = arith.constant 0 : i32
          %dma_wait3A_362 = tpu.memref_slice %arg9[%add3A_355, %dma_wait3A_360, %dma_wait3A_361] : memref<2048x100x128xf32, #tpu.memory_space<hbm>> -> memref<1x100x128xf32, #tpu.memory_space<hbm>>
          %dma_wait3A_363 = tpu.memref_squeeze %dma_wait3A_362 : memref<1x100x128xf32, #tpu.memory_space<hbm>> -> memref<100x128xf32, #tpu.memory_space<hbm>>
          tpu.wait_dma2 semaphore(%arg24 : memref<!tpu.dma_semaphore, #tpu.memory_space<semaphore_mem>>) src(%arg11 : memref<100x128xf32, #tpu.memory_space<vmem>>) dst(%dma_wait3A_363 : memref<100x128xf32, #tpu.memory_space<hbm>>)
        } else {
        }
        %dma_start3A_343 = arith.constant 0 : i32
        %dma_start3A_344 = arith.constant 0 : i32
        %dma_start3A_345 = tpu.memref_slice %arg4[%dma_start3A_343, %dma_start3A_344] : memref<1000000x128xf32, #tpu.memory_space<hbm>> -> memref<1000000x128xf32, #tpu.memory_space<hbm>>
        tpu.enqueue_indirect_dma source(%dma_start3A_345 : memref<1000000x128xf32, #tpu.memory_space<hbm>>) target(%arg11 : memref<100x128xf32, #tpu.memory_space<vmem>>) offsets(%arg13 : memref<100xi32, #tpu.memory_space<vmem>>) semaphore(%arg20 : memref<!tpu.dma_semaphore, #tpu.memory_space<semaphore_mem>>)
      } else {
      }
      %mul3A_292 = arith.constant 64 : i32
      %mul3A_293 = arith.muli %add3A, %mul3A_292 : i32
      %add3A_294 = arith.addi %mul3A_293, %add3A_274 : i32
      %mul3A_295 = arith.constant 104 : i32
      %mul3A_296 = arith.muli %add3A_294, %mul3A_295 : i32
      %dma_wait3A_297 = arith.constant 0 : i32
      %dma_wait3A_298 = tpu.memref_slice %arg16[%dma_wait3A_297] : memref<116xi32, #tpu.memory_space<vmem>> -> memref<100xi32, #tpu.memory_space<vmem>>
      %dma_wait3A_299 = tpu.memref_slice %arg3[%mul3A_296] : memref<212992xi32, #tpu.memory_space<hbm>> -> memref<100xi32, #tpu.memory_space<hbm>>
      %dma_wait3A_300 = arith.constant 0 : i32
      %dma_wait3A_301 = tpu.memref_slice %arg16[%dma_wait3A_300] : memref<116xi32, #tpu.memory_space<vmem>> -> memref<100xi32, #tpu.memory_space<vmem>>
      %dma_wait3A_302 = tpu.memref_slice %arg3[%mul3A_296] : memref<212992xi32, #tpu.memory_space<hbm>> -> memref<100xi32, #tpu.memory_space<hbm>>
      tpu.wait_dma2 semaphore(%arg27 : memref<!tpu.dma_semaphore, #tpu.memory_space<semaphore_mem>>) src(%dma_wait3A_302 : memref<100xi32, #tpu.memory_space<hbm>>) dst(%dma_wait3A_301 : memref<100xi32, #tpu.memory_space<vmem>>)
      %parallel_loop3A_303 = arith.constant 0 : i32
      %parallel_loop3A_304 = arith.constant 100 : i32
      %parallel_loop3A_305 = arith.constant 1 : i32
      scf.for %parallel_loop3A_330 = %parallel_loop3A_303 to %parallel_loop3A_304 step %parallel_loop3A_305  : i32 {
        %parallel_loop3A_331 = arith.index_cast %parallel_loop3A_330 : i32 to index
        %parallel_loop3A_332 = tpu.vector_load %arg16[%parallel_loop3A_331] {strides = array<i32>} : memref<116xi32, #tpu.memory_space<vmem>>, vector<16xi32>,
        %parallel_loop3A_333 = vector.extract_strided_slice %parallel_loop3A_332 {offsets = [0], sizes = [1], strides = [1]} : vector<16xi32> to vector<1xi32>
        %parallel_loop3A_334 = vector.extract %parallel_loop3A_333[0] : i32 from vector<1xi32>
        %parallel_loop3A_335 = arith.constant 200 : i32
        %parallel_loop3A_336 = arith.muli %parallel_loop3A_334, %parallel_loop3A_335 : i32
        %parallel_loop3A_337 = arith.constant 100 : i32
        %parallel_loop3A_338 = arith.addi %parallel_loop3A_336, %parallel_loop3A_337 : i32
        %parallel_loop3A_339 = arith.addi %parallel_loop3A_338, %parallel_loop3A_330 : i32
        %parallel_loop3A_340 = arith.index_cast %parallel_loop3A_330 : i32 to index
        %parallel_loop3A_341 = arith.constant 0 : index
        %parallel_loop3A_342 = tpu.vector_load %arg12[%parallel_loop3A_340, %parallel_loop3A_341] {strides = array<i32>} : memref<100x128xf32, #tpu.memory_space<vmem>>, vector<16xf32>,
        %parallel_loop3A_343 = arith.index_cast %parallel_loop3A_339 : i32 to index
        %parallel_loop3A_344 = arith.constant 0 : index
        %parallel_loop3A_345 = tpu.vector_load %arg10[%parallel_loop3A_343, %parallel_loop3A_344] {strides = array<i32>} : memref<600x128xf32, #tpu.memory_space<vmem>>, vector<16xf32>,
        %parallel_loop3A_346 = arith.addf %parallel_loop3A_342, %parallel_loop3A_345 : vector<16xf32>
        %parallel_loop3A_347 = arith.index_cast %parallel_loop3A_330 : i32 to index
        %parallel_loop3A_348 = arith.constant 16 : index
        %parallel_loop3A_349 = tpu.vector_load %arg12[%parallel_loop3A_347, %parallel_loop3A_348] {strides = array<i32>} : memref<100x128xf32, #tpu.memory_space<vmem>>, vector<16xf32>,
        %parallel_loop3A_350 = arith.index_cast %parallel_loop3A_339 : i32 to index
        %parallel_loop3A_351 = arith.constant 16 : index
        %parallel_loop3A_352 = tpu.vector_load %arg10[%parallel_loop3A_350, %parallel_loop3A_351] {strides = array<i32>} : memref<600x128xf32, #tpu.memory_space<vmem>>, vector<16xf32>,
        %parallel_loop3A_353 = arith.addf %parallel_loop3A_349, %parallel_loop3A_352 : vector<16xf32>
        %parallel_loop3A_354 = arith.index_cast %parallel_loop3A_330 : i32 to index
        %parallel_loop3A_355 = arith.constant 32 : index
        %parallel_loop3A_356 = tpu.vector_load %arg12[%parallel_loop3A_354, %parallel_loop3A_355] {strides = array<i32>} : memref<100x128xf32, #tpu.memory_space<vmem>>, vector<16xf32>,
        %parallel_loop3A_357 = arith.index_cast %parallel_loop3A_339 : i32 to index
        %parallel_loop3A_358 = arith.constant 32 : index
        %parallel_loop3A_359 = tpu.vector_load %arg10[%parallel_loop3A_357, %parallel_loop3A_358] {strides = array<i32>} : memref<600x128xf32, #tpu.memory_space<vmem>>, vector<16xf32>,
        %parallel_loop3A_360 = arith.addf %parallel_loop3A_356, %parallel_loop3A_359 : vector<16xf32>
        %parallel_loop3A_361 = arith.index_cast %parallel_loop3A_330 : i32 to index
        %parallel_loop3A_362 = arith.constant 48 : index
        %parallel_loop3A_363 = tpu.vector_load %arg12[%parallel_loop3A_361, %parallel_loop3A_362] {strides = array<i32>} : memref<100x128xf32, #tpu.memory_space<vmem>>, vector<16xf32>,
        %parallel_loop3A_364 = arith.index_cast %parallel_loop3A_339 : i32 to index
        %parallel_loop3A_365 = arith.constant 48 : index
        %parallel_loop3A_366 = tpu.vector_load %arg10[%parallel_loop3A_364, %parallel_loop3A_365] {strides = array<i32>} : memref<600x128xf32, #tpu.memory_space<vmem>>, vector<16xf32>,
        %parallel_loop3A_367 = arith.addf %parallel_loop3A_363, %parallel_loop3A_366 : vector<16xf32>
        %parallel_loop3A_368 = arith.index_cast %parallel_loop3A_330 : i32 to index
        %parallel_loop3A_369 = arith.constant 64 : index
        %parallel_loop3A_370 = tpu.vector_load %arg12[%parallel_loop3A_368, %parallel_loop3A_369] {strides = array<i32>} : memref<100x128xf32, #tpu.memory_space<vmem>>, vector<16xf32>,
        %parallel_loop3A_371 = arith.index_cast %parallel_loop3A_339 : i32 to index
        %parallel_loop3A_372 = arith.constant 64 : index
        %parallel_loop3A_373 = tpu.vector_load %arg10[%parallel_loop3A_371, %parallel_loop3A_372] {strides = array<i32>} : memref<600x128xf32, #tpu.memory_space<vmem>>, vector<16xf32>,
        %parallel_loop3A_374 = arith.addf %parallel_loop3A_370, %parallel_loop3A_373 : vector<16xf32>
        %parallel_loop3A_375 = arith.index_cast %parallel_loop3A_330 : i32 to index
        %parallel_loop3A_376 = arith.constant 80 : index
        %parallel_loop3A_377 = tpu.vector_load %arg12[%parallel_loop3A_375, %parallel_loop3A_376] {strides = array<i32>} : memref<100x128xf32, #tpu.memory_space<vmem>>, vector<16xf32>,
        %parallel_loop3A_378 = arith.index_cast %parallel_loop3A_339 : i32 to index
        %parallel_loop3A_379 = arith.constant 80 : index
        %parallel_loop3A_380 = tpu.vector_load %arg10[%parallel_loop3A_378, %parallel_loop3A_379] {strides = array<i32>} : memref<600x128xf32, #tpu.memory_space<vmem>>, vector<16xf32>,
        %parallel_loop3A_381 = arith.addf %parallel_loop3A_377, %parallel_loop3A_380 : vector<16xf32>
        %parallel_loop3A_382 = arith.index_cast %parallel_loop3A_330 : i32 to index
        %parallel_loop3A_383 = arith.constant 96 : index
        %parallel_loop3A_384 = tpu.vector_load %arg12[%parallel_loop3A_382, %parallel_loop3A_383] {strides = array<i32>} : memref<100x128xf32, #tpu.memory_space<vmem>>, vector<16xf32>,
        %parallel_loop3A_385 = arith.index_cast %parallel_loop3A_339 : i32 to index
        %parallel_loop3A_386 = arith.constant 96 : index
        %parallel_loop3A_387 = tpu.vector_load %arg10[%parallel_loop3A_385, %parallel_loop3A_386] {strides = array<i32>} : memref<600x128xf32, #tpu.memory_space<vmem>>, vector<16xf32>,
        %parallel_loop3A_388 = arith.addf %parallel_loop3A_384, %parallel_loop3A_387 : vector<16xf32>
        %parallel_loop3A_389 = arith.index_cast %parallel_loop3A_330 : i32 to index
        %parallel_loop3A_390 = arith.constant 112 : index
        %parallel_loop3A_391 = tpu.vector_load %arg12[%parallel_loop3A_389, %parallel_loop3A_390] {strides = array<i32>} : memref<100x128xf32, #tpu.memory_space<vmem>>, vector<16xf32>,
        %parallel_loop3A_392 = arith.index_cast %parallel_loop3A_339 : i32 to index
        %parallel_loop3A_393 = arith.constant 112 : index
        %parallel_loop3A_394 = tpu.vector_load %arg10[%parallel_loop3A_392, %parallel_loop3A_393] {strides = array<i32>} : memref<600x128xf32, #tpu.memory_space<vmem>>, vector<16xf32>,
        %parallel_loop3A_395 = arith.addf %parallel_loop3A_391, %parallel_loop3A_394 : vector<16xf32>
        %parallel_loop3A_396 = arith.addf %parallel_loop3A_346, %parallel_loop3A_353 : vector<16xf32>
        %parallel_loop3A_397 = arith.addf %parallel_loop3A_360, %parallel_loop3A_367 : vector<16xf32>
        %parallel_loop3A_398 = arith.addf %parallel_loop3A_396, %parallel_loop3A_397 : vector<16xf32>
        %parallel_loop3A_399 = arith.addf %parallel_loop3A_374, %parallel_loop3A_381 : vector<16xf32>
        %parallel_loop3A_400 = arith.addf %parallel_loop3A_388, %parallel_loop3A_395 : vector<16xf32>
        %parallel_loop3A_401 = arith.addf %parallel_loop3A_399, %parallel_loop3A_400 : vector<16xf32>
        %parallel_loop3A_402 = arith.addf %parallel_loop3A_398, %parallel_loop3A_401 : vector<16xf32>
        %parallel_loop3A_403 = arith.mulf %parallel_loop3A_346, %parallel_loop3A_346 : vector<16xf32>
        %parallel_loop3A_404 = arith.mulf %parallel_loop3A_353, %parallel_loop3A_353 : vector<16xf32>
        %parallel_loop3A_405 = arith.addf %parallel_loop3A_403, %parallel_loop3A_404 : vector<16xf32>
        %parallel_loop3A_406 = arith.mulf %parallel_loop3A_360, %parallel_loop3A_360 : vector<16xf32>
        %parallel_loop3A_407 = arith.mulf %parallel_loop3A_367, %parallel_loop3A_367 : vector<16xf32>
        %parallel_loop3A_408 = arith.addf %parallel_loop3A_406, %parallel_loop3A_407 : vector<16xf32>
        %parallel_loop3A_409 = arith.addf %parallel_loop3A_405, %parallel_loop3A_408 : vector<16xf32>
        %parallel_loop3A_410 = arith.mulf %parallel_loop3A_374, %parallel_loop3A_374 : vector<16xf32>
        %parallel_loop3A_411 = arith.mulf %parallel_loop3A_381, %parallel_loop3A_381 : vector<16xf32>
        %parallel_loop3A_412 = arith.addf %parallel_loop3A_410, %parallel_loop3A_411 : vector<16xf32>
        %parallel_loop3A_413 = arith.mulf %parallel_loop3A_388, %parallel_loop3A_388 : vector<16xf32>
        %parallel_loop3A_414 = arith.mulf %parallel_loop3A_395, %parallel_loop3A_395 : vector<16xf32>
        %parallel_loop3A_415 = arith.addf %parallel_loop3A_413, %parallel_loop3A_414 : vector<16xf32>
        %parallel_loop3A_416 = arith.addf %parallel_loop3A_412, %parallel_loop3A_415 : vector<16xf32>
        %parallel_loop3A_417 = arith.addf %parallel_loop3A_409, %parallel_loop3A_416 : vector<16xf32>
        %parallel_loop3A_418 = tpu.iota {dimensions = array<i32: 0>} : vector<16xi32>
        %parallel_loop3A_419 = arith.constant 8 : i32
        %parallel_loop3A_420 = vector.broadcast %parallel_loop3A_419 : i32 to vector<16xi32>
        %parallel_loop3A_421 = arith.xori %parallel_loop3A_418, %parallel_loop3A_420 : vector<16xi32>
        %parallel_loop3A_422 = vector.shape_cast %parallel_loop3A_421 : vector<16xi32> to vector<16x1xi32>
        %parallel_loop3A_423 = vector.shape_cast %parallel_loop3A_422 : vector<16x1xi32> to vector<16xi32>
        %parallel_loop3A_424 = tpu.dynamic_gather %parallel_loop3A_402[%parallel_loop3A_423] in [0] : vector<16xf32>, vector<16xi32> -> vector<16xf32>
        %parallel_loop3A_425 = arith.addf %parallel_loop3A_402, %parallel_loop3A_424 : vector<16xf32>
        %parallel_loop3A_426 = arith.constant 4 : i32
        %parallel_loop3A_427 = vector.broadcast %parallel_loop3A_426 : i32 to vector<16xi32>
        %parallel_loop3A_428 = arith.xori %parallel_loop3A_418, %parallel_loop3A_427 : vector<16xi32>
        %parallel_loop3A_429 = vector.shape_cast %parallel_loop3A_428 : vector<16xi32> to vector<16x1xi32>
        %parallel_loop3A_430 = vector.shape_cast %parallel_loop3A_429 : vector<16x1xi32> to vector<16xi32>
        %parallel_loop3A_431 = tpu.dynamic_gather %parallel_loop3A_425[%parallel_loop3A_430] in [0] : vector<16xf32>, vector<16xi32> -> vector<16xf32>
        %parallel_loop3A_432 = arith.addf %parallel_loop3A_425, %parallel_loop3A_431 : vector<16xf32>
        %parallel_loop3A_433 = arith.constant 2 : i32
        %parallel_loop3A_434 = vector.broadcast %parallel_loop3A_433 : i32 to vector<16xi32>
        %parallel_loop3A_435 = arith.xori %parallel_loop3A_418, %parallel_loop3A_434 : vector<16xi32>
        %parallel_loop3A_436 = vector.shape_cast %parallel_loop3A_435 : vector<16xi32> to vector<16x1xi32>
        %parallel_loop3A_437 = vector.shape_cast %parallel_loop3A_436 : vector<16x1xi32> to vector<16xi32>
        %parallel_loop3A_438 = tpu.dynamic_gather %parallel_loop3A_432[%parallel_loop3A_437] in [0] : vector<16xf32>, vector<16xi32> -> vector<16xf32>
        %parallel_loop3A_439 = arith.addf %parallel_loop3A_432, %parallel_loop3A_438 : vector<16xf32>
        %parallel_loop3A_440 = arith.constant 1 : i32
        %parallel_loop3A_441 = vector.broadcast %parallel_loop3A_440 : i32 to vector<16xi32>
        %parallel_loop3A_442 = arith.xori %parallel_loop3A_418, %parallel_loop3A_441 : vector<16xi32>
        %parallel_loop3A_443 = vector.shape_cast %parallel_loop3A_442 : vector<16xi32> to vector<16x1xi32>
        %parallel_loop3A_444 = vector.shape_cast %parallel_loop3A_443 : vector<16x1xi32> to vector<16xi32>
        %parallel_loop3A_445 = tpu.dynamic_gather %parallel_loop3A_439[%parallel_loop3A_444] in [0] : vector<16xf32>, vector<16xi32> -> vector<16xf32>
        %parallel_loop3A_446 = arith.addf %parallel_loop3A_439, %parallel_loop3A_445 : vector<16xf32>
        %parallel_loop3A_447 = tpu.iota {dimensions = array<i32: 0>} : vector<16xi32>
        %parallel_loop3A_448 = arith.constant 8 : i32
        %parallel_loop3A_449 = vector.broadcast %parallel_loop3A_448 : i32 to vector<16xi32>
        %parallel_loop3A_450 = arith.xori %parallel_loop3A_447, %parallel_loop3A_449 : vector<16xi32>
        %parallel_loop3A_451 = vector.shape_cast %parallel_loop3A_450 : vector<16xi32> to vector<16x1xi32>
        %parallel_loop3A_452 = vector.shape_cast %parallel_loop3A_451 : vector<16x1xi32> to vector<16xi32>
        %parallel_loop3A_453 = tpu.dynamic_gather %parallel_loop3A_417[%parallel_loop3A_452] in [0] : vector<16xf32>, vector<16xi32> -> vector<16xf32>
        %parallel_loop3A_454 = arith.addf %parallel_loop3A_417, %parallel_loop3A_453 : vector<16xf32>
        %parallel_loop3A_455 = arith.constant 4 : i32
        %parallel_loop3A_456 = vector.broadcast %parallel_loop3A_455 : i32 to vector<16xi32>
        %parallel_loop3A_457 = arith.xori %parallel_loop3A_447, %parallel_loop3A_456 : vector<16xi32>
        %parallel_loop3A_458 = vector.shape_cast %parallel_loop3A_457 : vector<16xi32> to vector<16x1xi32>
        %parallel_loop3A_459 = vector.shape_cast %parallel_loop3A_458 : vector<16x1xi32> to vector<16xi32>
        %parallel_loop3A_460 = tpu.dynamic_gather %parallel_loop3A_454[%parallel_loop3A_459] in [0] : vector<16xf32>, vector<16xi32> -> vector<16xf32>
        %parallel_loop3A_461 = arith.addf %parallel_loop3A_454, %parallel_loop3A_460 : vector<16xf32>
        %parallel_loop3A_462 = arith.constant 2 : i32
        %parallel_loop3A_463 = vector.broadcast %parallel_loop3A_462 : i32 to vector<16xi32>
        %parallel_loop3A_464 = arith.xori %parallel_loop3A_447, %parallel_loop3A_463 : vector<16xi32>
        %parallel_loop3A_465 = vector.shape_cast %parallel_loop3A_464 : vector<16xi32> to vector<16x1xi32>
        %parallel_loop3A_466 = vector.shape_cast %parallel_loop3A_465 : vector<16x1xi32> to vector<16xi32>
        %parallel_loop3A_467 = tpu.dynamic_gather %parallel_loop3A_461[%parallel_loop3A_466] in [0] : vector<16xf32>, vector<16xi32> -> vector<16xf32>
        %parallel_loop3A_468 = arith.addf %parallel_loop3A_461, %parallel_loop3A_467 : vector<16xf32>
        %parallel_loop3A_469 = arith.constant 1 : i32
        %parallel_loop3A_470 = vector.broadcast %parallel_loop3A_469 : i32 to vector<16xi32>
        %parallel_loop3A_471 = arith.xori %parallel_loop3A_447, %parallel_loop3A_470 : vector<16xi32>
        %parallel_loop3A_472 = vector.shape_cast %parallel_loop3A_471 : vector<16xi32> to vector<16x1xi32>
        %parallel_loop3A_473 = vector.shape_cast %parallel_loop3A_472 : vector<16x1xi32> to vector<16xi32>
        %parallel_loop3A_474 = tpu.dynamic_gather %parallel_loop3A_468[%parallel_loop3A_473] in [0] : vector<16xf32>, vector<16xi32> -> vector<16xf32>
        %parallel_loop3A_475 = arith.addf %parallel_loop3A_468, %parallel_loop3A_474 : vector<16xf32>
        %parallel_loop3A_476 = arith.constant 7.812500e-03 : f32
        %parallel_loop3A_477 = vector.broadcast %parallel_loop3A_476 : f32 to vector<16xf32>
        %parallel_loop3A_478 = arith.mulf %parallel_loop3A_446, %parallel_loop3A_477 : vector<16xf32>
        %parallel_loop3A_479 = arith.constant 7.812500e-03 : f32
        %parallel_loop3A_480 = vector.broadcast %parallel_loop3A_479 : f32 to vector<16xf32>
        %parallel_loop3A_481 = arith.mulf %parallel_loop3A_475, %parallel_loop3A_480 : vector<16xf32>
        %parallel_loop3A_482 = arith.mulf %parallel_loop3A_478, %parallel_loop3A_478 : vector<16xf32>
        %parallel_loop3A_483 = arith.subf %parallel_loop3A_481, %parallel_loop3A_482 : vector<16xf32>
        %parallel_loop3A_484 = arith.constant 9.99999974E-6 : f32
        %parallel_loop3A_485 = vector.broadcast %parallel_loop3A_484 : f32 to vector<16xf32>
        %parallel_loop3A_486 = arith.addf %parallel_loop3A_483, %parallel_loop3A_485 : vector<16xf32>
        %parallel_loop3A_487 = vector.bitcast %parallel_loop3A_486 : vector<16xf32> to vector<16xi32>
        %parallel_loop3A_488 = arith.constant 1 : i32
        %parallel_loop3A_489 = vector.broadcast %parallel_loop3A_488 : i32 to vector<16xi32>
        %parallel_loop3A_490 = arith.shrsi %parallel_loop3A_487, %parallel_loop3A_489 : vector<16xi32>
        %parallel_loop3A_491 = arith.constant 1597463007 : i32
        %parallel_loop3A_492 = vector.broadcast %parallel_loop3A_491 : i32 to vector<16xi32>
        %parallel_loop3A_493 = arith.subi %parallel_loop3A_492, %parallel_loop3A_490 : vector<16xi32>
        %parallel_loop3A_494 = vector.bitcast %parallel_loop3A_493 : vector<16xi32> to vector<16xf32>
        %parallel_loop3A_495 = arith.constant 5.000000e-01 : f32
        %parallel_loop3A_496 = vector.broadcast %parallel_loop3A_495 : f32 to vector<16xf32>
        %parallel_loop3A_497 = arith.mulf %parallel_loop3A_496, %parallel_loop3A_486 : vector<16xf32>
        %parallel_loop3A_498 = arith.mulf %parallel_loop3A_497, %parallel_loop3A_494 : vector<16xf32>
        %parallel_loop3A_499 = arith.mulf %parallel_loop3A_498, %parallel_loop3A_494 : vector<16xf32>
        %parallel_loop3A_500 = arith.constant 1.500000e+00 : f32
        %parallel_loop3A_501 = vector.broadcast %parallel_loop3A_500 : f32 to vector<16xf32>
        %parallel_loop3A_502 = arith.subf %parallel_loop3A_501, %parallel_loop3A_499 : vector<16xf32>
        %parallel_loop3A_503 = arith.mulf %parallel_loop3A_494, %parallel_loop3A_502 : vector<16xf32>
        %parallel_loop3A_504 = arith.constant 5.000000e-01 : f32
        %parallel_loop3A_505 = vector.broadcast %parallel_loop3A_504 : f32 to vector<16xf32>
        %parallel_loop3A_506 = arith.mulf %parallel_loop3A_505, %parallel_loop3A_486 : vector<16xf32>
        %parallel_loop3A_507 = arith.mulf %parallel_loop3A_506, %parallel_loop3A_503 : vector<16xf32>
        %parallel_loop3A_508 = arith.mulf %parallel_loop3A_507, %parallel_loop3A_503 : vector<16xf32>
        %parallel_loop3A_509 = arith.constant 1.500000e+00 : f32
        %parallel_loop3A_510 = vector.broadcast %parallel_loop3A_509 : f32 to vector<16xf32>
        %parallel_loop3A_511 = arith.subf %parallel_loop3A_510, %parallel_loop3A_508 : vector<16xf32>
        %parallel_loop3A_512 = arith.mulf %parallel_loop3A_503, %parallel_loop3A_511 : vector<16xf32>
        %parallel_loop3A_513 = arith.subf %parallel_loop3A_346, %parallel_loop3A_478 : vector<16xf32>
        %parallel_loop3A_514 = arith.mulf %parallel_loop3A_513, %parallel_loop3A_512 : vector<16xf32>
        %parallel_loop3A_515 = arith.mulf %parallel_loop3A_514, %get3A_99 : vector<16xf32>
        %parallel_loop3A_516 = arith.addf %parallel_loop3A_515, %get3A_115 : vector<16xf32>
        %parallel_loop3A_517 = arith.index_cast %parallel_loop3A_330 : i32 to index
        %parallel_loop3A_518 = arith.constant 0 : index
        %parallel_loop3A_519 = tpu.vector_load %arg12[%parallel_loop3A_517, %parallel_loop3A_518] {strides = array<i32>} : memref<100x128xf32, #tpu.memory_space<vmem>>, vector<16xf32>,
        tpu.vector_store %arg12[%parallel_loop3A_517, %parallel_loop3A_518], %parallel_loop3A_516 {strides = array<i32>} : memref<100x128xf32, #tpu.memory_space<vmem>>, vector<16xf32>,
        %parallel_loop3A_520 = arith.subf %parallel_loop3A_353, %parallel_loop3A_478 : vector<16xf32>
        %parallel_loop3A_521 = arith.mulf %parallel_loop3A_520, %parallel_loop3A_512 : vector<16xf32>
        %parallel_loop3A_522 = arith.mulf %parallel_loop3A_521, %get3A_101 : vector<16xf32>
        %parallel_loop3A_523 = arith.addf %parallel_loop3A_522, %get3A_117 : vector<16xf32>
        %parallel_loop3A_524 = arith.index_cast %parallel_loop3A_330 : i32 to index
        %parallel_loop3A_525 = arith.constant 16 : index
        %parallel_loop3A_526 = tpu.vector_load %arg12[%parallel_loop3A_524, %parallel_loop3A_525] {strides = array<i32>} : memref<100x128xf32, #tpu.memory_space<vmem>>, vector<16xf32>,
        tpu.vector_store %arg12[%parallel_loop3A_524, %parallel_loop3A_525], %parallel_loop3A_523 {strides = array<i32>} : memref<100x128xf32, #tpu.memory_space<vmem>>, vector<16xf32>,
        %parallel_loop3A_527 = arith.subf %parallel_loop3A_360, %parallel_loop3A_478 : vector<16xf32>
        %parallel_loop3A_528 = arith.mulf %parallel_loop3A_527, %parallel_loop3A_512 : vector<16xf32>
        %parallel_loop3A_529 = arith.mulf %parallel_loop3A_528, %get3A_103 : vector<16xf32>
        %parallel_loop3A_530 = arith.addf %parallel_loop3A_529, %get3A_119 : vector<16xf32>
        %parallel_loop3A_531 = arith.index_cast %parallel_loop3A_330 : i32 to index
        %parallel_loop3A_532 = arith.constant 32 : index
        %parallel_loop3A_533 = tpu.vector_load %arg12[%parallel_loop3A_531, %parallel_loop3A_532] {strides = array<i32>} : memref<100x128xf32, #tpu.memory_space<vmem>>, vector<16xf32>,
        tpu.vector_store %arg12[%parallel_loop3A_531, %parallel_loop3A_532], %parallel_loop3A_530 {strides = array<i32>} : memref<100x128xf32, #tpu.memory_space<vmem>>, vector<16xf32>,
        %parallel_loop3A_534 = arith.subf %parallel_loop3A_367, %parallel_loop3A_478 : vector<16xf32>
        %parallel_loop3A_535 = arith.mulf %parallel_loop3A_534, %parallel_loop3A_512 : vector<16xf32>
        %parallel_loop3A_536 = arith.mulf %parallel_loop3A_535, %get3A_105 : vector<16xf32>
        %parallel_loop3A_537 = arith.addf %parallel_loop3A_536, %get3A_121 : vector<16xf32>
        %parallel_loop3A_538 = arith.index_cast %parallel_loop3A_330 : i32 to index
        %parallel_loop3A_539 = arith.constant 48 : index
        %parallel_loop3A_540 = tpu.vector_load %arg12[%parallel_loop3A_538, %parallel_loop3A_539] {strides = array<i32>} : memref<100x128xf32, #tpu.memory_space<vmem>>, vector<16xf32>,
        tpu.vector_store %arg12[%parallel_loop3A_538, %parallel_loop3A_539], %parallel_loop3A_537 {strides = array<i32>} : memref<100x128xf32, #tpu.memory_space<vmem>>, vector<16xf32>,
        %parallel_loop3A_541 = arith.subf %parallel_loop3A_374, %parallel_loop3A_478 : vector<16xf32>
        %parallel_loop3A_542 = arith.mulf %parallel_loop3A_541, %parallel_loop3A_512 : vector<16xf32>
        %parallel_loop3A_543 = arith.mulf %parallel_loop3A_542, %get3A_107 : vector<16xf32>
        %parallel_loop3A_544 = arith.addf %parallel_loop3A_543, %get3A_123 : vector<16xf32>
        %parallel_loop3A_545 = arith.index_cast %parallel_loop3A_330 : i32 to index
        %parallel_loop3A_546 = arith.constant 64 : index
        %parallel_loop3A_547 = tpu.vector_load %arg12[%parallel_loop3A_545, %parallel_loop3A_546] {strides = array<i32>} : memref<100x128xf32, #tpu.memory_space<vmem>>, vector<16xf32>,
        tpu.vector_store %arg12[%parallel_loop3A_545, %parallel_loop3A_546], %parallel_loop3A_544 {strides = array<i32>} : memref<100x128xf32, #tpu.memory_space<vmem>>, vector<16xf32>,
        %parallel_loop3A_548 = arith.subf %parallel_loop3A_381, %parallel_loop3A_478 : vector<16xf32>
        %parallel_loop3A_549 = arith.mulf %parallel_loop3A_548, %parallel_loop3A_512 : vector<16xf32>
        %parallel_loop3A_550 = arith.mulf %parallel_loop3A_549, %get3A_109 : vector<16xf32>
        %parallel_loop3A_551 = arith.addf %parallel_loop3A_550, %get3A_125 : vector<16xf32>
        %parallel_loop3A_552 = arith.index_cast %parallel_loop3A_330 : i32 to index
        %parallel_loop3A_553 = arith.constant 80 : index
        %parallel_loop3A_554 = tpu.vector_load %arg12[%parallel_loop3A_552, %parallel_loop3A_553] {strides = array<i32>} : memref<100x128xf32, #tpu.memory_space<vmem>>, vector<16xf32>,
        tpu.vector_store %arg12[%parallel_loop3A_552, %parallel_loop3A_553], %parallel_loop3A_551 {strides = array<i32>} : memref<100x128xf32, #tpu.memory_space<vmem>>, vector<16xf32>,
        %parallel_loop3A_555 = arith.subf %parallel_loop3A_388, %parallel_loop3A_478 : vector<16xf32>
        %parallel_loop3A_556 = arith.mulf %parallel_loop3A_555, %parallel_loop3A_512 : vector<16xf32>
        %parallel_loop3A_557 = arith.mulf %parallel_loop3A_556, %get3A_111 : vector<16xf32>
        %parallel_loop3A_558 = arith.addf %parallel_loop3A_557, %get3A_127 : vector<16xf32>
        %parallel_loop3A_559 = arith.index_cast %parallel_loop3A_330 : i32 to index
        %parallel_loop3A_560 = arith.constant 96 : index
        %parallel_loop3A_561 = tpu.vector_load %arg12[%parallel_loop3A_559, %parallel_loop3A_560] {strides = array<i32>} : memref<100x128xf32, #tpu.memory_space<vmem>>, vector<16xf32>,
        tpu.vector_store %arg12[%parallel_loop3A_559, %parallel_loop3A_560], %parallel_loop3A_558 {strides = array<i32>} : memref<100x128xf32, #tpu.memory_space<vmem>>, vector<16xf32>,
        %parallel_loop3A_562 = arith.subf %parallel_loop3A_395, %parallel_loop3A_478 : vector<16xf32>
        %parallel_loop3A_563 = arith.mulf %parallel_loop3A_562, %parallel_loop3A_512 : vector<16xf32>
        %parallel_loop3A_564 = arith.mulf %parallel_loop3A_563, %get3A_113 : vector<16xf32>
        %parallel_loop3A_565 = arith.addf %parallel_loop3A_564, %get3A_129 : vector<16xf32>
        %parallel_loop3A_566 = arith.index_cast %parallel_loop3A_330 : i32 to index
        %parallel_loop3A_567 = arith.constant 112 : index
        %parallel_loop3A_568 = tpu.vector_load %arg12[%parallel_loop3A_566, %parallel_loop3A_567] {strides = array<i32>} : memref<100x128xf32, #tpu.memory_space<vmem>>, vector<16xf32>,
        tpu.vector_store %arg12[%parallel_loop3A_566, %parallel_loop3A_567], %parallel_loop3A_565 {strides = array<i32>} : memref<100x128xf32, #tpu.memory_space<vmem>>, vector<16xf32>,
      } {sc.loop_unroll_factor = 4 : i64, sc.parallel_access}
      %add3A_306 = arith.constant 2 : i32
      %add3A_307 = arith.addi %add3A_274, %add3A_306 : i32
      %lt3A_308 = arith.constant 64 : i32
      %lt3A_309 = arith.cmpi slt, %add3A_307, %lt3A_308 : i32
      %convert_element_type3A_310 = arith.extui %lt3A_309 : i1 to i32
      %cond3A_311 = arith.constant 0 : i32
      %cond3A_312 = arith.cmpi ne, %convert_element_type3A_310, %cond3A_311 : i32
      scf.if %cond3A_312 {
        %add3A_330 = arith.constant 2 : i32
        %add3A_331 = arith.addi %add3A_274, %add3A_330 : i32
        %mul3A_332 = arith.constant 64 : i32
        %mul3A_333 = arith.muli %add3A, %mul3A_332 : i32
        %add3A_334 = arith.addi %mul3A_333, %add3A_331 : i32
        %mul3A_335 = arith.constant 104 : i32
        %mul3A_336 = arith.muli %add3A_334, %mul3A_335 : i32
        %dma_start3A_337 = arith.constant 0 : i32
        %dma_start3A_338 = tpu.memref_slice %arg16[%dma_start3A_337] : memref<116xi32, #tpu.memory_space<vmem>> -> memref<100xi32, #tpu.memory_space<vmem>>
        %dma_start3A_339 = tpu.memref_slice %arg3[%mul3A_336] : memref<212992xi32, #tpu.memory_space<hbm>> -> memref<100xi32, #tpu.memory_space<hbm>>
        %dma_start3A_340 = arith.constant 0 : i32
        %dma_start3A_341 = tpu.memref_slice %arg16[%dma_start3A_340] : memref<116xi32, #tpu.memory_space<vmem>> -> memref<100xi32, #tpu.memory_space<vmem>>
        %dma_start3A_342 = tpu.memref_slice %arg3[%mul3A_336] : memref<212992xi32, #tpu.memory_space<hbm>> -> memref<100xi32, #tpu.memory_space<hbm>>
        tpu.enqueue_dma source(%dma_start3A_342 : memref<100xi32, #tpu.memory_space<hbm>>) target(%dma_start3A_341 : memref<100xi32, #tpu.memory_space<vmem>>) target_semaphore(%arg27 : memref<!tpu.dma_semaphore, #tpu.memory_space<semaphore_mem>>)
      } else {
      }
      %mul3A_313 = arith.constant 32 : i32
      %mul3A_314 = arith.muli %add3A, %mul3A_313 : i32
      %shift_right_arithmetic3A_315 = arith.constant 1 : i32
      %shift_right_arithmetic3A_316 = arith.shrsi %add3A_274, %shift_right_arithmetic3A_315 : i32
      %add3A_317 = arith.addi %mul3A_314, %shift_right_arithmetic3A_316 : i32
      %mul3A_318 = arith.constant 2 : i32
      %mul3A_319 = arith.muli %add3A_317, %mul3A_318 : i32
      %add3A_320 = arith.constant 1 : i32
      %add3A_321 = arith.addi %mul3A_319, %add3A_320 : i32
      %dma_start3A_322 = arith.constant 0 : i32
      %dma_start3A_323 = arith.constant 0 : i32
      %dma_start3A_324 = tpu.memref_slice %arg9[%add3A_321, %dma_start3A_322, %dma_start3A_323] : memref<2048x100x128xf32, #tpu.memory_space<hbm>> -> memref<1x100x128xf32, #tpu.memory_space<hbm>>
      %dma_start3A_325 = tpu.memref_squeeze %dma_start3A_324 : memref<1x100x128xf32, #tpu.memory_space<hbm>> -> memref<100x128xf32, #tpu.memory_space<hbm>>
      %dma_start3A_326 = arith.constant 0 : i32
      %dma_start3A_327 = arith.constant 0 : i32
      %dma_start3A_328 = tpu.memref_slice %arg9[%add3A_321, %dma_start3A_326, %dma_start3A_327] : memref<2048x100x128xf32, #tpu.memory_space<hbm>> -> memref<1x100x128xf32, #tpu.memory_space<hbm>>
      %dma_start3A_329 = tpu.memref_squeeze %dma_start3A_328 : memref<1x100x128xf32, #tpu.memory_space<hbm>> -> memref<100x128xf32, #tpu.memory_space<hbm>>
      tpu.enqueue_dma source(%arg12 : memref<100x128xf32, #tpu.memory_space<vmem>>) target(%dma_start3A_329 : memref<100x128xf32, #tpu.memory_space<hbm>>) target_semaphore(%arg25 : memref<!tpu.dma_semaphore, #tpu.memory_space<semaphore_mem>>)
    }
    %scan3A_182 = arith.constant 32 : i32
    %mul3A_183 = arith.constant 32 : i32
    %mul3A_184 = arith.muli %add3A, %mul3A_183 : i32
    %add3A_185 = arith.constant 31 : i32
    %add3A_186 = arith.addi %mul3A_184, %add3A_185 : i32
    %mul3A_187 = arith.constant 2 : i32
    %mul3A_188 = arith.muli %add3A_186, %mul3A_187 : i32
    %add3A_189 = arith.constant 0 : i32
    %add3A_190 = arith.addi %mul3A_188, %add3A_189 : i32
    %dma_wait3A_191 = arith.constant 0 : i32
    %dma_wait3A_192 = arith.constant 0 : i32
    %dma_wait3A_193 = tpu.memref_slice %arg9[%add3A_190, %dma_wait3A_191, %dma_wait3A_192] : memref<2048x100x128xf32, #tpu.memory_space<hbm>> -> memref<1x100x128xf32, #tpu.memory_space<hbm>>
    %dma_wait3A_194 = tpu.memref_squeeze %dma_wait3A_193 : memref<1x100x128xf32, #tpu.memory_space<hbm>> -> memref<100x128xf32, #tpu.memory_space<hbm>>
    %dma_wait3A_195 = arith.constant 0 : i32
    %dma_wait3A_196 = arith.constant 0 : i32
    %dma_wait3A_197 = tpu.memref_slice %arg9[%add3A_190, %dma_wait3A_195, %dma_wait3A_196] : memref<2048x100x128xf32, #tpu.memory_space<hbm>> -> memref<1x100x128xf32, #tpu.memory_space<hbm>>
    %dma_wait3A_198 = tpu.memref_squeeze %dma_wait3A_197 : memref<1x100x128xf32, #tpu.memory_space<hbm>> -> memref<100x128xf32, #tpu.memory_space<hbm>>
    tpu.wait_dma2 semaphore(%arg24 : memref<!tpu.dma_semaphore, #tpu.memory_space<semaphore_mem>>) src(%arg11 : memref<100x128xf32, #tpu.memory_space<vmem>>) dst(%dma_wait3A_198 : memref<100x128xf32, #tpu.memory_space<hbm>>)
    %mul3A_199 = arith.constant 32 : i32
    %mul3A_200 = arith.muli %add3A, %mul3A_199 : i32
    %add3A_201 = arith.constant 31 : i32
    %add3A_202 = arith.addi %mul3A_200, %add3A_201 : i32
    %mul3A_203 = arith.constant 2 : i32
    %mul3A_204 = arith.muli %add3A_202, %mul3A_203 : i32
    %add3A_205 = arith.constant 1 : i32
    %add3A_206 = arith.addi %mul3A_204, %add3A_205 : i32
    %dma_wait3A_207 = arith.constant 0 : i32
    %dma_wait3A_208 = arith.constant 0 : i32
    %dma_wait3A_209 = tpu.memref_slice %arg9[%add3A_206, %dma_wait3A_207, %dma_wait3A_208] : memref<2048x100x128xf32, #tpu.memory_space<hbm>> -> memref<1x100x128xf32, #tpu.memory_space<hbm>>
    %dma_wait3A_210 = tpu.memref_squeeze %dma_wait3A_209 : memref<1x100x128xf32, #tpu.memory_space<hbm>> -> memref<100x128xf32, #tpu.memory_space<hbm>>
    %dma_wait3A_211 = arith.constant 0 : i32
    %dma_wait3A_212 = arith.constant 0 : i32
    %dma_wait3A_213 = tpu.memref_slice %arg9[%add3A_206, %dma_wait3A_211, %dma_wait3A_212] : memref<2048x100x128xf32, #tpu.memory_space<hbm>> -> memref<1x100x128xf32, #tpu.memory_space<hbm>>
    %dma_wait3A_214 = tpu.memref_squeeze %dma_wait3A_213 : memref<1x100x128xf32, #tpu.memory_space<hbm>> -> memref<100x128xf32, #tpu.memory_space<hbm>>
    tpu.wait_dma2 semaphore(%arg25 : memref<!tpu.dma_semaphore, #tpu.memory_space<semaphore_mem>>) src(%arg12 : memref<100x128xf32, #tpu.memory_space<vmem>>) dst(%dma_wait3A_214 : memref<100x128xf32, #tpu.memory_space<hbm>>)
    return
  }
}

</mosaic_0001>

<sc_bundles>
// kernel: kernel.3.cloned.1.call-start
scs
__scs_entry_jumppad:
0x0: {  	(pc) =	sbr.rel $0x88, $3  }
0x1: {  	(tag) =	ssettag $0x0;
	lr =	simm.s32 $0x1  }
0x2: {  	[smem:$0x3F9A] =	sst lr;
	_ =	strace $0xD0000000  }
0x3: {  	_ = 	snop  }
0x4: {  	_ = 	snop  }
0x5: {  	_ = 	snop  }
0x6: {  	_ = 	snop  }
0x7: {  	_ = 	snop  }
__scs_overlays_trampoline_lowered:
0x8: {  	[smem:$0x3FA9] =	sst s0  }
0x9: {  	[smem:$0x3FAA] =	sst s1  }
0xa: {  	[smem:$0x3FAB] =	sst s2  }
0xb: {  	[smem:$0x3FAC] =	sst s3  }
0xc: {  	[smem:$0x3FAD] =	sst s4  }
0xd: {  	[smem:$0x3FAE] =	sst s5  }
0xe: {  	[smem:$0x3FAF] =	sst s6  }
0xf: {  	[smem:$0x3FB0] =	sst s7  }
0x10: {  	[smem:$0x3FB1] =	sst s8  }
0x11: {  	[smem:$0x3FB2] =	sst s9;
	s0 =	simm.s32 @!p0 $0x0  }
0x12: {  	s1 =	sld [smem:$0x3F98];
	s0 =	simm.s32 @p0 $0x1  }
0x13: {  	[smem:$0x3FB3] =	sst s0;
	s0 =	simm.s32 @!p1 $0x0  }
0x14: {  	s2 =	sld [smem:$0x3F97];
	s0 =	simm.s32 @p1 $0x1  }
0x15: {  	[smem:$0x3FB4] =	sst s0;
	s0 =	simm.s32 @!p2 $0x0  }
0x16: {  	s3 =	sld [smem:$0x3FDB];
	s0 =	simm.s32 @p2 $0x1  }
0x17: {  	s4 =	simm.s32 $0x1BF5;
	[smem:$0x3FB6] =	sst s0  }
0x18: {  	s0 =	sld [smem:$0x3F99];
	_ =	swait.ge [sflag:s4], $0x0  }
0x19: {  	s7 =	sld [smem:$0x3F9A]  }
0x1a: {  	s8 =	sadd.s32 $0xFFFFE003, lr  }
0x1b: {  	s9 =	sadd.s32 $0xFFFFFEF7, lr;
	s5 =	simm.s32 $0xFFFFFFFF;
	p2 =	slt.u32 s8, $0xFFFFF086  }
0x1c: {  	p1 =	slt.u32 s9, $0xF7A;
	s5 =	simm.s32 @!p2 $0x0  }
0x1d: {  	s5 =	simm.s32 @p1 $0x1;
	p0 =	seq.s32 s7, s2  }
0x1e: {  	s7 =	smul.u32 @!p0 $0xF7A, s2;
	p2 =	seq.s32 @!p0 s5, $0x0  }
0x1f: {  	s9 =	smul.u32 $0xF7A, s1;
	s8 =	simm.s32 @!p0 $0x1BF5;
	p2 =	por !p2, p0  }
0x20: {  	[sflag:s8] =	ssyncset.s32 @!p0 $0xFFFFF086;
	s6 =	sadd.s32 @!p0 s3, s7;
	s7 =	simm.s32 @!p0 $0x108  }
0x21: {  	s3 =	sadd.s32 s3, s9;
	s6 =	sadd.s32 @!p0 $0x88, s6;
	s7 =	simm.s32 @p2 $0x1082  }
0x22: {  	[simem:s7], [sflag:s8] =	dma.local @!p0 [hbm:s6], $0xF7A  }
0x23: {  	s9 =	sor.u32 $0xD0000000, s2;
	s6 =	simm.s32 $0x108;
	_ =	swait.ge @!p0 [sflag:s8], $0x0  }
0x24: {  	s3 =	sadd.s32 $0x88, s3;
	s6 =	simm.s32 @!p1 $0x1082;
	[sflag:s4] =	ssyncset.s32 $0xFFFFF086  }
0x25: {  	[simem:s6], [sflag:s4] =	dma.local [hbm:s3], $0xF7A  }
0x26: {  	[smem:$0x3F9A] =	sst s1;
	(tag) =	ssettag s2;
	_ =	strace s9  }
0x27: {  	s1 =	sld [smem:$0x3FAA]  }
0x28: {  	s2 =	sld [smem:$0x3FAB]  }
0x29: {  	s4 =	sld [smem:$0x3FAD]  }
0x2a: {  	p0 =	seq.s32 s5, $0x0;
	s5 =	sld [smem:$0x3FAE]  }
0x2b: {  	s6 =	sld [smem:$0x3FAF]  }
0x2c: {  	s7 =	sld [smem:$0x3FB0]  }
0x2d: {  	s3 =	simm.s32 $0x108;
	s8 =	sld [smem:$0x3FB1]  }
0x2e: {  	s3 =	simm.s32 @!p0 $0x1082;
	s9 =	sld [smem:$0x3FB2]  }
0x2f: {  	lr =	sadd.s32 s0, s3;
	s0 =	sld [smem:$0x3FA9]  }
0x30: {  	s3 =	sld [smem:$0x3FAC]  }
0x31: {  	[smem:$0x3FB5] =	sst s10  }
0x32: {  	s10 =	sld [smem:$0x3FB3];
	_ =	sdelay $0x3  }
0x33: {  	p0 =	seq.s32 s10, $0x1;
	s10 =	sld [smem:$0x3FB5];
	_ =	sdelay $0x3  }
0x34: {  	[smem:$0x3FB5] =	sst s10  }
0x35: {  	s10 =	sld [smem:$0x3FB4];
	_ =	sdelay $0x3  }
0x36: {  	p1 =	seq.s32 s10, $0x1;
	s10 =	sld [smem:$0x3FB5];
	_ =	sdelay $0x3  }
0x37: {  	[smem:$0x3FB5] =	sst s10  }
0x38: {  	s10 =	sld [smem:$0x3FB6]  }
0x39: {  	_ = 	snop;
	(pc) =	sbr.ind lr, $3  }
0x3a: {  	_ = 	snop  }
0x3b: {  	_ = 	snop  }
0x3c: {  	p2 =	seq.s32 s10, $0x1;
	s10 =	sld [smem:$0x3FB5]  }
0x3d: {  	_ =	shalt  }
0x3e: {  	_ =	shalt  }
0x3f: {  	_ =	shalt  }
0x40: {  	_ =	shalt  }
0x41: {  	_ =	shalt  }
0x42: {  	_ =	shalt  }
0x43: {  	_ =	shalt  }
0x44: {  	_ =	shalt  }
0x45: {  	_ =	shalt  }
0x46: {  	_ =	shalt  }
0x47: {  	_ =	shalt  }
0x48: {  	_ =	shalt  }
0x49: {  	_ =	shalt  }
0x4a: {  	_ =	shalt  }
0x4b: {  	_ =	shalt  }
0x4c: {  	_ =	shalt  }
0x4d: {  	_ =	shalt  }
0x4e: {  	_ =	shalt  }
0x4f: {  	_ =	shalt  }
0x50: {  	_ =	shalt  }
0x51: {  	_ =	shalt  }
0x52: {  	_ =	shalt  }
0x53: {  	_ =	shalt  }
0x54: {  	_ =	shalt  }
0x55: {  	_ =	shalt  }
0x56: {  	_ =	shalt  }
0x57: {  	_ =	shalt  }
0x58: {  	_ =	shalt  }
0x59: {  	_ =	shalt  }
0x5a: {  	_ =	shalt  }
0x5b: {  	_ =	shalt  }
0x5c: {  	_ =	shalt  }
0x5d: {  	_ =	shalt  }
0x5e: {  	_ =	shalt  }
0x5f: {  	_ =	shalt  }
0x60: {  	_ =	shalt  }
0x61: {  	_ =	shalt  }
0x62: {  	_ =	shalt  }
0x63: {  	_ =	shalt  }
0x64: {  	_ =	shalt  }
0x65: {  	_ =	shalt  }
0x66: {  	_ =	shalt  }
0x67: {  	_ =	shalt  }
0x68: {  	_ =	shalt  }
0x69: {  	_ =	shalt  }
0x6a: {  	_ =	shalt  }
0x6b: {  	_ =	shalt  }
0x6c: {  	_ =	shalt  }
0x6d: {  	_ =	shalt  }
0x6e: {  	_ =	shalt  }
0x6f: {  	_ =	shalt  }
0x70: {  	_ =	shalt  }
0x71: {  	_ =	shalt  }
0x72: {  	_ =	shalt  }
0x73: {  	_ =	shalt  }
0x74: {  	_ =	shalt  }
0x75: {  	_ =	shalt  }
0x76: {  	_ =	shalt  }
0x77: {  	_ =	shalt  }
0x78: {  	_ =	shalt  }
0x79: {  	_ =	shalt  }
0x7a: {  	_ =	shalt  }
0x7b: {  	_ =	shalt  }
0x7c: {  	_ =	shalt  }
0x7d: {  	_ =	shalt  }
0x7e: {  	_ =	shalt  }
0x7f: {  	_ =	shalt  }
0x80: {  	_ =	shalt  }
0x81: {  	_ =	shalt  }
0x82: {  	_ =	shalt  }
0x83: {  	_ =	shalt  }
0x84: {  	_ =	shalt  }
0x85: {  	_ =	shalt  }
0x86: {  	_ =	shalt  }
0x87: {  	_ =	shalt  }
.Lfunc_end0:
.L_simem_size_0:
called_computation_lowered:
.L_overlay_start_0:
0x88: {  	s2 =	sld [smem:$0x3FD9]  }
0x89: {  	s3 =	sld [smem:$0x3FFE];
	_ =	sdelay $0x1  }
0x8a: {  	s1 =	srdreg.scid  }
0x8b: {  	s0 =	sand.u32 $0x1, s1  }
0x8c: {  	s17 =	sshll.u32 s0, $0xA;
	s2 =	sadd.s32 s3, s2  }
0x8d: {  	s2 =	sadd.s32 s2, s17  }
0x8e: {  	[smem:$0x3FC1] =	sst s2  }
0x8f: {  	_ = 	snop  }
0x90: {  	s2 =	sld [smem:$0x3FC7]  }
0x91: {  	s18 =	sld [smem:$0x3FC6]  }
0x92: {  	s4 =	sld [smem:$0x3FC5]  }
0x93: {  	s5 =	sld [smem:$0x3FC4]  }
0x94: {  	s6 =	sld [smem:$0x3FC3]  }
0x95: {  	s7 =	sld [smem:$0x3FD0];
	(tm) =	ssettm $0x1  }
0x96: {  	s8 =	sld [smem:$0x3FFB];
	_ =	sdelay $0x3  }
0x97: {  	_ =	strace s8  }
0x98: {  	s8 =	sld [smem:$0x3FFC];
	_ =	sdelay $0x3  }
0x99: {  	_ =	strace s8  }
0x9a: {  	s8 =	sld [smem:$0x3FFD];
	_ =	sdelay $0x3  }
0x9b: {  	_ =	strace s8  }
0x9c: {  	_ =	strace $0x8FFFFFFF  }
0x9d: {  	s19 =	sld [smem:$0x3FDB];
	_ =	sdelay $0x1  }
0x9e: {  	s9 =	simm.s32 $_scs_section_size  }
0x9f: {  	s10 =	simm.s32 $_size__tile_overlayer_lowered;
	s11 =	simm.s32 $_tile_overlayer_lowered  }
0xa0: {  	s22 =	simm.s32 $0x1BFF;
	s21 =	sshll.u32 s11, $0x1;
	s8 =	sadd.s32 s9, s19  }
0xa1: {  	s12 =	simm.s32 $0x0;
	s20 =	sshll.u32 s10, $0x1;
	s10 =	sadd.s32 s21, s8  }
0xa2: {  	[timem:s12], [sflag:s22] =	dma.local [hbm:s10], s20  }
0xa3: {  	_ =	swait.ge [sflag:s22], s20  }
0xa4: {  	s9 =	ssub.s32 $0x0, s20;
	[sflag:s22] =	ssyncset.done $0x0  }
0xa5: {  	[sflag:s22] =	ssyncadd.s32 s9;
	_ =	sdelay $0x1  }
0xa6: {  	s23 =	simm.s32 $0x1B8B  }
0xa7: {  	_ =	swait.ge [sflag:s23], $0x1  }
0xa8: {  	[sflag:s23] =	ssyncset.done $0x0  }
0xa9: {  	s25 =	simm.s32 $0x1B8E;
	s24 =	sld [smem:$0x3FFE];
	[sflag:s23] =	ssyncadd.s32 $0xFFFFFFFF  }
0xaa: {  	s26 =	simm.s32 $execute0_lowered;
	[smem:$0x3FD2] =	sst s25  }
0xab: {  	s10 =	sshll.u32 s26, $0x1;
	_ =	strace $0x80000046;
	[dreg:$0x1] =	wrdreg $0xFFFFFFFF  }
0xac: {  	s28 =	simm.s32 $_size_execute0_lowered;
	s8 =	sadd.s32 s8, s10;
	[dreg:$0x0] =	wrdreg $0x0  }
0xad: {  	s10 =	sshll.u32 s28, $0x1;
	[dreg:$0x2] =	wrdreg s8  }
0xae: {  	[dreg:$0x3] =	wrdreg s10  }
0xaf: {  	[dreg:$0x4] =	wrdreg $0xC0  }
0xb0: {  	_ =	task [dreg:s12], $0x5FFFF  }
0xb1: {  	[dreg:$0x1] =	wrdreg $0xFFFFFFFF  }
0xb2: {  	[dreg:$0x0] =	wrdreg $0x60  }
0xb3: {  	[dreg:$0x2] =	wrdreg s7  }
0xb4: {  	[dreg:$0x3] =	wrdreg s24  }
0xb5: {  	[dreg:$0x4] =	wrdreg s2  }
0xb6: {  	[dreg:$0x5] =	wrdreg s18  }
0xb7: {  	[dreg:$0x6] =	wrdreg s4  }
0xb8: {  	[dreg:$0x7] =	wrdreg s5  }
0xb9: {  	[dreg:$0x8] =	wrdreg s6  }
0xba: {  	[dreg:$0x9] =	wrdreg $0x9  }
0xbb: {  	_ =	task.clear_ibuf [dreg:s12], $0xAFFFF;
	_ =	strace $0x90000046  }
0xbc: {  	s29 =	simm.s32 $0x9;
	_ =	strace $0x80000048  }
0xbd: {  	_ =	swait.ge [sflag:s29], $0x1  }
0xbe: {  	[sflag:s29] =	ssyncadd.s32 $0xFFFFFFFF  }
0xbf: {  	_ =	strace $0x90000048  }
0xc0: {  	_ =	sfence  }
0xc1: {  	s30 =	sld [smem:$0x0];
	_ =	sdelay $0x2  }
0xc2: {  	s31 =	sshll.u32 s1, $0xD;
	s1 =	sshrl.u32 s1, $0x2  }
0xc3: {  	s3 =	sand.u32 $0x4000, s31;
	s1 =	sadd.s32 s1, s30  }
0xc4: {  	s0 =	sor.u32 s3, s0;
	s1 =	sshll.u32 s1, $0x11  }
0xc5: {  	s0 =	sor.u32 s1, s0  }
0xc6: {  	s0 =	sadd.s32 $0x8F2B, s0  }
0xc7: {  	[sflag:s0] =	ssyncadd.remote.s32 $0x1  }
0xc8: {  	_ =	sfence.sel $0xFFFF  }
0xc9: {  	[dreg:$0x0] =	wrdreg $0xFFFFFFFF;
	(pc) =	sbr.abs _section_cstart, $3  }
0xca: {  	[dreg:$0x1] =	wrdreg $0xFFFFFFFF  }
0xcb: {  	_ =	task.clear_ibuf [dreg:s12], $0x2FFFF;
	_ =	strace $0x9FFFFFFF  }
0xcc: {  	(tm) =	ssettm $0x7FFFFFFF  }
0xcd: {  	_ =	shalt  }
tec
execute0_lowered:
.L_overlay_start_1:
0x0: {  	(tag) =	ssettag $0x1  }
0x1: {  	s0 =	rddreg [dreg:$0x0]  }
0x2: {  	s2 =	rddreg [dreg:$0x1];
	v0 =	vimm.s32 $0xFEDCBA98;
	v1 =	vimm.s32 $0x76543210  }
0x3: {  	s1 =	rddreg [dreg:$0x2];
	v2 =	vimm.s32 $0xBA98FEDC;
	v3 =	vimm.s32 $0x32107654;
	v4 =	vimm.s32 $0xDCFE98BA  }
0x4: {  	s3 =	srdreg.scid;
	s5 =	stileid.u32;
	v5 =	vimm.s32 $0x54761032;
	v6 =	vimm.s32 $0xEFCDAB89;
	v7 =	vimm.s32 $0x67452301  }
0x5: {  	s8 =	simm.s32 $0x0;
	s15 =	simm.s32 $0x9;
	s30 =	simm.s32 $0x64;
	v0 =	vunpack.c.l.s4.s8 v0;
	v1 =	vunpack.c.l.s4.s8 v1;
	v2 =	vunpack.c.l.s4.s8 v2  }
0x6: {  	s31 =	simm.s32 $0x12C00;
	s7 =	simm.s32 $0x2;
	s19 =	simm.s32 $0x8;
	v3 =	vunpack.c.l.s4.s8 v3;
	v4 =	vunpack.c.l.s4.s8 v4;
	v5 =	vunpack.c.l.s4.s8 v5  }
0x7: {  	s13 =	simm.s32 $0x0;
	s3 =	sand.u32 $0x1, s3;
	[smem:$0x7FF] =	sst s8;
	v6 =	vunpack.c.l.s4.s8 v6;
	v7 =	vunpack.c.l.s4.s8 v7;
	v2 =	vunpack.c.0.s8.s32 v2  }
0x8: {  	s9 =	sadd.s32 $0x400, s2;
	s4 =	sshll.u32 s3, $0x4;
	s3 =	ssub.s32 $0x2, s3;
	v3 =	vunpack.c.0.s8.s32 v3;
	v4 =	vunpack.c.0.s8.s32 v4;
	v5 =	vunpack.c.0.s8.s32 v5  }
0x9: {  	s10 =	sadd.s32 $0x6C00, s2;
	s4 =	sor.u32 s5, s4;
	s24 =	sshrl.u32 s3, $0x1;
	v0 =	vunpack.c.0.s8.s32 v0;
	v6 =	vunpack.c.0.s8.s32 v6;
	v7 =	vunpack.c.0.s8.s32 v7  }
0xa: {  	_ =	strace $0x80000047;
	v1 =	vunpack.c.0.s8.s32 v1;
	s5 =	smul.u32 $0x340, s4;
	s2 =	ssub.s32 s3, s24;
	v2 =	vcombine.low v3, v2;
	v3 =	vcombine.low v5, v4  }
0xb: {  	s12 =	sshll.u32 s4, $0x6;
	s17 =	sshll.u32 s4, $0x5;
	s2 =	smax.u32 s2, $0x1;
	v63 =	vcombine.low v7, v6;
	v0 =	vand.u32 $0xF, v0  }
0xc: {  	s4 =	simm.s32 $0x1;
	s25 =	sadd.s32 s0, s5;
	[dreg:$0xc] =	wrdreg s2;
	v0 =	vcombine.low v0, v1;
	v1 =	vand.u32 $0xF, v2;
	v2 =	vand.u32 $0xF, v3  }
0xd: {  	s6 =	sor.u32 $0xD, s5;
	s28 =	sadd.s32 s9, s5;
	[dreg:$0x8] =	wrdreg s25;
	v45 =	vand.u32 $0xF, v63;
	[tilespmem:$0x1FFC0] =	vst v2  }
0xe: {  	s3 =	simm.s32 $0x16000;
	s26 =	sadd.s32 s0, s6;
	[dreg:$0xa] =	wrdreg s28;
	[tilespmem:$0x1FFD0] =	vst v45  }
0xf: {  	s5 =	simm.s32 $0x4;
	s29 =	sadd.s32 s9, s6;
	[dreg:$0x9] =	wrdreg s26;
	[tilespmem:$0x1FFE0] =	vst v0  }
0x10: {  	s25 =	simm.s32 $0x19480;
	s6 =	simm.s32 $0x7;
	[dreg:$0xb] =	wrdreg s29;
	[tilespmem:$0x1FFF0] =	vst v1  }
.LBB2_1:
0x11: {  	[dreg:$0xd] =	wrdreg s13  }
0x12: {  	s2 =	rddreg [dreg:$0x3]  }
0x13: {  	[tilespmem:s8], [sflag:$0x9] =	stream.linear.gather [hbm4b:s2+s8], $0x6400, $0x38;
	[tilespmem:$0x19900] =	vst v63  }
0x14: {  	_ =	swait.ge [sflag:s15], $0x6400  }
0x15: {  	[sflag:s15] =	ssyncset.done $0x0  }
0x16: {  	s11 =	simm.s32 $0x6400;
	[sflag:s15] =	ssyncadd.s32 $0xFFFF9C00  }
0x17: {  	[tilespmem:s11], [sflag:$0x9] =	stream.linear.gather [hbm4b:s2+s8], $0x6400, $0x38;
	[tilespmem:$0x19900] =	vst v63  }
0x18: {  	_ =	swait.ge [sflag:s15], $0x6400  }
0x19: {  	[sflag:s15] =	ssyncset.done $0x0  }
0x1a: {  	s21 =	simm.s32 $0xC800;
	[sflag:s15] =	ssyncadd.s32 $0xFFFF9C00  }
0x1b: {  	[tilespmem:s21], [sflag:$0x9] =	stream.linear.gather [hbm4b:s2+s8], $0x6400, $0x38;
	[tilespmem:$0x19900] =	vst v63  }
0x1c: {  	_ =	swait.ge [sflag:s15], $0x6400  }
0x1d: {  	[sflag:s15] =	ssyncset.done $0x0  }
0x1e: {  	[sflag:s15] =	ssyncadd.s32 $0xFFFF9C00  }
0x1f: {  	s23 =	simm.s32 $0x19600;
	s22 =	rddreg [dreg:$0x4]  }
0x20: {  	[tilespmem:s23], [sflag:$0x9] =	stream.linear.gather [hbm4b:s22+s8], $0x180, $0x38;
	[tilespmem:$0x19900] =	vst v63  }
0x21: {  	_ =	swait.ge [sflag:s15], $0x180  }
0x22: {  	[sflag:s15] =	ssyncset.done $0x0  }
0x23: {  	[sflag:s15] =	ssyncadd.s32 $0xFFFFFE80  }
0x24: {  	s26 =	simm.s32 $0x19800;
	s24 =	rddreg [dreg:$0x5]  }
0x25: {  	[tilespmem:s26], [sflag:$0x9] =	stream.linear.gather [hbm4b:s24+s8], $0x80, $0x38;
	[tilespmem:$0x19900] =	vst v63  }
0x26: {  	_ =	swait.ge [sflag:s15], $0x80  }
0x27: {  	[sflag:s15] =	ssyncset.done $0x0  }
0x28: {  	[sflag:s15] =	ssyncadd.s32 $0xFFFFFF80  }
0x29: {  	s29 =	simm.s32 $0x19880;
	s28 =	rddreg [dreg:$0x6]  }
0x2a: {  	[tilespmem:s29], [sflag:$0x9] =	stream.linear.gather [hbm4b:s28+s8], $0x80, $0x38;
	[tilespmem:$0x19900] =	vst v63  }
0x2b: {  	_ =	swait.ge [sflag:s15], $0x80  }
0x2c: {  	[sflag:s15] =	ssyncset.done $0x0  }
0x2d: {  	[sflag:s15] =	ssyncadd.s32 $0xFFFFFF80  }
0x2e: {  	v4 =	vld [tilespmem:$0x19600]  }
0x2f: {  	v5 =	vld [tilespmem:$0x19610]  }
0x30: {  	v6 =	vld [tilespmem:$0x19620]  }
0x31: {  	v7 =	vld [tilespmem:$0x19630]  }
0x32: {  	v8 =	vld [tilespmem:$0x19640]  }
0x33: {  	v9 =	vld [tilespmem:$0x19650]  }
0x34: {  	v10 =	vld [tilespmem:$0x19660]  }
0x35: {  	v11 =	vld [tilespmem:$0x19670]  }
0x36: {  	v12 =	vld [tilespmem:$0x19680]  }
0x37: {  	v13 =	vld [tilespmem:$0x19690]  }
0x38: {  	v14 =	vld [tilespmem:$0x196A0]  }
0x39: {  	v15 =	vld [tilespmem:$0x196B0]  }
0x3a: {  	v16 =	vld [tilespmem:$0x196C0]  }
0x3b: {  	v17 =	vld [tilespmem:$0x196D0]  }
0x3c: {  	v19 =	vld [tilespmem:$0x196E0]  }
0x3d: {  	v21 =	vld [tilespmem:$0x196F0]  }
0x3e: {  	v23 =	vld [tilespmem:$0x19700]  }
0x3f: {  	v25 =	vld [tilespmem:$0x19710]  }
0x40: {  	v26 =	vld [tilespmem:$0x19720]  }
0x41: {  	v24 =	vld [tilespmem:$0x19730]  }
0x42: {  	v22 =	vld [tilespmem:$0x19740]  }
0x43: {  	v20 =	vld [tilespmem:$0x19750]  }
0x44: {  	v18 =	vld [tilespmem:$0x19760]  }
0x45: {  	v27 =	vld [tilespmem:$0x19770]  }
0x46: {  	v28 =	vld [tilespmem:s8+$0xC8F0]  }
0x47: {  	v29 =	vld [tilespmem:s8+$0x10]  }
0x48: {  	v30 =	vld [tilespmem:s8+$0x20]  }
0x49: {  	v31 =	vld [tilespmem:s8+$0x30]  }
0x4a: {  	v32 =	vld [tilespmem:s8+$0x40]  }
0x4b: {  	v33 =	vld [tilespmem:s8+$0x50]  }
0x4c: {  	v34 =	vld [tilespmem:s8+$0x60];
	v28 =	vadd.f32 v28, v27  }
0x4d: {  	v35 =	vld [tilespmem:s8+$0x70];
	v29 =	vadd.f32 v29, v5  }
0x4e: {  	v41 =	vld [tilespmem:s8+$0x6420];
	v30 =	vadd.f32 v30, v6;
	[tilespmem:s8+$0xC8F0] =	vst v28  }
0x4f: {  	[tilespmem:s8+$0x10] =	vst v29;
	v28 =	vadd.f32 v31, v7;
	v29 =	vld [tilespmem:s8+$0x6400]  }
0x50: {  	[tilespmem:s8+$0x20] =	vst v30;
	v30 =	vadd.f32 v32, v8;
	v31 =	vld [tilespmem:s8+$0x6410]  }
0x51: {  	v42 =	vld [tilespmem:s8+$0x6430];
	[tilespmem:s8+$0x30] =	vst v28;
	v28 =	vadd.f32 v33, v9  }
0x52: {  	v43 =	vld [tilespmem:s8+$0x6440];
	[tilespmem:s8+$0x40] =	vst v30;
	v30 =	vadd.f32 v34, v10  }
0x53: {  	v44 =	vld [tilespmem:s8+$0x6470];
	[tilespmem:s8+$0x50] =	vst v28;
	v28 =	vadd.f32 v35, v11  }
0x54: {  	[tilespmem:s8+$0x60] =	vst v30;
	v30 =	vld [tilespmem:s8+$0x6450];
	v29 =	vadd.f32 v29, v12  }
0x55: {  	[tilespmem:s8+$0x70] =	vst v28;
	v28 =	vadd.f32 v31, v13;
	v31 =	vld [tilespmem:s8+$0x6460]  }
0x56: {  	v46 =	vld [tilespmem:s8+$0xC800];
	[tilespmem:s8+$0x6400] =	vst v29;
	v29 =	vadd.f32 v41, v14  }
0x57: {  	v47 =	vld [tilespmem:s8+$0xC810];
	[tilespmem:s8+$0x6410] =	vst v28;
	v28 =	vadd.f32 v42, v15  }
0x58: {  	v48 =	vld [tilespmem:s8+$0xC840];
	[tilespmem:s8+$0x6420] =	vst v29;
	v29 =	vadd.f32 v43, v16  }
0x59: {  	[tilespmem:s8+$0x6430] =	vst v28;
	v28 =	vadd.f32 v30, v17;
	v30 =	vld [tilespmem:s8+$0xC820]  }
0x5a: {  	[tilespmem:s8+$0x6440] =	vst v29;
	v29 =	vadd.f32 v31, v19;
	v31 =	vld [tilespmem:s8+$0xC830]  }
0x5b: {  	v49 =	vld [tilespmem:s8+$0xC850];
	[tilespmem:s8+$0x6450] =	vst v28;
	v28 =	vadd.f32 v44, v21  }
0x5c: {  	v50 =	vld [tilespmem:s8+$0xC860];
	[tilespmem:s8+$0x6460] =	vst v29;
	v29 =	vadd.f32 v46, v23  }
0x5d: {  	v51 =	vld [tilespmem:s8+$0x90];
	[tilespmem:s8+$0x6470] =	vst v28;
	v28 =	vadd.f32 v47, v25  }
0x5e: {  	[tilespmem:s8+$0xC800] =	vst v29;
	v29 =	vadd.f32 v30, v26;
	v30 =	vld [tilespmem:s8+$0xC870]  }
0x5f: {  	[tilespmem:s8+$0xC810] =	vst v28;
	v28 =	vadd.f32 v31, v24;
	v31 =	vld [tilespmem:s8+$0x80]  }
0x60: {  	v52 =	vld [tilespmem:s8+$0xA0];
	[tilespmem:s8+$0xC820] =	vst v29;
	v29 =	vadd.f32 v48, v22  }
0x61: {  	v53 =	vld [tilespmem:s8+$0xB0];
	[tilespmem:s8+$0xC830] =	vst v28;
	v28 =	vadd.f32 v49, v20  }
0x62: {  	v54 =	vld [tilespmem:s8+$0xE0];
	[tilespmem:s8+$0xC840] =	vst v29;
	v29 =	vadd.f32 v50, v18  }
0x63: {  	[tilespmem:s8+$0xC850] =	vst v28;
	v28 =	vadd.f32 v30, v27;
	v30 =	vld [tilespmem:s8+$0xC0]  }
0x64: {  	[tilespmem:s8+$0xC860] =	vst v29;
	v29 =	vadd.f32 v31, v4;
	v31 =	vld [tilespmem:s8+$0xD0]  }
0x65: {  	v55 =	vld [tilespmem:s8+$0xF0];
	[tilespmem:s8+$0xC870] =	vst v28;
	v28 =	vadd.f32 v51, v5  }
0x66: {  	v56 =	vld [tilespmem:s8+$0x6480];
	[tilespmem:s8+$0x80] =	vst v29;
	v29 =	vadd.f32 v52, v6  }
0x67: {  	v60 =	vld [tilespmem:s8+$0xC880];
	[tilespmem:s8+$0x90] =	vst v28;
	v28 =	vadd.f32 v53, v7  }
0x68: {  	[tilespmem:s8+$0xA0] =	vst v29;
	v29 =	vadd.f32 v30, v8;
	v30 =	vld [tilespmem:s8+$0x6490]  }
0x69: {  	[tilespmem:s8+$0xB0] =	vst v28;
	v28 =	vadd.f32 v31, v9;
	v31 =	vld [tilespmem:s8+$0x64A0]  }
0x6a: {  	[tilespmem:s8+$0xC0] =	vst v29;
	v29 =	vadd.f32 v54, v10  }
0x6b: {  	v57 =	vld [tilespmem:s8+$0x64B0];
	[tilespmem:s8+$0xD0] =	vst v28;
	v28 =	vadd.f32 v55, v11  }
0x6c: {  	v58 =	vld [tilespmem:s8+$0x64C0];
	[tilespmem:s8+$0xE0] =	vst v29;
	v29 =	vadd.f32 v56, v12  }
0x6d: {  	v63 =	vadd.f32 v60, v23;
	[tilespmem:s8+$0xF0] =	vst v28;
	v28 =	vadd.f32 v30, v13;
	v30 =	vld [tilespmem:s8+$0x64E0]  }
0x6e: {  	[tilespmem:s8+$0x6480] =	vst v29;
	v29 =	vadd.f32 v31, v14;
	v31 =	vld [tilespmem:s8+$0x64F0]  }
0x6f: {  	v59 =	vld [tilespmem:s8+$0x64D0];
	[tilespmem:s8+$0xC880] =	vst v63  }
0x70: {  	v61 =	vld [tilespmem:s8+$0xC890];
	[tilespmem:s8+$0x6490] =	vst v28;
	v28 =	vadd.f32 v57, v15  }
0x71: {  	v62 =	vld [tilespmem:s8+$0xC8A0];
	[tilespmem:s8+$0x64A0] =	vst v29;
	v29 =	vadd.f32 v58, v16  }
0x72: {  	[tilespmem:s8+$0x64B0] =	vst v28;
	v28 =	vld [tilespmem:s8+$0xC8B0];
	v30 =	vadd.f32 v30, v19  }
0x73: {  	[tilespmem:s8+$0x64C0] =	vst v29;
	v29 =	vld [tilespmem:s8+$0xC8C0];
	v31 =	vadd.f32 v31, v21  }
0x74: {  	v34 =	vadd.f32 v59, v17;
	[tilespmem:s8+$0x64E0] =	vst v30;
	v30 =	vld [tilespmem:s8+$0xC8D0]  }
0x75: {  	v33 =	vadd.f32 v61, v25;
	[tilespmem:s8+$0x64F0] =	vst v31;
	v31 =	vld [tilespmem:s8+$0xC8E0]  }
0x76: {  	s13 =	simm.s32 $0x0;
	s14 =	simm.s32 $0x100;
	s11 =	simm.s32 $0x0;
	v32 =	vld [tilespmem:s8+$0x0];
	[tilespmem:s8+$0x64D0] =	vst v34;
	v34 =	vadd.f32 v62, v26  }
.LBB2_2:
0x77: {  	v35 =	vld [tilespmem:s14+$0xC8F0];
	s13 =	sadd.s32 $0x2, s13;
	[tilespmem:s11+$0xC890] =	vst v33;
	v28 =	vadd.f32 v28, v24  }
0x78: {  	v33 =	vld [tilespmem:s14+$0x10];
	p0 =	slt.u32 s13, $0xC6;
	[tilespmem:s11+$0xC8A0] =	vst v34;
	v29 =	vadd.f32 v29, v22  }
0x79: {  	v34 =	vld [tilespmem:s14+$0x20];
	[tilespmem:s11+$0xC8B0] =	vst v28;
	v28 =	vadd.f32 v30, v20  }
0x7a: {  	v30 =	vld [tilespmem:s14+$0x30];
	[tilespmem:s11+$0xC8C0] =	vst v29;
	v29 =	vadd.f32 v31, v18  }
0x7b: {  	v31 =	vld [tilespmem:s14+$0x40];
	v32 =	vadd.f32 v32, v4;
	[tilespmem:s11+$0xC8D0] =	vst v28  }
0x7c: {  	v28 =	vld [tilespmem:s14+$0x50];
	v35 =	vadd.f32 v35, v27;
	[tilespmem:s11+$0xC8E0] =	vst v29  }
0x7d: {  	v29 =	vadd.f32 v33, v5;
	v33 =	vld [tilespmem:s14+$0x60];
	[tilespmem:s11+$0x0] =	vst v32;
	s11 =	smov.u32 s14  }
0x7e: {  	v32 =	vadd.f32 v34, v6;
	v34 =	vld [tilespmem:s14+$0x70];
	[tilespmem:s14+$0xC8F0] =	vst v35  }
0x7f: {  	[tilespmem:s14+$0x10] =	vst v29;
	v29 =	vadd.f32 v30, v7;
	v30 =	vld [tilespmem:s14+$0x6400]  }
0x80: {  	[tilespmem:s14+$0x20] =	vst v32;
	v31 =	vadd.f32 v31, v8;
	v32 =	vld [tilespmem:s14+$0x6410]  }
0x81: {  	[tilespmem:s14+$0x30] =	vst v29;
	v28 =	vadd.f32 v28, v9;
	v29 =	vld [tilespmem:s14+$0x6420]  }
0x82: {  	[tilespmem:s14+$0x40] =	vst v31;
	v31 =	vadd.f32 v33, v10;
	v33 =	vld [tilespmem:s14+$0x6430]  }
0x83: {  	[tilespmem:s14+$0x50] =	vst v28;
	v28 =	vadd.f32 v34, v11;
	v34 =	vld [tilespmem:s14+$0x6440]  }
0x84: {  	[tilespmem:s14+$0x60] =	vst v31;
	v30 =	vadd.f32 v30, v12;
	v31 =	vld [tilespmem:s14+$0x6450]  }
0x85: {  	[tilespmem:s14+$0x70] =	vst v28;
	v28 =	vadd.f32 v32, v13;
	v32 =	vld [tilespmem:s14+$0x6460]  }
0x86: {  	[tilespmem:s14+$0x6400] =	vst v30;
	v29 =	vadd.f32 v29, v14;
	v30 =	vld [tilespmem:s14+$0x6470]  }
0x87: {  	[tilespmem:s14+$0x6410] =	vst v28;
	v28 =	vadd.f32 v33, v15;
	v33 =	vld [tilespmem:s14+$0xC800]  }
0x88: {  	[tilespmem:s14+$0x6420] =	vst v29;
	v29 =	vadd.f32 v34, v16;
	v34 =	vld [tilespmem:s14+$0xC810]  }
0x89: {  	[tilespmem:s14+$0x6430] =	vst v28;
	v28 =	vadd.f32 v31, v17;
	v31 =	vld [tilespmem:s14+$0xC820]  }
0x8a: {  	[tilespmem:s14+$0x6440] =	vst v29;
	v29 =	vadd.f32 v32, v19;
	v32 =	vld [tilespmem:s14+$0xC830]  }
0x8b: {  	[tilespmem:s14+$0x6450] =	vst v28;
	v28 =	vadd.f32 v30, v21;
	v30 =	vld [tilespmem:s14+$0xC840]  }
0x8c: {  	[tilespmem:s14+$0x6460] =	vst v29;
	v29 =	vadd.f32 v33, v23;
	v33 =	vld [tilespmem:s14+$0xC850]  }
0x8d: {  	[tilespmem:s14+$0x6470] =	vst v28;
	v28 =	vadd.f32 v34, v25;
	v34 =	vld [tilespmem:s14+$0xC860]  }
0x8e: {  	[tilespmem:s14+$0xC800] =	vst v29;
	v29 =	vadd.f32 v31, v26;
	v31 =	vld [tilespmem:s14+$0xC870]  }
0x8f: {  	[tilespmem:s14+$0xC810] =	vst v28;
	v28 =	vadd.f32 v32, v24;
	v32 =	vld [tilespmem:s14+$0x80]  }
0x90: {  	[tilespmem:s14+$0xC820] =	vst v29;
	v29 =	vadd.f32 v30, v22;
	v30 =	vld [tilespmem:s14+$0x90]  }
0x91: {  	[tilespmem:s14+$0xC830] =	vst v28;
	v28 =	vadd.f32 v33, v20;
	v33 =	vld [tilespmem:s14+$0xA0]  }
0x92: {  	[tilespmem:s14+$0xC840] =	vst v29;
	v29 =	vadd.f32 v34, v18;
	v34 =	vld [tilespmem:s14+$0xB0]  }
0x93: {  	[tilespmem:s14+$0xC850] =	vst v28;
	v28 =	vadd.f32 v31, v27;
	v31 =	vld [tilespmem:s14+$0xC0]  }
0x94: {  	[tilespmem:s14+$0xC860] =	vst v29;
	v29 =	vadd.f32 v32, v4;
	v32 =	vld [tilespmem:s14+$0xD0]  }
0x95: {  	[tilespmem:s14+$0xC870] =	vst v28;
	v28 =	vadd.f32 v30, v5;
	v30 =	vld [tilespmem:s14+$0xE0]  }
0x96: {  	[tilespmem:s14+$0x80] =	vst v29;
	v29 =	vadd.f32 v33, v6;
	v33 =	vld [tilespmem:s14+$0xF0]  }
0x97: {  	[tilespmem:s14+$0x90] =	vst v28;
	v28 =	vadd.f32 v34, v7;
	v34 =	vld [tilespmem:s14+$0x6480]  }
0x98: {  	[tilespmem:s14+$0xA0] =	vst v29;
	v29 =	vadd.f32 v31, v8;
	v31 =	vld [tilespmem:s14+$0x6490]  }
0x99: {  	[tilespmem:s14+$0xB0] =	vst v28;
	v28 =	vadd.f32 v32, v9;
	v32 =	vld [tilespmem:s14+$0x64A0]  }
0x9a: {  	[tilespmem:s14+$0xC0] =	vst v29;
	v29 =	vadd.f32 v30, v10;
	v30 =	vld [tilespmem:s14+$0x64B0]  }
0x9b: {  	[tilespmem:s14+$0xD0] =	vst v28;
	v28 =	vadd.f32 v33, v11;
	v33 =	vld [tilespmem:s14+$0x64C0]  }
0x9c: {  	[tilespmem:s14+$0xE0] =	vst v29;
	v29 =	vadd.f32 v34, v12;
	v34 =	vld [tilespmem:s14+$0x64D0]  }
0x9d: {  	[tilespmem:s14+$0xF0] =	vst v28;
	v28 =	vadd.f32 v31, v13;
	v31 =	vld [tilespmem:s14+$0x64E0]  }
0x9e: {  	[tilespmem:s14+$0x6480] =	vst v29;
	v29 =	vadd.f32 v32, v14;
	v32 =	vld [tilespmem:s14+$0x64F0]  }
0x9f: {  	[tilespmem:s14+$0x6490] =	vst v28;
	v28 =	vadd.f32 v30, v15;
	v30 =	vld [tilespmem:s14+$0xC880]  }
0xa0: {  	[tilespmem:s14+$0x64A0] =	vst v29;
	v29 =	vadd.f32 v33, v16;
	v33 =	vld [tilespmem:s14+$0xC890]  }
0xa1: {  	[tilespmem:s14+$0x64B0] =	vst v28;
	v34 =	vadd.f32 v34, v17;
	v35 =	vld [tilespmem:s14+$0xC8A0]  }
.Ltmp0:
0xa2: {  	[tilespmem:s14+$0x64C0] =	vst v29;
	v31 =	vadd.f32 v31, v19;
	v28 =	vld [tilespmem:s14+$0xC8B0];
	(pc) =	sbr.rel @p0 .LBB2_2-.Ltmp0, $4  }
0xa3: {  	[tilespmem:s14+$0x64D0] =	vst v34;
	v32 =	vadd.f32 v32, v21;
	v29 =	vld [tilespmem:s14+$0xC8C0]  }
0xa4: {  	[tilespmem:s14+$0x64E0] =	vst v31;
	v34 =	vadd.f32 v30, v23;
	v30 =	vld [tilespmem:s14+$0xC8D0]  }
0xa5: {  	[tilespmem:s14+$0x64F0] =	vst v32;
	v33 =	vadd.f32 v33, v25;
	v31 =	vld [tilespmem:s14+$0xC8E0]  }
0xa6: {  	s14 =	sadd.s32 $0x100, s14;
	v32 =	vld [tilespmem:s11+$0x0];
	[tilespmem:s11+$0xC880] =	vst v34;
	v34 =	vadd.f32 v35, v26  }
0xa7: {  	[tilespmem:s11+$0xC890] =	vst v33;
	v5 =	vadd.f32 v28, v24  }
0xa8: {  	[tilespmem:s11+$0xC8A0] =	vst v34;
	v6 =	vadd.f32 v29, v22  }
0xa9: {  	[tilespmem:s11+$0xC8B0] =	vst v5;
	v47 =	vadd.f32 v30, v20  }
0xaa: {  	[tilespmem:s11+$0xC8C0] =	vst v6;
	v48 =	vadd.f32 v31, v18  }
0xab: {  	v4 =	vadd.f32 v32, v4;
	[tilespmem:s11+$0xC8D0] =	vst v47  }
0xac: {  	[tilespmem:s11+$0xC8E0] =	vst v48  }
0xad: {  	[tilespmem:s11+$0x0] =	vst v4  }
0xae: {  	v4 =	vld [tilespmem:$0x19800]  }
0xaf: {  	v49 =	vld [tilespmem:$0x19810]  }
0xb0: {  	v50 =	vld [tilespmem:$0x19820]  }
0xb1: {  	v51 =	vld [tilespmem:$0x19830]  }
0xb2: {  	v52 =	vld [tilespmem:$0x19840]  }
0xb3: {  	v53 =	vld [tilespmem:$0x19850]  }
0xb4: {  	v54 =	vld [tilespmem:$0x19860]  }
0xb5: {  	v55 =	vld [tilespmem:$0x19870]  }
0xb6: {  	v56 =	vld [tilespmem:$0x19880]  }
0xb7: {  	v57 =	vld [tilespmem:$0x19890]  }
0xb8: {  	v58 =	vld [tilespmem:$0x198A0]  }
0xb9: {  	v59 =	vld [tilespmem:$0x198B0]  }
0xba: {  	v60 =	vld [tilespmem:$0x198C0]  }
0xbb: {  	v61 =	vld [tilespmem:$0x198D0]  }
0xbc: {  	s23 =	simm.s32 $0x0;
	s21 =	simm.s32 $0x19400;
	v62 =	vld [tilespmem:$0x198E0];
	s2 =	rddreg [dreg:$0x8]  }
0xbd: {  	v63 =	vld [tilespmem:$0x198F0];
	[tilespmem:s21], [sflag:$0x3] =	stream.linear.gather [hbm4b:s2+s23], $0x64, $0x38  }
0xbe: {  	s22 =	rddreg [dreg:$0x9]  }
0xbf: {  	[tilespmem:s25], [sflag:$0x4] =	stream.linear.gather [hbm4b:s22+s23], $0x64, $0x38;
	[tilespmem:$0x19900] =	vst v63  }
0xc0: {  	[tilespmem:$0x1FEC0] =	vst v4  }
0xc1: {  	[tilespmem:$0x1FED0] =	vst v49  }
0xc2: {  	[tilespmem:$0x1FEE0] =	vst v50  }
0xc3: {  	[tilespmem:$0x1FEF0] =	vst v51  }
0xc4: {  	[tilespmem:$0x1FF00] =	vst v52  }
0xc5: {  	[tilespmem:$0x1FF10] =	vst v53  }
0xc6: {  	[tilespmem:$0x1FF20] =	vst v54  }
0xc7: {  	[tilespmem:$0x1FF30] =	vst v55  }
0xc8: {  	[tilespmem:$0x1FF40] =	vst v56  }
0xc9: {  	[tilespmem:$0x1FF50] =	vst v57  }
0xca: {  	[tilespmem:$0x1FF60] =	vst v58  }
0xcb: {  	[tilespmem:$0x1FF70] =	vst v59  }
0xcc: {  	[tilespmem:$0x1FF80] =	vst v60  }
0xcd: {  	[tilespmem:$0x1FF90] =	vst v61  }
0xce: {  	s13 =	simm.s32 $0x19500;
	s24 =	rddreg [dreg:$0xa];
	[tilespmem:$0x1FFA0] =	vst v62  }
0xcf: {  	[tilespmem:s13], [sflag:$0x7] =	stream.linear.gather [hbm4b:s24+s23], $0x64, $0x38;
	[tilespmem:$0x19900] =	vst v63  }
0xd0: {  	s28 =	simm.s32 $0x19580;
	s29 =	simm.s32 $0x3;
	s26 =	rddreg [dreg:$0xb];
	[tilespmem:$0x1FFB0] =	vst v63  }
0xd1: {  	[tilespmem:s28], [sflag:$0x8] =	stream.linear.gather [hbm4b:s26+s23], $0x64, $0x38;
	[tilespmem:$0x19900] =	vst v63  }
0xd2: {  	_ =	swait.ge [sflag:s29], $0x64  }
0xd3: {  	[sflag:s29] =	ssyncset.done $0x0  }
0xd4: {  	[sflag:s29] =	ssyncadd.s32 $0xFFFFFF9C  }
0xd5: {  	[tilespmem:s31], [sflag:$0x1] =	stream.indirect.gather [hbm4b:s1+s30], $0x80, s21, s30, $0xb8;
	[tilespmem:$0x19900] =	vst v63  }
.LBB2_4:
0xd6: {  	s28 =	sshll.u32 s23, $0x1  }
0xd7: {  	p0 =	seq.s32 s23, $0x1F;
	s2 =	sadd.s32 $0x2, s28  }
0xd8: {  	s2 =	sadd.s32 @!p0 s12, s2  }
0xd9: {  	_ =	swait.ge [sflag:s4], $0x3200;
	s26 =	smul.u32 @!p0 $0xD, s2  }
0xda: {  	[sflag:s4] =	ssyncset.done $0x0;
	s11 =	simm.s32 @!p0 $0x0  }
0xdb: {  	s13 =	simm.s32 @!p0 $0x19400;
	[sflag:s4] =	ssyncadd.s32 $0xFFFFCE00;
	s2 =	sadd.s32 @!p0 s0, s26  }
0xdc: {  	[tilespmem:s13], [sflag:$0x3] =	stream.linear.gather @!p0 [hbm4b:s2+s11], $0x64, $0x38;
	[tilespmem:$0x19900] =	vst v63  }
0xdd: {  	_ =	swait.ge [sflag:s5], $0x64  }
0xde: {  	p1 =	seq.s32 s23, $0x0;
	[sflag:s5] =	ssyncset.done $0x0  }
0xdf: {  	s2 =	simm.s32 @!p1 $0x6;
	[sflag:s5] =	ssyncadd.s32 $0xFFFFFF9C  }
0xe0: {  	_ =	swait.ge @!p1 [sflag:s2], $0x3200  }
0xe1: {  	[sflag:s2] =	ssyncset.done @!p1 $0x0  }
0xe2: {  	[sflag:s2] =	ssyncadd.s32 @!p1 $0xFFFFCE00  }
0xe3: {  	[tilespmem:s3], [sflag:$0x2] =	stream.indirect.gather [hbm4b:s1+s30], $0x80, s25, s30, $0xb8;
	[tilespmem:$0x19900] =	vst v63  }
0xe4: {  	_ =	swait.ge [sflag:s6], $0x64  }
0xe5: {  	[sflag:s6] =	ssyncset.done $0x0  }
0xe6: {  	s20 =	simm.s32 $0x19502;
	[sflag:s6] =	ssyncadd.s32 $0xFFFFFF9C  }
0xe7: {  	v4 =	vld [tilespmem:s20+$0x1];
	_ =	sdelay $0x4  }
0xe8: {  	(v2sf) =	vpush v4, $0x0  }
0xe9: {  	v4 =	vld [tilespmem:s20+$0xFFFFFFFF]  }
0xea: {  	v5 =	vld [tilespmem:s20+$0x0]  }
0xeb: {  	v6 =	vld [tilespmem:s20+$0xFFFFFFFE];
	_ =	sdelay $0x2  }
0xec: {  	(v2sf) =	vpush v4, $0x0  }
0xed: {  	(v2sf) =	vpush v5, $0x0  }
0xee: {  	(v2sf) =	vpush v6, $0x0;
	_ =	sdelay $0x2  }
0xef: {  	s24 =	simm.s32 $0x0  }
0xf0: {  	v7 =	vld [tilespmem:s24+$0x12DB0]  }
0xf1: {  	v8 =	vld [tilespmem:s24+$0x12DC0]  }
0xf2: {  	v9 =	vld [tilespmem:s24+$0x12DD0]  }
0xf3: {  	v10 =	vld [tilespmem:s24+$0x12DE0];
	s21 =	spop (v2sf)  }
0xf4: {  	v11 =	vld [tilespmem:s24+$0x12DF0];
	s2 =	smul.u32 $0x19000, s21  }
0xf5: {  	v4 =	vld [tilespmem:s24+$0x12D80]  }
0xf6: {  	v5 =	vld [tilespmem:s24+$0x12D90];
	s2 =	sshra.s32 s2, $0x2  }
0xf7: {  	v6 =	vld [tilespmem:s24+$0x12DA0];
	s2 =	sadd.s32 $0x0, s2  }
0xf8: {  	v12 =	vld [tilespmem:s2+$0x180]  }
0xf9: {  	s22 =	spop (v2sf);
	v13 =	vld [tilespmem:s2+$0x190]  }
0xfa: {  	v14 =	vld [tilespmem:s2+$0x1A0];
	s29 =	spop (v2sf)  }
0xfb: {  	v15 =	vld [tilespmem:s2+$0x1B0];
	s14 =	spop (v2sf)  }
0xfc: {  	v16 =	vld [tilespmem:s2+$0x1C0];
	s14 =	smul.u32 $0x19000, s14  }
0xfd: {  	v17 =	vld [tilespmem:s2+$0x1D0]  }
0xfe: {  	v20 =	vld [tilespmem:s2+$0x1E0];
	s14 =	sshra.s32 s14, $0x2  }
0xff: {  	v21 =	vld [tilespmem:s2+$0x1F0];
	s14 =	sadd.s32 $0x0, s14  }
0x100: {  	v22 =	vld [tilespmem:s14+$0x0]  }
0x101: {  	v23 =	vld [tilespmem:s14+$0x10]  }
0x102: {  	v24 =	vld [tilespmem:s14+$0x20]  }
0x103: {  	v18 =	vadd.f32 v13, v5;
	v25 =	vld [tilespmem:s14+$0x30]  }
0x104: {  	v30 =	vadd.f32 v14, v6;
	v26 =	vld [tilespmem:s14+$0x40]  }
0x105: {  	v19 =	vadd.f32 v15, v7;
	v28 =	vld [tilespmem:s14+$0x50];
	[tilespmem:$0x1FA70] =	vst v18  }
0x106: {  	s11 =	smul.u32 $0x19000, s22;
	v29 =	vadd.f32 v16, v8;
	v5 =	vld [tilespmem:s14+$0x60];
	[tilespmem:$0x1FA80] =	vst v30  }
0x107: {  	v27 =	vadd.f32 v17, v9;
	[tilespmem:$0x1FA90] =	vst v19  }
0x108: {  	s2 =	sshra.s32 s11, $0x2;
	v6 =	vld [tilespmem:s14+$0x70];
	[tilespmem:$0x1FAA0] =	vst v29  }
0x109: {  	s2 =	sadd.s32 $0x0, s2;
	[tilespmem:$0x1FAB0] =	vst v27  }
0x10a: {  	s16 =	smul.u32 $0x19000, s29;
	v62 =	vadd.f32 v12, v4;
	v12 =	vld [tilespmem:s2+$0x80]  }
0x10b: {  	v17 =	vadd.f32 v20, v10;
	v13 =	vld [tilespmem:s2+$0x90]  }
0x10c: {  	s11 =	sshra.s32 s16, $0x2;
	v56 =	vmul.f32 v29, v29;
	v32 =	vmul.f32 v27, v27;
	v14 =	vld [tilespmem:s2+$0xA0]  }
0x10d: {  	s11 =	sadd.s32 $0x0, s11;
	v16 =	vld [tilespmem:s2+$0xB0];
	[tilespmem:$0x1FAC0] =	vst v17  }
0x10e: {  	v57 =	vadd.f32 v32, v56;
	v32 =	vld [tilespmem:s11+$0x110]  }
0x10f: {  	v35 =	vld [tilespmem:s11+$0x130]  }
0x110: {  	v37 =	vld [tilespmem:s11+$0x140]  }
0x111: {  	v61 =	vadd.f32 v21, v11;
	v4 =	vadd.f32 v18, v62;
	v44 =	vld [tilespmem:s11+$0x160]  }
0x112: {  	v7 =	vadd.f32 v19, v30;
	v8 =	vmul.f32 v62, v62;
	v9 =	vadd.f32 v27, v29;
	v36 =	vld [tilespmem:s24+$0x12C20]  }
0x113: {  	v10 =	vmul.f32 v18, v18;
	v15 =	vmul.f32 v30, v30;
	v11 =	vmovc v17;
	v17 =	vadd.f32 v61, v17;
	v40 =	vld [tilespmem:s24+$0x12C40]  }
0x114: {  	v55 =	vmul.f32 v19, v19;
	v33 =	vmul.f32 v11, v11;
	v41 =	vld [tilespmem:s24+$0x12C50]  }
0x115: {  	v4 =	vadd.f32 v7, v4;
	v42 =	vld [tilespmem:s24+$0x12C60];
	v7 =	vadd.f32 v17, v9;
	v9 =	vmul.f32 v61, v61  }
0x116: {  	v8 =	vadd.f32 v10, v8;
	v43 =	vld [tilespmem:s24+$0x12C70]  }
0x117: {  	v10 =	vadd.f32 v55, v15;
	v46 =	vld [tilespmem:s24+$0x12C80];
	v9 =	vadd.f32 v9, v33  }
0x118: {  	v47 =	vld [tilespmem:s24+$0x12C90];
	v4 =	vadd.f32 v7, v4  }
0x119: {  	v48 =	vld [tilespmem:s24+$0x12CA0];
	v7 =	vadd.f32 v10, v8;
	v8 =	vadd.f32 v9, v57  }
0x11a: {  	v60 =	vld [tilespmem:s24+$0x12D40]  }
0x11b: {  	v17 =	vld [tilespmem:s2+$0xE0];
	v7 =	vadd.f32 v8, v7;
	v8 =	vperm.xlane v4, v0  }
0x11c: {  	v33 =	vld [tilespmem:s11+$0x120]  }
0x11d: {  	v29 =	vadd.f32 v28, v41;
	v28 =	vld [tilespmem:s24+$0x12CE0];
	v4 =	vadd.f32 v4, v8  }
0x11e: {  	v46 =	vadd.f32 v12, v46;
	v12 =	vld [tilespmem:s24+$0x12D10];
	v8 =	vperm.xlane v7, v0  }
0x11f: {  	v11 =	vadd.f32 v24, v36;
	v51 =	vadd.f32 v5, v42;
	v42 =	vld [tilespmem:s24+$0x12D20];
	v9 =	vperm.xlane v4, v1  }
0x120: {  	v52 =	vadd.f32 v6, v43;
	v7 =	vadd.f32 v8, v7;
	v8 =	vld [tilespmem:s24+$0x12C00]  }
0x121: {  	v31 =	vadd.f32 v13, v47;
	v13 =	vld [tilespmem:s24+$0x12D30];
	v4 =	vadd.f32 v4, v9  }
0x122: {  	v27 =	vadd.f32 v14, v48;
	v53 =	vadd.f32 v17, v28;
	v28 =	vld [tilespmem:s24+$0x12D60];
	v9 =	vperm.xlane v7, v1  }
0x123: {  	v30 =	vld [tilespmem:s2+$0xC0];
	v41 =	vadd.f32 v52, v51;
	v32 =	vadd.f32 v32, v12;
	v58 =	vperm.xlane v4, v2  }
0x124: {  	v10 =	vld [tilespmem:s24+$0x12C10];
	v14 =	vmul.f32 v29, v29;
	v17 =	vadd.f32 v33, v42;
	v7 =	vadd.f32 v9, v7  }
0x125: {  	v6 =	vmul.f32 v31, v31;
	v8 =	vadd.f32 v22, v8;
	v22 =	vld [tilespmem:s24+$0x12CC0];
	v4 =	vadd.f32 v4, v58  }
0x126: {  	v34 =	vld [tilespmem:s2+$0xD0];
	v42 =	vadd.f32 v35, v13;
	v13 =	vadd.f32 v37, v60;
	v9 =	vperm.xlane v7, v2  }
0x127: {  	v18 =	vmovc v2;
	v39 =	vld [tilespmem:s24+$0x12C30];
	v44 =	vadd.f32 v44, v28;
	v2 =	vadd.f32 v26, v40;
	v20 =	vperm.xlane v4, v45  }
0x128: {  	v15 =	vld [tilespmem:s2+$0xF0];
	v28 =	vadd.f32 v42, v17;
	v55 =	vmul.f32 v8, v8;
	v9 =	vadd.f32 v9, v7  }
0x129: {  	v38 =	vld [tilespmem:s11+$0x150];
	v63 =	vadd.f32 v29, v2;
	v43 =	vmul.f32 v2, v2;
	v4 =	vadd.f32 v4, v20  }
0x12a: {  	v59 =	vperm.xlane v9, v45;
	v20 =	vadd.f32 v23, v10;
	v23 =	vld [tilespmem:s24+$0x12CB0];
	v48 =	vadd.f32 v30, v22  }
0x12b: {  	v30 =	vld [tilespmem:s24+$0x12D50];
	v41 =	vadd.f32 v41, v63;
	v14 =	vadd.f32 v14, v43;
	v43 =	vmul.f32 v17, v17  }
0x12c: {  	v54 =	vld [tilespmem:s11+$0x170];
	v10 =	vadd.f32 v59, v9;
	v36 =	vmul.f32 $7.812500000e-03, v4;
	v9 =	vadd.f32 v25, v39  }
0x12d: {  	v24 =	vadd.f32 v20, v8;
	v25 =	vld [tilespmem:s24+$0x12CD0];
	v58 =	vmul.f32 v20, v20;
	v59 =	vmul.f32 v11, v11  }
0x12e: {  	v39 =	vld [tilespmem:s24+$0x12CF0];
	v10 =	vmul.f32 $7.812500000e-03, v10;
	v26 =	vmul.f32 v36, v36;
	v56 =	vadd.f32 v9, v11  }
0x12f: {  	v4 =	vld [tilespmem:s24+$0x12D70];
	v40 =	vmul.f32 v9, v9;
	v55 =	vadd.f32 v58, v55;
	v47 =	vadd.f32 v16, v23  }
0x130: {  	v22 =	vmul.f32 v48, v48;
	v37 =	vadd.f32 v38, v30;
	v5 =	vsub.f32 v10, v26  }
0x131: {  	v23 =	vmul.f32 v51, v51;
	v24 =	vadd.f32 v56, v24;
	v40 =	vadd.f32 v40, v59  }
0x132: {  	v21 =	vld [tilespmem:s11+$0x100];
	v49 =	vadd.f32 v34, v25;
	v25 =	vadd.f32 v31, v46;
	v34 =	vmul.f32 v52, v52  }
0x133: {  	v26 =	vld [tilespmem:s24+$0x12D00];
	v50 =	vadd.f32 v15, v39;
	v15 =	vmul.f32 v46, v46;
	v16 =	vadd.f32 v47, v27  }
0x134: {  	v12 =	vmul.f32 v47, v47;
	v38 =	vadd.f32 v54, v4;
	v35 =	vadd.f32 v37, v13  }
0x135: {  	v57 =	vadd.f32 $9.999999740e-06, v5;
	v5 =	vmul.f32 v53, v53;
	v7 =	vadd.f32 v49, v48  }
0x136: {  	v60 =	vmul.f32 v49, v49;
	v4 =	vadd.f32 v38, v44;
	v23 =	vadd.f32 v34, v23  }
0x137: {  	v54 =	vmul.f32 v50, v50;
	v16 =	vadd.f32 v16, v25;
	v6 =	vadd.f32 v6, v15  }
0x138: {  	s18 =	simm.s32 $0x19506;
	v34 =	vmul.f32 v42, v42;
	v39 =	vadd.f32 v21, v26;
	v21 =	vadd.f32 v50, v53  }
0x139: {  	v25 =	vld [tilespmem:s18+$0x1];
	v15 =	vmul.f32 v13, v13;
	v59 =	vadd.f32 v60, v22;
	v5 =	vadd.f32 v54, v5  }
0x13a: {  	v26 =	vmul.f32 v27, v27;
	v4 =	vadd.f32 v4, v35;
	v34 =	vadd.f32 v34, v43  }
0x13b: {  	v60 =	vmul.f32 v37, v37;
	v35 =	vadd.f32 v41, v24;
	v14 =	vadd.f32 v23, v14  }
0x13c: {  	v63 =	vmul.f32 v32, v32;
	v30 =	vadd.f32 v32, v39;
	v7 =	vadd.f32 v21, v7  }
0x13d: {  	v56 =	vmul.f32 v39, v39;
	v12 =	vadd.f32 v12, v26;
	v15 =	vadd.f32 v60, v15  }
0x13e: {  	(v2sf) =	vpush v25, $0x0;
	v26 =	vadd.f32 v28, v30  }
0x13f: {  	v28 =	vmul.f32 v44, v44;
	v30 =	vadd.f32 v63, v56;
	v63 =	vmul.f32 v38, v38  }
0x140: {  	v5 =	vadd.f32 v5, v59;
	v25 =	vadd.f32 v40, v55  }
0x141: {  	v7 =	vadd.f32 v7, v16;
	v24 =	vadd.f32 v63, v28  }
0x142: {  	v6 =	vadd.f32 v12, v6;
	v14 =	vadd.f32 v14, v25  }
0x143: {  	v43 =	vld [tilespmem:s18+$0xFFFFFFFF];
	v12 =	vperm.xlane v35, v0;
	v16 =	vadd.f32 v34, v30;
	v15 =	vadd.f32 v24, v15  }
0x144: {  	v4 =	vadd.f32 v4, v26;
	v5 =	vadd.f32 v5, v6  }
0x145: {  	v6 =	vadd.f32 v35, v12;
	v15 =	vadd.f32 v15, v16;
	v16 =	vperm.xlane v14, v0  }
0x146: {  	v41 =	vperm.xlane v7, v0;
	v24 =	vld [tilespmem:s18+$0x0]  }
0x147: {  	v12 =	vperm.xlane v4, v0;
	v55 =	vperm.xlane v6, v1;
	v14 =	vadd.f32 v16, v14;
	v16 =	vld [tilespmem:s18+$0xFFFFFFFE]  }
0x148: {  	(v2sf) =	vpush v43, $0x0;
	v7 =	vadd.f32 v7, v41;
	v54 =	vperm.xlane v5, v0  }
0x149: {  	s11 =	simm.s32 $0x200;
	v4 =	vadd.f32 v4, v12;
	v6 =	vadd.f32 v6, v55  }
0x14a: {  	v33 =	vld [tilespmem:s11+$0x12DE0];
	v25 =	vperm.xlane v7, v1;
	v5 =	vadd.f32 v54, v5;
	v12 =	vperm.xlane v15, v0  }
0x14b: {  	v23 =	vld [tilespmem:s11+$0x12D80];
	v56 =	vperm.xlane v4, v1;
	v26 =	vperm.xlane v6, v18;
	(v2sf) =	vpush v24, $0x0  }
0x14c: {  	v22 =	vld [tilespmem:s11+$0x12D90];
	v7 =	vadd.f32 v7, v25;
	v25 =	vperm.xlane v5, v1;
	(v2sf) =	vpush v16, $0x0  }
0x14d: {  	v21 =	vld [tilespmem:s11+$0x12DA0];
	v12 =	vadd.f32 v12, v15;
	v15 =	vperm.xlane v14, v1;
	v6 =	vadd.f32 v6, v26;
	s20 =	spop (v2sf)  }
0x14e: {  	v28 =	vld [tilespmem:s11+$0x12DC0];
	v4 =	vadd.f32 v4, v56;
	v5 =	vadd.f32 v25, v5;
	v16 =	vperm.xlane v7, v18;
	s2 =	smul.u32 $0x19000, s20  }
0x14f: {  	v30 =	vld [tilespmem:s11+$0x12DD0];
	v24 =	vperm.xlane v12, v1;
	v14 =	vadd.f32 v15, v14;
	v26 =	vperm.xlane v6, v45  }
0x150: {  	v35 =	vld [tilespmem:s11+$0x12DF0];
	v25 =	vperm.xlane v4, v18;
	v7 =	vadd.f32 v7, v16;
	v16 =	vperm.xlane v5, v18;
	s2 =	sshra.s32 s2, $0x2  }
0x151: {  	v15 =	vld [tilespmem:s11+$0x12DB0];
	v12 =	vadd.f32 v24, v12;
	v6 =	vadd.f32 v6, v26;
	s2 =	sadd.s32 $0x200, s2  }
0x152: {  	v4 =	vadd.f32 v4, v25;
	v5 =	vadd.f32 v16, v5;
	v16 =	vld [tilespmem:s2+$0x180]  }
0x153: {  	v24 =	vperm.xlane v14, v18;
	v6 =	vmul.f32 $7.812500000e-03, v6;
	v34 =	vld [tilespmem:s2+$0x190]  }
0x154: {  	v25 =	vperm.xlane v12, v18;
	v26 =	vperm.xlane v4, v45;
	v40 =	vld [tilespmem:s2+$0x1A0]  }
0x155: {  	v14 =	vadd.f32 v24, v14;
	v3 =	vsub.f32 v20, v6;
	v58 =	vld [tilespmem:s2+$0x1B0]  }
0x156: {  	v24 =	vperm.xlane v7, v45;
	v12 =	vadd.f32 v25, v12;
	v4 =	vadd.f32 v4, v26;
	v59 =	vld [tilespmem:s2+$0x1C0]  }
0x157: {  	v25 =	vperm.xlane v14, v45;
	v54 =	vsub.f32 v8, v6;
	v8 =	vld [tilespmem:s2+$0x1D0];
	[tilespmem:$0x1FAD0] =	vst v3;
	v3 =	vsub.f32 v11, v6  }
0x158: {  	v2 =	vsub.f32 v2, v6;
	v7 =	vadd.f32 v7, v24;
	v24 =	vperm.xlane v5, v45  }
0x159: {  	s21 =	spop (v2sf);
	v14 =	vadd.f32 v25, v14;
	v63 =	vld [tilespmem:s2+$0x1E0];
	[tilespmem:$0x1FAE0] =	vst v3;
	v3 =	vsub.f32 v9, v6  }
0x15a: {  	v26 =	vperm.xlane v12, v45;
	v5 =	vadd.f32 v24, v5;
	s22 =	spop (v2sf);
	v23 =	vadd.f32 v16, v23  }
0x15b: {  	v7 =	vmul.f32 $7.812500000e-03, v7;
	v24 =	vmul.f32 v6, v6;
	v11 =	vld [tilespmem:s2+$0x1F0];
	[tilespmem:$0x1FAF0] =	vst v3;
	v16 =	vadd.f32 v34, v22;
	s29 =	spop (v2sf)  }
0x15c: {  	v12 =	vadd.f32 v26, v12;
	v14 =	vmul.f32 $7.812500000e-03, v14;
	v21 =	vadd.f32 v40, v21;
	[tilespmem:$0x1FA00] =	vst v23;
	s14 =	smul.u32 $0x19000, s29  }
0x15d: {  	v5 =	vmul.f32 $7.812500000e-03, v5;
	v60 =	vmul.f32 v7, v7;
	v58 =	vadd.f32 v58, v15;
	[tilespmem:$0x1FA10] =	vst v16  }
0x15e: {  	v14 =	vsub.f32 v14, v24;
	v19 =	vadd.f32 v59, v28;
	[tilespmem:$0x1FA20] =	vst v21;
	s14 =	sshra.s32 s14, $0x2  }
0x15f: {  	v10 =	vsub.f32 v5, v60;
	v5 =	vadd.f32 v8, v30;
	[tilespmem:$0x1FA30] =	vst v58;
	s14 =	sadd.s32 $0x200, s14  }
0x160: {  	v3 =	vadd.f32 v63, v33;
	v15 =	vmul.f32 v16, v16;
	v59 =	vadd.f32 v11, v35;
	v60 =	vld [tilespmem:s14+$0x0];
	[tilespmem:$0x1FA40] =	vst v19  }
0x161: {  	v8 =	vadd.f32 v16, v23;
	v28 =	vmul.f32 v21, v21;
	v30 =	vmul.f32 v58, v58;
	[tilespmem:$0x1FA50] =	vst v5  }
0x162: {  	v16 =	vadd.f32 v58, v21;
	v20 =	vmul.f32 v5, v5;
	v11 =	vmul.f32 v23, v23;
	v41 =	vld [tilespmem:s14+$0x10];
	[tilespmem:$0x1FD80] =	vst v59  }
0x163: {  	v33 =	vadd.f32 v5, v19;
	v35 =	vmul.f32 v19, v19;
	v55 =	vmul.f32 v3, v3;
	[tilespmem:$0x1FA60] =	vst v3  }
0x164: {  	v8 =	vadd.f32 v16, v8;
	v21 =	vadd.f32 v59, v3;
	v23 =	vmul.f32 v59, v59;
	v63 =	vld [tilespmem:s14+$0x20]  }
0x165: {  	v4 =	vmul.f32 $7.812500000e-03, v4;
	v11 =	vadd.f32 v15, v11;
	v15 =	vadd.f32 v30, v28;
	v30 =	vld [tilespmem:s14+$0x30]  }
0x166: {  	v9 =	vshra.s32 v57, $0x1;
	v28 =	vadd.f32 v20, v35;
	v58 =	vadd.f32 v23, v55;
	v55 =	vld [tilespmem:s14+$0x40]  }
0x167: {  	s13 =	smul.u32 $0x19000, s21;
	v43 =	vsub.s32 $0x5F3759DF, v9;
	v20 =	vsub.f32 v29, v6;
	v16 =	vadd.f32 v21, v33;
	v33 =	vld [tilespmem:s14+$0x50]  }
0x168: {  	v34 =	vmul.f32 $5.000000000e-01, v57;
	v9 =	vadd.f32 v15, v11;
	v11 =	vadd.f32 v58, v28;
	v19 =	vld [tilespmem:s14+$0x60]  }
0x169: {  	s13 =	sshra.s32 s13, $0x2;
	v12 =	vmul.f32 $7.812500000e-03, v12;
	v14 =	vadd.f32 $9.999999740e-06, v14;
	v23 =	vld [tilespmem:s14+$0x70];
	[tilespmem:$0x1FB00] =	vst v2  }
0x16a: {  	s13 =	sadd.s32 $0x200, s13;
	v15 =	vmul.f32 v43, v34;
	v59 =	vmul.f32 v4, v4;
	[tilespmem:$0x1FB10] =	vst v20;
	v9 =	vadd.f32 v11, v9  }
0x16b: {  	v3 =	vsub.f32 v51, v6;
	v2 =	vsub.f32 v52, v6;
	v52 =	vmul.f32 $5.000000000e-01, v14;
	v58 =	vld [tilespmem:s13+$0x80]  }
0x16c: {  	v6 =	vshra.s32 v14, $0x1;
	v11 =	vmul.f32 v43, v15;
	v56 =	vld [tilespmem:s13+$0x90];
	v28 =	vperm.xlane v9, v0  }
0x16d: {  	v40 =	vsub.f32 v12, v59;
	v35 =	vld [tilespmem:s13+$0xA0];
	v6 =	vsub.s32 $0x5F3759DF, v6;
	v12 =	vsub.f32 v31, v7  }
0x16e: {  	v29 =	vld [tilespmem:s13+$0xB0];
	v5 =	vadd.f32 v28, v9;
	v9 =	vsub.f32 $1.500000000e+00, v11;
	v11 =	vmul.f32 v6, v52  }
0x16f: {  	v51 =	vsub.f32 v46, v7;
	v46 =	vld [tilespmem:s13+$0xC0];
	[tilespmem:$0x1FB20] =	vst v12;
	v12 =	vsub.f32 v27, v7  }
0x170: {  	v27 =	vmul.f32 v6, v11;
	v11 =	vsub.f32 v47, v7  }
0x171: {  	[tilespmem:$0x1FB30] =	vst v12  }
0x172: {  	v28 =	vld [tilespmem:s13+$0xD0];
	[tilespmem:$0x1FB40] =	vst v11;
	v11 =	vsub.f32 v48, v7  }
0x173: {  	v8 =	vadd.f32 v16, v8  }
0x174: {  	[tilespmem:$0x1FB50] =	vst v11;
	v11 =	vsub.f32 v49, v7  }
0x175: {  	v15 =	vperm.xlane v8, v0  }
0x176: {  	s2 =	smul.u32 $0x19000, s22;
	v47 =	vld [tilespmem:s13+$0xE0];
	[tilespmem:$0x1FB60] =	vst v11;
	v11 =	vsub.f32 v53, v7  }
0x177: {  	v8 =	vadd.f32 v8, v15  }
0x178: {  	v39 =	vsub.f32 v39, v4;
	v32 =	vsub.f32 v32, v4;
	s2 =	sshra.s32 s2, $0x2;
	[tilespmem:$0x1FB70] =	vst v11  }
0x179: {  	v37 =	vsub.f32 v37, v4;
	v10 =	vadd.f32 $9.999999740e-06, v10;
	s2 =	sadd.s32 $0x200, s2;
	v31 =	vperm.xlane v8, v1;
	v49 =	vld [tilespmem:s13+$0xF0]  }
0x17a: {  	v20 =	vsub.f32 v50, v7;
	v27 =	vsub.f32 $1.500000000e+00, v27;
	v50 =	vld [tilespmem:s2+$0x100]  }
0x17b: {  	v21 =	vperm.xlane v5, v1;
	v8 =	vadd.f32 v8, v31;
	v31 =	vadd.f32 $9.999999740e-06, v40;
	v15 =	vld [tilespmem:s2+$0x110]  }
0x17c: {  	v11 =	vmul.f32 v43, v9;
	v43 =	vmul.f32 v6, v27;
	v6 =	vsub.f32 v13, v4;
	v40 =	vld [tilespmem:s2+$0x120]  }
0x17d: {  	v48 =	vmul.f32 $5.000000000e-01, v10;
	v27 =	vadd.f32 v21, v5;
	v5 =	vshra.s32 v10, $0x1;
	v14 =	vld [tilespmem:s2+$0x130]  }
0x17e: {  	v59 =	vsub.f32 v17, v4;
	v5 =	vsub.s32 $0x5F3759DF, v5;
	v12 =	vld [tilespmem:s2+$0x140];
	[tilespmem:$0x1FB80] =	vst v6;
	v6 =	vsub.f32 v44, v4  }
0x17f: {  	v17 =	vsub.f32 v42, v4;
	v22 =	vmul.f32 v5, v48;
	v4 =	vsub.f32 v38, v4  }
0x180: {  	v16 =	vld [tilespmem:s2+$0x150];
	[tilespmem:$0x1FB90] =	vst v6  }
0x181: {  	v13 =	vld [tilespmem:s2+$0x160];
	[tilespmem:$0x1FBA0] =	vst v4;
	v4 =	vmul.f32 v5, v22;
	_ =	sdelay $0x1  }
0x182: {  	v4 =	vsub.f32 $1.500000000e+00, v4;
	_ =	sdelay $0x1  }
0x183: {  	v5 =	vmul.f32 v5, v4;
	v4 =	vld [tilespmem:$0x1FA70]  }
0x184: {  	v7 =	vsub.f32 v61, v36;
	v38 =	vld [tilespmem:s2+$0x170]  }
0x185: {  	v21 =	vshra.s32 v31, $0x1;
	v6 =	vmul.f32 $5.000000000e-01, v31;
	v31 =	vld [tilespmem:s11+$0x12C00]  }
0x186: {  	v44 =	vld [tilespmem:s11+$0x12C10];
	[tilespmem:$0x1FBB0] =	vst v7;
	v7 =	vsub.f32 v62, v36;
	_ =	sdelay $0x1  }
0x187: {  	[tilespmem:$0x1FBC0] =	vst v7;
	v4 =	vsub.f32 v4, v36  }
0x188: {  	v62 =	vld [tilespmem:s11+$0x12C20]  }
0x189: {  	[tilespmem:$0x1FBD0] =	vst v4;
	v4 =	vld [tilespmem:$0x1FA80];
	_ =	sdelay $0x4  }
0x18a: {  	v4 =	vsub.f32 v4, v36;
	_ =	sdelay $0x1  }
0x18b: {  	[tilespmem:$0x1FBE0] =	vst v4;
	v4 =	vld [tilespmem:$0x1FA90];
	_ =	sdelay $0x4  }
0x18c: {  	v4 =	vsub.f32 v4, v36  }
0x18d: {  	v9 =	vld [tilespmem:s11+$0x12C30]  }
0x18e: {  	[tilespmem:$0x1FBF0] =	vst v4;
	v4 =	vld [tilespmem:$0x1FAA0];
	_ =	sdelay $0x4  }
0x18f: {  	v4 =	vsub.f32 v4, v36;
	_ =	sdelay $0x1  }
0x190: {  	[tilespmem:$0x1FC00] =	vst v4;
	v4 =	vld [tilespmem:$0x1FAB0];
	_ =	sdelay $0x4  }
0x191: {  	v4 =	vsub.f32 v4, v36  }
0x192: {  	v42 =	vsub.s32 $0x5F3759DF, v21;
	v7 =	vld [tilespmem:s11+$0x12C40]  }
0x193: {  	v22 =	vmul.f32 v42, v6;
	[tilespmem:$0x1FC10] =	vst v4;
	v4 =	vld [tilespmem:$0x1FAC0];
	_ =	sdelay $0x1  }
0x194: {  	v61 =	vmul.f32 v42, v22;
	_ =	sdelay $0x1  }
0x195: {  	v57 =	vperm.xlane v27, v18;
	v61 =	vsub.f32 $1.500000000e+00, v61  }
0x196: {  	v53 =	vperm.xlane v8, v18;
	v4 =	vsub.f32 v4, v36  }
0x197: {  	v27 =	vadd.f32 v57, v27;
	v42 =	vmul.f32 v42, v61  }
0x198: {  	v8 =	vadd.f32 v8, v53;
	v34 =	vmul.f32 v11, v34;
	v22 =	vadd.f32 v60, v31;
	[tilespmem:$0x1FC20] =	vst v4  }
0x199: {  	v60 =	vadd.f32 v41, v44;
	v6 =	vmul.f32 v42, v6;
	v4 =	vperm.xlane v27, v45;
	v53 =	vld [tilespmem:s11+$0x12C50]  }
0x19a: {  	v26 =	vadd.f32 v30, v9;
	v31 =	vadd.f32 v55, v7;
	v7 =	vmul.f32 v5, v48;
	v10 =	vld [tilespmem:s11+$0x12C60]  }
0x19b: {  	v9 =	vmul.f32 v34, v11;
	v41 =	vld [tilespmem:s11+$0x12C70];
	v4 =	vadd.f32 v4, v27;
	v27 =	vmul.f32 v43, v52  }
0x19c: {  	v7 =	vmul.f32 v7, v5;
	v36 =	vperm.xlane v8, v45;
	v44 =	vld [tilespmem:s11+$0x12C80]  }
0x19d: {  	v25 =	vadd.f32 v63, v62;
	v9 =	vsub.f32 $1.500000000e+00, v9;
	v30 =	vld [tilespmem:s11+$0x12C90];
	v63 =	vmul.f32 v27, v43  }
0x19e: {  	v6 =	vmul.f32 v6, v42;
	v7 =	vsub.f32 $1.500000000e+00, v7;
	v36 =	vadd.f32 v8, v36;
	v27 =	vld [tilespmem:$0x1FAD0]  }
0x19f: {  	v34 =	vld [tilespmem:s11+$0x12CA0];
	v21 =	vadd.f32 v33, v53;
	v33 =	vsub.f32 $1.500000000e+00, v63  }
0x1a0: {  	v6 =	vsub.f32 $1.500000000e+00, v6;
	v5 =	vmul.f32 v7, v5;
	v8 =	vmul.f32 v9, v11;
	v9 =	vld [tilespmem:s11+$0x12CE0]  }
0x1a1: {  	v48 =	vld [tilespmem:s11+$0x12CC0];
	v53 =	vmul.f32 $7.812500000e-03, v36;
	v19 =	vadd.f32 v19, v10;
	v10 =	vmul.f32 v33, v43  }
0x1a2: {  	v7 =	vmul.f32 v6, v42;
	v6 =	vld [tilespmem:s11+$0x12D10];
	v52 =	vmul.f32 $7.812500000e-03, v4  }
0x1a3: {  	v61 =	vadd.f32 v23, v41;
	v57 =	vmul.f32 v53, v53;
	v41 =	vmul.f32 v10, v27;
	v27 =	vld [tilespmem:$0x1FAE0]  }
0x1a4: {  	v4 =	vld [tilespmem:s11+$0x12D00]  }
0x1a5: {  	v11 =	vsub.f32 v52, v57;
	v52 =	vadd.f32 v47, v9;
	v9 =	vld [tilespmem:$0x1FAF0]  }
0x1a6: {  	v63 =	vld [tilespmem:s11+$0x12CD0]  }
0x1a7: {  	v36 =	vld [tilespmem:s11+$0x12CB0]  }
0x1a8: {  	v24 =	vadd.f32 v56, v30;
	v30 =	vld [tilespmem:s11+$0x12D20];
	v27 =	vmul.f32 v10, v27  }
0x1a9: {  	v33 =	vld [tilespmem:s11+$0x12CF0]  }
0x1aa: {  	v23 =	vadd.f32 v58, v44;
	v9 =	vmul.f32 v10, v9;
	[tilespmem:$0x1FC30] =	vst v27;
	v27 =	vld [tilespmem:$0x1FB10]  }
0x1ab: {  	v44 =	vadd.f32 v46, v48;
	v46 =	vadd.f32 v28, v63;
	v28 =	vld [tilespmem:s11+$0x12D30]  }
0x1ac: {  	[tilespmem:$0x1FC40] =	vst v9;
	v9 =	vld [tilespmem:$0x1FB00];
	_ =	sdelay $0x1  }
0x1ad: {  	v48 =	vadd.f32 v40, v30;
	v40 =	vld [tilespmem:$0x1FB20]  }
0x1ae: {  	v55 =	vld [tilespmem:$0x1FB50];
	v42 =	vadd.f32 v35, v34;
	v34 =	vmul.f32 v5, v20  }
0x1af: {  	v56 =	vmul.f32 v10, v54;
	v54 =	vadd.f32 v49, v33;
	v49 =	vld [tilespmem:$0x1FB30];
	v27 =	vmul.f32 v10, v27  }
0x1b0: {  	v2 =	vmul.f32 v10, v2;
	v62 =	vmul.f32 v10, v9;
	v9 =	vld [tilespmem:s11+$0x12D40]  }
0x1b1: {  	v35 =	vmul.f32 v7, v39;
	v58 =	vmul.f32 v10, v3;
	[tilespmem:$0x1FC50] =	vst v27;
	v27 =	vadd.f32 v50, v4;
	v50 =	vld [tilespmem:$0x1FB40]  }
0x1b2: {  	v3 =	vmul.f32 v7, v59;
	v43 =	vadd.f32 v29, v36;
	v33 =	vld [tilespmem:s11+$0x12D50];
	[tilespmem:$0x1FC60] =	vst v2;
	v2 =	vmul.f32 v5, v40  }
0x1b3: {  	v47 =	vadd.f32 v15, v6;
	v36 =	vmul.f32 v5, v51;
	v30 =	vmul.f32 v23, v23;
	v6 =	vld [tilespmem:s11+$0x12D60]  }
0x1b4: {  	v20 =	vmul.f32 v43, v43;
	[tilespmem:$0x1FC80] =	vst v2;
	v2 =	vmul.f32 v5, v49  }
0x1b5: {  	v57 =	vld [tilespmem:$0x1FB60];
	v51 =	vadd.f32 v14, v28;
	v4 =	vmul.f32 v54, v54;
	v40 =	vmul.f32 v7, v37;
	[tilespmem:$0x1FC70] =	vst v36  }
0x1b6: {  	v36 =	vmul.f32 v7, v32;
	v10 =	vld [tilespmem:s11+$0x12D70];
	[tilespmem:$0x1FC90] =	vst v2;
	v2 =	vmul.f32 v5, v50;
	v50 =	vadd.f32 v12, v9  }
0x1b7: {  	v32 =	vmul.f32 v42, v42;
	[tilespmem:$0x1FDC0] =	vst v22;
	v9 =	vadd.f32 v60, v22;
	v12 =	vadd.f32 v26, v25  }
0x1b8: {  	v63 =	vld [tilespmem:$0x1FB70];
	v49 =	vadd.f32 v16, v33;
	[tilespmem:$0x1FCA0] =	vst v2;
	v2 =	vmul.f32 v5, v55;
	v55 =	vadd.f32 v13, v6  }
0x1b9: {  	[tilespmem:$0x1FD10] =	vst v3;
	v3 =	vmul.f32 v7, v17;
	v29 =	vadd.f32 v12, v9;
	v6 =	vadd.f32 v21, v31  }
0x1ba: {  	v9 =	vadd.f32 v61, v19;
	v12 =	vmul.f32 v60, v60;
	[tilespmem:$0x1FCB0] =	vst v2;
	v2 =	vmul.f32 v5, v57  }
0x1bb: {  	[tilespmem:$0x1FE50] =	vst v31;
	v57 =	vadd.f32 v38, v10;
	v10 =	vadd.f32 $9.999999740e-06, v11;
	v11 =	vmul.f32 v22, v22  }
0x1bc: {  	v16 =	vmul.f32 v19, v19;
	v38 =	vmovc v31;
	v13 =	vadd.f32 v9, v6;
	v6 =	vmul.f32 v25, v25  }
0x1bd: {  	v22 =	vmul.f32 v46, v46;
	[tilespmem:$0x1FCC0] =	vst v2;
	v2 =	vmul.f32 v5, v63;
	v31 =	vadd.f32 v12, v11  }
0x1be: {  	v39 =	vld [tilespmem:$0x1FB80];
	v14 =	vmul.f32 $5.000000000e-01, v10;
	v9 =	vshra.s32 v10, $0x1;
	v10 =	vmul.f32 v26, v26  }
0x1bf: {  	v11 =	vmul.f32 v38, v38;
	v63 =	vadd.f32 v46, v44;
	v38 =	vmul.f32 v24, v24  }
0x1c0: {  	v59 =	vld [tilespmem:$0x1FB90];
	v5 =	vmul.f32 v52, v52;
	v15 =	vsub.s32 $0x5F3759DF, v9;
	v9 =	vmul.f32 v21, v21  }
0x1c1: {  	[tilespmem:$0x1FE70] =	vst v21;
	v21 =	vmul.f32 v44, v44;
	v17 =	vadd.f32 v10, v6;
	v10 =	vmul.f32 v61, v61  }
0x1c2: {  	[tilespmem:$0x1FE90] =	vst v61;
	v28 =	vmul.f32 v15, v14;
	v61 =	vadd.f32 v43, v42;
	v33 =	vadd.f32 v9, v11  }
0x1c3: {  	[tilespmem:$0x1FCD0] =	vst v2;
	v2 =	vmul.f32 v7, v39;
	v39 =	vadd.f32 v22, v21;
	v21 =	vadd.f32 v49, v50  }
0x1c4: {  	v16 =	vadd.f32 v10, v16;
	v11 =	vmul.f32 v15, v28;
	v28 =	vadd.f32 v24, v23  }
0x1c5: {  	[tilespmem:$0x1FD00] =	vst v36;
	v36 =	vmul.f32 v7, v59;
	v10 =	vadd.f32 v4, v5;
	v5 =	vadd.f32 v47, v27  }
0x1c6: {  	[tilespmem:$0x1FEA0] =	vst v23;
	v22 =	vmul.f32 v47, v47;
	v23 =	vsub.f32 $1.500000000e+00, v11;
	v11 =	vadd.f32 v38, v30  }
0x1c7: {  	v4 =	vmul.f32 v49, v49;
	v38 =	vadd.f32 v20, v32;
	v20 =	vadd.f32 v51, v48  }
0x1c8: {  	v28 =	vadd.f32 v61, v28;
	v30 =	vmul.f32 v27, v27;
	v15 =	vmul.f32 v15, v23  }
0x1c9: {  	v61 =	vld [tilespmem:$0x1FBA0];
	v23 =	vadd.f32 v57, v55;
	v9 =	vadd.f32 v20, v5;
	v20 =	vmul.f32 v50, v50  }
0x1ca: {  	[tilespmem:$0x1FD40] =	vst v2;
	v2 =	vadd.f32 v54, v52;
	v59 =	vadd.f32 v22, v30;
	v30 =	vmul.f32 v55, v55;
	v22 =	vld [tilespmem:$0x1FBB0]  }
0x1cb: {  	[tilespmem:$0x1FD60] =	vst v40;
	v40 =	vadd.f32 v23, v21;
	v6 =	vadd.f32 v4, v20;
	v21 =	vmul.f32 v57, v57;
	v20 =	vld [tilespmem:$0x1FBF0]  }
0x1cc: {  	v23 =	vld [tilespmem:$0x1FBC0]  }
0x1cd: {  	v37 =	vadd.f32 v2, v63;
	v63 =	vadd.f32 v21, v30;
	v21 =	vld [tilespmem:$0x1FC00]  }
0x1ce: {  	v2 =	vmul.f32 v48, v48;
	v32 =	vld [tilespmem:$0x1FBD0];
	v5 =	vmul.f32 v51, v51  }
0x1cf: {  	v12 =	vmul.f32 v8, v22;
	v22 =	vld [tilespmem:$0x1FC10]  }
0x1d0: {  	[tilespmem:$0x1FCF0] =	vst v35;
	v35 =	vmul.f32 v7, v61;
	v7 =	vadd.f32 v5, v2;
	v61 =	vld [tilespmem:$0x1FBE0];
	v2 =	vmul.f32 v8, v20  }
0x1d1: {  	[tilespmem:$0x1FCE0] =	vst v34;
	v14 =	vmul.f32 v15, v14;
	v34 =	vmul.f32 v8, v23;
	v23 =	vld [tilespmem:$0x1FC20]  }
0x1d2: {  	v29 =	vadd.f32 v13, v29;
	[tilespmem:$0x1FDA0] =	vst v2;
	v2 =	vmul.f32 v8, v21  }
0x1d3: {  	v10 =	vadd.f32 v10, v39;
	v11 =	vadd.f32 v38, v11;
	v4 =	vmul.f32 v14, v15  }
0x1d4: {  	v5 =	vadd.f32 v17, v31;
	v30 =	vmul.f32 v8, v32;
	[tilespmem:$0x1FDD0] =	vst v2;
	v2 =	vmul.f32 v8, v22  }
0x1d5: {  	v9 =	vadd.f32 v40, v9;
	v31 =	vsub.f32 $1.500000000e+00, v4;
	v32 =	vmul.f32 v8, v61  }
0x1d6: {  	[tilespmem:$0x1FE00] =	vst v2;
	v2 =	vmul.f32 v8, v23;
	v8 =	vadd.f32 v16, v33;
	v16 =	vadd.f32 v37, v28  }
0x1d7: {  	v7 =	vadd.f32 v7, v59;
	v28 =	vmul.f32 v31, v15;
	v15 =	vperm.xlane v29, v0  }
0x1d8: {  	v6 =	vadd.f32 v63, v6;
	v5 =	vadd.f32 v8, v5;
	v8 =	vperm.xlane v16, v0  }
0x1d9: {  	v10 =	vadd.f32 v10, v11;
	v11 =	vadd.f32 v29, v15;
	v15 =	vperm.xlane v9, v0  }
0x1da: {  	v6 =	vadd.f32 v6, v7;
	v7 =	vadd.f32 v16, v8;
	v8 =	vperm.xlane v5, v0  }
0x1db: {  	v9 =	vadd.f32 v9, v15;
	v15 =	vperm.xlane v10, v0  }
0x1dc: {  	v16 =	vperm.xlane v11, v1;
	v5 =	vadd.f32 v8, v5;
	v8 =	vperm.xlane v6, v0  }
0x1dd: {  	v29 =	vperm.xlane v7, v1;
	v10 =	vadd.f32 v15, v10;
	v15 =	vperm.xlane v9, v1  }
0x1de: {  	v11 =	vadd.f32 v11, v16;
	v6 =	vadd.f32 v8, v6;
	v8 =	vperm.xlane v5, v1  }
0x1df: {  	[tilespmem:$0x1FD30] =	vst v3;
	v3 =	vld [tilespmem:$0x1FED0];
	v7 =	vadd.f32 v7, v29;
	v9 =	vadd.f32 v9, v15  }
0x1e0: {  	[tilespmem:$0x1FE30] =	vst v2;
	v2 =	vld [tilespmem:$0x1FEC0];
	v15 =	vperm.xlane v10, v1;
	v5 =	vadd.f32 v8, v5;
	v8 =	vperm.xlane v6, v1  }
0x1e1: {  	[tilespmem:$0x1FE80] =	vst v19;
	v19 =	vld [tilespmem:$0x1FEF0];
	v16 =	vperm.xlane v11, v18;
	v29 =	vperm.xlane v7, v18  }
0x1e2: {  	[tilespmem:$0x1FDF0] =	vst v25;
	v25 =	vld [tilespmem:$0x1FF50];
	v10 =	vadd.f32 v15, v10;
	v15 =	vperm.xlane v9, v18;
	v6 =	vadd.f32 v8, v6  }
0x1e3: {  	v59 =	vld [tilespmem:$0x1FC40];
	v11 =	vadd.f32 v11, v16;
	v7 =	vadd.f32 v7, v29;
	v8 =	vperm.xlane v5, v18  }
0x1e4: {  	v9 =	vadd.f32 v9, v15;
	v15 =	vperm.xlane v10, v18;
	v29 =	vperm.xlane v6, v18;
	v18 =	vld [tilespmem:$0x1FEE0]  }
0x1e5: {  	v16 =	vperm.xlane v11, v45;
	v5 =	vadd.f32 v8, v5;
	v8 =	vmul.f32 v56, v2;
	v56 =	vld [tilespmem:$0x1FC30]  }
0x1e6: {  	[tilespmem:$0x1FE20] =	vst v26;
	v26 =	vld [tilespmem:$0x1FF60];
	v61 =	vperm.xlane v9, v45  }
0x1e7: {  	[tilespmem:$0x1FEB0] =	vst v24;
	v24 =	vld [tilespmem:$0x1FF40];
	v11 =	vadd.f32 v11, v16;
	v6 =	vadd.f32 v29, v6;
	v63 =	vperm.xlane v5, v45  }
0x1e8: {  	v21 =	vld [tilespmem:$0x1FF10];
	v40 =	vmul.f32 v59, v19;
	v31 =	vperm.xlane v7, v45;
	v9 =	vadd.f32 v9, v61  }
0x1e9: {  	v22 =	vld [tilespmem:$0x1FC50];
	v59 =	vmul.f32 $7.812500000e-03, v11;
	v5 =	vadd.f32 v63, v5;
	v11 =	vperm.xlane v6, v45  }
0x1ea: {  	v38 =	vld [tilespmem:$0x1FC60];
	v10 =	vadd.f32 v15, v10;
	v16 =	vmul.f32 v56, v18;
	v56 =	vmul.f32 $7.812500000e-03, v9  }
0x1eb: {  	v23 =	vld [tilespmem:$0x1FF30];
	v9 =	vmul.f32 v59, v59;
	v6 =	vadd.f32 v11, v6;
	v5 =	vmul.f32 $7.812500000e-03, v5  }
0x1ec: {  	v20 =	vld [tilespmem:$0x1FF00];
	v7 =	vadd.f32 v7, v31;
	v33 =	vperm.xlane v10, v45  }
0x1ed: {  	v37 =	vld [tilespmem:$0x1FCA0];
	v61 =	vsub.f32 v5, v9;
	v6 =	vmul.f32 $7.812500000e-03, v6;
	v9 =	vmul.f32 v56, v56  }
0x1ee: {  	v1 =	vmul.f32 v22, v21;
	v22 =	vld [tilespmem:$0x1FF20];
	v15 =	vmul.f32 v41, v3  }
0x1ef: {  	v10 =	vadd.f32 v33, v10;
	v7 =	vmul.f32 $7.812500000e-03, v7;
	v33 =	vld [tilespmem:$0x1FC90];
	v41 =	vsub.f32 v6, v9  }
0x1f0: {  	v63 =	vmul.f32 v38, v23;
	v38 =	vld [tilespmem:$0x1FCB0]  }
0x1f1: {  	v10 =	vmul.f32 $7.812500000e-03, v10;
	v11 =	vmul.f32 v7, v7;
	[tilespmem:$0x1FE60] =	vst v41;
	v41 =	vld [tilespmem:$0x1FFB0]  }
0x1f2: {  	v45 =	vld [tilespmem:$0x1FC70]  }
0x1f3: {  	v39 =	vmul.f32 v62, v20;
	v62 =	vsub.f32 v10, v11;
	v10 =	vmul.f32 v58, v22;
	v58 =	vld [tilespmem:$0x1FC80]  }
0x1f4: {  	v12 =	vmul.f32 v12, v23;
	v6 =	vmul.f32 v37, v19;
	v37 =	vld [tilespmem:$0x1FCF0]  }
0x1f5: {  	v5 =	vmul.f32 v33, v18;
	v33 =	vld [tilespmem:$0x1FCE0]  }
0x1f6: {  	v11 =	vmul.f32 v38, v20;
	v38 =	vld [tilespmem:$0x1FD00];
	v12 =	vadd.f32 v12, v41  }
0x1f7: {  	v9 =	vmul.f32 v45, v2;
	v45 =	vld [tilespmem:$0x1FCC0]  }
0x1f8: {  	v4 =	vmul.f32 v58, v3;
	v58 =	vld [tilespmem:$0x1FCD0];
	[tilespmem:s24+$0x12DF0] =	vst v12  }
0x1f9: {  	v17 =	vmul.f32 v37, v2;
	v37 =	vld [tilespmem:$0x1FF70];
	_ =	sdelay $0x4  }
0x1fa: {  	v12 =	vadd.f32 v40, v37;
	v40 =	vld [tilespmem:$0x1FD10];
	_ =	sdelay $0x4  }
0x1fb: {  	v0 =	vmul.f32 v40, v18  }
0x1fc: {  	v8 =	vadd.f32 v8, v24  }
0x1fd: {  	[tilespmem:$0x1FD20] =	vst v0  }
0x1fe: {  	v14 =	vmul.f32 v58, v22;
	v58 =	vld [tilespmem:$0x1FD30];
	[tilespmem:s24+$0x12C00] =	vst v8  }
0x1ff: {  	v13 =	vmul.f32 v45, v21;
	v45 =	vmul.f32 v38, v3;
	v38 =	vld [tilespmem:$0x1FF80]  }
0x200: {  	v31 =	vmul.f32 v33, v23;
	v33 =	vld [tilespmem:$0x1FD40];
	_ =	sdelay $0x3  }
0x201: {  	v8 =	vadd.f32 v39, v38;
	v39 =	vld [tilespmem:$0x1FD60]  }
0x202: {  	v0 =	vmul.f32 v33, v20  }
0x203: {  	v15 =	vadd.f32 v15, v25  }
0x204: {  	[tilespmem:$0x1FD50] =	vst v0  }
0x205: {  	[tilespmem:s24+$0x12C10] =	vst v15  }
0x206: {  	v33 =	vmul.f32 v39, v21;
	v39 =	vmul.f32 v36, v22;
	v36 =	vld [tilespmem:$0x1FF90];
	_ =	sdelay $0x3  }
0x207: {  	v16 =	vadd.f32 v16, v26  }
0x208: {  	v40 =	vmul.f32 v58, v19;
	v58 =	vmul.f32 v35, v23;
	v15 =	vadd.f32 v1, v36;
	v1 =	vld [tilespmem:$0x1FFA0]  }
0x209: {  	[tilespmem:s24+$0x12C20] =	vst v16  }
0x20a: {  	[tilespmem:$0x1FD70] =	vst v58  }
0x20b: {  	v16 =	vadd.f32 v63, v41;
	v63 =	vld [tilespmem:$0x1FD80];
	[tilespmem:s24+$0x12C30] =	vst v12  }
0x20c: {  	[tilespmem:s24+$0x12C40] =	vst v8  }
0x20d: {  	[tilespmem:s24+$0x12C50] =	vst v15;
	v10 =	vadd.f32 v10, v1  }
0x20e: {  	v6 =	vadd.f32 v6, v37;
	v37 =	vmul.f32 v32, v18;
	[tilespmem:s24+$0x12C70] =	vst v16  }
0x20f: {  	v9 =	vadd.f32 v9, v24;
	[tilespmem:s24+$0x12C60] =	vst v10  }
0x210: {  	[tilespmem:$0x1FD90] =	vst v37  }
0x211: {  	[tilespmem:s24+$0x12C80] =	vst v9  }
0x212: {  	v11 =	vadd.f32 v11, v38;
	v38 =	vld [tilespmem:$0x1FDA0];
	_ =	sdelay $0x1  }
0x213: {  	v0 =	vsub.f32 v63, v53;
	_ =	sdelay $0x1  }
0x214: {  	v8 =	vmul.f32 v28, v0  }
0x215: {  	v0 =	vmul.f32 v38, v19  }
0x216: {  	v4 =	vadd.f32 v4, v25;
	v8 =	vmul.f32 v8, v23  }
0x217: {  	[tilespmem:$0x1FDB0] =	vst v0  }
0x218: {  	v63 =	vadd.f32 v31, v41;
	v58 =	vadd.f32 v8, v41;
	v41 =	vld [tilespmem:$0x1FDC0];
	[tilespmem:s24+$0x12C90] =	vst v4  }
0x219: {  	v5 =	vadd.f32 v5, v26;
	v26 =	vmov v57;
	v57 =	vadd.f32 v45, v25;
	v45 =	vld [tilespmem:$0x1FDD0];
	_ =	sdelay $0x4  }
0x21a: {  	v0 =	vmul.f32 v45, v20;
	_ =	sdelay $0x1  }
0x21b: {  	[tilespmem:$0x1FDE0] =	vst v0  }
0x21c: {  	v20 =	vld [tilespmem:$0x1FDF0];
	[tilespmem:s24+$0x12CA0] =	vst v5  }
0x21d: {  	v23 =	vld [tilespmem:$0x1FE00];
	_ =	sdelay $0x1  }
0x21e: {  	v29 =	vmul.f32 v34, v2;
	v34 =	vld [tilespmem:$0x1FE30];
	_ =	sdelay $0x2  }
0x21f: {  	v0 =	vmul.f32 v23, v21;
	_ =	sdelay $0x1  }
0x220: {  	[tilespmem:$0x1FE10] =	vst v0;
	v0 =	vmul.f32 v34, v22;
	_ =	sdelay $0x1  }
0x221: {  	[tilespmem:$0x1FE40] =	vst v0  }
0x222: {  	v13 =	vadd.f32 v13, v36;
	v32 =	vld [tilespmem:$0x1FE20];
	[tilespmem:s24+$0x12CB0] =	vst v6  }
0x223: {  	v15 =	vadd.f32 v14, v1;
	v36 =	vld [tilespmem:$0x1FE50];
	[tilespmem:s24+$0x12CC0] =	vst v11  }
0x224: {  	v37 =	vld [tilespmem:$0x1FE60];
	[tilespmem:s24+$0x12CD0] =	vst v13  }
0x225: {  	v17 =	vadd.f32 v17, v24;
	[tilespmem:s24+$0x12CE0] =	vst v15  }
0x226: {  	[tilespmem:s24+$0x12CF0] =	vst v63  }
0x227: {  	v5 =	vadd.f32 $9.999999740e-06, v61;
	[tilespmem:s24+$0x12D00] =	vst v17  }
0x228: {  	v10 =	vsub.f32 v41, v59;
	v41 =	vld [tilespmem:$0x1FE70]  }
0x229: {  	v60 =	vsub.f32 v60, v59;
	v6 =	vadd.f32 $9.999999740e-06, v62;
	v11 =	vshra.s32 v5, $0x1;
	v45 =	vld [tilespmem:$0x1FE80];
	[tilespmem:s24+$0x12D10] =	vst v57  }
0x22a: {  	v35 =	vmul.f32 v30, v3;
	v12 =	vmul.f32 $5.000000000e-01, v5;
	v14 =	vsub.s32 $0x5F3759DF, v11;
	v57 =	vld [tilespmem:$0x1FE90];
	[tilespmem:s11+$0x12DF0] =	vst v58  }
0x22b: {  	v11 =	vshra.s32 v6, $0x1;
	v13 =	vmul.f32 $5.000000000e-01, v6;
	v58 =	vld [tilespmem:$0x1FEA0];
	v5 =	vadd.f32 $9.999999740e-06, v37  }
0x22c: {  	v9 =	vsub.f32 v20, v59;
	v8 =	vsub.f32 v32, v59;
	v15 =	vsub.s32 $0x5F3759DF, v11;
	v61 =	vld [tilespmem:$0x1FEB0]  }
0x22d: {  	v38 =	vmul.f32 v15, v13;
	v6 =	vshra.s32 v5, $0x1;
	v11 =	vmul.f32 $5.000000000e-01, v5  }
0x22e: {  	v4 =	vsub.f32 v36, v59;
	v63 =	vsub.f32 v41, v59;
	v16 =	vsub.s32 $0x5F3759DF, v6  }
0x22f: {  	v62 =	vsub.f32 v45, v59;
	v5 =	vmul.f32 v14, v12;
	v6 =	vmul.f32 v16, v11  }
0x230: {  	v57 =	vsub.f32 v57, v59;
	v59 =	vmul.f32 v15, v38;
	v58 =	vsub.f32 v58, v7  }
0x231: {  	s16 =	simm.s32 $0x1950A;
	s14 =	simm.s32 $0x800;
	s13 =	simm.s32 $0x4;
	v34 =	vsub.f32 v61, v7;
	v17 =	vmul.f32 v14, v5;
	v6 =	vmul.f32 v16, v6  }
.LBB2_5:
0x232: {  	v61 =	vld [tilespmem:s16+$0x1]  }
0x233: {  	v18 =	vld [tilespmem:s16+$0xFFFFFFFF]  }
0x234: {  	v19 =	vld [tilespmem:s16+$0x0]  }
0x235: {  	v38 =	vld [tilespmem:s16+$0xFFFFFFFE]  }
0x236: {  	v0 =	vld [tilespmem:$0x1FA00]  }
0x237: {  	v20 =	vld [tilespmem:$0x1FA60]  }
0x238: {  	v30 =	vld [tilespmem:$0x1FF60]  }
0x239: {  	v32 =	vld [tilespmem:$0x1FD20];
	v17 =	vsub.f32 $1.500000000e+00, v17  }
0x23a: {  	v42 =	vsub.f32 v42, v7;
	v31 =	vld [tilespmem:$0x1FF70];
	v59 =	vsub.f32 $1.500000000e+00, v59  }
0x23b: {  	v44 =	vsub.f32 v44, v7;
	v5 =	vld [tilespmem:$0x1FF80];
	v6 =	vsub.f32 $1.500000000e+00, v6;
	v14 =	vmul.f32 v14, v17  }
0x23c: {  	v46 =	vsub.f32 v46, v7;
	v1 =	vld [tilespmem:$0x1FFA0];
	v15 =	vmul.f32 v15, v59;
	v17 =	vsub.f32 v43, v7  }
0x23d: {  	v6 =	vmul.f32 v16, v6;
	v16 =	vsub.f32 v52, v7;
	v59 =	vld [tilespmem:$0x1FA30];
	v12 =	vmul.f32 v14, v12  }
0x23e: {  	v2 =	vld [tilespmem:$0x1FFB0];
	v7 =	vsub.f32 v54, v7;
	v43 =	vsub.f32 v50, v56  }
0x23f: {  	v3 =	vld [tilespmem:$0x1FED0];
	v13 =	vmul.f32 v15, v13;
	(v2sf) =	vpush v61, $0x0;
	v12 =	vmul.f32 v12, v14  }
0x240: {  	v50 =	vsub.f32 v26, v56;
	v54 =	vld [tilespmem:$0x1FF90];
	(v2sf) =	vpush v18, $0x0  }
0x241: {  	s14 =	sadd.s32 $0x800, s14;
	v52 =	vld [tilespmem:$0x1FD70];
	v18 =	vsub.f32 v27, v56;
	v13 =	vmul.f32 v13, v15;
	v12 =	vsub.f32 $1.500000000e+00, v12  }
0x242: {  	s29 =	sshra.s32 s14, $0x2;
	v11 =	vmul.f32 v6, v11;
	v61 =	vld [tilespmem:$0x1FA50];
	(v2sf) =	vpush v19, $0x0;
	v23 =	vsub.f32 v59, v53  }
0x243: {  	v59 =	vld [tilespmem:s29+$0x12D90];
	v13 =	vsub.f32 $1.500000000e+00, v13;
	v12 =	vmul.f32 v12, v14;
	v14 =	vsub.f32 v47, v56  }
0x244: {  	v11 =	vmul.f32 v11, v6;
	v47 =	vsub.f32 v49, v56;
	v49 =	vsub.f32 v55, v56;
	v55 =	vld [tilespmem:$0x1FA10]  }
0x245: {  	v19 =	vsub.f32 v48, v56;
	v13 =	vmul.f32 v13, v15;
	v15 =	vsub.f32 v51, v56;
	v56 =	vld [tilespmem:$0x1FA20]  }
0x246: {  	v11 =	vsub.f32 $1.500000000e+00, v11;
	v51 =	vld [tilespmem:s29+$0x12D80]  }
0x247: {  	v48 =	vmul.f32 v12, v60;
	v60 =	vld [tilespmem:$0x1FA40]  }
0x248: {  	v6 =	vmul.f32 v11, v6;
	v11 =	vadd.f32 v32, v30;
	v32 =	vmul.f32 v13, v34;
	v34 =	vld [tilespmem:$0x1FD50]  }
0x249: {  	v36 =	vmul.f32 v13, v46;
	v46 =	vld [tilespmem:s29+$0x12DD0]  }
0x24a: {  	[tilespmem:s24+$0x12D20] =	vst v11;
	v11 =	vmul.f32 v13, v7;
	v7 =	vadd.f32 v39, v1;
	v39 =	vld [tilespmem:$0x1FF40]  }
0x24b: {  	v21 =	vsub.f32 v61, v53;
	v61 =	vmul.f32 v13, v58;
	v58 =	vld [tilespmem:$0x1FDB0]  }
0x24c: {  	v37 =	vmul.f32 v13, v16;
	v16 =	vadd.f32 v33, v54;
	v33 =	vmul.f32 v28, v23;
	v23 =	vld [tilespmem:$0x1FDE0]  }
0x24d: {  	(v2sf) =	vpush v38, $0x0;
	v41 =	vmul.f32 v6, v14;
	v14 =	vadd.f32 v52, v2;
	v2 =	vld [tilespmem:$0x1FEC0]  }
0x24e: {  	v38 =	vmul.f32 v6, v18;
	[tilespmem:s24+$0x12D50] =	vst v16;
	v16 =	vld [tilespmem:s29+$0x12DF0]  }
0x24f: {  	v10 =	vmul.f32 v12, v10;
	v9 =	vmul.f32 v12, v9;
	[tilespmem:$0x1F8F0] =	vst v37;
	v37 =	vld [tilespmem:$0x1FF50]  }
0x250: {  	v8 =	vmul.f32 v12, v8;
	[tilespmem:$0x1F900] =	vst v38;
	v38 =	vmul.f32 v6, v49;
	v49 =	vld [tilespmem:$0x1FE10]  }
0x251: {  	v45 =	vmul.f32 v12, v4;
	v25 =	vsub.f32 v56, v53;
	v56 =	vmul.f32 v12, v62;
	v62 =	vld [tilespmem:s29+$0x12DA0]  }
0x252: {  	v24 =	vsub.f32 v55, v53;
	v55 =	vmul.f32 v12, v63;
	v63 =	vld [tilespmem:s29+$0x12DB0];
	v22 =	vsub.f32 v60, v53  }
0x253: {  	v60 =	vmul.f32 v12, v57;
	v12 =	vadd.f32 v40, v31;
	v40 =	vmul.f32 v13, v44;
	v44 =	vld [tilespmem:s29+$0x12DC0]  }
0x254: {  	v42 =	vmul.f32 v13, v42;
	v17 =	vmul.f32 v13, v17;
	v13 =	vld [tilespmem:s29+$0x12DE0]  }
0x255: {  	v26 =	vsub.f32 v0, v53;
	v20 =	vsub.f32 v20, v53;
	v53 =	vmul.f32 v6, v43;
	v57 =	vld [tilespmem:$0x1FD90]  }
0x256: {  	[tilespmem:$0x1F8E0] =	vst v36;
	v27 =	vadd.f32 v34, v5;
	v34 =	vmul.f32 v6, v50;
	v50 =	vmul.f32 v48, v3;
	v48 =	vld [tilespmem:$0x1FE40];
	s2 =	spop (v2sf)  }
0x257: {  	v47 =	vmul.f32 v6, v47;
	[tilespmem:$0x1F910] =	vst v41;
	v43 =	vmul.f32 v28, v25;
	v25 =	vld [tilespmem:$0x1FF00];
	s2 =	smul.u32 $0x19000, s2  }
0x258: {  	v41 =	vmul.f32 v6, v19;
	[tilespmem:$0x1F920] =	vst v53;
	v53 =	vmul.f32 v28, v24;
	v24 =	vld [tilespmem:$0x1FEF0]  }
0x259: {  	v36 =	vmul.f32 v6, v15;
	[tilespmem:s24+$0x12D70] =	vst v14;
	v14 =	vadd.f32 v35, v37;
	v35 =	vmul.f32 v28, v26;
	v26 =	vld [tilespmem:$0x1FF10];
	s2 =	sshra.s32 s2, $0x2  }
0x25a: {  	[tilespmem:s24+$0x12D60] =	vst v7;
	v7 =	vadd.f32 v29, v39;
	s18 =	spop (v2sf);
	v6 =	vadd.f32 v57, v30;
	v57 =	vmul.f32 v28, v21;
	v21 =	vld [tilespmem:$0x1FF20];
	s22 =	sadd.s32 s29, s2  }
0x25b: {  	s18 =	smul.u32 $0x19000, s18;
	s20 =	spop (v2sf);
	v15 =	vld [tilespmem:s22+$0x180]  }
0x25c: {  	s20 =	smul.u32 $0x19000, s20;
	s21 =	spop (v2sf);
	v18 =	vld [tilespmem:s22+$0x190];
	[tilespmem:s24+$0x12D80] =	vst v7  }
0x25d: {  	s21 =	smul.u32 $0x19000, s21;
	v7 =	vld [tilespmem:s22+$0x1A0];
	[tilespmem:s24+$0x12D90] =	vst v14  }
0x25e: {  	v19 =	vld [tilespmem:s22+$0x1B0]  }
0x25f: {  	s18 =	sshra.s32 s18, $0x2;
	s20 =	sshra.s32 s20, $0x2;
	s21 =	sshra.s32 s21, $0x2;
	v14 =	vadd.f32 v58, v31;
	[tilespmem:s24+$0x12DA0] =	vst v6;
	v6 =	vadd.f32 v23, v5;
	v23 =	vld [tilespmem:$0x1FEE0]  }
0x260: {  	[tilespmem:s24+$0x12D30] =	vst v12;
	v52 =	vmul.f32 v28, v22;
	s2 =	sadd.s32 s29, s18;
	s18 =	sadd.s32 s29, s20;
	s20 =	sadd.s32 s29, s21;
	v22 =	vld [tilespmem:s22+$0x1C0]  }
0x261: {  	[tilespmem:s24+$0x12DB0] =	vst v14;
	v14 =	vadd.f32 v49, v54;
	v49 =	vld [tilespmem:s20+$0x0]  }
0x262: {  	v58 =	vmul.f32 v28, v20;
	v20 =	vld [tilespmem:s22+$0x1D0];
	[tilespmem:s24+$0x12DC0] =	vst v6  }
0x263: {  	v10 =	vmul.f32 v10, v2;
	[tilespmem:s24+$0x12D40] =	vst v27;
	v47 =	vmul.f32 v47, v26;
	v28 =	vld [tilespmem:s22+$0x1E0]  }
0x264: {  	v6 =	vadd.f32 v48, v1;
	[tilespmem:s24+$0x12DD0] =	vst v14;
	v14 =	vmul.f32 v45, v25;
	v45 =	vmul.f32 v56, v21;
	v56 =	vld [tilespmem:$0x1FF30]  }
0x265: {  	v12 =	vmul.f32 v8, v24;
	[tilespmem:$0x1F980] =	vst v47;
	v8 =	vld [tilespmem:s22+$0x1F0];
	v29 =	vmul.f32 v9, v23;
	v9 =	vadd.f32 v10, v39  }
0x266: {  	[tilespmem:s24+$0x12DE0] =	vst v6;
	s24 =	smov.u32 s11;
	v6 =	vadd.f32 v50, v37;
	v50 =	vld [tilespmem:s20+$0x10];
	v47 =	vmul.f32 v43, v23  }
0x267: {  	v0 =	vadd.f32 v15, v51;
	v15 =	vmul.f32 v61, v2;
	[tilespmem:s24+$0x12C00] =	vst v9;
	v61 =	vadd.f32 v20, v46;
	v20 =	vld [tilespmem:$0x1F900]  }
0x268: {  	[tilespmem:$0x1FD90] =	vst v47;
	v47 =	vld [tilespmem:$0x1FFC0]  }
0x269: {  	v9 =	vld [tilespmem:s20+$0x20];
	[tilespmem:s24+$0x12C10] =	vst v6  }
0x26a: {  	v51 =	vld [tilespmem:s20+$0x30]  }
0x26b: {  	v27 =	vmul.f32 v55, v26;
	v48 =	vadd.f32 v18, v59;
	v55 =	vadd.f32 v7, v62;
	v6 =	vld [tilespmem:s20+$0x40]  }
0x26c: {  	v59 =	vadd.f32 v19, v63;
	v19 =	vmul.f32 v42, v23;
	[tilespmem:$0x1FA00] =	vst v0;
	v7 =	vadd.f32 v22, v44;
	v42 =	vld [tilespmem:s20+$0x50]  }
0x26d: {  	[tilespmem:$0x1F930] =	vst v49;
	v4 =	vadd.f32 v8, v16;
	v8 =	vld [tilespmem:s20+$0x60]  }
0x26e: {  	v12 =	vadd.f32 v12, v31;
	v18 =	vmul.f32 v32, v3;
	v46 =	vmul.f32 v55, v55;
	[tilespmem:$0x1FA40] =	vst v7;
	v63 =	vld [tilespmem:s20+$0x70]  }
0x26f: {  	v62 =	vadd.f32 v28, v13;
	[tilespmem:$0x1F940] =	vst v50;
	v28 =	vadd.f32 v61, v7;
	v50 =	vmul.f32 v7, v7;
	v7 =	vld [tilespmem:s2+$0x80]  }
0x270: {  	[tilespmem:$0x1FA20] =	vst v55;
	v49 =	vmul.f32 v59, v59;
	v13 =	vmul.f32 v17, v24;
	v16 =	vadd.f32 v59, v55;
	v55 =	vld [tilespmem:s2+$0x90]  }
0x271: {  	v10 =	vadd.f32 v48, v0;
	v17 =	vmul.f32 v0, v0;
	[tilespmem:$0x1FA50] =	vst v61;
	v0 =	vmul.f32 v61, v61;
	v61 =	vld [tilespmem:$0x1F8E0]  }
0x272: {  	v44 =	vmul.f32 v48, v48;
	[tilespmem:$0x1FA60] =	vst v62;
	v22 =	vmul.f32 v62, v62;
	v32 =	vadd.f32 v4, v62;
	v62 =	vld [tilespmem:$0x1F8F0]  }
0x273: {  	[tilespmem:$0x1FA10] =	vst v48;
	v29 =	vadd.f32 v29, v30;
	v49 =	vadd.f32 v49, v46;
	v46 =	vld [tilespmem:s2+$0xC0]  }
0x274: {  	[tilespmem:$0x1FA30] =	vst v59;
	v17 =	vadd.f32 v44, v17;
	v44 =	vld [tilespmem:$0x1F920];
	v48 =	vadd.f32 v32, v28;
	v32 =	vmul.f32 v4, v4  }
0x275: {  	[tilespmem:s24+$0x12C20] =	vst v29;
	v16 =	vadd.f32 v16, v10;
	v10 =	vld [tilespmem:s2+$0xA0]  }
0x276: {  	[tilespmem:s24+$0x12C30] =	vst v12;
	v29 =	vadd.f32 v0, v50;
	v28 =	vld [tilespmem:s2+$0xB0];
	v50 =	vadd.f32 v32, v22  }
0x277: {  	v12 =	vadd.f32 v14, v5;
	[tilespmem:$0x1F970] =	vst v4;
	v4 =	vld [tilespmem:$0x1FFE0];
	v59 =	vmul.f32 v61, v26;
	v61 =	vmul.f32 v62, v21  }
0x278: {  	v62 =	vmul.f32 v11, v56;
	v11 =	vadd.f32 v49, v17;
	v17 =	vadd.f32 v50, v29;
	v50 =	vld [tilespmem:s18+$0x110]  }
0x279: {  	[tilespmem:s24+$0x12C40] =	vst v12;
	v12 =	vadd.f32 v27, v54;
	v32 =	vld [tilespmem:s2+$0xD0]  }
0x27a: {  	v22 =	vld [tilespmem:$0x1F910]  }
0x27b: {  	[tilespmem:s24+$0x12C50] =	vst v12;
	v16 =	vadd.f32 v48, v16;
	v48 =	vld [tilespmem:s18+$0x100];
	v0 =	vmul.f32 v44, v25  }
0x27c: {  	v12 =	vadd.f32 v45, v1;
	[tilespmem:$0x1F950] =	vst v63;
	v44 =	vmul.f32 v53, v3;
	v53 =	vmul.f32 v33, v24;
	v33 =	vld [tilespmem:$0x1FFB0]  }
0x27d: {  	v63 =	vmul.f32 v40, v25;
	v40 =	vmul.f32 v41, v23;
	[tilespmem:$0x1F960] =	vst v50;
	v50 =	vld [tilespmem:$0x1FFF0]  }
0x27e: {  	v41 =	vmul.f32 v36, v24;
	[tilespmem:s24+$0x12C60] =	vst v12;
	v12 =	vld [tilespmem:s18+$0x170];
	v11 =	vadd.f32 v17, v11;
	v17 =	vperm.xlane v16, v4  }
0x27f: {  	v36 =	vmul.f32 v38, v21;
	v38 =	vmul.f32 v34, v56;
	[tilespmem:$0x1FD20] =	vst v40;
	v49 =	vld [tilespmem:s2+$0xF0]  }
0x280: {  	[tilespmem:$0x1F9A0] =	vst v41;
	v40 =	vld [tilespmem:s18+$0x120];
	v14 =	vadd.f32 v16, v17;
	v16 =	vperm.xlane v11, v4  }
0x281: {  	[tilespmem:$0x1FD70] =	vst v38;
	v38 =	vld [tilespmem:s18+$0x130]  }
0x282: {  	v18 =	vadd.f32 v18, v37;
	[tilespmem:$0x1F9B0] =	vst v36;
	v36 =	vld [tilespmem:s18+$0x140];
	v16 =	vadd.f32 v16, v11;
	v17 =	vperm.xlane v14, v50  }
0x283: {  	v41 =	vmul.f32 v35, v2;
	v35 =	vmul.f32 v57, v26;
	v29 =	vld [tilespmem:s2+$0xE0];
	[tilespmem:$0x1F990] =	vst v44  }
0x284: {  	[tilespmem:s24+$0x12C90] =	vst v18;
	v18 =	vadd.f32 v63, v5;
	v5 =	vld [tilespmem:$0x1FFD0];
	v14 =	vadd.f32 v14, v17;
	v17 =	vperm.xlane v16, v50  }
0x285: {  	v60 =	vmul.f32 v60, v56;
	[tilespmem:$0x1F9C0] =	vst v41;
	v41 =	vld [tilespmem:s18+$0x150]  }
0x286: {  	v23 =	vmul.f32 v52, v25;
	[tilespmem:$0x1FE10] =	vst v35;
	v35 =	vld [tilespmem:$0x1F940];
	v44 =	vperm.xlane v14, v47;
	v16 =	vadd.f32 v17, v16  }
0x287: {  	s11 =	smov.u32 s29;
	v34 =	vadd.f32 v60, v33;
	v11 =	vld [tilespmem:s18+$0x160]  }
0x288: {  	[tilespmem:$0x1FDE0] =	vst v23;
	v17 =	vld [tilespmem:s11+$0x12C00];
	v14 =	vadd.f32 v14, v44;
	v45 =	vperm.xlane v16, v47  }
0x289: {  	v43 =	vmul.f32 v58, v21;
	v15 =	vadd.f32 v15, v39;
	[tilespmem:s24+$0x12C70] =	vst v34;
	v34 =	vld [tilespmem:$0x1F930]  }
0x28a: {  	v19 =	vadd.f32 v19, v30;
	[tilespmem:$0x1FDB0] =	vst v53;
	v52 =	vld [tilespmem:s11+$0x12C10];
	v21 =	vperm.xlane v14, v5;
	v16 =	vadd.f32 v45, v16  }
0x28b: {  	v13 =	vadd.f32 v13, v31;
	[tilespmem:s24+$0x12C80] =	vst v15;
	v15 =	vld [tilespmem:s11+$0x12C20]  }
0x28c: {  	v53 =	vadd.f32 v59, v54;
	[tilespmem:s24+$0x12CA0] =	vst v19;
	v54 =	vld [tilespmem:s11+$0x12C30];
	v14 =	vadd.f32 v14, v21;
	v27 =	vperm.xlane v16, v5  }
0x28d: {  	[tilespmem:s24+$0x12CC0] =	vst v18;
	v18 =	vld [tilespmem:s11+$0x12C60]  }
0x28e: {  	[tilespmem:s24+$0x12CB0] =	vst v13;
	v19 =	vadd.f32 v61, v1;
	v23 =	vld [tilespmem:s11+$0x12C40];
	v16 =	vadd.f32 v27, v16;
	v44 =	vmul.f32 $7.812500000e-03, v14  }
0x28f: {  	v20 =	vmul.f32 v20, v2;
	[tilespmem:s24+$0x12CD0] =	vst v53;
	v13 =	vadd.f32 v62, v33;
	v60 =	vadd.f32 v34, v17;
	v17 =	vld [tilespmem:s11+$0x12C50]  }
0x290: {  	[tilespmem:s24+$0x12CE0] =	vst v19;
	v63 =	vadd.f32 v9, v15;
	v15 =	vld [tilespmem:s11+$0x12C70];
	v16 =	vmul.f32 $7.812500000e-03, v16;
	v61 =	vmul.f32 v44, v44  }
0x291: {  	v22 =	vmul.f32 v22, v3;
	v33 =	vadd.f32 v20, v39;
	v58 =	vadd.f32 v51, v54;
	v54 =	vld [tilespmem:s11+$0x12C80];
	[tilespmem:s24+$0x12CF0] =	vst v13  }
0x292: {  	v34 =	vadd.f32 v8, v18;
	v8 =	vld [tilespmem:s11+$0x12CB0];
	v16 =	vsub.f32 v16, v61  }
0x293: {  	v39 =	vadd.f32 v22, v37;
	v62 =	vadd.f32 v35, v52;
	v35 =	vld [tilespmem:$0x1F950]  }
0x294: {  	[tilespmem:$0x1FD50] =	vst v0;
	v57 =	vadd.f32 v6, v23;
	v19 =	vmul.f32 v60, v60;
	v13 =	vld [tilespmem:s11+$0x12C90];
	v16 =	vadd.f32 $9.999999740e-06, v16  }
0x295: {  	[tilespmem:s24+$0x12D00] =	vst v33;
	v33 =	vld [tilespmem:s11+$0x12CA0];
	v14 =	vadd.f32 v62, v60;
	v0 =	vadd.f32 v58, v63;
	v1 =	vmul.f32 v63, v63  }
0x296: {  	[tilespmem:$0x1FE40] =	vst v43;
	v18 =	vld [tilespmem:s11+$0x12CC0];
	v2 =	vmul.f32 v57, v57;
	v37 =	vshra.s32 v16, $0x1;
	v16 =	vmul.f32 $5.000000000e-01, v16  }
0x297: {  	[tilespmem:s24+$0x12D10] =	vst v39;
	v6 =	vadd.f32 v42, v17;
	v43 =	vadd.f32 v28, v8;
	v28 =	vsub.s32 $0x5F3759DF, v37  }
0x298: {  	v25 =	vld [tilespmem:s11+$0x12D30];
	v17 =	vmul.f32 v62, v62;
	v0 =	vadd.f32 v0, v14;
	v51 =	vmul.f32 v28, v16  }
0x299: {  	v27 =	vld [tilespmem:$0x1F960];
	v59 =	vadd.f32 v35, v15;
	v15 =	vmul.f32 v58, v58;
	v24 =	vadd.f32 v7, v54  }
0x29a: {  	v7 =	vld [tilespmem:s11+$0x12CD0];
	v9 =	vadd.f32 v6, v57;
	v61 =	vadd.f32 v55, v13;
	v26 =	vmul.f32 v28, v51  }
0x29b: {  	[tilespmem:$0x1F9D0] =	vst v6;
	v20 =	vmul.f32 v6, v6;
	v13 =	vld [tilespmem:s11+$0x12CE0];
	v6 =	vadd.f32 v10, v33;
	v45 =	vadd.f32 v46, v18  }
0x29c: {  	v21 =	vmul.f32 v34, v34;
	v10 =	vld [tilespmem:s11+$0x12CF0];
	v14 =	vadd.f32 v17, v19;
	v26 =	vsub.f32 $1.500000000e+00, v26  }
0x29d: {  	v8 =	vld [tilespmem:s11+$0x12D00];
	v3 =	vadd.f32 v59, v34;
	v22 =	vmul.f32 v59, v59;
	v1 =	vadd.f32 v15, v1  }
0x29e: {  	v18 =	vld [tilespmem:s11+$0x12D10];
	v23 =	vmul.f32 v24, v24;
	v2 =	vadd.f32 v20, v2;
	v28 =	vmul.f32 v28, v26  }
0x29f: {  	v30 =	vmul.f32 v6, v6;
	v3 =	vadd.f32 v3, v9;
	v1 =	vadd.f32 v1, v14  }
0x2a0: {  	[tilespmem:$0x1F9F0] =	vst v24;
	v46 =	vadd.f32 v32, v7;
	v7 =	vadd.f32 v61, v24;
	v24 =	vld [tilespmem:s11+$0x12D20];
	v16 =	vmul.f32 v28, v16  }
0x2a1: {  	v33 =	vmul.f32 v45, v45;
	v52 =	vadd.f32 v29, v13;
	v13 =	vadd.f32 v43, v6  }
0x2a2: {  	v39 =	vld [tilespmem:s11+$0x12D40];
	v53 =	vadd.f32 v49, v10;
	v54 =	vadd.f32 v48, v8;
	v16 =	vmul.f32 v16, v28  }
0x2a3: {  	v32 =	vmul.f32 v43, v43;
	v8 =	vld [tilespmem:s11+$0x12D50];
	v42 =	vadd.f32 v27, v18;
	v27 =	vadd.f32 v38, v25  }
0x2a4: {  	v29 =	vmul.f32 v61, v61;
	v18 =	vld [tilespmem:s11+$0x12D60];
	v0 =	vadd.f32 v3, v0;
	v16 =	vsub.f32 $1.500000000e+00, v16  }
0x2a5: {  	[tilespmem:$0x1F9E0] =	vst v34;
	v10 =	vadd.f32 v46, v45;
	v34 =	vmul.f32 v46, v46;
	v48 =	vadd.f32 v40, v24;
	v24 =	vld [tilespmem:s11+$0x12D70]  }
0x2a6: {  	v17 =	vadd.f32 v32, v30;
	v31 =	vadd.f32 v53, v52;
	v28 =	vmul.f32 v16, v28;
	v16 =	vld [tilespmem:$0x1F970]  }
0x2a7: {  	v35 =	vmul.f32 v52, v52;
	v7 =	vadd.f32 v13, v7;
	v51 =	vadd.f32 v36, v39  }
0x2a8: {  	v25 =	vmul.f32 v53, v53;
	v19 =	vadd.f32 v34, v33;
	v10 =	vadd.f32 v31, v10  }
0x2a9: {  	v36 =	vmul.f32 v54, v54;
	v49 =	vadd.f32 v41, v8;
	v8 =	vadd.f32 v42, v54  }
0x2aa: {  	v55 =	vadd.f32 v11, v18;
	v18 =	vmul.f32 v42, v42;
	v26 =	vadd.f32 v12, v24  }
0x2ab: {  	v39 =	vmul.f32 v51, v51;
	v11 =	vadd.f32 v27, v48;
	v16 =	vsub.f32 v16, v44  }
0x2ac: {  	v34 =	vld [tilespmem:$0x1FFB0];
	v40 =	vmul.f32 v49, v49;
	v12 =	vadd.f32 v49, v51;
	v38 =	vadd.f32 v26, v55  }
0x2ad: {  	v7 =	vadd.f32 v10, v7;
	v41 =	vmul.f32 v55, v55;
	v15 =	vmul.f32 v28, v16  }
0x2ae: {  	v8 =	vadd.f32 v11, v8;
	v9 =	vmul.f32 v26, v26;
	v11 =	vadd.f32 v38, v12  }
0x2af: {  	v12 =	vadd.f32 v18, v36;
	v18 =	vadd.f32 v40, v39;
	v13 =	vmul.f32 v15, v56  }
0x2b0: {  	v37 =	vmul.f32 v27, v27;
	v3 =	vadd.f32 v9, v41;
	v8 =	vadd.f32 v11, v8  }
0x2b1: {  	v24 =	vmul.f32 v48, v48;
	v16 =	vadd.f32 v22, v21;
	v13 =	vadd.f32 v13, v34  }
0x2b2: {  	v15 =	vadd.f32 v29, v23;
	v56 =	vadd.f32 v25, v35  }
0x2b3: {  	v2 =	vadd.f32 v16, v2;
	[tilespmem:s11+$0x12DF0] =	vst v13;
	v13 =	vadd.f32 v37, v24  }
0x2b4: {  	v10 =	vadd.f32 v17, v15;
	v14 =	vadd.f32 v56, v19  }
0x2b5: {  	v9 =	vperm.xlane v0, v4;
	v3 =	vadd.f32 v3, v18;
	v12 =	vadd.f32 v13, v12  }
0x2b6: {  	v11 =	vperm.xlane v7, v4;
	v1 =	vadd.f32 v2, v1;
	v32 =	vadd.f32 v14, v10  }
0x2b7: {  	v0 =	vadd.f32 v0, v9;
	v10 =	vperm.xlane v8, v4;
	v3 =	vadd.f32 v3, v12  }
0x2b8: {  	v7 =	vadd.f32 v7, v11;
	v9 =	vperm.xlane v1, v4;
	v11 =	vperm.xlane v32, v4  }
0x2b9: {  	v8 =	vadd.f32 v8, v10;
	v12 =	vperm.xlane v0, v50;
	v10 =	vperm.xlane v3, v4  }
0x2ba: {  	v1 =	vadd.f32 v9, v1;
	v9 =	vperm.xlane v7, v50;
	v2 =	vadd.f32 v11, v32  }
0x2bb: {  	v11 =	vperm.xlane v8, v50;
	v0 =	vadd.f32 v0, v12;
	v3 =	vadd.f32 v10, v3  }
0x2bc: {  	v7 =	vadd.f32 v7, v9;
	v9 =	vperm.xlane v2, v50;
	v10 =	vperm.xlane v1, v50  }
0x2bd: {  	v8 =	vadd.f32 v8, v11;
	v12 =	vperm.xlane v0, v47;
	v11 =	vperm.xlane v3, v50  }
0x2be: {  	v2 =	vadd.f32 v9, v2;
	v1 =	vadd.f32 v10, v1;
	v10 =	vperm.xlane v7, v47  }
0x2bf: {  	v9 =	vperm.xlane v8, v47;
	v0 =	vadd.f32 v0, v12;
	v3 =	vadd.f32 v11, v3  }
0x2c0: {  	v11 =	vperm.xlane v1, v47;
	v7 =	vadd.f32 v7, v10;
	v10 =	vperm.xlane v2, v47  }
0x2c1: {  	v8 =	vadd.f32 v8, v9;
	v12 =	vperm.xlane v0, v5;
	v9 =	vperm.xlane v3, v47  }
0x2c2: {  	v1 =	vadd.f32 v11, v1;
	v11 =	vperm.xlane v7, v5;
	v2 =	vadd.f32 v10, v2  }
0x2c3: {  	v0 =	vadd.f32 v0, v12;
	v10 =	vperm.xlane v8, v5;
	v3 =	vadd.f32 v9, v3  }
0x2c4: {  	v9 =	vperm.xlane v1, v5;
	v7 =	vadd.f32 v7, v11;
	v11 =	vperm.xlane v2, v5  }
0x2c5: {  	v0 =	vmul.f32 $7.812500000e-03, v0;
	v8 =	vadd.f32 v8, v10;
	v10 =	vperm.xlane v3, v5  }
0x2c6: {  	v1 =	vadd.f32 v9, v1;
	v2 =	vadd.f32 v11, v2;
	v7 =	vmul.f32 $7.812500000e-03, v7  }
0x2c7: {  	v9 =	vmul.f32 v0, v0;
	v56 =	vmul.f32 $7.812500000e-03, v8;
	v8 =	vsub.f32 v58, v0  }
0x2c8: {  	v4 =	vsub.f32 v57, v0;
	v3 =	vadd.f32 v10, v3;
	v1 =	vmul.f32 $7.812500000e-03, v1  }
0x2c9: {  	v41 =	vld [tilespmem:$0x1F9E0];
	v57 =	vsub.f32 v59, v0;
	v2 =	vmul.f32 $7.812500000e-03, v2;
	v11 =	vmul.f32 v7, v7  }
0x2ca: {  	v12 =	vmul.f32 v56, v56;
	v3 =	vmul.f32 $7.812500000e-03, v3;
	v1 =	vsub.f32 v1, v9  }
0x2cb: {  	v10 =	vsub.f32 v60, v0;
	v2 =	vsub.f32 v2, v11  }
0x2cc: {  	v1 =	vadd.f32 $9.999999740e-06, v1;
	v3 =	vsub.f32 v3, v12  }
0x2cd: {  	v38 =	vld [tilespmem:$0x1F9D0];
	v60 =	vsub.f32 v62, v0;
	v2 =	vadd.f32 $9.999999740e-06, v2  }
0x2ce: {  	s13 =	sadd.s32 $0x4, s13;
	v58 =	vld [tilespmem:$0x1F9F0];
	v62 =	vsub.f32 v41, v0;
	v5 =	vshra.s32 v1, $0x1;
	v34 =	vadd.f32 $9.999999740e-06, v3  }
0x2cf: {  	p1 =	slt.u32 s13, $0x60;
	v50 =	vmovc v51;
	v12 =	vmul.f32 $5.000000000e-01, v1;
	v3 =	vshra.s32 v2, $0x1;
	v13 =	vmul.f32 $5.000000000e-01, v2  }
.Ltmp1:
0x2d0: {  	v33 =	vld [tilespmem:$0x1F980];
	v51 =	vmovc v27;
	v27 =	vmovc v54;
	v14 =	vsub.s32 $0x5F3759DF, v5;
	v36 =	vshra.s32 v34, $0x1;
	v11 =	vmul.f32 $5.000000000e-01, v34;
	(pc) =	sbr.rel @p1 .LBB2_5-.Ltmp1, $4  }
0x2d1: {  	v40 =	vld [tilespmem:$0x1F9A0];
	v54 =	vmovc v53;
	v53 =	vmovc v44;
	v15 =	vsub.s32 $0x5F3759DF, v3;
	v37 =	vmul.f32 v14, v12;
	v16 =	vsub.s32 $0x5F3759DF, v36  }
0x2d2: {  	v39 =	vld [tilespmem:$0x1F9B0];
	v44 =	vmovc v45;
	v9 =	vsub.f32 v63, v0;
	v3 =	vmul.f32 v15, v13;
	v45 =	vmul.f32 v16, v11  }
0x2d3: {  	v35 =	vld [tilespmem:$0x1F990];
	v47 =	vmovc v42;
	v63 =	vsub.f32 v38, v0;
	v58 =	vsub.f32 v58, v7;
	v17 =	vmul.f32 v14, v37  }
0x2d4: {  	s16 =	sadd.s32 $0x4, s16;
	v29 =	vld [tilespmem:$0x1F9C0];
	v42 =	vmovc v6;
	v34 =	vsub.f32 v61, v7;
	v59 =	vmul.f32 v15, v3;
	v6 =	vmul.f32 v16, v45  }
0x2d5: {  	v36 =	vld [tilespmem:$0x1FF60]  }
0x2d6: {  	v19 =	vld [tilespmem:$0x1FD20];
	_ =	sdelay $0x4  }
0x2d7: {  	v30 =	vld [tilespmem:$0x1FF70];
	v19 =	vadd.f32 v19, v36;
	_ =	sdelay $0x1  }
0x2d8: {  	[tilespmem:s24+$0x12D20] =	vst v19  }
0x2d9: {  	v31 =	vld [tilespmem:$0x1FF80]  }
0x2da: {  	v19 =	vld [tilespmem:$0x1FD50]  }
0x2db: {  	v21 =	vadd.f32 v40, v30;
	_ =	sdelay $0x1  }
0x2dc: {  	[tilespmem:s24+$0x12D30] =	vst v21  }
0x2dd: {  	v32 =	vld [tilespmem:$0x1FF90]  }
0x2de: {  	v19 =	vadd.f32 v19, v31;
	_ =	sdelay $0x1  }
0x2df: {  	[tilespmem:s24+$0x12D40] =	vst v19  }
0x2e0: {  	v5 =	vld [tilespmem:$0x1FFA0]  }
0x2e1: {  	v45 =	vadd.f32 v33, v32;
	_ =	sdelay $0x1  }
0x2e2: {  	[tilespmem:s24+$0x12D50] =	vst v45  }
0x2e3: {  	v40 =	vld [tilespmem:$0x1FFB0]  }
0x2e4: {  	v21 =	vld [tilespmem:$0x1FD70];
	v19 =	vadd.f32 v39, v5;
	_ =	sdelay $0x1  }
0x2e5: {  	[tilespmem:s24+$0x12D60] =	vst v19  }
0x2e6: {  	v39 =	vmov v5;
	v5 =	vld [tilespmem:$0x1FA00];
	_ =	sdelay $0x1  }
0x2e7: {  	v21 =	vadd.f32 v21, v40;
	v41 =	vld [tilespmem:$0x1FF40];
	_ =	sdelay $0x1  }
0x2e8: {  	[tilespmem:s24+$0x12D70] =	vst v21  }
0x2e9: {  	v25 =	vsub.f32 v5, v53;
	v5 =	vld [tilespmem:$0x1FA10];
	_ =	sdelay $0x1  }
0x2ea: {  	v19 =	vadd.f32 v29, v41;
	_ =	sdelay $0x1  }
0x2eb: {  	v3 =	vsub.f32 v42, v7;
	v42 =	vld [tilespmem:$0x1FF50];
	[tilespmem:s24+$0x12D80] =	vst v19  }
0x2ec: {  	v23 =	vsub.f32 v26, v56;
	v26 =	vsub.f32 v5, v53;
	v5 =	vld [tilespmem:$0x1FD90];
	_ =	sdelay $0x4  }
0x2ed: {  	v1 =	vsub.f32 $1.500000000e+00, v59;
	v19 =	vadd.f32 v5, v36;
	v5 =	vld [tilespmem:$0x1FA20];
	_ =	sdelay $0x1  }
0x2ee: {  	v1 =	vmul.f32 v15, v1;
	v15 =	vsub.f32 v46, v7;
	v46 =	vadd.f32 v35, v42;
	_ =	sdelay $0x1  }
0x2ef: {  	[tilespmem:s24+$0x12D90] =	vst v46  }
0x2f0: {  	v29 =	vsub.f32 v5, v53;
	v5 =	vld [tilespmem:$0x1FDB0];
	_ =	sdelay $0x4  }
0x2f1: {  	v18 =	vsub.f32 v47, v56;
	v47 =	vadd.f32 v5, v30;
	v5 =	vld [tilespmem:$0x1FA30];
	_ =	sdelay $0x3  }
0x2f2: {  	[tilespmem:s24+$0x12DA0] =	vst v19  }
0x2f3: {  	v37 =	vmov v30;
	v30 =	vsub.f32 v5, v53;
	v5 =	vld [tilespmem:$0x1FDE0];
	_ =	sdelay $0x4  }
0x2f4: {  	v19 =	vadd.f32 v5, v31;
	v5 =	vld [tilespmem:$0x1FA40];
	_ =	sdelay $0x2  }
0x2f5: {  	v0 =	vsub.f32 $1.500000000e+00, v17  }
0x2f6: {  	v13 =	vmul.f32 v1, v13;
	[tilespmem:s24+$0x12DB0] =	vst v47  }
0x2f7: {  	v20 =	vsub.f32 v48, v56;
	v0 =	vmul.f32 v14, v0;
	v48 =	vmovc v31;
	v31 =	vsub.f32 v5, v53;
	v5 =	vld [tilespmem:$0x1FE10]  }
0x2f8: {  	v13 =	vmul.f32 v13, v1  }
0x2f9: {  	v12 =	vmul.f32 v0, v12  }
0x2fa: {  	v13 =	vsub.f32 $1.500000000e+00, v13  }
0x2fb: {  	v12 =	vmul.f32 v12, v0  }
0x2fc: {  	v1 =	vmul.f32 v13, v1;
	v13 =	vsub.f32 v49, v56;
	v49 =	vadd.f32 v5, v32;
	v5 =	vld [tilespmem:$0x1FA50]  }
0x2fd: {  	v12 =	vsub.f32 $1.500000000e+00, v12  }
0x2fe: {  	v2 =	vsub.f32 $1.500000000e+00, v6  }
0x2ff: {  	v0 =	vmul.f32 v12, v0;
	v12 =	vsub.f32 v50, v56;
	v50 =	vld [tilespmem:$0x1FEC0]  }
0x300: {  	v2 =	vmul.f32 v16, v2;
	v16 =	vsub.f32 v52, v7;
	v52 =	vld [tilespmem:$0x1FED0];
	[tilespmem:s24+$0x12DC0] =	vst v19  }
0x301: {  	v22 =	vsub.f32 v51, v56;
	v51 =	vsub.f32 v5, v53;
	v5 =	vld [tilespmem:$0x1FE40]  }
0x302: {  	v11 =	vmul.f32 v2, v11;
	_ =	sdelay $0x1  }
0x303: {  	v11 =	vmul.f32 v11, v2;
	_ =	sdelay $0x1  }
0x304: {  	v11 =	vsub.f32 $1.500000000e+00, v11;
	v45 =	vld [tilespmem:$0x1FEE0];
	v19 =	vadd.f32 v5, v39  }
0x305: {  	v17 =	vsub.f32 v27, v56;
	v6 =	vsub.f32 v43, v7;
	v10 =	vmul.f32 v0, v10;
	[tilespmem:s24+$0x12DD0] =	vst v49  }
0x306: {  	v2 =	vmul.f32 v11, v2;
	v11 =	vsub.f32 v55, v56;
	v24 =	vmul.f32 v0, v60;
	v56 =	vld [tilespmem:$0x1FEF0];
	[tilespmem:s24+$0x12DE0] =	vst v19  }
0x307: {  	v14 =	vsub.f32 v44, v7;
	v9 =	vmul.f32 v0, v9;
	v10 =	vmul.f32 v10, v50;
	v5 =	vld [tilespmem:$0x1FA60]  }
0x308: {  	v7 =	vsub.f32 v54, v7;
	v3 =	vmul.f32 v1, v3;
	v24 =	vmul.f32 v24, v52  }
0x309: {  	v8 =	vmul.f32 v0, v8;
	v10 =	vadd.f32 v10, v41;
	v9 =	vmul.f32 v9, v45  }
0x30a: {  	v6 =	vmul.f32 v1, v6;
	v35 =	vmovc v36;
	v3 =	vmul.f32 v3, v45;
	v19 =	vadd.f32 v24, v42;
	v27 =	vld [tilespmem:$0x1FF00]  }
0x30b: {  	v4 =	vmul.f32 v0, v4;
	v54 =	vmul.f32 v0, v63;
	v9 =	vadd.f32 v9, v35;
	[tilespmem:s11+$0x12C00] =	vst v10  }
0x30c: {  	v3 =	vadd.f32 v3, v35;
	v6 =	vmul.f32 v6, v56;
	v24 =	vsub.f32 v5, v53;
	v5 =	vld [tilespmem:$0x1FF10];
	[tilespmem:s11+$0x12C10] =	vst v19  }
0x30d: {  	v55 =	vmul.f32 v0, v62;
	v8 =	vmul.f32 v8, v56;
	v59 =	vld [tilespmem:$0x1FF20];
	[tilespmem:s11+$0x12C20] =	vst v9  }
0x30e: {  	v0 =	vmul.f32 v0, v57;
	v6 =	vadd.f32 v6, v37;
	v60 =	vld [tilespmem:$0x1FF30];
	[tilespmem:s11+$0x12CA0] =	vst v3;
	v3 =	vmul.f32 v2, v18  }
0x30f: {  	v62 =	vmul.f32 v2, v17;
	v8 =	vadd.f32 v8, v37;
	v4 =	vmul.f32 v4, v27  }
0x310: {  	[tilespmem:s11+$0x12CB0] =	vst v6;
	v6 =	vmul.f32 v2, v20;
	v3 =	vmul.f32 v3, v52  }
0x311: {  	v38 =	vmov v32;
	v4 =	vadd.f32 v4, v48;
	[tilespmem:s11+$0x12C30] =	vst v8;
	v10 =	vmul.f32 v54, v5  }
0x312: {  	v6 =	vmul.f32 v6, v45;
	v57 =	vmovc v5;
	v5 =	vmul.f32 v1, v34;
	v3 =	vadd.f32 v3, v42  }
0x313: {  	v19 =	vmul.f32 v1, v58;
	[tilespmem:s11+$0x12C40] =	vst v4;
	v21 =	vmul.f32 v55, v59;
	v8 =	vadd.f32 v10, v38  }
0x314: {  	v20 =	vadd.f32 v6, v35;
	v0 =	vmul.f32 v0, v60;
	v5 =	vmul.f32 v5, v52;
	[tilespmem:s11+$0x12D10] =	vst v3  }
0x315: {  	v9 =	vmul.f32 v19, v50;
	v4 =	vadd.f32 v21, v39;
	[tilespmem:s11+$0x12C50] =	vst v8;
	v8 =	vmul.f32 v1, v14  }
0x316: {  	[tilespmem:s11+$0x12D20] =	vst v20;
	v0 =	vadd.f32 v0, v40;
	v61 =	vadd.f32 v5, v42;
	v5 =	vmul.f32 v1, v16  }
0x317: {  	[tilespmem:s11+$0x12C60] =	vst v4;
	v4 =	vadd.f32 v9, v41;
	v9 =	vmul.f32 v1, v15;
	v8 =	vmul.f32 v8, v27  }
0x318: {  	v1 =	vmul.f32 v1, v7;
	[tilespmem:s11+$0x12C70] =	vst v0;
	v5 =	vmul.f32 v5, v59  }
0x319: {  	v6 =	vmul.f32 v28, v25;
	[tilespmem:s11+$0x12C80] =	vst v4;
	v4 =	vmul.f32 v9, v57;
	v7 =	vadd.f32 v8, v48  }
0x31a: {  	v63 =	vmul.f32 v2, v11;
	[tilespmem:s11+$0x12C90] =	vst v61;
	v1 =	vmul.f32 v1, v60;
	v5 =	vadd.f32 v5, v39  }
0x31b: {  	v6 =	vmul.f32 v6, v50;
	v4 =	vadd.f32 v4, v38;
	[tilespmem:s11+$0x12CC0] =	vst v7;
	v7 =	vmul.f32 v2, v22  }
0x31c: {  	v0 =	vmul.f32 v62, v50;
	v1 =	vadd.f32 v1, v40;
	[tilespmem:s11+$0x12CE0] =	vst v5;
	v5 =	vmul.f32 v2, v13  }
0x31d: {  	v34 =	vadd.f32 v6, v41;
	[tilespmem:s11+$0x12CD0] =	vst v4;
	v4 =	vmul.f32 v2, v12;
	v7 =	vmul.f32 v7, v56  }
0x31e: {  	v0 =	vadd.f32 v0, v41;
	[tilespmem:s11+$0x12CF0] =	vst v1;
	v2 =	vmul.f32 v2, v23;
	v1 =	vmul.f32 v63, v59  }
0x31f: {  	[tilespmem:s11+$0x12D80] =	vst v34;
	v5 =	vmul.f32 v5, v57;
	v4 =	vmul.f32 v4, v27;
	v3 =	vadd.f32 v7, v37  }
0x320: {  	[tilespmem:s11+$0x12D00] =	vst v0;
	v23 =	vmul.f32 v28, v30;
	v2 =	vmul.f32 v2, v60;
	v22 =	vadd.f32 v1, v39  }
0x321: {  	v21 =	vadd.f32 v4, v48;
	v4 =	vmul.f32 v28, v26;
	[tilespmem:s11+$0x12D30] =	vst v3;
	v3 =	vadd.f32 v5, v38  }
0x322: {  	v1 =	vmul.f32 v23, v56;
	[tilespmem:s11+$0x12D60] =	vst v22;
	v5 =	vmul.f32 v28, v29  }
0x323: {  	v2 =	vadd.f32 v2, v40;
	v4 =	vmul.f32 v4, v52;
	[tilespmem:s11+$0x12D50] =	vst v3;
	v3 =	vmul.f32 v28, v31  }
0x324: {  	v6 =	vmul.f32 v28, v51;
	v1 =	vadd.f32 v1, v37;
	[tilespmem:s11+$0x12D40] =	vst v21;
	v5 =	vmul.f32 v5, v45  }
0x325: {  	[tilespmem:s11+$0x12D70] =	vst v2;
	v40 =	vadd.f32 v4, v42;
	v4 =	vmul.f32 v28, v24;
	v3 =	vmul.f32 v3, v27  }
0x326: {  	[tilespmem:s11+$0x12DB0] =	vst v1;
	v41 =	vadd.f32 v5, v35;
	v5 =	vmul.f32 v6, v57  }
0x327: {  	[tilespmem:s11+$0x12D90] =	vst v40;
	v42 =	vmul.f32 v4, v59;
	v43 =	vadd.f32 v3, v48  }
0x328: {  	[tilespmem:s11+$0x12DA0] =	vst v41;
	v44 =	vadd.f32 v5, v38  }
0x329: {  	v45 =	vadd.f32 v42, v39;
	[tilespmem:s11+$0x12DC0] =	vst v43  }
0x32a: {  	s2 =	sadd.s32 @!p0 s9, s26;
	s26 =	sadd.s32 s17, s23;
	[tilespmem:s11+$0x12DD0] =	vst v44  }
0x32b: {  	s13 =	simm.s32 @!p0 $0x19500;
	s14 =	smul.u32 $0xD00, s26;
	[tilespmem:s11+$0x12DE0] =	vst v45;
	s11 =	simm.s32 @!p0 $0x0  }
0x32c: {  	[tilespmem:s13], [sflag:$0x7] =	stream.linear.gather @!p0 [hbm4b:s2+s11], $0x64, $0x38;
	[tilespmem:$0x19900] =	vst v63  }
0x32d: {  	s2 =	sadd.s32 $0x3, s28  }
0x32e: {  	s16 =	sadd.s32 s10, s14;
	s2 =	sadd.s32 @!p0 s12, s2  }
0x32f: {  	[hbm4b:s16+s8] =	stream.linear.scatter [tilespmem:s31], [sflag:$0x5], $0x3200, $0x38;
	[tilespmem:$0x19900] =	vst v63  }
0x330: {  	s28 =	smul.u32 @!p0 $0xD, s2;
	_ =	swait.ge [sflag:s7], $0x3200  }
0x331: {  	[sflag:s7] =	ssyncset.done $0x0  }
0x332: {  	s13 =	simm.s32 @!p0 $0x19480;
	s2 =	sadd.s32 @!p0 s0, s28;
	[sflag:s7] =	ssyncadd.s32 $0xFFFFCE00  }
0x333: {  	[tilespmem:s13], [sflag:$0x4] =	stream.linear.gather @!p0 [hbm4b:s2+s11], $0x64, $0x38;
	[tilespmem:$0x19900] =	vst v63  }
0x334: {  	s2 =	simm.s32 @!p0 $0x3  }
0x335: {  	_ =	swait.ge @!p0 [sflag:s2], $0x64  }
0x336: {  	[sflag:s2] =	ssyncset.done @!p0 $0x0  }
0x337: {  	[sflag:s2] =	ssyncadd.s32 @!p0 $0xFFFFFF9C;
	s2 =	simm.s32 @!p0 $0x5  }
0x338: {  	_ =	swait.ge @!p0 [sflag:s2], $0x3200  }
0x339: {  	s11 =	simm.s32 @!p0 $0x19400;
	[sflag:s2] =	ssyncset.done @!p0 $0x0  }
0x33a: {  	s13 =	simm.s32 @!p0 $0x12C00;
	[sflag:s2] =	ssyncadd.s32 @!p0 $0xFFFFCE00;
	s2 =	simm.s32 @!p0 $0x64  }
0x33b: {  	[tilespmem:s13], [sflag:$0x1] =	stream.indirect.gather @!p0 [hbm4b:s1+s2], $0x80, s11, s2, $0xb8;
	[tilespmem:$0x19900] =	vst v63  }
0x33c: {  	_ =	swait.ge [sflag:s19], $0x64  }
0x33d: {  	[sflag:s19] =	ssyncset.done $0x0  }
0x33e: {  	s18 =	simm.s32 $0x19582;
	[sflag:s19] =	ssyncadd.s32 $0xFFFFFF9C  }
0x33f: {  	v46 =	vld [tilespmem:s18+$0x1];
	_ =	sdelay $0x4  }
0x340: {  	(v2sf) =	vpush v46, $0x0  }
0x341: {  	v47 =	vld [tilespmem:s18+$0xFFFFFFFF]  }
0x342: {  	v48 =	vld [tilespmem:s18+$0x0]  }
0x343: {  	v49 =	vld [tilespmem:s18+$0xFFFFFFFE];
	_ =	sdelay $0x2  }
0x344: {  	(v2sf) =	vpush v47, $0x0  }
0x345: {  	(v2sf) =	vpush v48, $0x0  }
0x346: {  	(v2sf) =	vpush v49, $0x0;
	_ =	sdelay $0x1  }
0x347: {  	s24 =	simm.s32 $0x0;
	v58 =	vld [tilespmem:$0x1FFE0]  }
0x348: {  	v50 =	vld [tilespmem:s24+$0x16180]  }
0x349: {  	v51 =	vld [tilespmem:s24+$0x16190]  }
0x34a: {  	v52 =	vld [tilespmem:s24+$0x161A0]  }
0x34b: {  	v3 =	vld [tilespmem:s24+$0x161B0]  }
0x34c: {  	v4 =	vld [tilespmem:s24+$0x161C0];
	s20 =	spop (v2sf)  }
0x34d: {  	v5 =	vld [tilespmem:s24+$0x161D0];
	s2 =	smul.u32 $0x19000, s20  }
0x34e: {  	v6 =	vld [tilespmem:s24+$0x161E0]  }
0x34f: {  	v7 =	vld [tilespmem:s24+$0x161F0];
	s2 =	sshra.s32 s2, $0x2  }
0x350: {  	v47 =	vld [tilespmem:$0x1FFF0];
	s2 =	sadd.s32 $0x0, s2  }
0x351: {  	v8 =	vld [tilespmem:s2+$0x3380]  }
0x352: {  	s21 =	spop (v2sf);
	v9 =	vld [tilespmem:s2+$0x3390]  }
0x353: {  	s22 =	spop (v2sf);
	v10 =	vld [tilespmem:s2+$0x33A0]  }
0x354: {  	s29 =	spop (v2sf);
	v13 =	vld [tilespmem:s2+$0x33B0]  }
0x355: {  	s14 =	smul.u32 $0x19000, s29;
	v14 =	vld [tilespmem:s2+$0x33C0]  }
0x356: {  	v15 =	vld [tilespmem:s2+$0x33D0]  }
0x357: {  	v16 =	vld [tilespmem:s2+$0x33E0];
	s14 =	sshra.s32 s14, $0x2  }
0x358: {  	v17 =	vld [tilespmem:s2+$0x33F0];
	s14 =	sadd.s32 $0x0, s14  }
0x359: {  	v18 =	vld [tilespmem:s14+$0x3200]  }
0x35a: {  	v19 =	vld [tilespmem:s14+$0x3210]  }
0x35b: {  	v21 =	vld [tilespmem:s14+$0x3220]  }
0x35c: {  	v22 =	vld [tilespmem:s14+$0x3230];
	v60 =	vadd.f32 v8, v50;
	v8 =	vadd.f32 v9, v51  }
0x35d: {  	v23 =	vld [tilespmem:s14+$0x3240];
	v9 =	vadd.f32 v10, v52  }
0x35e: {  	v24 =	vld [tilespmem:s14+$0x3250];
	v11 =	vadd.f32 v13, v3;
	[tilespmem:$0x1F4B0] =	vst v8  }
0x35f: {  	s11 =	smul.u32 $0x19000, s21;
	v53 =	vadd.f32 v14, v4;
	v0 =	vld [tilespmem:s14+$0x3260];
	[tilespmem:$0x1F4C0] =	vst v9  }
0x360: {  	v12 =	vadd.f32 v15, v5;
	v50 =	vld [tilespmem:$0x1FFC0];
	[tilespmem:$0x1F4D0] =	vst v11  }
0x361: {  	s2 =	sshra.s32 s11, $0x2;
	v25 =	vadd.f32 v16, v6;
	v1 =	vld [tilespmem:s14+$0x3270];
	[tilespmem:$0x1F4E0] =	vst v53  }
0x362: {  	s2 =	sadd.s32 $0x0, s2;
	v51 =	vld [tilespmem:$0x1FFD0];
	[tilespmem:$0x1F4F0] =	vst v12  }
0x363: {  	v2 =	vld [tilespmem:s2+$0x3280];
	[tilespmem:$0x1F500] =	vst v25  }
0x364: {  	v61 =	vadd.f32 v17, v7;
	v3 =	vld [tilespmem:s2+$0x3290]  }
0x365: {  	v4 =	vadd.f32 v8, v60;
	v5 =	vadd.f32 v11, v9;
	v13 =	vld [tilespmem:s2+$0x32A0]  }
0x366: {  	v6 =	vmul.f32 v60, v60;
	v7 =	vadd.f32 v12, v53;
	v8 =	vmul.f32 v8, v8;
	v14 =	vld [tilespmem:s2+$0x32B0]  }
0x367: {  	s16 =	smul.u32 $0x19000, s22;
	v10 =	vadd.f32 v61, v25;
	v15 =	vmul.f32 v11, v11;
	v16 =	vmul.f32 v53, v53;
	v17 =	vld [tilespmem:s2+$0x32C0]  }
0x368: {  	v54 =	vmul.f32 v12, v12;
	v9 =	vmul.f32 v9, v9;
	v4 =	vadd.f32 v5, v4;
	v26 =	vld [tilespmem:s2+$0x32D0]  }
0x369: {  	s11 =	sshra.s32 s16, $0x2;
	v5 =	vadd.f32 v10, v7;
	v7 =	vmul.f32 v61, v61;
	v25 =	vmul.f32 v25, v25;
	v28 =	vld [tilespmem:s2+$0x32E0]  }
0x36a: {  	s11 =	sadd.s32 $0x0, s11;
	v6 =	vadd.f32 v8, v6;
	v8 =	vadd.f32 v15, v9;
	v15 =	vld [tilespmem:s2+$0x32F0]  }
0x36b: {  	v9 =	vadd.f32 v54, v16;
	v30 =	vld [tilespmem:s11+$0x3320];
	v7 =	vadd.f32 v7, v25  }
0x36c: {  	v4 =	vadd.f32 v5, v4;
	v35 =	vld [tilespmem:s11+$0x3360]  }
0x36d: {  	v59 =	vld [tilespmem:s24+$0x16060];
	v5 =	vadd.f32 v8, v6;
	v6 =	vadd.f32 v7, v9  }
0x36e: {  	v10 =	vld [tilespmem:s24+$0x16030]  }
0x36f: {  	v56 =	vld [tilespmem:s24+$0x16040];
	v5 =	vadd.f32 v6, v5;
	v6 =	vperm.xlane v4, v58  }
0x370: {  	v63 =	vld [tilespmem:s24+$0x16080]  }
0x371: {  	v62 =	vld [tilespmem:s24+$0x16070];
	v4 =	vadd.f32 v4, v6;
	v6 =	vperm.xlane v5, v58  }
0x372: {  	v29 =	vadd.f32 v0, v59;
	v0 =	vld [tilespmem:s24+$0x160F0]  }
0x373: {  	v44 =	vld [tilespmem:s24+$0x16120];
	v7 =	vperm.xlane v4, v47;
	v5 =	vadd.f32 v6, v5  }
0x374: {  	v25 =	vld [tilespmem:s11+$0x3310]  }
0x375: {  	v46 =	vadd.f32 v2, v63;
	v2 =	vld [tilespmem:s24+$0x16110];
	v4 =	vadd.f32 v4, v7;
	v7 =	vperm.xlane v5, v47  }
0x376: {  	v6 =	vld [tilespmem:s24+$0x16000]  }
0x377: {  	v11 =	vadd.f32 v15, v0;
	v15 =	vld [tilespmem:s24+$0x16160];
	v55 =	vperm.xlane v4, v50;
	v5 =	vadd.f32 v7, v5  }
0x378: {  	v8 =	vld [tilespmem:s24+$0x16010];
	v52 =	vadd.f32 v1, v62  }
0x379: {  	v9 =	vld [tilespmem:s24+$0x16020];
	v45 =	vadd.f32 v23, v56;
	v4 =	vadd.f32 v4, v55;
	v7 =	vperm.xlane v5, v50  }
0x37a: {  	v16 =	vld [tilespmem:s11+$0x3300];
	v41 =	vadd.f32 v30, v44;
	v63 =	vadd.f32 v52, v29  }
0x37b: {  	v57 =	vld [tilespmem:s24+$0x16050];
	v12 =	vadd.f32 v25, v2;
	v20 =	vperm.xlane v4, v51;
	v5 =	vadd.f32 v7, v5  }
0x37c: {  	v33 =	vld [tilespmem:s11+$0x3340];
	v44 =	vadd.f32 v35, v15;
	v7 =	vadd.f32 v18, v6  }
0x37d: {  	v1 =	vld [tilespmem:s24+$0x16100];
	v4 =	vadd.f32 v4, v20;
	v6 =	vperm.xlane v5, v51;
	v20 =	vadd.f32 v19, v8  }
0x37e: {  	v48 =	vld [tilespmem:s24+$0x16090];
	v8 =	vadd.f32 v21, v9;
	v9 =	vadd.f32 v22, v10  }
0x37f: {  	v19 =	vld [tilespmem:s24+$0x160B0];
	v54 =	vmul.f32 v7, v7;
	v5 =	vadd.f32 v6, v5;
	v36 =	vmul.f32 $7.812500000e-03, v4  }
0x380: {  	v18 =	vld [tilespmem:s24+$0x160A0];
	v22 =	vadd.f32 v20, v7;
	v4 =	vadd.f32 v24, v57;
	v56 =	vmul.f32 v20, v20  }
0x381: {  	v24 =	vld [tilespmem:s24+$0x160E0];
	v55 =	vadd.f32 v9, v8;
	v27 =	vmul.f32 v8, v8;
	v62 =	vmul.f32 v9, v9  }
0x382: {  	v49 =	vld [tilespmem:s24+$0x160C0];
	v57 =	vadd.f32 v16, v1;
	v5 =	vmul.f32 $7.812500000e-03, v5;
	v59 =	vadd.f32 v4, v45  }
0x383: {  	v23 =	vld [tilespmem:s24+$0x160D0];
	v6 =	vmul.f32 v36, v36;
	v22 =	vadd.f32 v55, v22;
	v54 =	vadd.f32 v56, v54  }
0x384: {  	s18 =	simm.s32 $0x19586;
	v34 =	vld [tilespmem:s11+$0x3350];
	v39 =	vmul.f32 v45, v45;
	v56 =	vadd.f32 v62, v27;
	v31 =	vadd.f32 v14, v19  }
0x385: {  	v21 =	vmul.f32 v52, v52;
	v62 =	vld [tilespmem:s18+$0x1];
	v5 =	vsub.f32 v5, v6;
	v6 =	vadd.f32 v13, v18  }
0x386: {  	v55 =	vmul.f32 v12, v12;
	v14 =	vld [tilespmem:s24+$0x16140];
	v35 =	vadd.f32 v63, v59;
	v53 =	vadd.f32 v28, v24  }
0x387: {  	v19 =	vld [tilespmem:s24+$0x16150];
	v13 =	vmul.f32 v4, v4;
	v10 =	vadd.f32 $9.999999740e-06, v5;
	v5 =	vadd.f32 v3, v48  }
0x388: {  	v38 =	vld [tilespmem:s11+$0x3370];
	v59 =	vmul.f32 v41, v41;
	v48 =	vadd.f32 v17, v49;
	v49 =	vadd.f32 v26, v23  }
0x389: {  	v28 =	vld [tilespmem:s24+$0x16170];
	v25 =	vmul.f32 v31, v31;
	v24 =	vadd.f32 v31, v6;
	v13 =	vadd.f32 v13, v39  }
0x38a: {  	v17 =	vmul.f32 v29, v29;
	v16 =	vadd.f32 v11, v53;
	(v2sf) =	vpush v62, $0x0  }
0x38b: {  	v32 =	vld [tilespmem:s11+$0x3330];
	v23 =	vmul.f32 v46, v46;
	v18 =	vadd.f32 v5, v46;
	v26 =	vadd.f32 v49, v48  }
0x38c: {  	v3 =	vld [tilespmem:s24+$0x16130];
	v40 =	vmul.f32 v6, v6;
	v43 =	vadd.f32 v33, v14;
	v37 =	vadd.f32 v34, v19  }
0x38d: {  	v15 =	vmul.f32 v53, v53;
	v14 =	vadd.f32 v12, v57;
	v17 =	vadd.f32 v21, v17  }
0x38e: {  	v0 =	vmul.f32 v5, v5;
	v25 =	vadd.f32 v25, v40;
	v38 =	vadd.f32 v38, v28  }
0x38f: {  	v19 =	vmul.f32 v49, v49;
	v30 =	vadd.f32 v37, v43;
	v18 =	vadd.f32 v24, v18  }
0x390: {  	v34 =	vmul.f32 v57, v57;
	v16 =	vadd.f32 v16, v26;
	v0 =	vadd.f32 v0, v23  }
0x391: {  	v63 =	vmul.f32 v43, v43;
	v26 =	vmul.f32 v44, v44;
	v42 =	vadd.f32 v32, v3  }
0x392: {  	v13 =	vadd.f32 v17, v13;
	v3 =	vmul.f32 v48, v48;
	v33 =	vadd.f32 v38, v44  }
0x393: {  	v32 =	vmul.f32 v11, v11;
	v16 =	vadd.f32 v16, v18;
	v28 =	vadd.f32 v42, v41  }
0x394: {  	v0 =	vadd.f32 v25, v0;
	v24 =	vmul.f32 v42, v42;
	v3 =	vadd.f32 v19, v3  }
0x395: {  	v19 =	vmul.f32 v37, v37;
	v15 =	vadd.f32 v32, v15;
	v14 =	vadd.f32 v28, v14  }
0x396: {  	v2 =	vmul.f32 v38, v38;
	v28 =	vadd.f32 v33, v30;
	v30 =	vadd.f32 v55, v34  }
0x397: {  	v24 =	vadd.f32 v24, v59;
	v19 =	vadd.f32 v19, v63  }
0x398: {  	v33 =	vadd.f32 v35, v22;
	v34 =	vadd.f32 v2, v26  }
0x399: {  	v39 =	vld [tilespmem:s18+$0xFFFFFFFF];
	v35 =	vadd.f32 v56, v54;
	v3 =	vadd.f32 v15, v3  }
0x39a: {  	v15 =	vperm.xlane v33, v58;
	v14 =	vadd.f32 v28, v14;
	v17 =	vadd.f32 v24, v30  }
0x39b: {  	v54 =	vld [tilespmem:s18+$0x0];
	v18 =	vadd.f32 v34, v19;
	v13 =	vadd.f32 v13, v35  }
0x39c: {  	v19 =	vperm.xlane v16, v58;
	v0 =	vadd.f32 v3, v0;
	v3 =	vadd.f32 v33, v15  }
0x39d: {  	v15 =	vperm.xlane v14, v58;
	v17 =	vadd.f32 v18, v17;
	v18 =	vperm.xlane v13, v58  }
0x39e: {  	(v2sf) =	vpush v39, $0x0;
	v16 =	vadd.f32 v16, v19;
	v19 =	vperm.xlane v0, v58  }
0x39f: {  	v40 =	vperm.xlane v3, v47;
	v14 =	vadd.f32 v14, v15;
	v13 =	vadd.f32 v18, v13;
	v18 =	vld [tilespmem:s18+$0xFFFFFFFE]  }
0x3a0: {  	(v2sf) =	vpush v54, $0x0;
	v15 =	vperm.xlane v17, v58;
	v24 =	vperm.xlane v16, v47  }
0x3a1: {  	v0 =	vadd.f32 v19, v0;
	v3 =	vadd.f32 v3, v40;
	v19 =	vperm.xlane v14, v47  }
0x3a2: {  	v15 =	vadd.f32 v15, v17;
	v17 =	vperm.xlane v13, v47;
	v16 =	vadd.f32 v16, v24  }
0x3a3: {  	s11 =	simm.s32 $0x200;
	v24 =	vperm.xlane v0, v47;
	v25 =	vperm.xlane v3, v50;
	v14 =	vadd.f32 v14, v19  }
0x3a4: {  	v21 =	vld [tilespmem:s11+$0x16190];
	v55 =	vperm.xlane v15, v47;
	v13 =	vadd.f32 v17, v13;
	(v2sf) =	vpush v18, $0x0  }
0x3a5: {  	v32 =	vld [tilespmem:s11+$0x161E0];
	v0 =	vadd.f32 v24, v0;
	v3 =	vadd.f32 v3, v25  }
0x3a6: {  	v22 =	vld [tilespmem:s11+$0x16180];
	v24 =	vperm.xlane v14, v50;
	v15 =	vadd.f32 v55, v15;
	v56 =	vperm.xlane v13, v50  }
0x3a7: {  	v28 =	vld [tilespmem:s11+$0x161C0];
	s20 =	spop (v2sf);
	v25 =	vperm.xlane v3, v51  }
0x3a8: {  	v30 =	vld [tilespmem:s11+$0x161D0];
	s2 =	smul.u32 $0x19000, s20;
	v14 =	vadd.f32 v14, v24;
	v24 =	vperm.xlane v15, v50;
	v13 =	vadd.f32 v56, v13  }
0x3a9: {  	v33 =	vld [tilespmem:s11+$0x161F0];
	v18 =	vperm.xlane v16, v50  }
0x3aa: {  	v19 =	vld [tilespmem:s11+$0x161A0];
	s2 =	sshra.s32 s2, $0x2;
	v3 =	vadd.f32 v3, v25;
	v15 =	vadd.f32 v24, v15;
	v24 =	vperm.xlane v13, v51  }
0x3ab: {  	v17 =	vld [tilespmem:s11+$0x161B0];
	s2 =	sadd.s32 $0x200, s2;
	v16 =	vadd.f32 v16, v18;
	v18 =	vperm.xlane v0, v50  }
0x3ac: {  	v34 =	vld [tilespmem:s2+$0x3390];
	v3 =	vmul.f32 $7.812500000e-03, v3;
	v13 =	vadd.f32 v24, v13  }
0x3ad: {  	v59 =	vperm.xlane v16, v51;
	v0 =	vadd.f32 v18, v0;
	v18 =	vld [tilespmem:s2+$0x3380]  }
0x3ae: {  	v35 =	vld [tilespmem:s2+$0x33A0];
	v63 =	vmul.f32 v3, v3;
	v13 =	vmul.f32 $7.812500000e-03, v13;
	v56 =	vsub.f32 v7, v3  }
0x3af: {  	v39 =	vld [tilespmem:s2+$0x33B0];
	v16 =	vadd.f32 v16, v59;
	v59 =	vsub.f32 v20, v3  }
0x3b0: {  	v40 =	vld [tilespmem:s2+$0x33C0];
	v62 =	vperm.xlane v0, v51;
	[tilespmem:$0x1F510] =	vst v56;
	v13 =	vsub.f32 v13, v63;
	v63 =	vsub.f32 v8, v3  }
0x3b1: {  	s21 =	spop (v2sf);
	v23 =	vsub.f32 v9, v3;
	v7 =	vld [tilespmem:s2+$0x33D0];
	[tilespmem:$0x1F520] =	vst v59  }
0x3b2: {  	v25 =	vperm.xlane v14, v51;
	v0 =	vadd.f32 v62, v0;
	s22 =	spop (v2sf);
	v22 =	vadd.f32 v18, v22;
	v62 =	vld [tilespmem:s2+$0x33E0];
	[tilespmem:$0x1F530] =	vst v63  }
0x3b3: {  	v35 =	vadd.f32 v35, v19;
	v18 =	vadd.f32 v34, v21;
	v8 =	vld [tilespmem:s2+$0x33F0];
	[tilespmem:$0x1F540] =	vst v23;
	s29 =	spop (v2sf)  }
0x3b4: {  	v19 =	vadd.f32 v39, v17;
	v14 =	vadd.f32 v14, v25;
	v25 =	vperm.xlane v15, v51;
	[tilespmem:$0x1F440] =	vst v22;
	s14 =	smul.u32 $0x19000, s29  }
0x3b5: {  	v54 =	vadd.f32 v40, v28;
	[tilespmem:$0x1F450] =	vst v18  }
0x3b6: {  	v16 =	vmul.f32 $7.812500000e-03, v16;
	v17 =	vadd.f32 v19, v35;
	v15 =	vadd.f32 v25, v15;
	[tilespmem:$0x1F460] =	vst v35;
	s14 =	sshra.s32 s14, $0x2  }
0x3b7: {  	v9 =	vshra.s32 v10, $0x1;
	v39 =	vsub.f32 v45, v3;
	[tilespmem:$0x1F470] =	vst v19;
	v55 =	vadd.f32 v7, v30;
	s14 =	sadd.s32 $0x200, s14  }
0x3b8: {  	v0 =	vmul.f32 $7.812500000e-03, v0;
	v20 =	vmul.f32 v16, v16;
	v24 =	vadd.f32 v8, v33;
	v27 =	vld [tilespmem:s14+$0x3200];
	[tilespmem:$0x1F480] =	vst v54  }
0x3b9: {  	v45 =	vsub.f32 v4, v3;
	v23 =	vmul.f32 $5.000000000e-01, v10;
	v56 =	vadd.f32 v62, v32;
	[tilespmem:$0x1F490] =	vst v55  }
0x3ba: {  	v2 =	vsub.f32 v0, v20;
	v10 =	vmul.f32 v18, v18;
	v19 =	vmul.f32 v19, v19;
	v20 =	vld [tilespmem:s14+$0x3210];
	[tilespmem:$0x1F800] =	vst v24  }
0x3bb: {  	v7 =	vadd.f32 v18, v22;
	v18 =	vmul.f32 v35, v35;
	v8 =	vmul.f32 v22, v22;
	[tilespmem:$0x1F4A0] =	vst v56  }
0x3bc: {  	v34 =	vsub.f32 v49, v16;
	v30 =	vmul.f32 v54, v54;
	v28 =	vadd.f32 v55, v54;
	v63 =	vld [tilespmem:s14+$0x3220]  }
0x3bd: {  	v59 =	vmul.f32 v55, v55;
	v8 =	vadd.f32 v10, v8;
	v10 =	vadd.f32 v19, v18;
	v18 =	vld [tilespmem:s14+$0x3230]  }
0x3be: {  	v7 =	vadd.f32 v17, v7;
	v1 =	vmul.f32 v56, v56;
	v21 =	vmul.f32 v24, v24;
	v40 =	vld [tilespmem:s14+$0x3240]  }
0x3bf: {  	s13 =	smul.u32 $0x19000, s21;
	v54 =	vsub.f32 v29, v3;
	v33 =	vadd.f32 v24, v56;
	v56 =	vld [tilespmem:s14+$0x3250]  }
0x3c0: {  	v14 =	vmul.f32 $7.812500000e-03, v14;
	v19 =	vadd.f32 v59, v30;
	v32 =	vld [tilespmem:s14+$0x3260];
	v30 =	vadd.f32 v21, v1  }
0x3c1: {  	s13 =	sshra.s32 s13, $0x2;
	v15 =	vmul.f32 $7.812500000e-03, v15;
	v55 =	vsub.f32 v52, v3;
	v59 =	vld [tilespmem:s14+$0x3270];
	[tilespmem:$0x1F550] =	vst v39;
	v17 =	vadd.f32 v33, v28  }
0x3c2: {  	s13 =	sadd.s32 $0x200, s13;
	[tilespmem:$0x1F560] =	vst v45;
	v28 =	vsub.s32 $0x5F3759DF, v9;
	v8 =	vadd.f32 v10, v8;
	v9 =	vadd.f32 v30, v19  }
0x3c3: {  	v62 =	vsub.f32 v46, v16;
	v25 =	vld [tilespmem:s13+$0x3280];
	[tilespmem:$0x1F570] =	vst v54;
	v10 =	vmul.f32 v28, v23;
	v7 =	vadd.f32 v17, v7  }
0x3c4: {  	v22 =	vmul.f32 v14, v14;
	v45 =	vld [tilespmem:s13+$0x3290];
	[tilespmem:$0x1F580] =	vst v55;
	v19 =	vadd.f32 $9.999999740e-06, v13;
	v8 =	vadd.f32 v9, v8  }
0x3c5: {  	v21 =	vsub.f32 v6, v16;
	v30 =	vld [tilespmem:s13+$0x32A0];
	v9 =	vmul.f32 v28, v10;
	v4 =	vperm.xlane v7, v58  }
0x3c6: {  	s2 =	smul.u32 $0x19000, s22;
	v29 =	vld [tilespmem:s13+$0x32B0];
	[tilespmem:$0x1F590] =	vst v62;
	v3 =	vshra.s32 v19, $0x1;
	v19 =	vmul.f32 $5.000000000e-01, v19;
	v10 =	vperm.xlane v8, v58  }
0x3c7: {  	v2 =	vadd.f32 $9.999999740e-06, v2;
	v15 =	vsub.f32 v15, v22;
	v46 =	vld [tilespmem:s13+$0x32C0];
	[tilespmem:$0x1F5A0] =	vst v21;
	v3 =	vsub.s32 $0x5F3759DF, v3  }
0x3c8: {  	v17 =	vld [tilespmem:s13+$0x32D0];
	v4 =	vadd.f32 v7, v4;
	v39 =	vadd.f32 v10, v8;
	v8 =	vmul.f32 v3, v19  }
0x3c9: {  	s2 =	sshra.s32 s2, $0x2;
	v54 =	vsub.f32 v5, v16;
	v55 =	vsub.f32 v48, v16;
	v21 =	vld [tilespmem:s13+$0x32E0]  }
0x3ca: {  	s2 =	sadd.s32 $0x200, s2;
	v48 =	vld [tilespmem:s13+$0x32F0];
	v1 =	vsub.f32 $1.500000000e+00, v9;
	v22 =	vperm.xlane v4, v47;
	v5 =	vmul.f32 v3, v8  }
0x3cb: {  	v33 =	vsub.f32 v11, v16;
	v49 =	vadd.f32 $9.999999740e-06, v15;
	v24 =	vld [tilespmem:s2+$0x3300]  }
0x3cc: {  	v13 =	vld [tilespmem:s2+$0x3320];
	v6 =	vmul.f32 v28, v1;
	v4 =	vadd.f32 v4, v22;
	v5 =	vsub.f32 $1.500000000e+00, v5  }
0x3cd: {  	v28 =	vld [tilespmem:s2+$0x3310];
	v35 =	vperm.xlane v39, v47;
	v22 =	vsub.f32 v57, v14;
	v57 =	vsub.f32 v43, v14  }
0x3ce: {  	v15 =	vshra.s32 v2, $0x1;
	v8 =	vld [tilespmem:s2+$0x3340];
	v3 =	vmul.f32 v3, v5;
	v5 =	vmul.f32 $5.000000000e-01, v2  }
0x3cf: {  	v0 =	vsub.s32 $0x5F3759DF, v15;
	v1 =	vadd.f32 v35, v39;
	v35 =	vld [tilespmem:s2+$0x3330];
	[tilespmem:$0x1F5B0] =	vst v57;
	v57 =	vsub.f32 v38, v14  }
0x3d0: {  	v15 =	vsub.f32 v42, v14;
	v43 =	vperm.xlane v4, v50;
	v11 =	vld [tilespmem:s2+$0x3350];
	v62 =	vmul.f32 v0, v5  }
0x3d1: {  	v39 =	vsub.f32 v44, v14;
	v44 =	vmul.f32 $5.000000000e-01, v49;
	v9 =	vld [tilespmem:s2+$0x3360];
	[tilespmem:$0x1F610] =	vst v57;
	v2 =	vperm.xlane v1, v50  }
0x3d2: {  	v4 =	vadd.f32 v4, v43;
	v57 =	vshra.s32 v49, $0x1;
	v7 =	vld [tilespmem:s2+$0x3370];
	v62 =	vmul.f32 v0, v62  }
0x3d3: {  	v49 =	vld [tilespmem:s11+$0x16000];
	v43 =	vsub.s32 $0x5F3759DF, v57;
	v57 =	vsub.f32 v60, v36;
	v42 =	vadd.f32 v2, v1  }
0x3d4: {  	v60 =	vld [tilespmem:$0x1F4B0];
	v1 =	vsub.f32 $1.500000000e+00, v62;
	v62 =	vsub.f32 v61, v36  }
0x3d5: {  	v38 =	vld [tilespmem:s11+$0x16010]  }
0x3d6: {  	[tilespmem:$0x1F630] =	vst v62;
	v62 =	vld [tilespmem:$0x1F4C0]  }
0x3d7: {  	v12 =	vsub.f32 v12, v14  }
0x3d8: {  	v41 =	vsub.f32 v41, v14;
	v37 =	vsub.f32 v37, v14;
	v14 =	vld [tilespmem:$0x1F4F0]  }
0x3d9: {  	[tilespmem:$0x1F640] =	vst v57;
	v0 =	vmul.f32 v0, v1;
	v1 =	vsub.f32 v60, v36;
	v60 =	vld [tilespmem:$0x1F4D0]  }
0x3da: {  	v61 =	vld [tilespmem:s11+$0x16020]  }
0x3db: {  	[tilespmem:$0x1F650] =	vst v1;
	v1 =	vsub.f32 v62, v36;
	v62 =	vld [tilespmem:$0x1F4E0];
	_ =	sdelay $0x2  }
0x3dc: {  	v10 =	vsub.f32 v14, v36;
	v14 =	vld [tilespmem:$0x1F500];
	v2 =	vsub.f32 v60, v36  }
0x3dd: {  	v19 =	vmul.f32 v3, v19;
	[tilespmem:$0x1F660] =	vst v1  }
0x3de: {  	v1 =	vld [tilespmem:s11+$0x16030];
	[tilespmem:$0x1F670] =	vst v2;
	v2 =	vsub.f32 v62, v36  }
0x3df: {  	v19 =	vmul.f32 v19, v3  }
0x3e0: {  	[tilespmem:$0x1F680] =	vst v2  }
0x3e1: {  	v57 =	vmul.f32 v43, v44;
	v19 =	vsub.f32 $1.500000000e+00, v19;
	v2 =	vld [tilespmem:s11+$0x16040];
	[tilespmem:$0x1F690] =	vst v10;
	v10 =	vsub.f32 v14, v36  }
0x3e2: {  	v52 =	vsub.f32 v31, v16;
	v31 =	vmul.f32 v6, v23  }
0x3e3: {  	v57 =	vmul.f32 v43, v57;
	v19 =	vmul.f32 v19, v3;
	v3 =	vld [tilespmem:$0x1F520];
	[tilespmem:$0x1F6A0] =	vst v10  }
0x3e4: {  	v60 =	vadd.f32 v63, v61;
	v14 =	vperm.xlane v4, v51;
	v61 =	vadd.f32 v18, v1;
	v36 =	vld [tilespmem:s11+$0x16050]  }
0x3e5: {  	v1 =	vmul.f32 v31, v6;
	v10 =	vadd.f32 v27, v49;
	v27 =	vsub.f32 $1.500000000e+00, v57;
	v57 =	vld [tilespmem:s11+$0x16060]  }
0x3e6: {  	v62 =	vadd.f32 v20, v38;
	v49 =	vperm.xlane v42, v51;
	v38 =	vld [tilespmem:s11+$0x16070]  }
0x3e7: {  	v4 =	vadd.f32 v4, v14;
	v1 =	vsub.f32 $1.500000000e+00, v1;
	v31 =	vld [tilespmem:s11+$0x16090]  }
0x3e8: {  	v63 =	vmul.f32 v0, v5;
	v43 =	vmul.f32 v43, v27;
	v42 =	vadd.f32 v49, v42;
	v49 =	vld [tilespmem:s11+$0x16080]  }
0x3e9: {  	v27 =	vmul.f32 $7.812500000e-03, v4;
	v4 =	vmul.f32 v1, v6;
	v6 =	vld [tilespmem:s11+$0x160E0]  }
0x3ea: {  	v53 =	vsub.f32 v53, v16;
	v1 =	vld [tilespmem:s11+$0x16100];
	v5 =	vmul.f32 v43, v44  }
0x3eb: {  	v20 =	vadd.f32 v40, v2;
	v40 =	vld [tilespmem:s11+$0x160A0];
	v2 =	vmul.f32 v63, v0;
	v42 =	vmul.f32 $7.812500000e-03, v42  }
0x3ec: {  	v63 =	vld [tilespmem:s11+$0x160D0];
	v26 =	vadd.f32 v56, v36;
	v5 =	vmul.f32 v5, v43;
	v56 =	vmul.f32 v27, v27  }
0x3ed: {  	v16 =	vadd.f32 v32, v57;
	v31 =	vadd.f32 v45, v31;
	v45 =	vld [tilespmem:$0x1F510]  }
0x3ee: {  	v32 =	vsub.f32 v42, v56;
	v42 =	vsub.f32 $1.500000000e+00, v5;
	v5 =	vld [tilespmem:s11+$0x160F0]  }
0x3ef: {  	v44 =	vld [tilespmem:s11+$0x160C0]  }
0x3f0: {  	v36 =	vld [tilespmem:s11+$0x160B0]  }
0x3f1: {  	v21 =	vadd.f32 v21, v6;
	v6 =	vld [tilespmem:$0x1F550]  }
0x3f2: {  	v57 =	vadd.f32 v59, v38;
	v59 =	vmul.f32 v42, v43;
	v42 =	vmul.f32 v19, v3;
	v3 =	vld [tilespmem:$0x1F530]  }
0x3f3: {  	v23 =	vsub.f32 $1.500000000e+00, v2;
	v2 =	vmul.f32 v19, v45;
	v45 =	vadd.f32 v48, v5;
	v5 =	vld [tilespmem:$0x1F560]  }
0x3f4: {  	v18 =	vadd.f32 v30, v40;
	v30 =	vld [tilespmem:s11+$0x16110]  }
0x3f5: {  	v49 =	vadd.f32 v25, v49;
	v25 =	vadd.f32 v17, v63;
	v17 =	vld [tilespmem:s11+$0x16130]  }
0x3f6: {  	v0 =	vmul.f32 v23, v0;
	v23 =	vadd.f32 v46, v44;
	v46 =	vld [tilespmem:$0x1F580];
	v6 =	vmul.f32 v19, v6  }
0x3f7: {  	v14 =	vadd.f32 v29, v36;
	v29 =	vld [tilespmem:s11+$0x16120]  }
0x3f8: {  	[tilespmem:$0x1F6B0] =	vst v6;
	v56 =	vmul.f32 v19, v3;
	v3 =	vld [tilespmem:$0x1F540];
	v5 =	vmul.f32 v19, v5  }
0x3f9: {  	v6 =	vld [tilespmem:s11+$0x16140]  }
0x3fa: {  	[tilespmem:$0x1F6C0] =	vst v5;
	v5 =	vld [tilespmem:$0x1F570];
	_ =	sdelay $0x3  }
0x3fb: {  	v3 =	vmul.f32 v19, v3  }
0x3fc: {  	v48 =	vmul.f32 v19, v5;
	v19 =	vmul.f32 v19, v46;
	v46 =	vadd.f32 v13, v29;
	v13 =	vld [tilespmem:$0x1F590];
	_ =	sdelay $0x2  }
0x3fd: {  	v43 =	vadd.f32 v35, v17;
	v17 =	vld [tilespmem:$0x1F5A0];
	_ =	sdelay $0x1  }
0x3fe: {  	v13 =	vmul.f32 v0, v13  }
0x3ff: {  	v5 =	vld [tilespmem:s11+$0x16150];
	[tilespmem:$0x1F6D0] =	vst v19  }
0x400: {  	v36 =	vmul.f32 v59, v12;
	v63 =	vld [tilespmem:s11+$0x16160];
	[tilespmem:$0x1F6E0] =	vst v13;
	v13 =	vmul.f32 v0, v54  }
0x401: {  	v40 =	vmul.f32 v59, v41;
	v17 =	vmul.f32 v0, v17  }
0x402: {  	v38 =	vadd.f32 v26, v20;
	v41 =	vmul.f32 v59, v15;
	v35 =	vmul.f32 v59, v22;
	[tilespmem:$0x1F6F0] =	vst v13  }
0x403: {  	v44 =	vadd.f32 v24, v1;
	v12 =	vmul.f32 v26, v26;
	v22 =	vmul.f32 v59, v39;
	v13 =	vld [tilespmem:s11+$0x16170];
	[tilespmem:$0x1F700] =	vst v17  }
0x404: {  	v17 =	vmul.f32 v0, v52;
	v52 =	vadd.f32 v8, v6;
	v6 =	vmul.f32 v0, v55;
	[tilespmem:$0x1F760] =	vst v35  }
0x405: {  	v24 =	vadd.f32 v28, v30;
	v29 =	vmul.f32 v14, v14;
	v54 =	vadd.f32 v9, v63;
	v63 =	vld [tilespmem:$0x1F5B0];
	[tilespmem:$0x1F7E0] =	vst v22  }
0x406: {  	v28 =	vadd.f32 v45, v21;
	v19 =	vmul.f32 v31, v31;
	[tilespmem:$0x1F720] =	vst v6;
	v6 =	vmul.f32 v0, v34  }
0x407: {  	v8 =	vadd.f32 v61, v60;
	v35 =	vmul.f32 v21, v21;
	v22 =	vmul.f32 v24, v24;
	[tilespmem:$0x1F710] =	vst v17  }
0x408: {  	v17 =	vadd.f32 v25, v23;
	[tilespmem:$0x1F730] =	vst v6;
	v6 =	vmul.f32 v0, v53;
	v0 =	vmul.f32 v0, v33  }
0x409: {  	v53 =	vadd.f32 v11, v5;
	v5 =	vadd.f32 v57, v16;
	v11 =	vmul.f32 v20, v20  }
0x40a: {  	[tilespmem:$0x1F8B0] =	vst v16;
	v33 =	vmul.f32 v59, v63;
	v55 =	vadd.f32 v7, v13;
	v7 =	vmul.f32 v10, v10  }
0x40b: {  	v13 =	vmul.f32 v16, v16;
	v16 =	vadd.f32 v14, v18;
	[tilespmem:$0x1F740] =	vst v6;
	v6 =	vadd.f32 v62, v10  }
0x40c: {  	[tilespmem:$0x1F830] =	vst v10;
	v9 =	vadd.f32 v5, v38;
	v5 =	vmul.f32 v60, v60;
	v10 =	vmul.f32 v61, v61  }
0x40d: {  	v1 =	vadd.f32 v8, v6;
	v6 =	vadd.f32 $9.999999740e-06, v32;
	v8 =	vmul.f32 v62, v62  }
0x40e: {  	v11 =	vadd.f32 v12, v11;
	v10 =	vadd.f32 v10, v5;
	v5 =	vmul.f32 v57, v57  }
0x40f: {  	v7 =	vadd.f32 v8, v7;
	v8 =	vmul.f32 $5.000000000e-01, v6;
	v6 =	vshra.s32 v6, $0x1  }
0x410: {  	v12 =	vadd.f32 v5, v13;
	v13 =	vadd.f32 v31, v49;
	v6 =	vsub.s32 $0x5F3759DF, v6  }
0x411: {  	v17 =	vadd.f32 v28, v17;
	v28 =	vmul.f32 v23, v23;
	v63 =	vld [tilespmem:$0x1F610];
	v15 =	vmul.f32 v6, v8  }
0x412: {  	[tilespmem:$0x1F8D0] =	vst v31;
	v38 =	vmul.f32 v59, v37;
	v13 =	vadd.f32 v16, v13;
	v16 =	vmul.f32 v18, v18  }
0x413: {  	[tilespmem:$0x1F750] =	vst v0;
	v0 =	vadd.f32 v43, v46;
	v5 =	vmul.f32 v6, v15;
	v15 =	vmul.f32 v49, v49  }
0x414: {  	[tilespmem:$0x1F600] =	vst v21;
	v21 =	vadd.f32 v53, v52;
	v31 =	vmul.f32 v25, v25;
	v1 =	vadd.f32 v9, v1  }
0x415: {  	[tilespmem:$0x1F8C0] =	vst v49;
	v49 =	vmul.f32 v45, v45;
	v16 =	vadd.f32 v29, v16;
	v15 =	vadd.f32 v19, v15  }
0x416: {  	[tilespmem:$0x1F770] =	vst v36;
	v36 =	vmul.f32 v59, v63;
	v19 =	vadd.f32 v31, v28;
	v28 =	vadd.f32 v24, v44  }
0x417: {  	[tilespmem:$0x1F5E0] =	vst v23;
	v63 =	vmul.f32 v52, v52;
	v23 =	vsub.f32 $1.500000000e+00, v5;
	v29 =	vadd.f32 v49, v35;
	v5 =	vld [tilespmem:$0x1F660]  }
0x418: {  	v49 =	vmul.f32 v43, v43;
	v34 =	vadd.f32 v0, v28;
	v28 =	vmul.f32 v46, v46  }
0x419: {  	v11 =	vadd.f32 v12, v11;
	v6 =	vmul.f32 v6, v23;
	v0 =	vmul.f32 v53, v53  }
0x41a: {  	v31 =	vmul.f32 v44, v44;
	v23 =	vadd.f32 v55, v54;
	v39 =	vadd.f32 v49, v28  }
0x41b: {  	[tilespmem:$0x1F780] =	vst v40;
	v8 =	vmul.f32 v6, v8;
	v40 =	vadd.f32 v0, v63;
	v28 =	vmul.f32 v54, v54;
	v63 =	vld [tilespmem:$0x1F650]  }
0x41c: {  	v37 =	vadd.f32 v23, v21;
	v21 =	vmul.f32 v55, v55;
	v32 =	vmul.f32 v4, v5;
	v5 =	vld [tilespmem:$0x1F670]  }
0x41d: {  	v12 =	vadd.f32 v17, v13;
	v31 =	vadd.f32 v22, v31;
	v8 =	vmul.f32 v8, v6  }
0x41e: {  	[tilespmem:$0x1F7A0] =	vst v41;
	v22 =	vld [tilespmem:$0x1F630];
	v41 =	vadd.f32 v21, v28;
	v21 =	vadd.f32 v10, v7  }
0x41f: {  	v13 =	vadd.f32 v37, v34;
	v8 =	vsub.f32 $1.500000000e+00, v8  }
0x420: {  	v0 =	vadd.f32 v11, v21;
	v11 =	vperm.xlane v12, v58;
	v30 =	vmul.f32 v4, v63  }
0x421: {  	v17 =	vadd.f32 v41, v40;
	v63 =	vmul.f32 v4, v5;
	v28 =	vmul.f32 v8, v6  }
0x422: {  	v5 =	vld [tilespmem:$0x1F680];
	v6 =	vadd.f32 v16, v15;
	v8 =	vadd.f32 v29, v19;
	v16 =	vperm.xlane v1, v58  }
0x423: {  	[tilespmem:$0x1F8A0] =	vst v26;
	v26 =	vld [tilespmem:$0x1FF00];
	v23 =	vmul.f32 v4, v22;
	v15 =	vadd.f32 v39, v31;
	v11 =	vadd.f32 v12, v11  }
0x424: {  	[tilespmem:$0x1F5F0] =	vst v25;
	v25 =	vld [tilespmem:$0x1FEF0];
	v6 =	vadd.f32 v8, v6;
	v1 =	vadd.f32 v1, v16;
	v8 =	vperm.xlane v13, v58  }
0x425: {  	v9 =	vld [tilespmem:$0x1F770];
	v12 =	vperm.xlane v0, v58;
	v15 =	vadd.f32 v17, v15;
	v17 =	vperm.xlane v11, v47  }
0x426: {  	v49 =	vld [tilespmem:$0x1F640];
	v8 =	vadd.f32 v13, v8;
	v13 =	vperm.xlane v6, v58;
	v16 =	vperm.xlane v1, v47  }
0x427: {  	[tilespmem:$0x1F620] =	vst v24;
	v24 =	vld [tilespmem:$0x1FEE0];
	v0 =	vadd.f32 v12, v0;
	v12 =	vperm.xlane v15, v58;
	v5 =	vmul.f32 v4, v5  }
0x428: {  	v35 =	vld [tilespmem:$0x1F6C0];
	v11 =	vadd.f32 v11, v17;
	v6 =	vadd.f32 v13, v6;
	v13 =	vperm.xlane v8, v47  }
0x429: {  	v1 =	vadd.f32 v1, v16;
	v12 =	vadd.f32 v12, v15;
	v15 =	vperm.xlane v0, v47;
	[tilespmem:$0x1F840] =	vst v5;
	v5 =	vld [tilespmem:$0x1F690]  }
0x42a: {  	v7 =	vld [tilespmem:$0x1FF30];
	v17 =	vperm.xlane v11, v50;
	v8 =	vadd.f32 v8, v13;
	v13 =	vperm.xlane v6, v47  }
0x42b: {  	[tilespmem:$0x1F5C0] =	vst v18;
	v37 =	vld [tilespmem:$0x1FF10];
	v18 =	vmul.f32 v4, v49;
	v0 =	vadd.f32 v15, v0;
	v15 =	vperm.xlane v12, v47  }
0x42c: {  	v22 =	vld [tilespmem:$0x1F6B0];
	v16 =	vperm.xlane v1, v50;
	v11 =	vadd.f32 v11, v17;
	v6 =	vadd.f32 v13, v6  }
0x42d: {  	v40 =	vld [tilespmem:$0x1FED0];
	v13 =	vperm.xlane v8, v50;
	v12 =	vadd.f32 v15, v12;
	v15 =	vperm.xlane v0, v50  }
0x42e: {  	v41 =	vld [tilespmem:$0x1FEC0];
	v1 =	vadd.f32 v1, v16;
	v29 =	vperm.xlane v11, v51;
	v5 =	vmul.f32 v4, v5  }
0x42f: {  	v21 =	vld [tilespmem:$0x1FFB0];
	v8 =	vadd.f32 v8, v13;
	v13 =	vmul.f32 v23, v7;
	v16 =	vperm.xlane v6, v50  }
0x430: {  	v49 =	vld [tilespmem:$0x1F700];
	v0 =	vadd.f32 v15, v0;
	v17 =	vperm.xlane v1, v51;
	v19 =	vperm.xlane v12, v50  }
0x431: {  	v47 =	vld [tilespmem:$0x1F6E0];
	v11 =	vadd.f32 v11, v29;
	v6 =	vadd.f32 v16, v6;
	v31 =	vperm.xlane v8, v51  }
0x432: {  	v29 =	vmul.f32 v22, v26;
	v50 =	vld [tilespmem:$0x1F710];
	v16 =	vmul.f32 v42, v40;
	v1 =	vadd.f32 v1, v17  }
0x433: {  	v22 =	vld [tilespmem:$0x1FF40];
	v17 =	vmul.f32 v56, v24;
	v31 =	vadd.f32 v8, v31;
	v8 =	vperm.xlane v6, v51  }
0x434: {  	[tilespmem:$0x1F860] =	vst v5;
	v5 =	vld [tilespmem:$0x1F6A0];
	v12 =	vadd.f32 v19, v12;
	v19 =	vmul.f32 v3, v25;
	v23 =	vperm.xlane v0, v51  }
0x435: {  	v42 =	vld [tilespmem:$0x1F6D0];
	v1 =	vmul.f32 $7.812500000e-03, v1;
	v6 =	vadd.f32 v8, v6;
	v8 =	vmul.f32 $7.812500000e-03, v11  }
0x436: {  	v3 =	vld [tilespmem:$0x1F720];
	v0 =	vadd.f32 v23, v0;
	v39 =	vperm.xlane v12, v51;
	v56 =	vmul.f32 $7.812500000e-03, v31  }
0x437: {  	v23 =	vld [tilespmem:$0x1FF50];
	v6 =	vmul.f32 $7.812500000e-03, v6;
	v31 =	vmul.f32 v8, v8  }
0x438: {  	v11 =	vadd.f32 v39, v12;
	v0 =	vmul.f32 $7.812500000e-03, v0;
	v12 =	vmul.f32 v1, v1;
	v39 =	vld [tilespmem:$0x1FF20]  }
0x439: {  	[tilespmem:$0x1F5D0] =	vst v14;
	v4 =	vmul.f32 v4, v5;
	v14 =	vsub.f32 v6, v31;
	v6 =	vld [tilespmem:$0x1F750]  }
0x43a: {  	v5 =	vld [tilespmem:$0x1F740];
	v10 =	vsub.f32 v0, v12;
	v11 =	vmul.f32 $7.812500000e-03, v11;
	v12 =	vmul.f32 v56, v56  }
0x43b: {  	[tilespmem:$0x1F880] =	vst v4;
	v4 =	vld [tilespmem:$0x1F730]  }
0x43c: {  	v13 =	vadd.f32 v13, v21;
	v12 =	vsub.f32 v11, v12;
	v11 =	vmul.f32 v47, v41;
	v47 =	vld [tilespmem:$0x1FF60]  }
0x43d: {  	v31 =	vmul.f32 v48, v39;
	v48 =	vld [tilespmem:$0x1F6F0]  }
0x43e: {  	v34 =	vmul.f32 v42, v7;
	v42 =	vmov v7;
	v6 =	vmul.f32 v6, v7;
	v7 =	vld [tilespmem:$0x1F760];
	[tilespmem:s24+$0x161F0] =	vst v13  }
0x43f: {  	v0 =	vmul.f32 v49, v24;
	v49 =	vld [tilespmem:$0x1FF70];
	_ =	sdelay $0x4  }
0x440: {  	v13 =	vadd.f32 v19, v49;
	v19 =	vld [tilespmem:$0x1F780];
	_ =	sdelay $0x4  }
0x441: {  	v19 =	vmul.f32 v19, v24;
	_ =	sdelay $0x1  }
0x442: {  	[tilespmem:$0x1F790] =	vst v19;
	v19 =	vld [tilespmem:$0x1F7A0];
	_ =	sdelay $0x3  }
0x443: {  	v15 =	vmul.f32 v2, v41  }
0x444: {  	v19 =	vmul.f32 v19, v25  }
0x445: {  	v15 =	vadd.f32 v15, v22  }
0x446: {  	[tilespmem:$0x1F7B0] =	vst v19;
	v19 =	vmul.f32 v33, v26  }
0x447: {  	[tilespmem:s24+$0x16000] =	vst v15  }
0x448: {  	[tilespmem:$0x1F7C0] =	vst v19;
	v19 =	vmul.f32 v38, v37  }
0x449: {  	v16 =	vadd.f32 v16, v23  }
0x44a: {  	[tilespmem:$0x1F7D0] =	vst v19  }
0x44b: {  	v59 =	vmul.f32 v48, v40;
	v48 =	vld [tilespmem:$0x1FF80];
	[tilespmem:s24+$0x16010] =	vst v16  }
0x44c: {  	v16 =	vld [tilespmem:$0x1F7E0];
	_ =	sdelay $0x4  }
0x44d: {  	v16 =	vmul.f32 v16, v39  }
0x44e: {  	v17 =	vadd.f32 v17, v47  }
0x44f: {  	v51 =	vld [tilespmem:$0x1FF90];
	[tilespmem:$0x1F7F0] =	vst v16  }
0x450: {  	v58 =	vld [tilespmem:$0x1FFA0];
	[tilespmem:s24+$0x16020] =	vst v17  }
0x451: {  	v15 =	vadd.f32 v29, v48;
	v29 =	vld [tilespmem:$0x1F800]  }
0x452: {  	v35 =	vmul.f32 v35, v37;
	_ =	sdelay $0x1  }
0x453: {  	v16 =	vadd.f32 v35, v51  }
0x454: {  	[tilespmem:s24+$0x16030] =	vst v13  }
0x455: {  	[tilespmem:s24+$0x16050] =	vst v16;
	v16 =	vmul.f32 v30, v40;
	v29 =	vsub.f32 v29, v27  }
0x456: {  	v19 =	vadd.f32 v31, v58;
	[tilespmem:s24+$0x16040] =	vst v15  }
0x457: {  	v5 =	vmul.f32 v5, v39;
	v17 =	vadd.f32 v34, v21;
	[tilespmem:$0x1F810] =	vst v16;
	v15 =	vmul.f32 v28, v29  }
0x458: {  	v11 =	vadd.f32 v11, v22;
	[tilespmem:s24+$0x16060] =	vst v19  }
0x459: {  	v16 =	vadd.f32 v5, v58;
	[tilespmem:s24+$0x16070] =	vst v17;
	v5 =	vmul.f32 v15, v42  }
0x45a: {  	v7 =	vmul.f32 v7, v41;
	[tilespmem:s24+$0x16080] =	vst v11  }
0x45b: {  	v19 =	vadd.f32 v5, v21;
	v5 =	vld [tilespmem:$0x1F830]  }
0x45c: {  	v17 =	vadd.f32 v7, v22;
	v7 =	vmul.f32 v63, v25  }
0x45d: {  	v13 =	vadd.f32 v59, v23  }
0x45e: {  	v9 =	vmul.f32 v9, v40;
	[tilespmem:$0x1F820] =	vst v7  }
0x45f: {  	[tilespmem:s24+$0x16090] =	vst v13  }
0x460: {  	v35 =	vmul.f32 v18, v41;
	v18 =	vadd.f32 v9, v23;
	v9 =	vsub.f32 v5, v1;
	v5 =	vld [tilespmem:$0x1F840];
	_ =	sdelay $0x4  }
0x461: {  	v5 =	vmul.f32 v5, v26  }
0x462: {  	v0 =	vadd.f32 v0, v47  }
0x463: {  	[tilespmem:$0x1F850] =	vst v5  }
0x464: {  	[tilespmem:s24+$0x160A0] =	vst v0  }
0x465: {  	v0 =	vld [tilespmem:$0x1F860]  }
0x466: {  	v5 =	vld [tilespmem:$0x1F880];
	_ =	sdelay $0x3  }
0x467: {  	v2 =	vmul.f32 v50, v25;
	v0 =	vmul.f32 v0, v37  }
0x468: {  	v3 =	vmul.f32 v3, v26;
	v5 =	vmul.f32 v5, v39  }
0x469: {  	v4 =	vmul.f32 v4, v37;
	v2 =	vadd.f32 v2, v49;
	[tilespmem:$0x1F870] =	vst v0  }
0x46a: {  	v3 =	vadd.f32 v3, v48;
	[tilespmem:$0x1F890] =	vst v5  }
0x46b: {  	v4 =	vadd.f32 v4, v51;
	[tilespmem:s24+$0x160B0] =	vst v2  }
0x46c: {  	[tilespmem:s24+$0x160C0] =	vst v3  }
0x46d: {  	v6 =	vadd.f32 v6, v21;
	[tilespmem:s24+$0x160D0] =	vst v4  }
0x46e: {  	[tilespmem:s24+$0x160E0] =	vst v16  }
0x46f: {  	[tilespmem:s24+$0x160F0] =	vst v6  }
0x470: {  	[tilespmem:s24+$0x16100] =	vst v17  }
0x471: {  	v62 =	vsub.f32 v62, v1;
	v40 =	vadd.f32 $9.999999740e-06, v10;
	v49 =	vld [tilespmem:$0x1F8A0]  }
0x472: {  	v60 =	vsub.f32 v60, v1;
	v36 =	vmul.f32 v36, v42;
	v42 =	vadd.f32 $9.999999740e-06, v12;
	v50 =	vld [tilespmem:$0x1F8B0];
	[tilespmem:s24+$0x16110] =	vst v18  }
0x473: {  	v57 =	vsub.f32 v57, v1;
	v41 =	vadd.f32 $9.999999740e-06, v14;
	v11 =	vmul.f32 $5.000000000e-01, v40;
	[tilespmem:s11+$0x161F0] =	vst v19  }
0x474: {  	v7 =	vsub.f32 v61, v1;
	v47 =	vshra.s32 v42, $0x1;
	v13 =	vmul.f32 $5.000000000e-01, v42;
	v58 =	vld [tilespmem:$0x1F8C0]  }
0x475: {  	v12 =	vmul.f32 $5.000000000e-01, v41;
	v3 =	vshra.s32 v40, $0x1;
	v16 =	vsub.s32 $0x5F3759DF, v47;
	v61 =	vld [tilespmem:$0x1F8D0]  }
0x476: {  	v14 =	vsub.s32 $0x5F3759DF, v3;
	v3 =	vshra.s32 v41, $0x1;
	v51 =	vmul.f32 v16, v13  }
0x477: {  	v38 =	vmul.f32 v32, v24;
	v15 =	vsub.s32 $0x5F3759DF, v3;
	v48 =	vmul.f32 v14, v11  }
0x478: {  	v5 =	vsub.f32 v20, v1;
	v3 =	vmul.f32 v15, v12;
	v6 =	vmul.f32 v16, v51  }
0x479: {  	v17 =	vmul.f32 v14, v48;
	v63 =	vsub.f32 v49, v1;
	v10 =	vsub.f32 v50, v1  }
0x47a: {  	s16 =	simm.s32 $0x1958A;
	s14 =	simm.s32 $0x800;
	s13 =	simm.s32 $0x4;
	v59 =	vmul.f32 v15, v3;
	v58 =	vsub.f32 v58, v8;
	v4 =	vsub.f32 v61, v8  }
.LBB2_7:
0x47b: {  	v0 =	vld [tilespmem:s16+$0x1]  }
0x47c: {  	v3 =	vld [tilespmem:s16+$0xFFFFFFFF]  }
0x47d: {  	v18 =	vld [tilespmem:s16+$0x0]  }
0x47e: {  	v19 =	vld [tilespmem:$0x1F5E0]  }
0x47f: {  	v20 =	vld [tilespmem:$0x1F5F0]  }
0x480: {  	v41 =	vld [tilespmem:$0x1F790]  }
0x481: {  	v33 =	vld [tilespmem:$0x1FF70]  }
0x482: {  	v47 =	vld [tilespmem:$0x1F7B0]  }
0x483: {  	v32 =	vld [tilespmem:$0x1FF80]  }
0x484: {  	s14 =	sadd.s32 $0x800, s14;
	v31 =	vld [tilespmem:$0x1FF90]  }
0x485: {  	v1 =	vsub.f32 $1.500000000e+00, v17;
	v17 =	vld [tilespmem:$0x1F5C0];
	s29 =	sshra.s32 s14, $0x2  }
0x486: {  	v39 =	vsub.f32 v45, v8;
	v2 =	vsub.f32 $1.500000000e+00, v59;
	v50 =	vld [tilespmem:s29+$0x16180]  }
0x487: {  	v45 =	vsub.f32 v54, v56;
	v6 =	vsub.f32 $1.500000000e+00, v6;
	v54 =	vld [tilespmem:s29+$0x16190];
	v1 =	vmul.f32 v14, v1  }
0x488: {  	v59 =	vld [tilespmem:s29+$0x161A0];
	v2 =	vmul.f32 v15, v2  }
0x489: {  	v6 =	vmul.f32 v16, v6;
	v16 =	vld [tilespmem:$0x1F600];
	v11 =	vmul.f32 v1, v11  }
0x48a: {  	v61 =	vld [tilespmem:s29+$0x161B0];
	v12 =	vmul.f32 v2, v12;
	(v2sf) =	vpush v0, $0x0  }
0x48b: {  	v14 =	vld [tilespmem:$0x1F5D0];
	(v2sf) =	vpush v3, $0x0;
	v3 =	vmul.f32 v11, v1  }
0x48c: {  	v15 =	vld [tilespmem:s16+$0xFFFFFFFE];
	v11 =	vmul.f32 v12, v2;
	(v2sf) =	vpush v18, $0x0  }
0x48d: {  	v18 =	vsub.f32 v52, v56;
	v52 =	vld [tilespmem:$0x1F7C0];
	v3 =	vsub.f32 $1.500000000e+00, v3  }
0x48e: {  	v30 =	vsub.f32 v16, v8;
	v16 =	vld [tilespmem:$0x1FF60];
	v11 =	vsub.f32 $1.500000000e+00, v11  }
0x48f: {  	v1 =	vmul.f32 v3, v1;
	v3 =	vld [tilespmem:$0x1F620]  }
0x490: {  	v19 =	vsub.f32 v19, v8;
	v2 =	vmul.f32 v11, v2;
	v11 =	vld [tilespmem:$0x1F440]  }
0x491: {  	v42 =	vsub.f32 v20, v8;
	v17 =	vsub.f32 v17, v8;
	v12 =	vmul.f32 v1, v5;
	v5 =	vld [tilespmem:$0x1F480]  }
0x492: {  	v14 =	vsub.f32 v14, v8;
	v8 =	vmul.f32 v6, v13;
	v29 =	vmul.f32 v1, v62;
	v62 =	vld [tilespmem:s29+$0x161C0]  }
0x493: {  	v13 =	vsub.f32 v44, v56;
	v44 =	vmul.f32 v1, v57;
	v57 =	vld [tilespmem:$0x1F7D0]  }
0x494: {  	v8 =	vmul.f32 v8, v6;
	v51 =	vmul.f32 v1, v63;
	v63 =	vld [tilespmem:$0x1F7F0]  }
0x495: {  	(v2sf) =	vpush v15, $0x0;
	v15 =	vsub.f32 v46, v56;
	v34 =	vmul.f32 v1, v10;
	v10 =	vld [tilespmem:s29+$0x161E0]  }
0x496: {  	v8 =	vsub.f32 $1.500000000e+00, v8;
	v26 =	vsub.f32 v11, v27;
	v11 =	vld [tilespmem:$0x1F450]  }
0x497: {  	v49 =	vmul.f32 v1, v60;
	v60 =	vmul.f32 v2, v4;
	v4 =	vadd.f32 v47, v33;
	v47 =	vld [tilespmem:$0x1FFB0]  }
0x498: {  	v46 =	vsub.f32 v55, v56;
	v6 =	vmul.f32 v8, v6;
	v22 =	vsub.f32 v5, v27;
	v5 =	vld [tilespmem:$0x1F490]  }
0x499: {  	v55 =	vmul.f32 v2, v30;
	v30 =	vld [tilespmem:$0x1FF50];
	v8 =	vsub.f32 v43, v56;
	v43 =	vsub.f32 v53, v56  }
0x49a: {  	v3 =	vsub.f32 v3, v56;
	v56 =	vmul.f32 v2, v58;
	v58 =	vmul.f32 v6, v13;
	v13 =	vld [tilespmem:s29+$0x161F0]  }
0x49b: {  	v24 =	vsub.f32 v11, v27;
	v11 =	vld [tilespmem:$0x1F460]  }
0x49c: {  	[tilespmem:s24+$0x16130] =	vst v4;
	v37 =	vmul.f32 v6, v18;
	v4 =	vadd.f32 v57, v31;
	v57 =	vld [tilespmem:$0x1F810]  }
0x49d: {  	v21 =	vsub.f32 v5, v27;
	v5 =	vld [tilespmem:$0x1F4A0]  }
0x49e: {  	[tilespmem:$0x1F3C0] =	vst v37;
	v37 =	vmul.f32 v6, v45;
	v45 =	vld [tilespmem:$0x1F870]  }
0x49f: {  	v48 =	vmul.f32 v2, v19;
	v19 =	vadd.f32 v52, v32;
	v52 =	vmul.f32 v28, v26;
	v26 =	vld [tilespmem:$0x1FF00];
	s2 =	spop (v2sf)  }
0x4a0: {  	s2 =	smul.u32 $0x19000, s2;
	v25 =	vsub.f32 v11, v27;
	v11 =	vld [tilespmem:$0x1F470]  }
0x4a1: {  	v53 =	vmul.f32 v2, v42;
	[tilespmem:$0x1F3A0] =	vst v55;
	v55 =	vmul.f32 v28, v22;
	v22 =	vld [tilespmem:$0x1FEC0]  }
0x4a2: {  	s2 =	sshra.s32 s2, $0x2;
	v20 =	vsub.f32 v5, v27;
	v5 =	vld [tilespmem:$0x1FF40]  }
0x4a3: {  	v40 =	vmul.f32 v2, v39;
	[tilespmem:$0x1F390] =	vst v53;
	v53 =	vmul.f32 v28, v24;
	v24 =	vld [tilespmem:$0x1FEE0];
	s22 =	sadd.s32 s29, s2  }
0x4a4: {  	v39 =	vmul.f32 v6, v3;
	v3 =	vadd.f32 v36, v47;
	v36 =	vmul.f32 v6, v8;
	v8 =	vld [tilespmem:s22+$0x3380]  }
0x4a5: {  	v23 =	vsub.f32 v11, v27;
	v27 =	vld [tilespmem:$0x1FFA0]  }
0x4a6: {  	[tilespmem:$0x1F3B0] =	vst v58;
	v58 =	vadd.f32 v38, v16;
	v38 =	vmul.f32 v28, v25;
	v25 =	vld [tilespmem:$0x1FEF0];
	v11 =	vadd.f32 v41, v16  }
0x4a7: {  	v41 =	vmul.f32 v6, v15;
	v15 =	vld [tilespmem:s22+$0x3390];
	v42 =	vadd.f32 v35, v5  }
0x4a8: {  	[tilespmem:s24+$0x16120] =	vst v11;
	v11 =	vld [tilespmem:s29+$0x161D0]  }
0x4a9: {  	[tilespmem:s24+$0x16180] =	vst v42;
	v42 =	vld [tilespmem:$0x1F850]  }
0x4aa: {  	[tilespmem:$0x1F380] =	vst v48;
	v0 =	vadd.f32 v63, v27;
	v63 =	vld [tilespmem:$0x1F820]  }
0x4ab: {  	v48 =	vmul.f32 v6, v43;
	[tilespmem:s24+$0x16170] =	vst v3;
	v3 =	vadd.f32 v57, v30;
	v43 =	vmul.f32 v28, v23;
	v23 =	vld [tilespmem:$0x1FED0]  }
0x4ac: {  	[tilespmem:s24+$0x16140] =	vst v19;
	v35 =	vmul.f32 v6, v46;
	v46 =	vld [tilespmem:$0x1F890]  }
0x4ad: {  	s18 =	spop (v2sf);
	v6 =	vld [tilespmem:s22+$0x33A0];
	[tilespmem:s24+$0x16190] =	vst v3  }
0x4ae: {  	v9 =	vmul.f32 v1, v9;
	s18 =	smul.u32 $0x19000, s18;
	s20 =	spop (v2sf);
	v18 =	vld [tilespmem:s22+$0x33B0];
	[tilespmem:s24+$0x161A0] =	vst v58  }
0x4af: {  	s20 =	smul.u32 $0x19000, s20;
	s21 =	spop (v2sf);
	[tilespmem:s24+$0x16160] =	vst v0;
	v0 =	vadd.f32 v42, v32;
	v42 =	vld [tilespmem:$0x1FF10];
	v3 =	vadd.f32 v63, v33  }
0x4b0: {  	[tilespmem:s24+$0x16150] =	vst v4;
	s21 =	smul.u32 $0x19000, s21;
	v4 =	vmul.f32 v9, v22;
	v19 =	vld [tilespmem:s22+$0x33C0]  }
0x4b1: {  	v9 =	vmul.f32 v29, v23;
	v29 =	vmul.f32 v49, v24;
	v49 =	vld [tilespmem:$0x1FF20];
	[tilespmem:s24+$0x161B0] =	vst v3  }
0x4b2: {  	v7 =	vmul.f32 v1, v7;
	s18 =	sshra.s32 s18, $0x2;
	s20 =	sshra.s32 s20, $0x2;
	s21 =	sshra.s32 s21, $0x2;
	v58 =	vmul.f32 v28, v20;
	v3 =	vadd.f32 v45, v31;
	v20 =	vld [tilespmem:s22+$0x33D0];
	[tilespmem:s24+$0x161C0] =	vst v0  }
0x4b3: {  	s2 =	sadd.s32 s29, s18;
	v57 =	vmul.f32 v28, v21;
	s18 =	sadd.s32 s29, s20;
	s20 =	sadd.s32 s29, s21;
	v0 =	vadd.f32 v46, v27;
	v28 =	vld [tilespmem:s22+$0x33E0]  }
0x4b4: {  	v1 =	vmul.f32 v7, v25;
	v7 =	vadd.f32 v4, v5;
	[tilespmem:s24+$0x161D0] =	vst v3;
	v63 =	vmul.f32 v51, v42;
	v51 =	vld [tilespmem:s20+$0x3200]  }
0x4b5: {  	v3 =	vld [tilespmem:s22+$0x33F0];
	[tilespmem:s24+$0x161E0] =	vst v0;
	s24 =	smov.u32 s11;
	v0 =	vadd.f32 v9, v30  }
0x4b6: {  	v9 =	vld [tilespmem:s20+$0x3210];
	[tilespmem:s24+$0x16000] =	vst v7  }
0x4b7: {  	v17 =	vmul.f32 v2, v17;
	v7 =	vld [tilespmem:s20+$0x3220];
	[tilespmem:s24+$0x16010] =	vst v0  }
0x4b8: {  	v14 =	vmul.f32 v2, v14;
	v2 =	vmul.f32 v12, v26;
	v12 =	vadd.f32 v19, v62;
	v19 =	vld [tilespmem:s20+$0x3270]  }
0x4b9: {  	[tilespmem:$0x1F3D0] =	vst v51;
	v51 =	vld [tilespmem:$0x1FF30]  }
0x4ba: {  	v45 =	vadd.f32 v15, v54  }
0x4bb: {  	v15 =	vmul.f32 v56, v22;
	v4 =	vadd.f32 v28, v10;
	v56 =	vadd.f32 v3, v13;
	_ =	sdelay $0x1  }
0x4bc: {  	v21 =	vmul.f32 v34, v49;
	[tilespmem:$0x1F3E0] =	vst v19;
	v19 =	vadd.f32 v56, v4  }
0x4bd: {  	[tilespmem:$0x1F4A0] =	vst v4;
	v34 =	vmul.f32 v44, v51;
	v44 =	vadd.f32 v18, v61;
	v61 =	vmul.f32 v4, v4;
	v4 =	vld [tilespmem:s2+$0x3290];
	_ =	sdelay $0x4  }
0x4be: {  	v8 =	vadd.f32 v8, v50;
	[tilespmem:$0x1F400] =	vst v4;
	v4 =	vld [tilespmem:$0x1F380]  }
0x4bf: {  	v62 =	vmul.f32 v17, v24;
	v46 =	vadd.f32 v6, v59  }
0x4c0: {  	v17 =	vmul.f32 v45, v45;
	v11 =	vadd.f32 v20, v11;
	v13 =	vmul.f32 v8, v8  }
0x4c1: {  	v18 =	vmul.f32 v46, v46;
	v28 =	vmul.f32 v44, v44  }
0x4c2: {  	v54 =	vmul.f32 v14, v25;
	[tilespmem:$0x1F480] =	vst v12;
	v59 =	vmul.f32 v12, v12;
	v14 =	vadd.f32 v11, v12;
	v12 =	vld [tilespmem:s2+$0x3280]  }
0x4c3: {  	v13 =	vadd.f32 v17, v13;
	v17 =	vadd.f32 v28, v18;
	v18 =	vmul.f32 v4, v26;
	v4 =	vld [tilespmem:$0x1F390];
	_ =	sdelay $0x1  }
0x4c4: {  	v50 =	vld [tilespmem:s20+$0x3230]  }
0x4c5: {  	v0 =	vmul.f32 v60, v23;
	v6 =	vld [tilespmem:s20+$0x3240];
	v60 =	vmul.f32 v11, v11  }
0x4c6: {  	v20 =	vld [tilespmem:s20+$0x3250]  }
0x4c7: {  	[tilespmem:$0x1F3F0] =	vst v12;
	v12 =	vadd.f32 v60, v59;
	v59 =	vmul.f32 v4, v42;
	v4 =	vld [tilespmem:$0x1F3A0]  }
0x4c8: {  	[tilespmem:$0x1F440] =	vst v8;
	v3 =	vadd.f32 v45, v8;
	v8 =	vld [tilespmem:s20+$0x3260];
	v10 =	vadd.f32 v44, v46  }
0x4c9: {  	[tilespmem:$0x1F450] =	vst v45;
	v45 =	vld [tilespmem:s2+$0x32D0]  }
0x4ca: {  	v14 =	vadd.f32 v19, v14;
	[tilespmem:$0x1F470] =	vst v44;
	v44 =	vld [tilespmem:s2+$0x32C0];
	v3 =	vadd.f32 v10, v3  }
0x4cb: {  	[tilespmem:$0x1F460] =	vst v46;
	v60 =	vmul.f32 v40, v51;
	v40 =	vmul.f32 v36, v25;
	v46 =	vld [tilespmem:s2+$0x32E0]  }
0x4cc: {  	v19 =	vmul.f32 v56, v56;
	v3 =	vadd.f32 v14, v3;
	v14 =	vmul.f32 v4, v49;
	v4 =	vld [tilespmem:$0x1F3B0]  }
0x4cd: {  	v36 =	vmul.f32 v48, v42;
	[tilespmem:$0x1F7B0] =	vst v40;
	v40 =	vld [tilespmem:s18+$0x3300]  }
0x4ce: {  	v48 =	vmul.f32 v35, v51;
	v19 =	vadd.f32 v19, v61;
	v61 =	vld [tilespmem:$0x1F3C0]  }
0x4cf: {  	[tilespmem:$0x1F7D0] =	vst v36;
	v36 =	vld [tilespmem:s18+$0x3320]  }
0x4d0: {  	v37 =	vmul.f32 v37, v49;
	[tilespmem:$0x1F430] =	vst v48;
	v48 =	vld [tilespmem:$0x1FFF0]  }
0x4d1: {  	v29 =	vadd.f32 v29, v16;
	[tilespmem:$0x1F490] =	vst v11;
	v11 =	vadd.f32 v17, v13;
	v13 =	vmul.f32 v4, v22;
	v4 =	vld [tilespmem:$0x1FFE0]  }
0x4d2: {  	[tilespmem:$0x1F7F0] =	vst v37;
	v10 =	vld [tilespmem:s2+$0x32A0];
	v12 =	vadd.f32 v19, v12;
	v19 =	vmul.f32 v39, v23;
	v39 =	vmul.f32 v41, v24  }
0x4d3: {  	[tilespmem:s24+$0x16020] =	vst v29;
	v28 =	vld [tilespmem:s2+$0x32B0];
	v17 =	vadd.f32 v1, v33  }
0x4d4: {  	v35 =	vmul.f32 v55, v26;
	v41 =	vld [tilespmem:s2+$0x32F0];
	[tilespmem:$0x1F790] =	vst v39  }
0x4d5: {  	v15 =	vadd.f32 v15, v5;
	v39 =	vld [tilespmem:s18+$0x3310];
	[tilespmem:s24+$0x16030] =	vst v17;
	v17 =	vadd.f32 v2, v32;
	v1 =	vmul.f32 v61, v26  }
0x4d6: {  	[tilespmem:$0x1F850] =	vst v35;
	v11 =	vadd.f32 v12, v11;
	v61 =	vmul.f32 v52, v22;
	v52 =	vld [tilespmem:s18+$0x3330];
	v12 =	vperm.xlane v3, v4  }
0x4d7: {  	v0 =	vadd.f32 v0, v30;
	[tilespmem:s24+$0x16040] =	vst v17;
	v17 =	vadd.f32 v63, v31;
	v63 =	vmul.f32 v53, v23;
	v53 =	vld [tilespmem:s18+$0x3340]  }
0x4d8: {  	v55 =	vmul.f32 v57, v42;
	[tilespmem:s24+$0x16080] =	vst v15;
	v42 =	vld [tilespmem:$0x1FFC0];
	v3 =	vadd.f32 v3, v12;
	v12 =	vperm.xlane v11, v4  }
0x4d9: {  	v57 =	vmul.f32 v58, v49;
	[tilespmem:s24+$0x16090] =	vst v0;
	v49 =	vld [tilespmem:$0x1FFD0]  }
0x4da: {  	[tilespmem:$0x1F410] =	vst v61;
	v22 =	vmul.f32 v38, v24;
	v38 =	vld [tilespmem:s18+$0x3350];
	v61 =	vadd.f32 v12, v11  }
0x4db: {  	[tilespmem:$0x1F810] =	vst v63;
	v13 =	vadd.f32 v13, v5;
	v5 =	vld [tilespmem:$0x1F3D0];
	v12 =	vadd.f32 v21, v27  }
0x4dc: {  	v37 =	vadd.f32 v34, v47;
	[tilespmem:s24+$0x16050] =	vst v17;
	v29 =	vperm.xlane v3, v48;
	v11 =	vld [tilespmem:s18+$0x3360];
	v17 =	vperm.xlane v61, v48  }
0x4dd: {  	s11 =	smov.u32 s29;
	v35 =	vadd.f32 v54, v33;
	v63 =	vadd.f32 v62, v16;
	[tilespmem:s24+$0x16060] =	vst v12;
	v12 =	vld [tilespmem:s18+$0x3370]  }
0x4de: {  	v3 =	vadd.f32 v3, v29;
	v17 =	vadd.f32 v17, v61;
	v61 =	vld [tilespmem:s11+$0x16000];
	[tilespmem:s24+$0x16070] =	vst v37  }
0x4df: {  	[tilespmem:s24+$0x160B0] =	vst v35;
	v37 =	vadd.f32 v18, v32;
	v16 =	vld [tilespmem:s11+$0x16010]  }
0x4e0: {  	[tilespmem:s24+$0x160A0] =	vst v63;
	v58 =	vperm.xlane v3, v42;
	v18 =	vadd.f32 v59, v31;
	v15 =	vld [tilespmem:s11+$0x16020]  }
0x4e1: {  	v23 =	vmul.f32 v43, v25;
	v32 =	vadd.f32 v14, v27;
	v43 =	vld [tilespmem:s11+$0x16030];
	[tilespmem:s24+$0x160C0] =	vst v37  }
0x4e2: {  	v14 =	vld [tilespmem:s11+$0x16040];
	v3 =	vadd.f32 v3, v58;
	[tilespmem:s24+$0x160D0] =	vst v18  }
0x4e3: {  	v33 =	vadd.f32 v60, v47;
	v35 =	vld [tilespmem:s11+$0x16060];
	v34 =	vperm.xlane v17, v42;
	[tilespmem:s24+$0x160E0] =	vst v32  }
0x4e4: {  	v18 =	vld [tilespmem:s11+$0x16080];
	v54 =	vperm.xlane v3, v49  }
0x4e5: {  	[tilespmem:s24+$0x160F0] =	vst v33;
	v17 =	vadd.f32 v34, v17;
	v34 =	vld [tilespmem:s11+$0x16050];
	v60 =	vadd.f32 v5, v61  }
0x4e6: {  	v37 =	vld [tilespmem:s11+$0x160A0];
	v3 =	vadd.f32 v3, v54;
	v62 =	vadd.f32 v9, v16  }
0x4e7: {  	v27 =	vperm.xlane v17, v49;
	v16 =	vadd.f32 v19, v30;
	v63 =	vadd.f32 v7, v15;
	v15 =	vld [tilespmem:s11+$0x16070]  }
0x4e8: {  	v50 =	vadd.f32 v50, v43;
	v58 =	vadd.f32 v8, v35;
	v8 =	vld [tilespmem:s11+$0x160B0]  }
0x4e9: {  	[tilespmem:$0x1F890] =	vst v57;
	v5 =	vadd.f32 v6, v14;
	v6 =	vld [tilespmem:$0x1F3E0];
	v17 =	vadd.f32 v27, v17  }
0x4ea: {  	[tilespmem:$0x1F7C0] =	vst v1;
	v7 =	vld [tilespmem:s11+$0x160D0];
	v27 =	vmul.f32 $7.812500000e-03, v3;
	v1 =	vadd.f32 v62, v60;
	v3 =	vmul.f32 v60, v60  }
0x4eb: {  	[tilespmem:s24+$0x16100] =	vst v13;
	v43 =	vld [tilespmem:s11+$0x160E0];
	v13 =	vadd.f32 v50, v63;
	v19 =	vmul.f32 v62, v62;
	v0 =	vmul.f32 v63, v63  }
0x4ec: {  	[tilespmem:s24+$0x16110] =	vst v16;
	v16 =	vld [tilespmem:s11+$0x160C0];
	v57 =	vadd.f32 v20, v34;
	v30 =	vadd.f32 v10, v37;
	v14 =	vmul.f32 $7.812500000e-03, v17  }
0x4ed: {  	v10 =	vld [tilespmem:s11+$0x160F0];
	v17 =	vmul.f32 v27, v27;
	v1 =	vadd.f32 v13, v1;
	v3 =	vadd.f32 v19, v3  }
0x4ee: {  	[tilespmem:$0x1F420] =	vst v22;
	v22 =	vmul.f32 v58, v58;
	v25 =	vld [tilespmem:s11+$0x16130];
	v59 =	vadd.f32 v6, v15;
	v9 =	vadd.f32 v57, v5  }
0x4ef: {  	v29 =	vld [tilespmem:s11+$0x16140];
	v15 =	vmul.f32 v50, v50;
	v37 =	vadd.f32 v28, v8;
	v14 =	vsub.f32 v14, v17  }
0x4f0: {  	v20 =	vmul.f32 v57, v57;
	v34 =	vadd.f32 v45, v7;
	v35 =	vadd.f32 v46, v43  }
0x4f1: {  	[tilespmem:$0x1F820] =	vst v23;
	v17 =	vmul.f32 v5, v5;
	v23 =	vmul.f32 v59, v59;
	v14 =	vadd.f32 $9.999999740e-06, v14  }
0x4f2: {  	v6 =	vld [tilespmem:$0x1F3F0];
	v33 =	vadd.f32 v44, v16;
	v32 =	vmul.f32 v37, v37;
	v0 =	vadd.f32 v15, v0  }
0x4f3: {  	[tilespmem:$0x1F870] =	vst v55;
	v8 =	vld [tilespmem:s11+$0x16100];
	v45 =	vadd.f32 v41, v10;
	v55 =	vshra.s32 v14, $0x1;
	v14 =	vmul.f32 $5.000000000e-01, v14  }
0x4f4: {  	v43 =	vadd.f32 v52, v25;
	v52 =	vadd.f32 v53, v29;
	v21 =	vsub.s32 $0x5F3759DF, v55  }
0x4f5: {  	v15 =	vadd.f32 v20, v17;
	v10 =	vadd.f32 v34, v33;
	v28 =	vmul.f32 v21, v14  }
0x4f6: {  	v2 =	vld [tilespmem:s11+$0x16090];
	[tilespmem:$0x1F5E0] =	vst v33;
	v33 =	vmul.f32 v33, v33;
	v17 =	vadd.f32 v23, v22;
	v0 =	vadd.f32 v0, v3  }
0x4f7: {  	v61 =	vadd.f32 v6, v18;
	v18 =	vadd.f32 v59, v58;
	v6 =	vld [tilespmem:$0x1F400];
	v28 =	vmul.f32 v21, v28  }
0x4f8: {  	v16 =	vld [tilespmem:s11+$0x16110];
	[tilespmem:$0x1F5F0] =	vst v34;
	v34 =	vmul.f32 v34, v34;
	v44 =	vadd.f32 v40, v8;
	v31 =	vadd.f32 v45, v35  }
0x4f9: {  	[tilespmem:$0x1F600] =	vst v35;
	v8 =	vld [tilespmem:s11+$0x16150];
	v35 =	vmul.f32 v35, v35;
	v3 =	vadd.f32 v17, v15;
	v28 =	vsub.f32 $1.500000000e+00, v28  }
0x4fa: {  	v25 =	vmul.f32 v45, v45;
	v55 =	vld [tilespmem:s11+$0x16120];
	v19 =	vadd.f32 v34, v33;
	v9 =	vadd.f32 v18, v9  }
0x4fb: {  	v24 =	vmul.f32 v61, v61;
	v0 =	vadd.f32 v3, v0;
	v21 =	vmul.f32 v21, v28  }
0x4fc: {  	v29 =	vmul.f32 v44, v44;
	v1 =	vadd.f32 v9, v1;
	v6 =	vadd.f32 v6, v2  }
0x4fd: {  	[tilespmem:$0x1F5D0] =	vst v37;
	v2 =	vadd.f32 v37, v30;
	v37 =	vadd.f32 v39, v16;
	v16 =	vld [tilespmem:s11+$0x16160];
	v14 =	vmul.f32 v21, v14  }
0x4fe: {  	[tilespmem:$0x1F5C0] =	vst v30;
	v30 =	vmul.f32 v30, v30;
	v39 =	vld [tilespmem:s11+$0x16170];
	v53 =	vadd.f32 v38, v8;
	v7 =	vadd.f32 v6, v61  }
0x4ff: {  	v46 =	vadd.f32 v36, v55;
	v8 =	vadd.f32 v37, v44;
	v14 =	vmul.f32 v14, v21  }
0x500: {  	v26 =	vmul.f32 v6, v6;
	v18 =	vadd.f32 v32, v30;
	v2 =	vadd.f32 v2, v7  }
0x501: {  	v40 =	vmul.f32 v53, v53;
	v7 =	vadd.f32 v31, v10;
	v14 =	vsub.f32 $1.500000000e+00, v14  }
0x502: {  	v36 =	vmul.f32 v46, v46;
	v54 =	vadd.f32 v11, v16;
	v11 =	vadd.f32 v43, v46  }
0x503: {  	v55 =	vadd.f32 v12, v39;
	v28 =	vmul.f32 v14, v21;
	v14 =	vsub.f32 v56, v27  }
0x504: {  	v12 =	vadd.f32 v53, v52;
	v16 =	vmul.f32 v37, v37;
	v39 =	vmul.f32 v52, v52  }
0x505: {  	v2 =	vadd.f32 v7, v2;
	v38 =	vadd.f32 v55, v54;
	v14 =	vmul.f32 v28, v14  }
0x506: {  	v41 =	vmul.f32 v54, v54;
	v13 =	vmul.f32 v55, v55;
	v8 =	vadd.f32 v11, v8  }
0x507: {  	v11 =	vadd.f32 v38, v12;
	v12 =	vadd.f32 v16, v29;
	v10 =	vmul.f32 v14, v51  }
0x508: {  	[tilespmem:$0x1F620] =	vst v37;
	v37 =	vmul.f32 v43, v43;
	v16 =	vadd.f32 v40, v39;
	v9 =	vadd.f32 v13, v41  }
0x509: {  	v13 =	vperm.xlane v1, v4;
	v56 =	vadd.f32 v25, v35;
	v10 =	vadd.f32 v10, v47  }
0x50a: {  	v8 =	vadd.f32 v11, v8;
	v14 =	vadd.f32 v26, v24  }
0x50b: {  	v1 =	vadd.f32 v1, v13;
	[tilespmem:s11+$0x161F0] =	vst v10;
	v10 =	vadd.f32 v37, v36  }
0x50c: {  	v7 =	vadd.f32 v18, v14;
	v14 =	vadd.f32 v56, v19  }
0x50d: {  	v11 =	vperm.xlane v2, v4;
	v9 =	vadd.f32 v9, v16;
	v10 =	vadd.f32 v10, v12  }
0x50e: {  	v3 =	vadd.f32 v14, v7;
	v7 =	vperm.xlane v8, v4;
	v12 =	vperm.xlane v1, v48  }
0x50f: {  	v2 =	vadd.f32 v2, v11;
	v9 =	vadd.f32 v9, v10;
	v10 =	vperm.xlane v0, v4  }
0x510: {  	v11 =	vperm.xlane v3, v4;
	v7 =	vadd.f32 v8, v7;
	v1 =	vadd.f32 v1, v12  }
0x511: {  	v8 =	vperm.xlane v9, v4;
	v0 =	vadd.f32 v10, v0;
	v10 =	vperm.xlane v2, v48  }
0x512: {  	v3 =	vadd.f32 v11, v3;
	v11 =	vperm.xlane v7, v48;
	v12 =	vperm.xlane v1, v42  }
0x513: {  	v8 =	vadd.f32 v8, v9;
	v9 =	vperm.xlane v0, v48;
	v2 =	vadd.f32 v2, v10  }
0x514: {  	v7 =	vadd.f32 v7, v11;
	v10 =	vperm.xlane v3, v48;
	v1 =	vadd.f32 v1, v12  }
0x515: {  	v11 =	vperm.xlane v8, v48;
	v0 =	vadd.f32 v9, v0;
	v9 =	vperm.xlane v2, v42  }
0x516: {  	v3 =	vadd.f32 v10, v3;
	v10 =	vperm.xlane v7, v42;
	v12 =	vperm.xlane v1, v49  }
0x517: {  	v8 =	vadd.f32 v11, v8;
	v11 =	vperm.xlane v0, v42;
	v2 =	vadd.f32 v2, v9  }
0x518: {  	v9 =	vperm.xlane v3, v42;
	v7 =	vadd.f32 v7, v10;
	v1 =	vadd.f32 v1, v12  }
0x519: {  	v10 =	vperm.xlane v8, v42;
	v0 =	vadd.f32 v11, v0;
	v11 =	vperm.xlane v2, v49  }
0x51a: {  	v3 =	vadd.f32 v9, v3;
	v9 =	vperm.xlane v7, v49;
	v1 =	vmul.f32 $7.812500000e-03, v1  }
0x51b: {  	v10 =	vadd.f32 v10, v8;
	v8 =	vperm.xlane v0, v49;
	v2 =	vadd.f32 v2, v11  }
0x51c: {  	v11 =	vperm.xlane v3, v49;
	v7 =	vadd.f32 v7, v9;
	v42 =	vmul.f32 v1, v1  }
0x51d: {  	v62 =	vsub.f32 v62, v1;
	v9 =	vperm.xlane v10, v49;
	v0 =	vadd.f32 v8, v0  }
0x51e: {  	v5 =	vsub.f32 v5, v1;
	v3 =	vadd.f32 v11, v3;
	v8 =	vmul.f32 $7.812500000e-03, v2  }
0x51f: {  	v56 =	vmul.f32 $7.812500000e-03, v7;
	v10 =	vadd.f32 v9, v10;
	v0 =	vmul.f32 $7.812500000e-03, v0  }
0x520: {  	v7 =	vsub.f32 v50, v1;
	v3 =	vmul.f32 $7.812500000e-03, v3;
	v11 =	vmul.f32 v8, v8  }
0x521: {  	v47 =	vmul.f32 v56, v56;
	v10 =	vmul.f32 $7.812500000e-03, v10;
	v0 =	vsub.f32 v0, v42  }
0x522: {  	v9 =	vsub.f32 v60, v1;
	v3 =	vsub.f32 v3, v11  }
0x523: {  	v0 =	vadd.f32 $9.999999740e-06, v0;
	v2 =	vsub.f32 v10, v47  }
0x524: {  	v60 =	vsub.f32 v63, v1;
	v3 =	vadd.f32 $9.999999740e-06, v3  }
0x525: {  	s13 =	sadd.s32 $0x4, s13;
	v63 =	vsub.f32 v57, v1;
	v4 =	vshra.s32 v0, $0x1;
	v48 =	vadd.f32 $9.999999740e-06, v2  }
0x526: {  	p1 =	slt.u32 s13, $0x60;
	v11 =	vmul.f32 $5.000000000e-01, v0;
	v49 =	vshra.s32 v3, $0x1;
	v12 =	vmul.f32 $5.000000000e-01, v3  }
.Ltmp2:
0x527: {  	v14 =	vsub.s32 $0x5F3759DF, v4;
	v50 =	vshra.s32 v48, $0x1;
	v13 =	vmul.f32 $5.000000000e-01, v48;
	(pc) =	sbr.rel @p1 .LBB2_7-.Ltmp2, $4  }
0x528: {  	v15 =	vsub.s32 $0x5F3759DF, v49;
	v51 =	vmul.f32 v14, v11;
	v16 =	vsub.s32 $0x5F3759DF, v50  }
0x529: {  	v38 =	vld [tilespmem:$0x1F420];
	v57 =	vsub.f32 v59, v1;
	v3 =	vmul.f32 v15, v12;
	v2 =	vmul.f32 v16, v13  }
0x52a: {  	v35 =	vld [tilespmem:$0x1F410];
	v10 =	vsub.f32 v58, v1;
	v58 =	vsub.f32 v61, v8;
	v17 =	vmul.f32 v14, v51  }
0x52b: {  	s16 =	sadd.s32 $0x4, s16;
	v36 =	vld [tilespmem:$0x1F430];
	v4 =	vsub.f32 v6, v8;
	v59 =	vmul.f32 v15, v3;
	v6 =	vmul.f32 v16, v2  }
0x52c: {  	v2 =	vld [tilespmem:$0x1F5C0]  }
0x52d: {  	v41 =	vld [tilespmem:$0x1FF60]  }
0x52e: {  	v25 =	vld [tilespmem:$0x1F790]  }
0x52f: {  	v47 =	vld [tilespmem:$0x1F5D0]  }
0x530: {  	v42 =	vld [tilespmem:$0x1FF70]  }
0x531: {  	v26 =	vld [tilespmem:$0x1F7B0]  }
0x532: {  	v48 =	vld [tilespmem:$0x1F5E0]  }
0x533: {  	v49 =	vld [tilespmem:$0x1F5F0];
	v25 =	vadd.f32 v25, v41  }
0x534: {  	v50 =	vld [tilespmem:$0x1F600]  }
0x535: {  	v18 =	vld [tilespmem:$0x1F620];
	[tilespmem:s24+$0x16120] =	vst v25  }
0x536: {  	v20 =	vsub.f32 v43, v56;
	v26 =	vadd.f32 v26, v42;
	v43 =	vld [tilespmem:$0x1FF80]  }
0x537: {  	v25 =	vld [tilespmem:$0x1F7C0]  }
0x538: {  	[tilespmem:s24+$0x16130] =	vst v26  }
0x539: {  	v0 =	vsub.f32 $1.500000000e+00, v17;
	v17 =	vsub.f32 v44, v56;
	v44 =	vld [tilespmem:$0x1FF90]  }
0x53a: {  	v26 =	vld [tilespmem:$0x1F7D0]  }
0x53b: {  	v1 =	vsub.f32 $1.500000000e+00, v59;
	v3 =	vsub.f32 $1.500000000e+00, v6  }
0x53c: {  	v0 =	vmul.f32 v14, v0;
	v2 =	vsub.f32 v2, v8;
	v25 =	vadd.f32 v25, v43  }
0x53d: {  	v1 =	vmul.f32 v15, v1;
	v6 =	vsub.f32 v47, v8;
	v14 =	vsub.f32 v48, v8  }
0x53e: {  	v3 =	vmul.f32 v16, v3;
	v15 =	vsub.f32 v49, v8;
	v16 =	vsub.f32 v50, v8;
	[tilespmem:s24+$0x16140] =	vst v25  }
0x53f: {  	v8 =	vsub.f32 v45, v8;
	v26 =	vadd.f32 v26, v44;
	v45 =	vld [tilespmem:$0x1FFA0]  }
0x540: {  	v29 =	vld [tilespmem:$0x1F7F0]  }
0x541: {  	v25 =	vld [tilespmem:$0x1F440];
	[tilespmem:s24+$0x16150] =	vst v26  }
0x542: {  	v19 =	vsub.f32 v46, v56;
	v46 =	vld [tilespmem:$0x1FFB0];
	_ =	sdelay $0x2  }
0x543: {  	v29 =	vadd.f32 v29, v45;
	_ =	sdelay $0x1  }
0x544: {  	v26 =	vld [tilespmem:$0x1F450];
	v30 =	vadd.f32 v36, v46;
	[tilespmem:s24+$0x16160] =	vst v29  }
0x545: {  	v51 =	vld [tilespmem:$0x1F460]  }
0x546: {  	v39 =	vld [tilespmem:$0x1FF40];
	[tilespmem:s24+$0x16170] =	vst v30  }
0x547: {  	v40 =	vld [tilespmem:$0x1FF50]  }
0x548: {  	v30 =	vld [tilespmem:$0x1F810];
	_ =	sdelay $0x3  }
0x549: {  	v21 =	vsub.f32 v52, v56;
	v52 =	vadd.f32 v35, v39  }
0x54a: {  	v30 =	vadd.f32 v30, v40  }
0x54b: {  	v22 =	vsub.f32 v53, v56;
	v53 =	vld [tilespmem:$0x1F470];
	[tilespmem:s24+$0x16180] =	vst v52  }
0x54c: {  	v23 =	vsub.f32 v54, v56;
	v11 =	vmul.f32 v0, v11;
	v12 =	vmul.f32 v1, v12;
	v54 =	vld [tilespmem:$0x1F480];
	[tilespmem:s24+$0x16190] =	vst v30  }
0x54d: {  	v24 =	vsub.f32 v55, v56;
	v13 =	vmul.f32 v3, v13;
	v55 =	vadd.f32 v38, v41;
	v30 =	vld [tilespmem:$0x1F490]  }
0x54e: {  	v11 =	vmul.f32 v11, v0;
	v12 =	vmul.f32 v12, v1;
	v31 =	vld [tilespmem:$0x1F820]  }
0x54f: {  	v13 =	vmul.f32 v13, v3;
	v32 =	vld [tilespmem:$0x1F4A0];
	[tilespmem:s24+$0x161A0] =	vst v55  }
0x550: {  	v11 =	vsub.f32 $1.500000000e+00, v11;
	v12 =	vsub.f32 $1.500000000e+00, v12;
	v59 =	vld [tilespmem:$0x1F850]  }
0x551: {  	v13 =	vsub.f32 $1.500000000e+00, v13;
	v25 =	vsub.f32 v25, v27  }
0x552: {  	v0 =	vmul.f32 v11, v0;
	v26 =	vsub.f32 v26, v27;
	v11 =	vsub.f32 v51, v27  }
0x553: {  	v1 =	vmul.f32 v12, v1;
	v12 =	vsub.f32 v53, v27;
	v31 =	vadd.f32 v31, v42  }
0x554: {  	v3 =	vmul.f32 v13, v3;
	v13 =	vsub.f32 v54, v27;
	v30 =	vsub.f32 v30, v27  }
0x555: {  	v27 =	vsub.f32 v32, v27;
	v32 =	vadd.f32 v59, v43;
	[tilespmem:s24+$0x161B0] =	vst v31  }
0x556: {  	v33 =	vld [tilespmem:$0x1F870]  }
0x557: {  	v34 =	vld [tilespmem:$0x1FEC0];
	[tilespmem:s24+$0x161C0] =	vst v32  }
0x558: {  	v32 =	vld [tilespmem:$0x1F890];
	_ =	sdelay $0x3  }
0x559: {  	v33 =	vadd.f32 v33, v44  }
0x55a: {  	v32 =	vadd.f32 v32, v45  }
0x55b: {  	v35 =	vld [tilespmem:$0x1FED0];
	[tilespmem:s24+$0x161D0] =	vst v33  }
0x55c: {  	v33 =	vld [tilespmem:$0x1FEE0];
	[tilespmem:s24+$0x161E0] =	vst v32  }
0x55d: {  	v18 =	vsub.f32 v18, v56;
	v9 =	vmul.f32 v0, v9;
	v56 =	vmul.f32 v0, v62;
	v62 =	vld [tilespmem:$0x1FEF0];
	_ =	sdelay $0x1  }
0x55e: {  	v60 =	vmul.f32 v0, v60;
	v9 =	vmul.f32 v9, v34  }
0x55f: {  	v7 =	vmul.f32 v0, v7;
	v29 =	vmul.f32 v56, v35  }
0x560: {  	v9 =	vadd.f32 v9, v39;
	v31 =	vmul.f32 v60, v33  }
0x561: {  	v29 =	vadd.f32 v29, v40;
	v7 =	vmul.f32 v7, v62  }
0x562: {  	[tilespmem:s11+$0x16000] =	vst v9;
	v38 =	vadd.f32 v31, v41  }
0x563: {  	v37 =	vld [tilespmem:$0x1FF00];
	[tilespmem:s11+$0x16010] =	vst v29;
	v7 =	vadd.f32 v7, v42  }
0x564: {  	v31 =	vld [tilespmem:$0x1FF10];
	[tilespmem:s11+$0x16020] =	vst v38  }
0x565: {  	v5 =	vmul.f32 v0, v5;
	v61 =	vmul.f32 v0, v63;
	v49 =	vld [tilespmem:$0x1FF20];
	[tilespmem:s11+$0x16030] =	vst v7  }
0x566: {  	v63 =	vmul.f32 v0, v10;
	v0 =	vmul.f32 v0, v57;
	v50 =	vld [tilespmem:$0x1FF30]  }
0x567: {  	v48 =	vmul.f32 v1, v58;
	v4 =	vmul.f32 v1, v4  }
0x568: {  	v2 =	vmul.f32 v1, v2;
	v5 =	vmul.f32 v5, v37  }
0x569: {  	v6 =	vmul.f32 v1, v6;
	v4 =	vmul.f32 v4, v35  }
0x56a: {  	v58 =	vmul.f32 v3, v19;
	v2 =	vmul.f32 v2, v33;
	v5 =	vadd.f32 v5, v43  }
0x56b: {  	v4 =	vadd.f32 v4, v40;
	v6 =	vmul.f32 v6, v62;
	v0 =	vmul.f32 v0, v50  }
0x56c: {  	v53 =	vmul.f32 v1, v14;
	v2 =	vadd.f32 v2, v41;
	[tilespmem:s11+$0x16040] =	vst v5  }
0x56d: {  	v55 =	vadd.f32 v6, v42;
	v6 =	vmul.f32 v58, v33;
	[tilespmem:s11+$0x16090] =	vst v4;
	v0 =	vadd.f32 v0, v46  }
0x56e: {  	v57 =	vmul.f32 v3, v18;
	v52 =	vmul.f32 v48, v34;
	[tilespmem:s11+$0x160A0] =	vst v2  }
0x56f: {  	v7 =	vmul.f32 v53, v37;
	v6 =	vadd.f32 v6, v41;
	[tilespmem:s11+$0x16070] =	vst v0;
	v0 =	vmul.f32 v1, v15  }
0x570: {  	v5 =	vadd.f32 v52, v39;
	v2 =	vmul.f32 v3, v17;
	[tilespmem:s11+$0x160B0] =	vst v55;
	v4 =	vmul.f32 v57, v35  }
0x571: {  	v54 =	vmul.f32 v1, v16;
	v56 =	vadd.f32 v7, v43;
	[tilespmem:s11+$0x16120] =	vst v6;
	v0 =	vmul.f32 v0, v31  }
0x572: {  	[tilespmem:s11+$0x16080] =	vst v5;
	v2 =	vmul.f32 v2, v34;
	v4 =	vadd.f32 v4, v40;
	v1 =	vmul.f32 v1, v8  }
0x573: {  	[tilespmem:s11+$0x160C0] =	vst v56;
	v5 =	vmul.f32 v54, v49;
	v0 =	vadd.f32 v0, v44  }
0x574: {  	v2 =	vadd.f32 v2, v39;
	[tilespmem:s11+$0x16110] =	vst v4;
	v1 =	vmul.f32 v1, v50  }
0x575: {  	v47 =	vmul.f32 v61, v31;
	v5 =	vadd.f32 v5, v45;
	[tilespmem:s11+$0x160D0] =	vst v0;
	v0 =	vmul.f32 v3, v20  }
0x576: {  	v59 =	vmul.f32 v3, v21;
	v9 =	vmul.f32 v63, v49;
	[tilespmem:s11+$0x16100] =	vst v2;
	v1 =	vadd.f32 v1, v46  }
0x577: {  	v51 =	vadd.f32 v47, v44;
	v2 =	vmul.f32 v3, v23;
	[tilespmem:s11+$0x160E0] =	vst v5;
	v0 =	vmul.f32 v0, v62  }
0x578: {  	v9 =	vadd.f32 v9, v45;
	v5 =	vmul.f32 v59, v37;
	[tilespmem:s11+$0x160F0] =	vst v1;
	v1 =	vmul.f32 v3, v22  }
0x579: {  	[tilespmem:s11+$0x16050] =	vst v51;
	v2 =	vmul.f32 v2, v49;
	v3 =	vmul.f32 v3, v24;
	v0 =	vadd.f32 v0, v42  }
0x57a: {  	v60 =	vmul.f32 v28, v25;
	[tilespmem:s11+$0x16060] =	vst v9;
	v5 =	vadd.f32 v5, v43;
	v1 =	vmul.f32 v1, v31  }
0x57b: {  	v2 =	vadd.f32 v2, v45;
	v3 =	vmul.f32 v3, v50;
	[tilespmem:s11+$0x16130] =	vst v0;
	v0 =	vmul.f32 v28, v26  }
0x57c: {  	v61 =	vmul.f32 v28, v11;
	v4 =	vmul.f32 v60, v34;
	[tilespmem:s11+$0x16140] =	vst v5;
	v1 =	vadd.f32 v1, v44  }
0x57d: {  	[tilespmem:s11+$0x16160] =	vst v2;
	v2 =	vmul.f32 v28, v13;
	v3 =	vadd.f32 v3, v46;
	v0 =	vmul.f32 v0, v35  }
0x57e: {  	v4 =	vadd.f32 v4, v39;
	v5 =	vmul.f32 v61, v33;
	[tilespmem:s11+$0x16150] =	vst v1;
	v1 =	vmul.f32 v28, v12  }
0x57f: {  	v2 =	vmul.f32 v2, v37;
	[tilespmem:s11+$0x16170] =	vst v3;
	v3 =	vmul.f32 v28, v30;
	v0 =	vadd.f32 v0, v40  }
0x580: {  	[tilespmem:s11+$0x16180] =	vst v4;
	v63 =	vadd.f32 v5, v41;
	v1 =	vmul.f32 v1, v62;
	v62 =	vmul.f32 v28, v27  }
0x581: {  	v2 =	vadd.f32 v2, v43;
	[tilespmem:s11+$0x16190] =	vst v0;
	v0 =	vmul.f32 v3, v31  }
0x582: {  	[tilespmem:s11+$0x161A0] =	vst v63;
	v1 =	vadd.f32 v1, v42;
	v3 =	vmul.f32 v62, v49  }
0x583: {  	[tilespmem:s11+$0x161C0] =	vst v2;
	v0 =	vadd.f32 v0, v44  }
0x584: {  	[tilespmem:s11+$0x161B0] =	vst v1;
	v1 =	vadd.f32 v3, v45  }
0x585: {  	s2 =	sadd.s32 @!p0 s9, s28;
	[tilespmem:s11+$0x161D0] =	vst v0  }
0x586: {  	s13 =	simm.s32 @!p0 $0x19580;
	s23 =	sadd.s32 $0x1, s23;
	[tilespmem:s11+$0x161E0] =	vst v1;
	s11 =	simm.s32 @!p0 $0x0  }
0x587: {  	[tilespmem:s13], [sflag:$0x8] =	stream.linear.gather @!p0 [hbm4b:s2+s11], $0x64, $0x38;
	[tilespmem:$0x19900] =	vst v63  }
0x588: {  	s14 =	smul.u32 $0x6800, s26;
	p0 =	sne.s32 s23, $0x20  }
.Ltmp3:
0x589: {  	_ = 	snop;
	(pc) =	sbr.rel @p0 .LBB2_4-.Ltmp3, $4  }
0x58a: {  	s29 =	sshrl.u32 s14, $0x3;
	v0 =	vld [tilespmem:$0x1FFE0]  }
0x58b: {  	s2 =	sadd.s32 s10, s29;
	v1 =	vld [tilespmem:$0x1FFF0]  }
0x58c: {  	v2 =	vld [tilespmem:$0x1FFC0];
	s2 =	sadd.s32 $0x680, s2  }
0x58d: {  	v45 =	vld [tilespmem:$0x1FFD0];
	[hbm4b:s2+s8] =	stream.linear.scatter [tilespmem:s3], [sflag:$0x6], $0x3200, $0x38  }
0x58e: {  	s2 =	simm.s32 $0x5  }
0x58f: {  	_ =	swait.ge [sflag:s2], $0x3200  }
0x590: {  	[sflag:s2] =	ssyncset.done $0x0  }
0x591: {  	s11 =	simm.s32 $0x6;
	[sflag:s2] =	ssyncadd.s32 $0xFFFFCE00  }
0x592: {  	_ =	swait.ge [sflag:s11], $0x3200  }
0x593: {  	s13 =	rddreg [dreg:$0xd]  }
0x594: {  	s29 =	rddreg [dreg:$0xc];
	s13 =	sadd.s32 $0x1, s13  }
0x595: {  	p0 =	sne.s32 s13, s29  }
.Ltmp4:
0x596: {  	_ = 	snop;
	(pc) =	sbr.rel @p0 .LBB2_1-.Ltmp4, $3  }
0x597: {  	_ =	sdelay $0x1  }
0x598: {  	[sflag:s11] =	ssyncset.done $0x0  }
0x599: {  	[sflag:s11] =	ssyncadd.s32 $0xFFFFCE00  }
0x59a: {  	_ =	sfence.sel $0x180000  }
0x59b: {  	[bflag:$0x0] =	sbarrier.arrive $0xFFFF  }
0x59c: {  	_ =	strace $0x90000047  }
0x59d: {  	s0 =	stileid.u32;
	[bflag:$0x2] =	sbarrier.arrive $0xFFFF  }
0x59e: {  	p0 =	sne.s32 s0, $0x0;
	s0 =	rddreg [dreg:$0x7]  }
0x59f: {  	s0 =	sadd.s32 @!p0 $0x100000, s0  }
0x5a0: {  	[sflag:s0] =	ssyncadd.tile.s32 @!p0 $0x1;
	_ =	shalt  }
.Lfunc_end2:
_tile_overlayer_lowered:
.L_overlay_start_2:
0x5a1: {  	(tag) =	ssettag $0x2  }
0x5a2: {  	s0 =	rddreg [dreg:$0x0];
	s2 =	stileid.u32  }
0x5a3: {  	s1 =	rddreg [dreg:$0x1];
	p0 =	sne.s32 s2, $0x0  }
0x5a4: {  	s3 =	rddreg [dreg:$0x2];
	[bflag:$0x3] =	sbarrier.arrive $0xFFFF;
	s2 =	simm.s32 @!p0 $0x1C09  }
0x5a5: {  	[timem:s3], [sflag:s2] =	dma.local @!p0 [hbm:s0], s1  }
0x5a6: {  	s0 =	simm.s32 @!p0 $0x9  }
0x5a7: {  	_ =	swait.ge @!p0 [sflag:s0], s1  }
0x5a8: {  	s1 =	ssub.s32 @!p0 $0x0, s1;
	[sflag:s0] =	ssyncset.done @!p0 $0x0  }
0x5a9: {  	[sflag:s0] =	ssyncadd.s32 @!p0 s1  }
0x5aa: {  	[bflag:$0x3] =	sbarrier.arrive $0xFFFF  }
0x5ab: {  	_ =	shalt  }

</sc_bundles>
